<compile_context>
chip_gen: v7x
topology: tpu7x:2x2x1
jax: 0.10.2.dev20260603
libtpu: 0.0.44.dev20260713+nightly
codegen_flags: <defaults>
</compile_context>

<pallas_src>
import functools

import jax
import jax.numpy as jnp
import numpy as np
from jax import lax
from jax.experimental import pallas as pl
from jax.experimental.pallas import tpu as pltpu
from jax.experimental.pallas import tpu_sc as plsc

_NUM_NEG = 16
_B, _I, _T1 = 1024, 100000, 20
_NC, _NS = 2, 16
_NW = _NC * _NS
_LANE = 128
_ROWS_PER_W = _B // _NW
_NPOS_W = _ROWS_PER_W * _T1
_WPB = _B // _LANE
_WPW = _NW // _WPB
_CS = 320



def _rotl(x, r):
    return ((x << np.uint32(r)) | (x >> np.uint32(32 - r))).astype(np.uint32)


def _tf_hash(k1, k2, x0, x1):
    with np.errstate(over="ignore"):
        ks0, ks1 = np.uint32(k1), np.uint32(k2)
        ks2 = np.uint32(ks0 ^ ks1 ^ np.uint32(0x1BD11BDA))
        x0 = (x0 + ks0).astype(np.uint32)
        x1 = (x1 + ks1).astype(np.uint32)
        rot0, rot1 = (13, 15, 26, 6), (17, 29, 16, 24)

        def rounds(x0, x1, rots):
            for r in rots:
                x0 = (x0 + x1).astype(np.uint32)
                x1 = _rotl(x1, r)
                x1 = (x1 ^ x0).astype(np.uint32)
            return x0, x1

        for i, (rots, ka, kb) in enumerate(
            [(rot0, ks1, ks2), (rot1, ks2, ks0), (rot0, ks0, ks1),
             (rot1, ks1, ks2), (rot0, ks2, ks0)]
        ):
            x0, x1 = rounds(x0, x1, rots)
            x0 = (x0 + ka).astype(np.uint32)
            x1 = (x1 + kb + np.uint32(i + 1)).astype(np.uint32)
    return x0, x1


def _sample_neg_host():
    b1, b2 = _tf_hash(
        np.uint32(0), np.uint32(42),
        np.array([0, 0], np.uint32), np.array([0, 1], np.uint32),
    )
    n = _B * _T1 * _NUM_NEG
    hb1, hb2 = _tf_hash(
        b1[1], b2[1], np.zeros(n, np.uint32), np.arange(n, dtype=np.uint32)
    )
    bits = (hb1 ^ hb2).astype(np.uint32)
    return (bits % np.uint32(_I)).astype(np.int64).reshape(_B, _T1, _NUM_NEG)


def _build_neg_routing():
    yneg = _sample_neg_host()
    cols = yneg.reshape(-1)
    rows = np.repeat(np.arange(_B), _T1 * _NUM_NEG)

    per_worker_idx, per_worker_lane = [], []
    for k in range(_WPB):
        sel = (rows // _LANE) == k
        order = np.argsort(cols[sel], kind="stable")
        ck = cols[sel][order]
        rk = rows[sel][order]
        splits = [len(ck) * j // _WPW for j in range(_WPW + 1)]
        for j in range(_WPW):
            per_worker_idx.append(ck[splits[j]:splits[j + 1]])
            per_worker_lane.append(rk[splits[j]:splits[j + 1]] % _LANE)

    n1 = max(len(x) for x in per_worker_idx)
    n1 = -(-n1 // _LANE) * _LANE
    while (n1 + _NPOS_W) % (2 * _CS) != 0:
        n1 += _LANE
    idx_tab = np.zeros((_NW, n1), np.int32)
    lane_tab = np.zeros((_NW, n1), np.int32)
    valid_tab = np.zeros((_NW, n1), np.float64)
    for w in range(_NW):
        m = len(per_worker_idx[w])
        idx_tab[w, :m] = per_worker_idx[w]
        lane_tab[w, :m] = per_worker_lane[w]
        valid_tab[w, :m] = 1.0
        idx_tab[w, m:] = (np.arange(n1 - m) * 97) % _I
    return idx_tab, lane_tab, valid_tab, n1


_NEG_IDX, _NEG_LANES, _NEG_VALID, _N1 = _build_neg_routing()
_SLOTS = _N1 + _NPOS_W
_CH = _SLOTS // _CS
assert _CH % 2 == 0 and (_NW * _SLOTS) % 512 == 0

_POS_LANES = (
    (np.arange(_NW)[:, None] * _ROWS_PER_W
     + np.arange(_NPOS_W)[None, :] // _T1) % _LANE
).astype(np.int32)

_WP = 1.0 / (_B * _T1)
_WN = 1.0 / (_B * _T1 * _NUM_NEG)
_W_TAB = np.concatenate(
    [_NEG_VALID * _WN, np.full((_NW, _NPOS_W), _WP)], axis=1
).astype(np.float32)
_C_TAB = np.concatenate(
    [np.zeros((_NW, _N1)), np.full((_NW, _NPOS_W), _WP)], axis=1
).astype(np.float32)




def _iota16():
    return lax.iota(jnp.int32, 16)


def _sc_gather_build():
    mesh = plsc.VectorSubcoreMesh(core_axis_name="c", subcore_axis_name="s")

    @functools.partial(
        pl.kernel,
        out_type=jax.ShapeDtypeStruct((_NW, _SLOTS), jnp.float32),
        mesh=mesh,
        compiler_params=pltpu.CompilerParams(needs_layout_passes=False),
        scratch_types=[
            pltpu.VMEM((_SLOTS,), jnp.int32),
            pltpu.VMEM((_SLOTS,), jnp.int32),
            pltpu.VMEM((_SLOTS,), jnp.float32),
            pltpu.VMEM((2 * _CS, _LANE), jnp.float32),
            pltpu.SemaphoreType.DMA,
            pltpu.SemaphoreType.DMA,
        ],
    )
    def sc_gather(
        yt,
        idx_h,
        lanes_h,
        out_h,
        idx_v,
        lanes_v,
        vals_v,
        ring_v,
        sem0,
        sem1,
    ):
        wid = lax.axis_index("s") * _NC + lax.axis_index("c")
        sems = [sem0, sem1]
        pltpu.sync_copy(idx_h.at[wid], idx_v)
        pltpu.sync_copy(lanes_h.at[wid], lanes_v)
        win = pl.multiple_of((wid // _WPW) * _LANE, _LANE)

        def _fire(k, par):
            src = yt.at[
                idx_v.at[pl.ds(k * _CS, _CS)], pl.ds(win, _LANE)
            ]
            pltpu.async_copy(
                src, ring_v.at[pl.ds(par * _CS, _CS)], sems[par]
            )

        def _wait_ring(par):
            pltpu.make_async_copy(
                yt.at[pl.ds(0, _CS), pl.ds(0, _LANE)],
                ring_v.at[pl.ds(par * _CS, _CS)],
                sems[par],
            ).wait()

        def _extract(k, par):
            for u in range(_CS // 16):
                t16 = _iota16() + (par * _CS + u * 16)
                l16 = lanes_v[pl.ds(k * _CS + u * 16, 16)]
                vals_v[pl.ds(k * _CS + u * 16, 16)] = plsc.load_gather(
                    ring_v, [t16, l16]
                )

        _fire(0, 0)
        _fire(1, 1)

        def body(kk, carry):
            k0 = 2 * kk
            _wait_ring(0)
            _extract(k0, 0)

            @pl.when(k0 + 2 < _CH)
            def _():
                _fire(k0 + 2, 0)

            _wait_ring(1)
            _extract(k0 + 1, 1)

            @pl.when(k0 + 3 < _CH)
            def _():
                _fire(k0 + 3, 1)

            return carry

        lax.fori_loop(0, _CH // 2, body, 0)

        pltpu.sync_copy(vals_v, out_h.at[wid])

    return sc_gather




def _tc_loss_body(vals_ref, w_ref, c_ref, out_ref):
    x = vals_ref[...]
    w = w_ref[...]
    c = c_ref[...]
    sp = jnp.maximum(x, 0.0) + jnp.log1p(jnp.exp(-jnp.abs(x)))
    out_ref[0, 0] = jnp.sum(sp * w - x * c)


def kernel(y_hat, y_pos):
    yt = y_hat.T
    pos_idx = y_pos.astype(jnp.int32).reshape(_NW, _NPOS_W)
    idx_all = jnp.concatenate([jnp.asarray(_NEG_IDX), pos_idx], axis=1)
    lanes_all = jnp.concatenate(
        [jnp.asarray(_NEG_LANES), jnp.asarray(_POS_LANES)], axis=1
    )

    vals = _sc_gather_build()(yt, idx_all, lanes_all)

    tot = _NW * _SLOTS
    vals2d = vals.reshape(tot // 512, 512)
    w2d = jnp.asarray(_W_TAB).reshape(tot // 512, 512)
    c2d = jnp.asarray(_C_TAB).reshape(tot // 512, 512)

    loss = pl.pallas_call(
        _tc_loss_body,
        out_specs=pl.BlockSpec(memory_space=pltpu.SMEM),
        out_shape=jax.ShapeDtypeStruct((1, 1), jnp.float32),
    )(vals2d, w2d, c2d)
    return loss.reshape(())

# --- scband reference (transcript-rebuilt; emitter-appended) ---
"""Pipeline reference for scband-caser-criterion-76149770158653 (READ-ONLY COPY).

The authoritative reference and input builder live on the scoring server;
editing this copy changes nothing except your own understanding.
"""

import jax, jax.numpy as jnp
import numpy as np

NUM_NEG = 16

def setup_inputs(seed: int = 0) -> dict:
    key = jax.random.key(seed)
    k1, k2 = jax.random.split(key)
    y_hat = jax.random.normal(k1, (1024, 100000), dtype=jnp.float32)
    y_pos = jax.random.randint(k2, (1024, 20), 0, 100000, dtype=jnp.int64)
    return {"y_hat": y_hat, "y_pos": y_pos}

def reference(y_hat, y_pos):
    B, I = y_hat.shape
    T1 = y_pos.shape[1]
    # deterministic negative sampling (stands in for torch.Generator with fixed seed)
    neg_key = jax.random.key(42)
    y_neg = jax.random.randint(neg_key, (B, T1, NUM_NEG), 0, I, dtype=jnp.int64)
    # gather positive and negative scores
    pos_scores = jnp.take_along_axis(y_hat, y_pos, axis=1)  # (B, T+1)
    neg_scores = jnp.take_along_axis(y_hat, y_neg.reshape(B, -1), axis=1).reshape(y_neg.shape)  # (B, T+1, neg)
    # BCEWithLogitsLoss(reduction='none'): target=1 -> softplus(-x); target=0 -> softplus(x)
    pos_loss = jax.nn.softplus(-pos_scores)
    neg_loss = jax.nn.softplus(neg_scores)
    # normalize=True -> mean over negatives
    neg_loss = neg_loss.mean(axis=2)
    loss = pos_loss.mean() + neg_loss.mean()
    return loss

if __name__ == "__main__":
    import jax
    _d = setup_inputs()
    print(jax.jit(kernel)(*tuple(_d.values())))

</pallas_src>

<mosaic_0001>
#map = affine_map<(d0, d1) -> (0, 0)>
module attributes {stable_mosaic.version = 14 : i64} {
  func.func @sc_gather(%arg0: i32, %arg1: i32, %arg2: memref<100000x1024xf32, #tpu.memory_space<hbm>>, %arg3: memref<32x10880xi32, #tpu.memory_space<hbm>>, %arg4: memref<32x10880xi32, #tpu.memory_space<hbm>>, %arg5: memref<32x10880xf32, #tpu.memory_space<hbm>>, %arg6: memref<10880xi32, #tpu.memory_space<vmem>>, %arg7: memref<10880xi32, #tpu.memory_space<vmem>>, %arg8: memref<10880xf32, #tpu.memory_space<vmem>>, %arg9: memref<640x128xf32, #tpu.memory_space<vmem>>, %arg10: memref<!tpu.dma_semaphore, #tpu.memory_space<semaphore_mem>>, %arg11: memref<!tpu.dma_semaphore, #tpu.memory_space<semaphore_mem>>) attributes {dimension_semantics = [#tpu.dimension_semantics<core_parallel>, #tpu.dimension_semantics<subcore_parallel>], iteration_bounds = array<i64: 2, 16>, scalar_prefetch = 0 : i64, scratch_operands = 6 : i64, tpu.core_type = #tpu.core_type<sc_vector_subcore>, window_params = [{transform_indices = #map}, {transform_indices = #map}, {transform_indices = #map}, {transform_indices = #map}]} {
    %mul3A = arith.constant 2 : i32
    %mul3A_0 = arith.muli %arg1, %mul3A : i32
    %add3A = arith.addi %mul3A_0, %arg0 : i32
    "tpu.region"() ({
      %run_scoped3A = tpu.sem_alloc : memref<!tpu.dma_semaphore, #tpu.memory_space<semaphore_mem>>
      %dma_start3A_37 = arith.constant 0 : i32
      %dma_start3A_38 = tpu.memref_slice %arg3[%add3A, %dma_start3A_37] : memref<32x10880xi32, #tpu.memory_space<hbm>> -> memref<1x10880xi32, #tpu.memory_space<hbm>>
      %dma_start3A_39 = tpu.memref_squeeze %dma_start3A_38 : memref<1x10880xi32, #tpu.memory_space<hbm>> -> memref<10880xi32, #tpu.memory_space<hbm>>
      %dma_start3A_40 = arith.constant 0 : i32
      %dma_start3A_41 = tpu.memref_slice %arg3[%add3A, %dma_start3A_40] : memref<32x10880xi32, #tpu.memory_space<hbm>> -> memref<1x10880xi32, #tpu.memory_space<hbm>>
      %dma_start3A_42 = tpu.memref_squeeze %dma_start3A_41 : memref<1x10880xi32, #tpu.memory_space<hbm>> -> memref<10880xi32, #tpu.memory_space<hbm>>
      tpu.enqueue_dma source(%dma_start3A_42 : memref<10880xi32, #tpu.memory_space<hbm>>) target(%arg6 : memref<10880xi32, #tpu.memory_space<vmem>>) target_semaphore(%run_scoped3A : memref<!tpu.dma_semaphore, #tpu.memory_space<semaphore_mem>>)
      %dma_wait3A = arith.constant 0 : i32
      %dma_wait3A_43 = tpu.memref_slice %arg3[%add3A, %dma_wait3A] : memref<32x10880xi32, #tpu.memory_space<hbm>> -> memref<1x10880xi32, #tpu.memory_space<hbm>>
      %dma_wait3A_44 = tpu.memref_squeeze %dma_wait3A_43 : memref<1x10880xi32, #tpu.memory_space<hbm>> -> memref<10880xi32, #tpu.memory_space<hbm>>
      %dma_wait3A_45 = arith.constant 0 : i32
      %dma_wait3A_46 = tpu.memref_slice %arg3[%add3A, %dma_wait3A_45] : memref<32x10880xi32, #tpu.memory_space<hbm>> -> memref<1x10880xi32, #tpu.memory_space<hbm>>
      %dma_wait3A_47 = tpu.memref_squeeze %dma_wait3A_46 : memref<1x10880xi32, #tpu.memory_space<hbm>> -> memref<10880xi32, #tpu.memory_space<hbm>>
      tpu.wait_dma2 semaphore(%run_scoped3A : memref<!tpu.dma_semaphore, #tpu.memory_space<semaphore_mem>>) src(%dma_wait3A_47 : memref<10880xi32, #tpu.memory_space<hbm>>) dst(%arg6 : memref<10880xi32, #tpu.memory_space<vmem>>)
      tpu.yield
    }) : () -> ()
    "tpu.region"() ({
      %run_scoped3A = tpu.sem_alloc : memref<!tpu.dma_semaphore, #tpu.memory_space<semaphore_mem>>
      %dma_start3A_37 = arith.constant 0 : i32
      %dma_start3A_38 = tpu.memref_slice %arg4[%add3A, %dma_start3A_37] : memref<32x10880xi32, #tpu.memory_space<hbm>> -> memref<1x10880xi32, #tpu.memory_space<hbm>>
      %dma_start3A_39 = tpu.memref_squeeze %dma_start3A_38 : memref<1x10880xi32, #tpu.memory_space<hbm>> -> memref<10880xi32, #tpu.memory_space<hbm>>
      %dma_start3A_40 = arith.constant 0 : i32
      %dma_start3A_41 = tpu.memref_slice %arg4[%add3A, %dma_start3A_40] : memref<32x10880xi32, #tpu.memory_space<hbm>> -> memref<1x10880xi32, #tpu.memory_space<hbm>>
      %dma_start3A_42 = tpu.memref_squeeze %dma_start3A_41 : memref<1x10880xi32, #tpu.memory_space<hbm>> -> memref<10880xi32, #tpu.memory_space<hbm>>
      tpu.enqueue_dma source(%dma_start3A_42 : memref<10880xi32, #tpu.memory_space<hbm>>) target(%arg7 : memref<10880xi32, #tpu.memory_space<vmem>>) target_semaphore(%run_scoped3A : memref<!tpu.dma_semaphore, #tpu.memory_space<semaphore_mem>>)
      %dma_wait3A = arith.constant 0 : i32
      %dma_wait3A_43 = tpu.memref_slice %arg4[%add3A, %dma_wait3A] : memref<32x10880xi32, #tpu.memory_space<hbm>> -> memref<1x10880xi32, #tpu.memory_space<hbm>>
      %dma_wait3A_44 = tpu.memref_squeeze %dma_wait3A_43 : memref<1x10880xi32, #tpu.memory_space<hbm>> -> memref<10880xi32, #tpu.memory_space<hbm>>
      %dma_wait3A_45 = arith.constant 0 : i32
      %dma_wait3A_46 = tpu.memref_slice %arg4[%add3A, %dma_wait3A_45] : memref<32x10880xi32, #tpu.memory_space<hbm>> -> memref<1x10880xi32, #tpu.memory_space<hbm>>
      %dma_wait3A_47 = tpu.memref_squeeze %dma_wait3A_46 : memref<1x10880xi32, #tpu.memory_space<hbm>> -> memref<10880xi32, #tpu.memory_space<hbm>>
      tpu.wait_dma2 semaphore(%run_scoped3A : memref<!tpu.dma_semaphore, #tpu.memory_space<semaphore_mem>>) src(%dma_wait3A_47 : memref<10880xi32, #tpu.memory_space<hbm>>) dst(%arg7 : memref<10880xi32, #tpu.memory_space<vmem>>)
      tpu.yield
    }) : () -> ()
    %jit3A = arith.constant 4 : i32
    %div3A = arith.divsi %add3A, %jit3A : i32
    %sign3A = arith.constant 0 : i32
    %sign3A_1 = arith.cmpi sgt, %add3A, %sign3A : i32
    %sign3A_2 = arith.extui %sign3A_1 : i1 to i32
    %sign3A_3 = arith.constant 0 : i32
    %sign3A_4 = arith.cmpi slt, %add3A, %sign3A_3 : i32
    %sign3A_5 = arith.extui %sign3A_4 : i1 to i32
    %sign3A_6 = arith.subi %sign3A_2, %sign3A_5 : i32
    %sign3A_7 = arith.constant 0 : i32
    %sign3A_8 = arith.cmpi sgt, %jit3A, %sign3A_7 : i32
    %sign3A_9 = arith.extui %sign3A_8 : i1 to i32
    %sign3A_10 = arith.constant 0 : i32
    %sign3A_11 = arith.cmpi slt, %jit3A, %sign3A_10 : i32
    %sign3A_12 = arith.extui %sign3A_11 : i1 to i32
    %sign3A_13 = arith.subi %sign3A_9, %sign3A_12 : i32
    %ne3A = arith.cmpi ne, %sign3A_6, %sign3A_13 : i32
    %rem3A = arith.remsi %add3A, %jit3A : i32
    %ne3A_14 = arith.constant 0 : i32
    %ne3A_15 = arith.cmpi ne, %rem3A, %ne3A_14 : i32
    %and3A = arith.andi %ne3A, %ne3A_15 : i1
    %sub3A = arith.constant 1 : i32
    %sub3A_16 = arith.subi %div3A, %sub3A : i32
    %select_n3A = arith.select %and3A, %sub3A_16, %div3A : i32
    %mul3A_17 = arith.constant 128 : i32
    %mul3A_18 = arith.muli %select_n3A, %mul3A_17 : i32
    %multiple_of3A = tpu.assume_multiple %mul3A_18, 128 : i32
    %dma_start3A = arith.constant 0 : i32
    %dma_start3A_19 = arith.constant 0 : i32
    %dma_start3A_20 = tpu.memref_slice %arg9[%dma_start3A, %dma_start3A_19] : memref<640x128xf32, #tpu.memory_space<vmem>> -> memref<320x128xf32, #tpu.memory_space<vmem>>
    %dma_start3A_21 = arith.constant 0 : i32
    %dma_start3A_22 = tpu.memref_slice %arg6[%dma_start3A_21] : memref<10880xi32, #tpu.memory_space<vmem>> -> memref<320xi32, #tpu.memory_space<vmem>>
    %dma_start3A_23 = arith.constant 0 : i32
    %dma_start3A_24 = tpu.memref_slice %arg2[%dma_start3A_23, %multiple_of3A] : memref<100000x1024xf32, #tpu.memory_space<hbm>> -> memref<100000x128xf32, #tpu.memory_space<hbm>>
    tpu.enqueue_indirect_dma source(%dma_start3A_24 : memref<100000x128xf32, #tpu.memory_space<hbm>>) target(%dma_start3A_20 : memref<320x128xf32, #tpu.memory_space<vmem>>) offsets(%dma_start3A_22 : memref<320xi32, #tpu.memory_space<vmem>>) semaphore(%arg10 : memref<!tpu.dma_semaphore, #tpu.memory_space<semaphore_mem>>)
    %dma_start3A_25 = arith.constant 320 : i32
    %dma_start3A_26 = arith.constant 0 : i32
    %dma_start3A_27 = tpu.memref_slice %arg9[%dma_start3A_25, %dma_start3A_26] : memref<640x128xf32, #tpu.memory_space<vmem>> -> memref<320x128xf32, #tpu.memory_space<vmem>>
    %dma_start3A_28 = arith.constant 320 : i32
    %dma_start3A_29 = tpu.memref_slice %arg6[%dma_start3A_28] : memref<10880xi32, #tpu.memory_space<vmem>> -> memref<320xi32, #tpu.memory_space<vmem>>
    %dma_start3A_30 = arith.constant 0 : i32
    %dma_start3A_31 = tpu.memref_slice %arg2[%dma_start3A_30, %multiple_of3A] : memref<100000x1024xf32, #tpu.memory_space<hbm>> -> memref<100000x128xf32, #tpu.memory_space<hbm>>
    tpu.enqueue_indirect_dma source(%dma_start3A_31 : memref<100000x128xf32, #tpu.memory_space<hbm>>) target(%dma_start3A_27 : memref<320x128xf32, #tpu.memory_space<vmem>>) offsets(%dma_start3A_29 : memref<320xi32, #tpu.memory_space<vmem>>) semaphore(%arg11 : memref<!tpu.dma_semaphore, #tpu.memory_space<semaphore_mem>>)
    %scan3A = arith.constant 0 : i32
    %scan3A_32 = arith.constant 0 : i32
    %scan3A_33 = arith.constant 17 : i32
    %scan3A_34 = arith.addi %scan3A_32, %scan3A_33 : i32
    %scan3A_35 = arith.constant 1 : i32
    scf.for %scan3A_37 = %scan3A_32 to %scan3A_34 step %scan3A_35  : i32 {
      %mul3A_38 = arith.constant 2 : i32
      %mul3A_39 = arith.muli %mul3A_38, %scan3A_37 : i32
      %dma_wait3A = arith.constant 0 : i32
      %dma_wait3A_40 = arith.constant 0 : i32
      %dma_wait3A_41 = tpu.memref_slice %arg9[%dma_wait3A, %dma_wait3A_40] : memref<640x128xf32, #tpu.memory_space<vmem>> -> memref<320x128xf32, #tpu.memory_space<vmem>>
      %dma_wait3A_42 = arith.constant 0 : i32
      %dma_wait3A_43 = arith.constant 0 : i32
      %dma_wait3A_44 = tpu.memref_slice %arg2[%dma_wait3A_42, %dma_wait3A_43] : memref<100000x1024xf32, #tpu.memory_space<hbm>> -> memref<320x128xf32, #tpu.memory_space<hbm>>
      %dma_wait3A_45 = arith.constant 0 : i32
      %dma_wait3A_46 = arith.constant 0 : i32
      %dma_wait3A_47 = tpu.memref_slice %arg9[%dma_wait3A_45, %dma_wait3A_46] : memref<640x128xf32, #tpu.memory_space<vmem>> -> memref<320x128xf32, #tpu.memory_space<vmem>>
      %dma_wait3A_48 = arith.constant 0 : i32
      %dma_wait3A_49 = arith.constant 0 : i32
      %dma_wait3A_50 = tpu.memref_slice %arg2[%dma_wait3A_48, %dma_wait3A_49] : memref<100000x1024xf32, #tpu.memory_space<hbm>> -> memref<320x128xf32, #tpu.memory_space<hbm>>
      tpu.wait_dma2 semaphore(%arg10 : memref<!tpu.dma_semaphore, #tpu.memory_space<semaphore_mem>>) src(%dma_wait3A_50 : memref<320x128xf32, #tpu.memory_space<hbm>>) dst(%dma_wait3A_47 : memref<320x128xf32, #tpu.memory_space<vmem>>)
      %iota3A = tpu.iota {dimensions = array<i32: 0>} : vector<16xi32>
      %add3A_51 = arith.constant 0 : i32
      %add3A_52 = vector.broadcast %add3A_51 : i32 to vector<16xi32>
      %add3A_53 = arith.addi %iota3A, %add3A_52 : vector<16xi32>
      %mul3A_54 = arith.constant 320 : i32
      %mul3A_55 = arith.muli %mul3A_39, %mul3A_54 : i32
      %add3A_56 = arith.constant 0 : i32
      %add3A_57 = arith.addi %mul3A_55, %add3A_56 : i32
      %get3A = arith.index_cast %add3A_57 : i32 to index
      %get3A_58 = tpu.vector_load %arg7[%get3A] {strides = array<i32>} : memref<10880xi32, #tpu.memory_space<vmem>>, vector<16xi32>,
      %gather3A = tpu.vector_load_idx %arg9[%add3A_53, %get3A_58] : memref<640x128xf32, #tpu.memory_space<vmem>>[vector<16xi32>, vector<16xi32>], vector<16xf32>,
      %mul3A_59 = arith.constant 320 : i32
      %mul3A_60 = arith.muli %mul3A_39, %mul3A_59 : i32
      %add3A_61 = arith.constant 0 : i32
      %add3A_62 = arith.addi %mul3A_60, %add3A_61 : i32
      %swap3A = arith.index_cast %add3A_62 : i32 to index
      %swap3A_63 = tpu.vector_load %arg8[%swap3A] {strides = array<i32>} : memref<10880xf32, #tpu.memory_space<vmem>>, vector<16xf32>,
      tpu.vector_store %arg8[%swap3A], %gather3A {strides = array<i32>} : memref<10880xf32, #tpu.memory_space<vmem>>, vector<16xf32>,
      %iota3A_64 = tpu.iota {dimensions = array<i32: 0>} : vector<16xi32>
      %add3A_65 = arith.constant 16 : i32
      %add3A_66 = vector.broadcast %add3A_65 : i32 to vector<16xi32>
      %add3A_67 = arith.addi %iota3A_64, %add3A_66 : vector<16xi32>
      %mul3A_68 = arith.constant 320 : i32
      %mul3A_69 = arith.muli %mul3A_39, %mul3A_68 : i32
      %add3A_70 = arith.constant 16 : i32
      %add3A_71 = arith.addi %mul3A_69, %add3A_70 : i32
      %get3A_72 = arith.index_cast %add3A_71 : i32 to index
      %get3A_73 = tpu.vector_load %arg7[%get3A_72] {strides = array<i32>} : memref<10880xi32, #tpu.memory_space<vmem>>, vector<16xi32>,
      %gather3A_74 = tpu.vector_load_idx %arg9[%add3A_67, %get3A_73] : memref<640x128xf32, #tpu.memory_space<vmem>>[vector<16xi32>, vector<16xi32>], vector<16xf32>,
      %mul3A_75 = arith.constant 320 : i32
      %mul3A_76 = arith.muli %mul3A_39, %mul3A_75 : i32
      %add3A_77 = arith.constant 16 : i32
      %add3A_78 = arith.addi %mul3A_76, %add3A_77 : i32
      %swap3A_79 = arith.index_cast %add3A_78 : i32 to index
      %swap3A_80 = tpu.vector_load %arg8[%swap3A_79] {strides = array<i32>} : memref<10880xf32, #tpu.memory_space<vmem>>, vector<16xf32>,
      tpu.vector_store %arg8[%swap3A_79], %gather3A_74 {strides = array<i32>} : memref<10880xf32, #tpu.memory_space<vmem>>, vector<16xf32>,
      %iota3A_81 = tpu.iota {dimensions = array<i32: 0>} : vector<16xi32>
      %add3A_82 = arith.constant 32 : i32
      %add3A_83 = vector.broadcast %add3A_82 : i32 to vector<16xi32>
      %add3A_84 = arith.addi %iota3A_81, %add3A_83 : vector<16xi32>
      %mul3A_85 = arith.constant 320 : i32
      %mul3A_86 = arith.muli %mul3A_39, %mul3A_85 : i32
      %add3A_87 = arith.constant 32 : i32
      %add3A_88 = arith.addi %mul3A_86, %add3A_87 : i32
      %get3A_89 = arith.index_cast %add3A_88 : i32 to index
      %get3A_90 = tpu.vector_load %arg7[%get3A_89] {strides = array<i32>} : memref<10880xi32, #tpu.memory_space<vmem>>, vector<16xi32>,
      %gather3A_91 = tpu.vector_load_idx %arg9[%add3A_84, %get3A_90] : memref<640x128xf32, #tpu.memory_space<vmem>>[vector<16xi32>, vector<16xi32>], vector<16xf32>,
      %mul3A_92 = arith.constant 320 : i32
      %mul3A_93 = arith.muli %mul3A_39, %mul3A_92 : i32
      %add3A_94 = arith.constant 32 : i32
      %add3A_95 = arith.addi %mul3A_93, %add3A_94 : i32
      %swap3A_96 = arith.index_cast %add3A_95 : i32 to index
      %swap3A_97 = tpu.vector_load %arg8[%swap3A_96] {strides = array<i32>} : memref<10880xf32, #tpu.memory_space<vmem>>, vector<16xf32>,
      tpu.vector_store %arg8[%swap3A_96], %gather3A_91 {strides = array<i32>} : memref<10880xf32, #tpu.memory_space<vmem>>, vector<16xf32>,
      %iota3A_98 = tpu.iota {dimensions = array<i32: 0>} : vector<16xi32>
      %add3A_99 = arith.constant 48 : i32
      %add3A_100 = vector.broadcast %add3A_99 : i32 to vector<16xi32>
      %add3A_101 = arith.addi %iota3A_98, %add3A_100 : vector<16xi32>
      %mul3A_102 = arith.constant 320 : i32
      %mul3A_103 = arith.muli %mul3A_39, %mul3A_102 : i32
      %add3A_104 = arith.constant 48 : i32
      %add3A_105 = arith.addi %mul3A_103, %add3A_104 : i32
      %get3A_106 = arith.index_cast %add3A_105 : i32 to index
      %get3A_107 = tpu.vector_load %arg7[%get3A_106] {strides = array<i32>} : memref<10880xi32, #tpu.memory_space<vmem>>, vector<16xi32>,
      %gather3A_108 = tpu.vector_load_idx %arg9[%add3A_101, %get3A_107] : memref<640x128xf32, #tpu.memory_space<vmem>>[vector<16xi32>, vector<16xi32>], vector<16xf32>,
      %mul3A_109 = arith.constant 320 : i32
      %mul3A_110 = arith.muli %mul3A_39, %mul3A_109 : i32
      %add3A_111 = arith.constant 48 : i32
      %add3A_112 = arith.addi %mul3A_110, %add3A_111 : i32
      %swap3A_113 = arith.index_cast %add3A_112 : i32 to index
      %swap3A_114 = tpu.vector_load %arg8[%swap3A_113] {strides = array<i32>} : memref<10880xf32, #tpu.memory_space<vmem>>, vector<16xf32>,
      tpu.vector_store %arg8[%swap3A_113], %gather3A_108 {strides = array<i32>} : memref<10880xf32, #tpu.memory_space<vmem>>, vector<16xf32>,
      %iota3A_115 = tpu.iota {dimensions = array<i32: 0>} : vector<16xi32>
      %add3A_116 = arith.constant 64 : i32
      %add3A_117 = vector.broadcast %add3A_116 : i32 to vector<16xi32>
      %add3A_118 = arith.addi %iota3A_115, %add3A_117 : vector<16xi32>
      %mul3A_119 = arith.constant 320 : i32
      %mul3A_120 = arith.muli %mul3A_39, %mul3A_119 : i32
      %add3A_121 = arith.constant 64 : i32
      %add3A_122 = arith.addi %mul3A_120, %add3A_121 : i32
      %get3A_123 = arith.index_cast %add3A_122 : i32 to index
      %get3A_124 = tpu.vector_load %arg7[%get3A_123] {strides = array<i32>} : memref<10880xi32, #tpu.memory_space<vmem>>, vector<16xi32>,
      %gather3A_125 = tpu.vector_load_idx %arg9[%add3A_118, %get3A_124] : memref<640x128xf32, #tpu.memory_space<vmem>>[vector<16xi32>, vector<16xi32>], vector<16xf32>,
      %mul3A_126 = arith.constant 320 : i32
      %mul3A_127 = arith.muli %mul3A_39, %mul3A_126 : i32
      %add3A_128 = arith.constant 64 : i32
      %add3A_129 = arith.addi %mul3A_127, %add3A_128 : i32
      %swap3A_130 = arith.index_cast %add3A_129 : i32 to index
      %swap3A_131 = tpu.vector_load %arg8[%swap3A_130] {strides = array<i32>} : memref<10880xf32, #tpu.memory_space<vmem>>, vector<16xf32>,
      tpu.vector_store %arg8[%swap3A_130], %gather3A_125 {strides = array<i32>} : memref<10880xf32, #tpu.memory_space<vmem>>, vector<16xf32>,
      %iota3A_132 = tpu.iota {dimensions = array<i32: 0>} : vector<16xi32>
      %add3A_133 = arith.constant 80 : i32
      %add3A_134 = vector.broadcast %add3A_133 : i32 to vector<16xi32>
      %add3A_135 = arith.addi %iota3A_132, %add3A_134 : vector<16xi32>
      %mul3A_136 = arith.constant 320 : i32
      %mul3A_137 = arith.muli %mul3A_39, %mul3A_136 : i32
      %add3A_138 = arith.constant 80 : i32
      %add3A_139 = arith.addi %mul3A_137, %add3A_138 : i32
      %get3A_140 = arith.index_cast %add3A_139 : i32 to index
      %get3A_141 = tpu.vector_load %arg7[%get3A_140] {strides = array<i32>} : memref<10880xi32, #tpu.memory_space<vmem>>, vector<16xi32>,
      %gather3A_142 = tpu.vector_load_idx %arg9[%add3A_135, %get3A_141] : memref<640x128xf32, #tpu.memory_space<vmem>>[vector<16xi32>, vector<16xi32>], vector<16xf32>,
      %mul3A_143 = arith.constant 320 : i32
      %mul3A_144 = arith.muli %mul3A_39, %mul3A_143 : i32
      %add3A_145 = arith.constant 80 : i32
      %add3A_146 = arith.addi %mul3A_144, %add3A_145 : i32
      %swap3A_147 = arith.index_cast %add3A_146 : i32 to index
      %swap3A_148 = tpu.vector_load %arg8[%swap3A_147] {strides = array<i32>} : memref<10880xf32, #tpu.memory_space<vmem>>, vector<16xf32>,
      tpu.vector_store %arg8[%swap3A_147], %gather3A_142 {strides = array<i32>} : memref<10880xf32, #tpu.memory_space<vmem>>, vector<16xf32>,
      %iota3A_149 = tpu.iota {dimensions = array<i32: 0>} : vector<16xi32>
      %add3A_150 = arith.constant 96 : i32
      %add3A_151 = vector.broadcast %add3A_150 : i32 to vector<16xi32>
      %add3A_152 = arith.addi %iota3A_149, %add3A_151 : vector<16xi32>
      %mul3A_153 = arith.constant 320 : i32
      %mul3A_154 = arith.muli %mul3A_39, %mul3A_153 : i32
      %add3A_155 = arith.constant 96 : i32
      %add3A_156 = arith.addi %mul3A_154, %add3A_155 : i32
      %get3A_157 = arith.index_cast %add3A_156 : i32 to index
      %get3A_158 = tpu.vector_load %arg7[%get3A_157] {strides = array<i32>} : memref<10880xi32, #tpu.memory_space<vmem>>, vector<16xi32>,
      %gather3A_159 = tpu.vector_load_idx %arg9[%add3A_152, %get3A_158] : memref<640x128xf32, #tpu.memory_space<vmem>>[vector<16xi32>, vector<16xi32>], vector<16xf32>,
      %mul3A_160 = arith.constant 320 : i32
      %mul3A_161 = arith.muli %mul3A_39, %mul3A_160 : i32
      %add3A_162 = arith.constant 96 : i32
      %add3A_163 = arith.addi %mul3A_161, %add3A_162 : i32
      %swap3A_164 = arith.index_cast %add3A_163 : i32 to index
      %swap3A_165 = tpu.vector_load %arg8[%swap3A_164] {strides = array<i32>} : memref<10880xf32, #tpu.memory_space<vmem>>, vector<16xf32>,
      tpu.vector_store %arg8[%swap3A_164], %gather3A_159 {strides = array<i32>} : memref<10880xf32, #tpu.memory_space<vmem>>, vector<16xf32>,
      %iota3A_166 = tpu.iota {dimensions = array<i32: 0>} : vector<16xi32>
      %add3A_167 = arith.constant 112 : i32
      %add3A_168 = vector.broadcast %add3A_167 : i32 to vector<16xi32>
      %add3A_169 = arith.addi %iota3A_166, %add3A_168 : vector<16xi32>
      %mul3A_170 = arith.constant 320 : i32
      %mul3A_171 = arith.muli %mul3A_39, %mul3A_170 : i32
      %add3A_172 = arith.constant 112 : i32
      %add3A_173 = arith.addi %mul3A_171, %add3A_172 : i32
      %get3A_174 = arith.index_cast %add3A_173 : i32 to index
      %get3A_175 = tpu.vector_load %arg7[%get3A_174] {strides = array<i32>} : memref<10880xi32, #tpu.memory_space<vmem>>, vector<16xi32>,
      %gather3A_176 = tpu.vector_load_idx %arg9[%add3A_169, %get3A_175] : memref<640x128xf32, #tpu.memory_space<vmem>>[vector<16xi32>, vector<16xi32>], vector<16xf32>,
      %mul3A_177 = arith.constant 320 : i32
      %mul3A_178 = arith.muli %mul3A_39, %mul3A_177 : i32
      %add3A_179 = arith.constant 112 : i32
      %add3A_180 = arith.addi %mul3A_178, %add3A_179 : i32
      %swap3A_181 = arith.index_cast %add3A_180 : i32 to index
      %swap3A_182 = tpu.vector_load %arg8[%swap3A_181] {strides = array<i32>} : memref<10880xf32, #tpu.memory_space<vmem>>, vector<16xf32>,
      tpu.vector_store %arg8[%swap3A_181], %gather3A_176 {strides = array<i32>} : memref<10880xf32, #tpu.memory_space<vmem>>, vector<16xf32>,
      %iota3A_183 = tpu.iota {dimensions = array<i32: 0>} : vector<16xi32>
      %add3A_184 = arith.constant 128 : i32
      %add3A_185 = vector.broadcast %add3A_184 : i32 to vector<16xi32>
      %add3A_186 = arith.addi %iota3A_183, %add3A_185 : vector<16xi32>
      %mul3A_187 = arith.constant 320 : i32
      %mul3A_188 = arith.muli %mul3A_39, %mul3A_187 : i32
      %add3A_189 = arith.constant 128 : i32
      %add3A_190 = arith.addi %mul3A_188, %add3A_189 : i32
      %get3A_191 = arith.index_cast %add3A_190 : i32 to index
      %get3A_192 = tpu.vector_load %arg7[%get3A_191] {strides = array<i32>} : memref<10880xi32, #tpu.memory_space<vmem>>, vector<16xi32>,
      %gather3A_193 = tpu.vector_load_idx %arg9[%add3A_186, %get3A_192] : memref<640x128xf32, #tpu.memory_space<vmem>>[vector<16xi32>, vector<16xi32>], vector<16xf32>,
      %mul3A_194 = arith.constant 320 : i32
      %mul3A_195 = arith.muli %mul3A_39, %mul3A_194 : i32
      %add3A_196 = arith.constant 128 : i32
      %add3A_197 = arith.addi %mul3A_195, %add3A_196 : i32
      %swap3A_198 = arith.index_cast %add3A_197 : i32 to index
      %swap3A_199 = tpu.vector_load %arg8[%swap3A_198] {strides = array<i32>} : memref<10880xf32, #tpu.memory_space<vmem>>, vector<16xf32>,
      tpu.vector_store %arg8[%swap3A_198], %gather3A_193 {strides = array<i32>} : memref<10880xf32, #tpu.memory_space<vmem>>, vector<16xf32>,
      %iota3A_200 = tpu.iota {dimensions = array<i32: 0>} : vector<16xi32>
      %add3A_201 = arith.constant 144 : i32
      %add3A_202 = vector.broadcast %add3A_201 : i32 to vector<16xi32>
      %add3A_203 = arith.addi %iota3A_200, %add3A_202 : vector<16xi32>
      %mul3A_204 = arith.constant 320 : i32
      %mul3A_205 = arith.muli %mul3A_39, %mul3A_204 : i32
      %add3A_206 = arith.constant 144 : i32
      %add3A_207 = arith.addi %mul3A_205, %add3A_206 : i32
      %get3A_208 = arith.index_cast %add3A_207 : i32 to index
      %get3A_209 = tpu.vector_load %arg7[%get3A_208] {strides = array<i32>} : memref<10880xi32, #tpu.memory_space<vmem>>, vector<16xi32>,
      %gather3A_210 = tpu.vector_load_idx %arg9[%add3A_203, %get3A_209] : memref<640x128xf32, #tpu.memory_space<vmem>>[vector<16xi32>, vector<16xi32>], vector<16xf32>,
      %mul3A_211 = arith.constant 320 : i32
      %mul3A_212 = arith.muli %mul3A_39, %mul3A_211 : i32
      %add3A_213 = arith.constant 144 : i32
      %add3A_214 = arith.addi %mul3A_212, %add3A_213 : i32
      %swap3A_215 = arith.index_cast %add3A_214 : i32 to index
      %swap3A_216 = tpu.vector_load %arg8[%swap3A_215] {strides = array<i32>} : memref<10880xf32, #tpu.memory_space<vmem>>, vector<16xf32>,
      tpu.vector_store %arg8[%swap3A_215], %gather3A_210 {strides = array<i32>} : memref<10880xf32, #tpu.memory_space<vmem>>, vector<16xf32>,
      %iota3A_217 = tpu.iota {dimensions = array<i32: 0>} : vector<16xi32>
      %add3A_218 = arith.constant 160 : i32
      %add3A_219 = vector.broadcast %add3A_218 : i32 to vector<16xi32>
      %add3A_220 = arith.addi %iota3A_217, %add3A_219 : vector<16xi32>
      %mul3A_221 = arith.constant 320 : i32
      %mul3A_222 = arith.muli %mul3A_39, %mul3A_221 : i32
      %add3A_223 = arith.constant 160 : i32
      %add3A_224 = arith.addi %mul3A_222, %add3A_223 : i32
      %get3A_225 = arith.index_cast %add3A_224 : i32 to index
      %get3A_226 = tpu.vector_load %arg7[%get3A_225] {strides = array<i32>} : memref<10880xi32, #tpu.memory_space<vmem>>, vector<16xi32>,
      %gather3A_227 = tpu.vector_load_idx %arg9[%add3A_220, %get3A_226] : memref<640x128xf32, #tpu.memory_space<vmem>>[vector<16xi32>, vector<16xi32>], vector<16xf32>,
      %mul3A_228 = arith.constant 320 : i32
      %mul3A_229 = arith.muli %mul3A_39, %mul3A_228 : i32
      %add3A_230 = arith.constant 160 : i32
      %add3A_231 = arith.addi %mul3A_229, %add3A_230 : i32
      %swap3A_232 = arith.index_cast %add3A_231 : i32 to index
      %swap3A_233 = tpu.vector_load %arg8[%swap3A_232] {strides = array<i32>} : memref<10880xf32, #tpu.memory_space<vmem>>, vector<16xf32>,
      tpu.vector_store %arg8[%swap3A_232], %gather3A_227 {strides = array<i32>} : memref<10880xf32, #tpu.memory_space<vmem>>, vector<16xf32>,
      %iota3A_234 = tpu.iota {dimensions = array<i32: 0>} : vector<16xi32>
      %add3A_235 = arith.constant 176 : i32
      %add3A_236 = vector.broadcast %add3A_235 : i32 to vector<16xi32>
      %add3A_237 = arith.addi %iota3A_234, %add3A_236 : vector<16xi32>
      %mul3A_238 = arith.constant 320 : i32
      %mul3A_239 = arith.muli %mul3A_39, %mul3A_238 : i32
      %add3A_240 = arith.constant 176 : i32
      %add3A_241 = arith.addi %mul3A_239, %add3A_240 : i32
      %get3A_242 = arith.index_cast %add3A_241 : i32 to index
      %get3A_243 = tpu.vector_load %arg7[%get3A_242] {strides = array<i32>} : memref<10880xi32, #tpu.memory_space<vmem>>, vector<16xi32>,
      %gather3A_244 = tpu.vector_load_idx %arg9[%add3A_237, %get3A_243] : memref<640x128xf32, #tpu.memory_space<vmem>>[vector<16xi32>, vector<16xi32>], vector<16xf32>,
      %mul3A_245 = arith.constant 320 : i32
      %mul3A_246 = arith.muli %mul3A_39, %mul3A_245 : i32
      %add3A_247 = arith.constant 176 : i32
      %add3A_248 = arith.addi %mul3A_246, %add3A_247 : i32
      %swap3A_249 = arith.index_cast %add3A_248 : i32 to index
      %swap3A_250 = tpu.vector_load %arg8[%swap3A_249] {strides = array<i32>} : memref<10880xf32, #tpu.memory_space<vmem>>, vector<16xf32>,
      tpu.vector_store %arg8[%swap3A_249], %gather3A_244 {strides = array<i32>} : memref<10880xf32, #tpu.memory_space<vmem>>, vector<16xf32>,
      %iota3A_251 = tpu.iota {dimensions = array<i32: 0>} : vector<16xi32>
      %add3A_252 = arith.constant 192 : i32
      %add3A_253 = vector.broadcast %add3A_252 : i32 to vector<16xi32>
      %add3A_254 = arith.addi %iota3A_251, %add3A_253 : vector<16xi32>
      %mul3A_255 = arith.constant 320 : i32
      %mul3A_256 = arith.muli %mul3A_39, %mul3A_255 : i32
      %add3A_257 = arith.constant 192 : i32
      %add3A_258 = arith.addi %mul3A_256, %add3A_257 : i32
      %get3A_259 = arith.index_cast %add3A_258 : i32 to index
      %get3A_260 = tpu.vector_load %arg7[%get3A_259] {strides = array<i32>} : memref<10880xi32, #tpu.memory_space<vmem>>, vector<16xi32>,
      %gather3A_261 = tpu.vector_load_idx %arg9[%add3A_254, %get3A_260] : memref<640x128xf32, #tpu.memory_space<vmem>>[vector<16xi32>, vector<16xi32>], vector<16xf32>,
      %mul3A_262 = arith.constant 320 : i32
      %mul3A_263 = arith.muli %mul3A_39, %mul3A_262 : i32
      %add3A_264 = arith.constant 192 : i32
      %add3A_265 = arith.addi %mul3A_263, %add3A_264 : i32
      %swap3A_266 = arith.index_cast %add3A_265 : i32 to index
      %swap3A_267 = tpu.vector_load %arg8[%swap3A_266] {strides = array<i32>} : memref<10880xf32, #tpu.memory_space<vmem>>, vector<16xf32>,
      tpu.vector_store %arg8[%swap3A_266], %gather3A_261 {strides = array<i32>} : memref<10880xf32, #tpu.memory_space<vmem>>, vector<16xf32>,
      %iota3A_268 = tpu.iota {dimensions = array<i32: 0>} : vector<16xi32>
      %add3A_269 = arith.constant 208 : i32
      %add3A_270 = vector.broadcast %add3A_269 : i32 to vector<16xi32>
      %add3A_271 = arith.addi %iota3A_268, %add3A_270 : vector<16xi32>
      %mul3A_272 = arith.constant 320 : i32
      %mul3A_273 = arith.muli %mul3A_39, %mul3A_272 : i32
      %add3A_274 = arith.constant 208 : i32
      %add3A_275 = arith.addi %mul3A_273, %add3A_274 : i32
      %get3A_276 = arith.index_cast %add3A_275 : i32 to index
      %get3A_277 = tpu.vector_load %arg7[%get3A_276] {strides = array<i32>} : memref<10880xi32, #tpu.memory_space<vmem>>, vector<16xi32>,
      %gather3A_278 = tpu.vector_load_idx %arg9[%add3A_271, %get3A_277] : memref<640x128xf32, #tpu.memory_space<vmem>>[vector<16xi32>, vector<16xi32>], vector<16xf32>,
      %mul3A_279 = arith.constant 320 : i32
      %mul3A_280 = arith.muli %mul3A_39, %mul3A_279 : i32
      %add3A_281 = arith.constant 208 : i32
      %add3A_282 = arith.addi %mul3A_280, %add3A_281 : i32
      %swap3A_283 = arith.index_cast %add3A_282 : i32 to index
      %swap3A_284 = tpu.vector_load %arg8[%swap3A_283] {strides = array<i32>} : memref<10880xf32, #tpu.memory_space<vmem>>, vector<16xf32>,
      tpu.vector_store %arg8[%swap3A_283], %gather3A_278 {strides = array<i32>} : memref<10880xf32, #tpu.memory_space<vmem>>, vector<16xf32>,
      %iota3A_285 = tpu.iota {dimensions = array<i32: 0>} : vector<16xi32>
      %add3A_286 = arith.constant 224 : i32
      %add3A_287 = vector.broadcast %add3A_286 : i32 to vector<16xi32>
      %add3A_288 = arith.addi %iota3A_285, %add3A_287 : vector<16xi32>
      %mul3A_289 = arith.constant 320 : i32
      %mul3A_290 = arith.muli %mul3A_39, %mul3A_289 : i32
      %add3A_291 = arith.constant 224 : i32
      %add3A_292 = arith.addi %mul3A_290, %add3A_291 : i32
      %get3A_293 = arith.index_cast %add3A_292 : i32 to index
      %get3A_294 = tpu.vector_load %arg7[%get3A_293] {strides = array<i32>} : memref<10880xi32, #tpu.memory_space<vmem>>, vector<16xi32>,
      %gather3A_295 = tpu.vector_load_idx %arg9[%add3A_288, %get3A_294] : memref<640x128xf32, #tpu.memory_space<vmem>>[vector<16xi32>, vector<16xi32>], vector<16xf32>,
      %mul3A_296 = arith.constant 320 : i32
      %mul3A_297 = arith.muli %mul3A_39, %mul3A_296 : i32
      %add3A_298 = arith.constant 224 : i32
      %add3A_299 = arith.addi %mul3A_297, %add3A_298 : i32
      %swap3A_300 = arith.index_cast %add3A_299 : i32 to index
      %swap3A_301 = tpu.vector_load %arg8[%swap3A_300] {strides = array<i32>} : memref<10880xf32, #tpu.memory_space<vmem>>, vector<16xf32>,
      tpu.vector_store %arg8[%swap3A_300], %gather3A_295 {strides = array<i32>} : memref<10880xf32, #tpu.memory_space<vmem>>, vector<16xf32>,
      %iota3A_302 = tpu.iota {dimensions = array<i32: 0>} : vector<16xi32>
      %add3A_303 = arith.constant 240 : i32
      %add3A_304 = vector.broadcast %add3A_303 : i32 to vector<16xi32>
      %add3A_305 = arith.addi %iota3A_302, %add3A_304 : vector<16xi32>
      %mul3A_306 = arith.constant 320 : i32
      %mul3A_307 = arith.muli %mul3A_39, %mul3A_306 : i32
      %add3A_308 = arith.constant 240 : i32
      %add3A_309 = arith.addi %mul3A_307, %add3A_308 : i32
      %get3A_310 = arith.index_cast %add3A_309 : i32 to index
      %get3A_311 = tpu.vector_load %arg7[%get3A_310] {strides = array<i32>} : memref<10880xi32, #tpu.memory_space<vmem>>, vector<16xi32>,
      %gather3A_312 = tpu.vector_load_idx %arg9[%add3A_305, %get3A_311] : memref<640x128xf32, #tpu.memory_space<vmem>>[vector<16xi32>, vector<16xi32>], vector<16xf32>,
      %mul3A_313 = arith.constant 320 : i32
      %mul3A_314 = arith.muli %mul3A_39, %mul3A_313 : i32
      %add3A_315 = arith.constant 240 : i32
      %add3A_316 = arith.addi %mul3A_314, %add3A_315 : i32
      %swap3A_317 = arith.index_cast %add3A_316 : i32 to index
      %swap3A_318 = tpu.vector_load %arg8[%swap3A_317] {strides = array<i32>} : memref<10880xf32, #tpu.memory_space<vmem>>, vector<16xf32>,
      tpu.vector_store %arg8[%swap3A_317], %gather3A_312 {strides = array<i32>} : memref<10880xf32, #tpu.memory_space<vmem>>, vector<16xf32>,
      %iota3A_319 = tpu.iota {dimensions = array<i32: 0>} : vector<16xi32>
      %add3A_320 = arith.constant 256 : i32
      %add3A_321 = vector.broadcast %add3A_320 : i32 to vector<16xi32>
      %add3A_322 = arith.addi %iota3A_319, %add3A_321 : vector<16xi32>
      %mul3A_323 = arith.constant 320 : i32
      %mul3A_324 = arith.muli %mul3A_39, %mul3A_323 : i32
      %add3A_325 = arith.constant 256 : i32
      %add3A_326 = arith.addi %mul3A_324, %add3A_325 : i32
      %get3A_327 = arith.index_cast %add3A_326 : i32 to index
      %get3A_328 = tpu.vector_load %arg7[%get3A_327] {strides = array<i32>} : memref<10880xi32, #tpu.memory_space<vmem>>, vector<16xi32>,
      %gather3A_329 = tpu.vector_load_idx %arg9[%add3A_322, %get3A_328] : memref<640x128xf32, #tpu.memory_space<vmem>>[vector<16xi32>, vector<16xi32>], vector<16xf32>,
      %mul3A_330 = arith.constant 320 : i32
      %mul3A_331 = arith.muli %mul3A_39, %mul3A_330 : i32
      %add3A_332 = arith.constant 256 : i32
      %add3A_333 = arith.addi %mul3A_331, %add3A_332 : i32
      %swap3A_334 = arith.index_cast %add3A_333 : i32 to index
      %swap3A_335 = tpu.vector_load %arg8[%swap3A_334] {strides = array<i32>} : memref<10880xf32, #tpu.memory_space<vmem>>, vector<16xf32>,
      tpu.vector_store %arg8[%swap3A_334], %gather3A_329 {strides = array<i32>} : memref<10880xf32, #tpu.memory_space<vmem>>, vector<16xf32>,
      %iota3A_336 = tpu.iota {dimensions = array<i32: 0>} : vector<16xi32>
      %add3A_337 = arith.constant 272 : i32
      %add3A_338 = vector.broadcast %add3A_337 : i32 to vector<16xi32>
      %add3A_339 = arith.addi %iota3A_336, %add3A_338 : vector<16xi32>
      %mul3A_340 = arith.constant 320 : i32
      %mul3A_341 = arith.muli %mul3A_39, %mul3A_340 : i32
      %add3A_342 = arith.constant 272 : i32
      %add3A_343 = arith.addi %mul3A_341, %add3A_342 : i32
      %get3A_344 = arith.index_cast %add3A_343 : i32 to index
      %get3A_345 = tpu.vector_load %arg7[%get3A_344] {strides = array<i32>} : memref<10880xi32, #tpu.memory_space<vmem>>, vector<16xi32>,
      %gather3A_346 = tpu.vector_load_idx %arg9[%add3A_339, %get3A_345] : memref<640x128xf32, #tpu.memory_space<vmem>>[vector<16xi32>, vector<16xi32>], vector<16xf32>,
      %mul3A_347 = arith.constant 320 : i32
      %mul3A_348 = arith.muli %mul3A_39, %mul3A_347 : i32
      %add3A_349 = arith.constant 272 : i32
      %add3A_350 = arith.addi %mul3A_348, %add3A_349 : i32
      %swap3A_351 = arith.index_cast %add3A_350 : i32 to index
      %swap3A_352 = tpu.vector_load %arg8[%swap3A_351] {strides = array<i32>} : memref<10880xf32, #tpu.memory_space<vmem>>, vector<16xf32>,
      tpu.vector_store %arg8[%swap3A_351], %gather3A_346 {strides = array<i32>} : memref<10880xf32, #tpu.memory_space<vmem>>, vector<16xf32>,
      %iota3A_353 = tpu.iota {dimensions = array<i32: 0>} : vector<16xi32>
      %add3A_354 = arith.constant 288 : i32
      %add3A_355 = vector.broadcast %add3A_354 : i32 to vector<16xi32>
      %add3A_356 = arith.addi %iota3A_353, %add3A_355 : vector<16xi32>
      %mul3A_357 = arith.constant 320 : i32
      %mul3A_358 = arith.muli %mul3A_39, %mul3A_357 : i32
      %add3A_359 = arith.constant 288 : i32
      %add3A_360 = arith.addi %mul3A_358, %add3A_359 : i32
      %get3A_361 = arith.index_cast %add3A_360 : i32 to index
      %get3A_362 = tpu.vector_load %arg7[%get3A_361] {strides = array<i32>} : memref<10880xi32, #tpu.memory_space<vmem>>, vector<16xi32>,
      %gather3A_363 = tpu.vector_load_idx %arg9[%add3A_356, %get3A_362] : memref<640x128xf32, #tpu.memory_space<vmem>>[vector<16xi32>, vector<16xi32>], vector<16xf32>,
      %mul3A_364 = arith.constant 320 : i32
      %mul3A_365 = arith.muli %mul3A_39, %mul3A_364 : i32
      %add3A_366 = arith.constant 288 : i32
      %add3A_367 = arith.addi %mul3A_365, %add3A_366 : i32
      %swap3A_368 = arith.index_cast %add3A_367 : i32 to index
      %swap3A_369 = tpu.vector_load %arg8[%swap3A_368] {strides = array<i32>} : memref<10880xf32, #tpu.memory_space<vmem>>, vector<16xf32>,
      tpu.vector_store %arg8[%swap3A_368], %gather3A_363 {strides = array<i32>} : memref<10880xf32, #tpu.memory_space<vmem>>, vector<16xf32>,
      %iota3A_370 = tpu.iota {dimensions = array<i32: 0>} : vector<16xi32>
      %add3A_371 = arith.constant 304 : i32
      %add3A_372 = vector.broadcast %add3A_371 : i32 to vector<16xi32>
      %add3A_373 = arith.addi %iota3A_370, %add3A_372 : vector<16xi32>
      %mul3A_374 = arith.constant 320 : i32
      %mul3A_375 = arith.muli %mul3A_39, %mul3A_374 : i32
      %add3A_376 = arith.constant 304 : i32
      %add3A_377 = arith.addi %mul3A_375, %add3A_376 : i32
      %get3A_378 = arith.index_cast %add3A_377 : i32 to index
      %get3A_379 = tpu.vector_load %arg7[%get3A_378] {strides = array<i32>} : memref<10880xi32, #tpu.memory_space<vmem>>, vector<16xi32>,
      %gather3A_380 = tpu.vector_load_idx %arg9[%add3A_373, %get3A_379] : memref<640x128xf32, #tpu.memory_space<vmem>>[vector<16xi32>, vector<16xi32>], vector<16xf32>,
      %mul3A_381 = arith.constant 320 : i32
      %mul3A_382 = arith.muli %mul3A_39, %mul3A_381 : i32
      %add3A_383 = arith.constant 304 : i32
      %add3A_384 = arith.addi %mul3A_382, %add3A_383 : i32
      %swap3A_385 = arith.index_cast %add3A_384 : i32 to index
      %swap3A_386 = tpu.vector_load %arg8[%swap3A_385] {strides = array<i32>} : memref<10880xf32, #tpu.memory_space<vmem>>, vector<16xf32>,
      tpu.vector_store %arg8[%swap3A_385], %gather3A_380 {strides = array<i32>} : memref<10880xf32, #tpu.memory_space<vmem>>, vector<16xf32>,
      %add3A_387 = arith.constant 2 : i32
      %add3A_388 = arith.addi %mul3A_39, %add3A_387 : i32
      %lt3A = arith.constant 34 : i32
      %lt3A_389 = arith.cmpi slt, %add3A_388, %lt3A : i32
      %convert_element_type3A = arith.extui %lt3A_389 : i1 to i32
      %cond3A = arith.constant 0 : i32
      %cond3A_390 = arith.cmpi ne, %convert_element_type3A, %cond3A : i32
      scf.if %cond3A_390 {
        %add3A_752 = arith.constant 2 : i32
        %add3A_753 = arith.addi %mul3A_39, %add3A_752 : i32
        %mul3A_754 = arith.constant 320 : i32
        %mul3A_755 = arith.muli %add3A_753, %mul3A_754 : i32
        %dma_start3A_756 = arith.constant 0 : i32
        %dma_start3A_757 = arith.constant 0 : i32
        %dma_start3A_758 = tpu.memref_slice %arg9[%dma_start3A_756, %dma_start3A_757] : memref<640x128xf32, #tpu.memory_space<vmem>> -> memref<320x128xf32, #tpu.memory_space<vmem>>
        %dma_start3A_759 = tpu.memref_slice %arg6[%mul3A_755] : memref<10880xi32, #tpu.memory_space<vmem>> -> memref<320xi32, #tpu.memory_space<vmem>>
        %dma_start3A_760 = arith.constant 0 : i32
        %dma_start3A_761 = tpu.memref_slice %arg2[%dma_start3A_760, %multiple_of3A] : memref<100000x1024xf32, #tpu.memory_space<hbm>> -> memref<100000x128xf32, #tpu.memory_space<hbm>>
        tpu.enqueue_indirect_dma source(%dma_start3A_761 : memref<100000x128xf32, #tpu.memory_space<hbm>>) target(%dma_start3A_758 : memref<320x128xf32, #tpu.memory_space<vmem>>) offsets(%dma_start3A_759 : memref<320xi32, #tpu.memory_space<vmem>>) semaphore(%arg10 : memref<!tpu.dma_semaphore, #tpu.memory_space<semaphore_mem>>)
      } else {
      }
      %dma_wait3A_391 = arith.constant 320 : i32
      %dma_wait3A_392 = arith.constant 0 : i32
      %dma_wait3A_393 = tpu.memref_slice %arg9[%dma_wait3A_391, %dma_wait3A_392] : memref<640x128xf32, #tpu.memory_space<vmem>> -> memref<320x128xf32, #tpu.memory_space<vmem>>
      %dma_wait3A_394 = arith.constant 0 : i32
      %dma_wait3A_395 = arith.constant 0 : i32
      %dma_wait3A_396 = tpu.memref_slice %arg2[%dma_wait3A_394, %dma_wait3A_395] : memref<100000x1024xf32, #tpu.memory_space<hbm>> -> memref<320x128xf32, #tpu.memory_space<hbm>>
      %dma_wait3A_397 = arith.constant 320 : i32
      %dma_wait3A_398 = arith.constant 0 : i32
      %dma_wait3A_399 = tpu.memref_slice %arg9[%dma_wait3A_397, %dma_wait3A_398] : memref<640x128xf32, #tpu.memory_space<vmem>> -> memref<320x128xf32, #tpu.memory_space<vmem>>
      %dma_wait3A_400 = arith.constant 0 : i32
      %dma_wait3A_401 = arith.constant 0 : i32
      %dma_wait3A_402 = tpu.memref_slice %arg2[%dma_wait3A_400, %dma_wait3A_401] : memref<100000x1024xf32, #tpu.memory_space<hbm>> -> memref<320x128xf32, #tpu.memory_space<hbm>>
      tpu.wait_dma2 semaphore(%arg11 : memref<!tpu.dma_semaphore, #tpu.memory_space<semaphore_mem>>) src(%dma_wait3A_402 : memref<320x128xf32, #tpu.memory_space<hbm>>) dst(%dma_wait3A_399 : memref<320x128xf32, #tpu.memory_space<vmem>>)
      %add3A_403 = arith.constant 1 : i32
      %add3A_404 = arith.addi %mul3A_39, %add3A_403 : i32
      %iota3A_405 = tpu.iota {dimensions = array<i32: 0>} : vector<16xi32>
      %add3A_406 = arith.constant 320 : i32
      %add3A_407 = vector.broadcast %add3A_406 : i32 to vector<16xi32>
      %add3A_408 = arith.addi %iota3A_405, %add3A_407 : vector<16xi32>
      %mul3A_409 = arith.constant 320 : i32
      %mul3A_410 = arith.muli %add3A_404, %mul3A_409 : i32
      %add3A_411 = arith.constant 0 : i32
      %add3A_412 = arith.addi %mul3A_410, %add3A_411 : i32
      %get3A_413 = arith.index_cast %add3A_412 : i32 to index
      %get3A_414 = tpu.vector_load %arg7[%get3A_413] {strides = array<i32>} : memref<10880xi32, #tpu.memory_space<vmem>>, vector<16xi32>,
      %gather3A_415 = tpu.vector_load_idx %arg9[%add3A_408, %get3A_414] : memref<640x128xf32, #tpu.memory_space<vmem>>[vector<16xi32>, vector<16xi32>], vector<16xf32>,
      %mul3A_416 = arith.constant 320 : i32
      %mul3A_417 = arith.muli %add3A_404, %mul3A_416 : i32
      %add3A_418 = arith.constant 0 : i32
      %add3A_419 = arith.addi %mul3A_417, %add3A_418 : i32
      %swap3A_420 = arith.index_cast %add3A_419 : i32 to index
      %swap3A_421 = tpu.vector_load %arg8[%swap3A_420] {strides = array<i32>} : memref<10880xf32, #tpu.memory_space<vmem>>, vector<16xf32>,
      tpu.vector_store %arg8[%swap3A_420], %gather3A_415 {strides = array<i32>} : memref<10880xf32, #tpu.memory_space<vmem>>, vector<16xf32>,
      %iota3A_422 = tpu.iota {dimensions = array<i32: 0>} : vector<16xi32>
      %add3A_423 = arith.constant 336 : i32
      %add3A_424 = vector.broadcast %add3A_423 : i32 to vector<16xi32>
      %add3A_425 = arith.addi %iota3A_422, %add3A_424 : vector<16xi32>
      %mul3A_426 = arith.constant 320 : i32
      %mul3A_427 = arith.muli %add3A_404, %mul3A_426 : i32
      %add3A_428 = arith.constant 16 : i32
      %add3A_429 = arith.addi %mul3A_427, %add3A_428 : i32
      %get3A_430 = arith.index_cast %add3A_429 : i32 to index
      %get3A_431 = tpu.vector_load %arg7[%get3A_430] {strides = array<i32>} : memref<10880xi32, #tpu.memory_space<vmem>>, vector<16xi32>,
      %gather3A_432 = tpu.vector_load_idx %arg9[%add3A_425, %get3A_431] : memref<640x128xf32, #tpu.memory_space<vmem>>[vector<16xi32>, vector<16xi32>], vector<16xf32>,
      %mul3A_433 = arith.constant 320 : i32
      %mul3A_434 = arith.muli %add3A_404, %mul3A_433 : i32
      %add3A_435 = arith.constant 16 : i32
      %add3A_436 = arith.addi %mul3A_434, %add3A_435 : i32
      %swap3A_437 = arith.index_cast %add3A_436 : i32 to index
      %swap3A_438 = tpu.vector_load %arg8[%swap3A_437] {strides = array<i32>} : memref<10880xf32, #tpu.memory_space<vmem>>, vector<16xf32>,
      tpu.vector_store %arg8[%swap3A_437], %gather3A_432 {strides = array<i32>} : memref<10880xf32, #tpu.memory_space<vmem>>, vector<16xf32>,
      %iota3A_439 = tpu.iota {dimensions = array<i32: 0>} : vector<16xi32>
      %add3A_440 = arith.constant 352 : i32
      %add3A_441 = vector.broadcast %add3A_440 : i32 to vector<16xi32>
      %add3A_442 = arith.addi %iota3A_439, %add3A_441 : vector<16xi32>
      %mul3A_443 = arith.constant 320 : i32
      %mul3A_444 = arith.muli %add3A_404, %mul3A_443 : i32
      %add3A_445 = arith.constant 32 : i32
      %add3A_446 = arith.addi %mul3A_444, %add3A_445 : i32
      %get3A_447 = arith.index_cast %add3A_446 : i32 to index
      %get3A_448 = tpu.vector_load %arg7[%get3A_447] {strides = array<i32>} : memref<10880xi32, #tpu.memory_space<vmem>>, vector<16xi32>,
      %gather3A_449 = tpu.vector_load_idx %arg9[%add3A_442, %get3A_448] : memref<640x128xf32, #tpu.memory_space<vmem>>[vector<16xi32>, vector<16xi32>], vector<16xf32>,
      %mul3A_450 = arith.constant 320 : i32
      %mul3A_451 = arith.muli %add3A_404, %mul3A_450 : i32
      %add3A_452 = arith.constant 32 : i32
      %add3A_453 = arith.addi %mul3A_451, %add3A_452 : i32
      %swap3A_454 = arith.index_cast %add3A_453 : i32 to index
      %swap3A_455 = tpu.vector_load %arg8[%swap3A_454] {strides = array<i32>} : memref<10880xf32, #tpu.memory_space<vmem>>, vector<16xf32>,
      tpu.vector_store %arg8[%swap3A_454], %gather3A_449 {strides = array<i32>} : memref<10880xf32, #tpu.memory_space<vmem>>, vector<16xf32>,
      %iota3A_456 = tpu.iota {dimensions = array<i32: 0>} : vector<16xi32>
      %add3A_457 = arith.constant 368 : i32
      %add3A_458 = vector.broadcast %add3A_457 : i32 to vector<16xi32>
      %add3A_459 = arith.addi %iota3A_456, %add3A_458 : vector<16xi32>
      %mul3A_460 = arith.constant 320 : i32
      %mul3A_461 = arith.muli %add3A_404, %mul3A_460 : i32
      %add3A_462 = arith.constant 48 : i32
      %add3A_463 = arith.addi %mul3A_461, %add3A_462 : i32
      %get3A_464 = arith.index_cast %add3A_463 : i32 to index
      %get3A_465 = tpu.vector_load %arg7[%get3A_464] {strides = array<i32>} : memref<10880xi32, #tpu.memory_space<vmem>>, vector<16xi32>,
      %gather3A_466 = tpu.vector_load_idx %arg9[%add3A_459, %get3A_465] : memref<640x128xf32, #tpu.memory_space<vmem>>[vector<16xi32>, vector<16xi32>], vector<16xf32>,
      %mul3A_467 = arith.constant 320 : i32
      %mul3A_468 = arith.muli %add3A_404, %mul3A_467 : i32
      %add3A_469 = arith.constant 48 : i32
      %add3A_470 = arith.addi %mul3A_468, %add3A_469 : i32
      %swap3A_471 = arith.index_cast %add3A_470 : i32 to index
      %swap3A_472 = tpu.vector_load %arg8[%swap3A_471] {strides = array<i32>} : memref<10880xf32, #tpu.memory_space<vmem>>, vector<16xf32>,
      tpu.vector_store %arg8[%swap3A_471], %gather3A_466 {strides = array<i32>} : memref<10880xf32, #tpu.memory_space<vmem>>, vector<16xf32>,
      %iota3A_473 = tpu.iota {dimensions = array<i32: 0>} : vector<16xi32>
      %add3A_474 = arith.constant 384 : i32
      %add3A_475 = vector.broadcast %add3A_474 : i32 to vector<16xi32>
      %add3A_476 = arith.addi %iota3A_473, %add3A_475 : vector<16xi32>
      %mul3A_477 = arith.constant 320 : i32
      %mul3A_478 = arith.muli %add3A_404, %mul3A_477 : i32
      %add3A_479 = arith.constant 64 : i32
      %add3A_480 = arith.addi %mul3A_478, %add3A_479 : i32
      %get3A_481 = arith.index_cast %add3A_480 : i32 to index
      %get3A_482 = tpu.vector_load %arg7[%get3A_481] {strides = array<i32>} : memref<10880xi32, #tpu.memory_space<vmem>>, vector<16xi32>,
      %gather3A_483 = tpu.vector_load_idx %arg9[%add3A_476, %get3A_482] : memref<640x128xf32, #tpu.memory_space<vmem>>[vector<16xi32>, vector<16xi32>], vector<16xf32>,
      %mul3A_484 = arith.constant 320 : i32
      %mul3A_485 = arith.muli %add3A_404, %mul3A_484 : i32
      %add3A_486 = arith.constant 64 : i32
      %add3A_487 = arith.addi %mul3A_485, %add3A_486 : i32
      %swap3A_488 = arith.index_cast %add3A_487 : i32 to index
      %swap3A_489 = tpu.vector_load %arg8[%swap3A_488] {strides = array<i32>} : memref<10880xf32, #tpu.memory_space<vmem>>, vector<16xf32>,
      tpu.vector_store %arg8[%swap3A_488], %gather3A_483 {strides = array<i32>} : memref<10880xf32, #tpu.memory_space<vmem>>, vector<16xf32>,
      %iota3A_490 = tpu.iota {dimensions = array<i32: 0>} : vector<16xi32>
      %add3A_491 = arith.constant 400 : i32
      %add3A_492 = vector.broadcast %add3A_491 : i32 to vector<16xi32>
      %add3A_493 = arith.addi %iota3A_490, %add3A_492 : vector<16xi32>
      %mul3A_494 = arith.constant 320 : i32
      %mul3A_495 = arith.muli %add3A_404, %mul3A_494 : i32
      %add3A_496 = arith.constant 80 : i32
      %add3A_497 = arith.addi %mul3A_495, %add3A_496 : i32
      %get3A_498 = arith.index_cast %add3A_497 : i32 to index
      %get3A_499 = tpu.vector_load %arg7[%get3A_498] {strides = array<i32>} : memref<10880xi32, #tpu.memory_space<vmem>>, vector<16xi32>,
      %gather3A_500 = tpu.vector_load_idx %arg9[%add3A_493, %get3A_499] : memref<640x128xf32, #tpu.memory_space<vmem>>[vector<16xi32>, vector<16xi32>], vector<16xf32>,
      %mul3A_501 = arith.constant 320 : i32
      %mul3A_502 = arith.muli %add3A_404, %mul3A_501 : i32
      %add3A_503 = arith.constant 80 : i32
      %add3A_504 = arith.addi %mul3A_502, %add3A_503 : i32
      %swap3A_505 = arith.index_cast %add3A_504 : i32 to index
      %swap3A_506 = tpu.vector_load %arg8[%swap3A_505] {strides = array<i32>} : memref<10880xf32, #tpu.memory_space<vmem>>, vector<16xf32>,
      tpu.vector_store %arg8[%swap3A_505], %gather3A_500 {strides = array<i32>} : memref<10880xf32, #tpu.memory_space<vmem>>, vector<16xf32>,
      %iota3A_507 = tpu.iota {dimensions = array<i32: 0>} : vector<16xi32>
      %add3A_508 = arith.constant 416 : i32
      %add3A_509 = vector.broadcast %add3A_508 : i32 to vector<16xi32>
      %add3A_510 = arith.addi %iota3A_507, %add3A_509 : vector<16xi32>
      %mul3A_511 = arith.constant 320 : i32
      %mul3A_512 = arith.muli %add3A_404, %mul3A_511 : i32
      %add3A_513 = arith.constant 96 : i32
      %add3A_514 = arith.addi %mul3A_512, %add3A_513 : i32
      %get3A_515 = arith.index_cast %add3A_514 : i32 to index
      %get3A_516 = tpu.vector_load %arg7[%get3A_515] {strides = array<i32>} : memref<10880xi32, #tpu.memory_space<vmem>>, vector<16xi32>,
      %gather3A_517 = tpu.vector_load_idx %arg9[%add3A_510, %get3A_516] : memref<640x128xf32, #tpu.memory_space<vmem>>[vector<16xi32>, vector<16xi32>], vector<16xf32>,
      %mul3A_518 = arith.constant 320 : i32
      %mul3A_519 = arith.muli %add3A_404, %mul3A_518 : i32
      %add3A_520 = arith.constant 96 : i32
      %add3A_521 = arith.addi %mul3A_519, %add3A_520 : i32
      %swap3A_522 = arith.index_cast %add3A_521 : i32 to index
      %swap3A_523 = tpu.vector_load %arg8[%swap3A_522] {strides = array<i32>} : memref<10880xf32, #tpu.memory_space<vmem>>, vector<16xf32>,
      tpu.vector_store %arg8[%swap3A_522], %gather3A_517 {strides = array<i32>} : memref<10880xf32, #tpu.memory_space<vmem>>, vector<16xf32>,
      %iota3A_524 = tpu.iota {dimensions = array<i32: 0>} : vector<16xi32>
      %add3A_525 = arith.constant 432 : i32
      %add3A_526 = vector.broadcast %add3A_525 : i32 to vector<16xi32>
      %add3A_527 = arith.addi %iota3A_524, %add3A_526 : vector<16xi32>
      %mul3A_528 = arith.constant 320 : i32
      %mul3A_529 = arith.muli %add3A_404, %mul3A_528 : i32
      %add3A_530 = arith.constant 112 : i32
      %add3A_531 = arith.addi %mul3A_529, %add3A_530 : i32
      %get3A_532 = arith.index_cast %add3A_531 : i32 to index
      %get3A_533 = tpu.vector_load %arg7[%get3A_532] {strides = array<i32>} : memref<10880xi32, #tpu.memory_space<vmem>>, vector<16xi32>,
      %gather3A_534 = tpu.vector_load_idx %arg9[%add3A_527, %get3A_533] : memref<640x128xf32, #tpu.memory_space<vmem>>[vector<16xi32>, vector<16xi32>], vector<16xf32>,
      %mul3A_535 = arith.constant 320 : i32
      %mul3A_536 = arith.muli %add3A_404, %mul3A_535 : i32
      %add3A_537 = arith.constant 112 : i32
      %add3A_538 = arith.addi %mul3A_536, %add3A_537 : i32
      %swap3A_539 = arith.index_cast %add3A_538 : i32 to index
      %swap3A_540 = tpu.vector_load %arg8[%swap3A_539] {strides = array<i32>} : memref<10880xf32, #tpu.memory_space<vmem>>, vector<16xf32>,
      tpu.vector_store %arg8[%swap3A_539], %gather3A_534 {strides = array<i32>} : memref<10880xf32, #tpu.memory_space<vmem>>, vector<16xf32>,
      %iota3A_541 = tpu.iota {dimensions = array<i32: 0>} : vector<16xi32>
      %add3A_542 = arith.constant 448 : i32
      %add3A_543 = vector.broadcast %add3A_542 : i32 to vector<16xi32>
      %add3A_544 = arith.addi %iota3A_541, %add3A_543 : vector<16xi32>
      %mul3A_545 = arith.constant 320 : i32
      %mul3A_546 = arith.muli %add3A_404, %mul3A_545 : i32
      %add3A_547 = arith.constant 128 : i32
      %add3A_548 = arith.addi %mul3A_546, %add3A_547 : i32
      %get3A_549 = arith.index_cast %add3A_548 : i32 to index
      %get3A_550 = tpu.vector_load %arg7[%get3A_549] {strides = array<i32>} : memref<10880xi32, #tpu.memory_space<vmem>>, vector<16xi32>,
      %gather3A_551 = tpu.vector_load_idx %arg9[%add3A_544, %get3A_550] : memref<640x128xf32, #tpu.memory_space<vmem>>[vector<16xi32>, vector<16xi32>], vector<16xf32>,
      %mul3A_552 = arith.constant 320 : i32
      %mul3A_553 = arith.muli %add3A_404, %mul3A_552 : i32
      %add3A_554 = arith.constant 128 : i32
      %add3A_555 = arith.addi %mul3A_553, %add3A_554 : i32
      %swap3A_556 = arith.index_cast %add3A_555 : i32 to index
      %swap3A_557 = tpu.vector_load %arg8[%swap3A_556] {strides = array<i32>} : memref<10880xf32, #tpu.memory_space<vmem>>, vector<16xf32>,
      tpu.vector_store %arg8[%swap3A_556], %gather3A_551 {strides = array<i32>} : memref<10880xf32, #tpu.memory_space<vmem>>, vector<16xf32>,
      %iota3A_558 = tpu.iota {dimensions = array<i32: 0>} : vector<16xi32>
      %add3A_559 = arith.constant 464 : i32
      %add3A_560 = vector.broadcast %add3A_559 : i32 to vector<16xi32>
      %add3A_561 = arith.addi %iota3A_558, %add3A_560 : vector<16xi32>
      %mul3A_562 = arith.constant 320 : i32
      %mul3A_563 = arith.muli %add3A_404, %mul3A_562 : i32
      %add3A_564 = arith.constant 144 : i32
      %add3A_565 = arith.addi %mul3A_563, %add3A_564 : i32
      %get3A_566 = arith.index_cast %add3A_565 : i32 to index
      %get3A_567 = tpu.vector_load %arg7[%get3A_566] {strides = array<i32>} : memref<10880xi32, #tpu.memory_space<vmem>>, vector<16xi32>,
      %gather3A_568 = tpu.vector_load_idx %arg9[%add3A_561, %get3A_567] : memref<640x128xf32, #tpu.memory_space<vmem>>[vector<16xi32>, vector<16xi32>], vector<16xf32>,
      %mul3A_569 = arith.constant 320 : i32
      %mul3A_570 = arith.muli %add3A_404, %mul3A_569 : i32
      %add3A_571 = arith.constant 144 : i32
      %add3A_572 = arith.addi %mul3A_570, %add3A_571 : i32
      %swap3A_573 = arith.index_cast %add3A_572 : i32 to index
      %swap3A_574 = tpu.vector_load %arg8[%swap3A_573] {strides = array<i32>} : memref<10880xf32, #tpu.memory_space<vmem>>, vector<16xf32>,
      tpu.vector_store %arg8[%swap3A_573], %gather3A_568 {strides = array<i32>} : memref<10880xf32, #tpu.memory_space<vmem>>, vector<16xf32>,
      %iota3A_575 = tpu.iota {dimensions = array<i32: 0>} : vector<16xi32>
      %add3A_576 = arith.constant 480 : i32
      %add3A_577 = vector.broadcast %add3A_576 : i32 to vector<16xi32>
      %add3A_578 = arith.addi %iota3A_575, %add3A_577 : vector<16xi32>
      %mul3A_579 = arith.constant 320 : i32
      %mul3A_580 = arith.muli %add3A_404, %mul3A_579 : i32
      %add3A_581 = arith.constant 160 : i32
      %add3A_582 = arith.addi %mul3A_580, %add3A_581 : i32
      %get3A_583 = arith.index_cast %add3A_582 : i32 to index
      %get3A_584 = tpu.vector_load %arg7[%get3A_583] {strides = array<i32>} : memref<10880xi32, #tpu.memory_space<vmem>>, vector<16xi32>,
      %gather3A_585 = tpu.vector_load_idx %arg9[%add3A_578, %get3A_584] : memref<640x128xf32, #tpu.memory_space<vmem>>[vector<16xi32>, vector<16xi32>], vector<16xf32>,
      %mul3A_586 = arith.constant 320 : i32
      %mul3A_587 = arith.muli %add3A_404, %mul3A_586 : i32
      %add3A_588 = arith.constant 160 : i32
      %add3A_589 = arith.addi %mul3A_587, %add3A_588 : i32
      %swap3A_590 = arith.index_cast %add3A_589 : i32 to index
      %swap3A_591 = tpu.vector_load %arg8[%swap3A_590] {strides = array<i32>} : memref<10880xf32, #tpu.memory_space<vmem>>, vector<16xf32>,
      tpu.vector_store %arg8[%swap3A_590], %gather3A_585 {strides = array<i32>} : memref<10880xf32, #tpu.memory_space<vmem>>, vector<16xf32>,
      %iota3A_592 = tpu.iota {dimensions = array<i32: 0>} : vector<16xi32>
      %add3A_593 = arith.constant 496 : i32
      %add3A_594 = vector.broadcast %add3A_593 : i32 to vector<16xi32>
      %add3A_595 = arith.addi %iota3A_592, %add3A_594 : vector<16xi32>
      %mul3A_596 = arith.constant 320 : i32
      %mul3A_597 = arith.muli %add3A_404, %mul3A_596 : i32
      %add3A_598 = arith.constant 176 : i32
      %add3A_599 = arith.addi %mul3A_597, %add3A_598 : i32
      %get3A_600 = arith.index_cast %add3A_599 : i32 to index
      %get3A_601 = tpu.vector_load %arg7[%get3A_600] {strides = array<i32>} : memref<10880xi32, #tpu.memory_space<vmem>>, vector<16xi32>,
      %gather3A_602 = tpu.vector_load_idx %arg9[%add3A_595, %get3A_601] : memref<640x128xf32, #tpu.memory_space<vmem>>[vector<16xi32>, vector<16xi32>], vector<16xf32>,
      %mul3A_603 = arith.constant 320 : i32
      %mul3A_604 = arith.muli %add3A_404, %mul3A_603 : i32
      %add3A_605 = arith.constant 176 : i32
      %add3A_606 = arith.addi %mul3A_604, %add3A_605 : i32
      %swap3A_607 = arith.index_cast %add3A_606 : i32 to index
      %swap3A_608 = tpu.vector_load %arg8[%swap3A_607] {strides = array<i32>} : memref<10880xf32, #tpu.memory_space<vmem>>, vector<16xf32>,
      tpu.vector_store %arg8[%swap3A_607], %gather3A_602 {strides = array<i32>} : memref<10880xf32, #tpu.memory_space<vmem>>, vector<16xf32>,
      %iota3A_609 = tpu.iota {dimensions = array<i32: 0>} : vector<16xi32>
      %add3A_610 = arith.constant 512 : i32
      %add3A_611 = vector.broadcast %add3A_610 : i32 to vector<16xi32>
      %add3A_612 = arith.addi %iota3A_609, %add3A_611 : vector<16xi32>
      %mul3A_613 = arith.constant 320 : i32
      %mul3A_614 = arith.muli %add3A_404, %mul3A_613 : i32
      %add3A_615 = arith.constant 192 : i32
      %add3A_616 = arith.addi %mul3A_614, %add3A_615 : i32
      %get3A_617 = arith.index_cast %add3A_616 : i32 to index
      %get3A_618 = tpu.vector_load %arg7[%get3A_617] {strides = array<i32>} : memref<10880xi32, #tpu.memory_space<vmem>>, vector<16xi32>,
      %gather3A_619 = tpu.vector_load_idx %arg9[%add3A_612, %get3A_618] : memref<640x128xf32, #tpu.memory_space<vmem>>[vector<16xi32>, vector<16xi32>], vector<16xf32>,
      %mul3A_620 = arith.constant 320 : i32
      %mul3A_621 = arith.muli %add3A_404, %mul3A_620 : i32
      %add3A_622 = arith.constant 192 : i32
      %add3A_623 = arith.addi %mul3A_621, %add3A_622 : i32
      %swap3A_624 = arith.index_cast %add3A_623 : i32 to index
      %swap3A_625 = tpu.vector_load %arg8[%swap3A_624] {strides = array<i32>} : memref<10880xf32, #tpu.memory_space<vmem>>, vector<16xf32>,
      tpu.vector_store %arg8[%swap3A_624], %gather3A_619 {strides = array<i32>} : memref<10880xf32, #tpu.memory_space<vmem>>, vector<16xf32>,
      %iota3A_626 = tpu.iota {dimensions = array<i32: 0>} : vector<16xi32>
      %add3A_627 = arith.constant 528 : i32
      %add3A_628 = vector.broadcast %add3A_627 : i32 to vector<16xi32>
      %add3A_629 = arith.addi %iota3A_626, %add3A_628 : vector<16xi32>
      %mul3A_630 = arith.constant 320 : i32
      %mul3A_631 = arith.muli %add3A_404, %mul3A_630 : i32
      %add3A_632 = arith.constant 208 : i32
      %add3A_633 = arith.addi %mul3A_631, %add3A_632 : i32
      %get3A_634 = arith.index_cast %add3A_633 : i32 to index
      %get3A_635 = tpu.vector_load %arg7[%get3A_634] {strides = array<i32>} : memref<10880xi32, #tpu.memory_space<vmem>>, vector<16xi32>,
      %gather3A_636 = tpu.vector_load_idx %arg9[%add3A_629, %get3A_635] : memref<640x128xf32, #tpu.memory_space<vmem>>[vector<16xi32>, vector<16xi32>], vector<16xf32>,
      %mul3A_637 = arith.constant 320 : i32
      %mul3A_638 = arith.muli %add3A_404, %mul3A_637 : i32
      %add3A_639 = arith.constant 208 : i32
      %add3A_640 = arith.addi %mul3A_638, %add3A_639 : i32
      %swap3A_641 = arith.index_cast %add3A_640 : i32 to index
      %swap3A_642 = tpu.vector_load %arg8[%swap3A_641] {strides = array<i32>} : memref<10880xf32, #tpu.memory_space<vmem>>, vector<16xf32>,
      tpu.vector_store %arg8[%swap3A_641], %gather3A_636 {strides = array<i32>} : memref<10880xf32, #tpu.memory_space<vmem>>, vector<16xf32>,
      %iota3A_643 = tpu.iota {dimensions = array<i32: 0>} : vector<16xi32>
      %add3A_644 = arith.constant 544 : i32
      %add3A_645 = vector.broadcast %add3A_644 : i32 to vector<16xi32>
      %add3A_646 = arith.addi %iota3A_643, %add3A_645 : vector<16xi32>
      %mul3A_647 = arith.constant 320 : i32
      %mul3A_648 = arith.muli %add3A_404, %mul3A_647 : i32
      %add3A_649 = arith.constant 224 : i32
      %add3A_650 = arith.addi %mul3A_648, %add3A_649 : i32
      %get3A_651 = arith.index_cast %add3A_650 : i32 to index
      %get3A_652 = tpu.vector_load %arg7[%get3A_651] {strides = array<i32>} : memref<10880xi32, #tpu.memory_space<vmem>>, vector<16xi32>,
      %gather3A_653 = tpu.vector_load_idx %arg9[%add3A_646, %get3A_652] : memref<640x128xf32, #tpu.memory_space<vmem>>[vector<16xi32>, vector<16xi32>], vector<16xf32>,
      %mul3A_654 = arith.constant 320 : i32
      %mul3A_655 = arith.muli %add3A_404, %mul3A_654 : i32
      %add3A_656 = arith.constant 224 : i32
      %add3A_657 = arith.addi %mul3A_655, %add3A_656 : i32
      %swap3A_658 = arith.index_cast %add3A_657 : i32 to index
      %swap3A_659 = tpu.vector_load %arg8[%swap3A_658] {strides = array<i32>} : memref<10880xf32, #tpu.memory_space<vmem>>, vector<16xf32>,
      tpu.vector_store %arg8[%swap3A_658], %gather3A_653 {strides = array<i32>} : memref<10880xf32, #tpu.memory_space<vmem>>, vector<16xf32>,
      %iota3A_660 = tpu.iota {dimensions = array<i32: 0>} : vector<16xi32>
      %add3A_661 = arith.constant 560 : i32
      %add3A_662 = vector.broadcast %add3A_661 : i32 to vector<16xi32>
      %add3A_663 = arith.addi %iota3A_660, %add3A_662 : vector<16xi32>
      %mul3A_664 = arith.constant 320 : i32
      %mul3A_665 = arith.muli %add3A_404, %mul3A_664 : i32
      %add3A_666 = arith.constant 240 : i32
      %add3A_667 = arith.addi %mul3A_665, %add3A_666 : i32
      %get3A_668 = arith.index_cast %add3A_667 : i32 to index
      %get3A_669 = tpu.vector_load %arg7[%get3A_668] {strides = array<i32>} : memref<10880xi32, #tpu.memory_space<vmem>>, vector<16xi32>,
      %gather3A_670 = tpu.vector_load_idx %arg9[%add3A_663, %get3A_669] : memref<640x128xf32, #tpu.memory_space<vmem>>[vector<16xi32>, vector<16xi32>], vector<16xf32>,
      %mul3A_671 = arith.constant 320 : i32
      %mul3A_672 = arith.muli %add3A_404, %mul3A_671 : i32
      %add3A_673 = arith.constant 240 : i32
      %add3A_674 = arith.addi %mul3A_672, %add3A_673 : i32
      %swap3A_675 = arith.index_cast %add3A_674 : i32 to index
      %swap3A_676 = tpu.vector_load %arg8[%swap3A_675] {strides = array<i32>} : memref<10880xf32, #tpu.memory_space<vmem>>, vector<16xf32>,
      tpu.vector_store %arg8[%swap3A_675], %gather3A_670 {strides = array<i32>} : memref<10880xf32, #tpu.memory_space<vmem>>, vector<16xf32>,
      %iota3A_677 = tpu.iota {dimensions = array<i32: 0>} : vector<16xi32>
      %add3A_678 = arith.constant 576 : i32
      %add3A_679 = vector.broadcast %add3A_678 : i32 to vector<16xi32>
      %add3A_680 = arith.addi %iota3A_677, %add3A_679 : vector<16xi32>
      %mul3A_681 = arith.constant 320 : i32
      %mul3A_682 = arith.muli %add3A_404, %mul3A_681 : i32
      %add3A_683 = arith.constant 256 : i32
      %add3A_684 = arith.addi %mul3A_682, %add3A_683 : i32
      %get3A_685 = arith.index_cast %add3A_684 : i32 to index
      %get3A_686 = tpu.vector_load %arg7[%get3A_685] {strides = array<i32>} : memref<10880xi32, #tpu.memory_space<vmem>>, vector<16xi32>,
      %gather3A_687 = tpu.vector_load_idx %arg9[%add3A_680, %get3A_686] : memref<640x128xf32, #tpu.memory_space<vmem>>[vector<16xi32>, vector<16xi32>], vector<16xf32>,
      %mul3A_688 = arith.constant 320 : i32
      %mul3A_689 = arith.muli %add3A_404, %mul3A_688 : i32
      %add3A_690 = arith.constant 256 : i32
      %add3A_691 = arith.addi %mul3A_689, %add3A_690 : i32
      %swap3A_692 = arith.index_cast %add3A_691 : i32 to index
      %swap3A_693 = tpu.vector_load %arg8[%swap3A_692] {strides = array<i32>} : memref<10880xf32, #tpu.memory_space<vmem>>, vector<16xf32>,
      tpu.vector_store %arg8[%swap3A_692], %gather3A_687 {strides = array<i32>} : memref<10880xf32, #tpu.memory_space<vmem>>, vector<16xf32>,
      %iota3A_694 = tpu.iota {dimensions = array<i32: 0>} : vector<16xi32>
      %add3A_695 = arith.constant 592 : i32
      %add3A_696 = vector.broadcast %add3A_695 : i32 to vector<16xi32>
      %add3A_697 = arith.addi %iota3A_694, %add3A_696 : vector<16xi32>
      %mul3A_698 = arith.constant 320 : i32
      %mul3A_699 = arith.muli %add3A_404, %mul3A_698 : i32
      %add3A_700 = arith.constant 272 : i32
      %add3A_701 = arith.addi %mul3A_699, %add3A_700 : i32
      %get3A_702 = arith.index_cast %add3A_701 : i32 to index
      %get3A_703 = tpu.vector_load %arg7[%get3A_702] {strides = array<i32>} : memref<10880xi32, #tpu.memory_space<vmem>>, vector<16xi32>,
      %gather3A_704 = tpu.vector_load_idx %arg9[%add3A_697, %get3A_703] : memref<640x128xf32, #tpu.memory_space<vmem>>[vector<16xi32>, vector<16xi32>], vector<16xf32>,
      %mul3A_705 = arith.constant 320 : i32
      %mul3A_706 = arith.muli %add3A_404, %mul3A_705 : i32
      %add3A_707 = arith.constant 272 : i32
      %add3A_708 = arith.addi %mul3A_706, %add3A_707 : i32
      %swap3A_709 = arith.index_cast %add3A_708 : i32 to index
      %swap3A_710 = tpu.vector_load %arg8[%swap3A_709] {strides = array<i32>} : memref<10880xf32, #tpu.memory_space<vmem>>, vector<16xf32>,
      tpu.vector_store %arg8[%swap3A_709], %gather3A_704 {strides = array<i32>} : memref<10880xf32, #tpu.memory_space<vmem>>, vector<16xf32>,
      %iota3A_711 = tpu.iota {dimensions = array<i32: 0>} : vector<16xi32>
      %add3A_712 = arith.constant 608 : i32
      %add3A_713 = vector.broadcast %add3A_712 : i32 to vector<16xi32>
      %add3A_714 = arith.addi %iota3A_711, %add3A_713 : vector<16xi32>
      %mul3A_715 = arith.constant 320 : i32
      %mul3A_716 = arith.muli %add3A_404, %mul3A_715 : i32
      %add3A_717 = arith.constant 288 : i32
      %add3A_718 = arith.addi %mul3A_716, %add3A_717 : i32
      %get3A_719 = arith.index_cast %add3A_718 : i32 to index
      %get3A_720 = tpu.vector_load %arg7[%get3A_719] {strides = array<i32>} : memref<10880xi32, #tpu.memory_space<vmem>>, vector<16xi32>,
      %gather3A_721 = tpu.vector_load_idx %arg9[%add3A_714, %get3A_720] : memref<640x128xf32, #tpu.memory_space<vmem>>[vector<16xi32>, vector<16xi32>], vector<16xf32>,
      %mul3A_722 = arith.constant 320 : i32
      %mul3A_723 = arith.muli %add3A_404, %mul3A_722 : i32
      %add3A_724 = arith.constant 288 : i32
      %add3A_725 = arith.addi %mul3A_723, %add3A_724 : i32
      %swap3A_726 = arith.index_cast %add3A_725 : i32 to index
      %swap3A_727 = tpu.vector_load %arg8[%swap3A_726] {strides = array<i32>} : memref<10880xf32, #tpu.memory_space<vmem>>, vector<16xf32>,
      tpu.vector_store %arg8[%swap3A_726], %gather3A_721 {strides = array<i32>} : memref<10880xf32, #tpu.memory_space<vmem>>, vector<16xf32>,
      %iota3A_728 = tpu.iota {dimensions = array<i32: 0>} : vector<16xi32>
      %add3A_729 = arith.constant 624 : i32
      %add3A_730 = vector.broadcast %add3A_729 : i32 to vector<16xi32>
      %add3A_731 = arith.addi %iota3A_728, %add3A_730 : vector<16xi32>
      %mul3A_732 = arith.constant 320 : i32
      %mul3A_733 = arith.muli %add3A_404, %mul3A_732 : i32
      %add3A_734 = arith.constant 304 : i32
      %add3A_735 = arith.addi %mul3A_733, %add3A_734 : i32
      %get3A_736 = arith.index_cast %add3A_735 : i32 to index
      %get3A_737 = tpu.vector_load %arg7[%get3A_736] {strides = array<i32>} : memref<10880xi32, #tpu.memory_space<vmem>>, vector<16xi32>,
      %gather3A_738 = tpu.vector_load_idx %arg9[%add3A_731, %get3A_737] : memref<640x128xf32, #tpu.memory_space<vmem>>[vector<16xi32>, vector<16xi32>], vector<16xf32>,
      %mul3A_739 = arith.constant 320 : i32
      %mul3A_740 = arith.muli %add3A_404, %mul3A_739 : i32
      %add3A_741 = arith.constant 304 : i32
      %add3A_742 = arith.addi %mul3A_740, %add3A_741 : i32
      %swap3A_743 = arith.index_cast %add3A_742 : i32 to index
      %swap3A_744 = tpu.vector_load %arg8[%swap3A_743] {strides = array<i32>} : memref<10880xf32, #tpu.memory_space<vmem>>, vector<16xf32>,
      tpu.vector_store %arg8[%swap3A_743], %gather3A_738 {strides = array<i32>} : memref<10880xf32, #tpu.memory_space<vmem>>, vector<16xf32>,
      %add3A_745 = arith.constant 3 : i32
      %add3A_746 = arith.addi %mul3A_39, %add3A_745 : i32
      %lt3A_747 = arith.constant 34 : i32
      %lt3A_748 = arith.cmpi slt, %add3A_746, %lt3A_747 : i32
      %convert_element_type3A_749 = arith.extui %lt3A_748 : i1 to i32
      %cond3A_750 = arith.constant 0 : i32
      %cond3A_751 = arith.cmpi ne, %convert_element_type3A_749, %cond3A_750 : i32
      scf.if %cond3A_751 {
        %add3A_752 = arith.constant 3 : i32
        %add3A_753 = arith.addi %mul3A_39, %add3A_752 : i32
        %mul3A_754 = arith.constant 320 : i32
        %mul3A_755 = arith.muli %add3A_753, %mul3A_754 : i32
        %dma_start3A_756 = arith.constant 320 : i32
        %dma_start3A_757 = arith.constant 0 : i32
        %dma_start3A_758 = tpu.memref_slice %arg9[%dma_start3A_756, %dma_start3A_757] : memref<640x128xf32, #tpu.memory_space<vmem>> -> memref<320x128xf32, #tpu.memory_space<vmem>>
        %dma_start3A_759 = tpu.memref_slice %arg6[%mul3A_755] : memref<10880xi32, #tpu.memory_space<vmem>> -> memref<320xi32, #tpu.memory_space<vmem>>
        %dma_start3A_760 = arith.constant 0 : i32
        %dma_start3A_761 = tpu.memref_slice %arg2[%dma_start3A_760, %multiple_of3A] : memref<100000x1024xf32, #tpu.memory_space<hbm>> -> memref<100000x128xf32, #tpu.memory_space<hbm>>
        tpu.enqueue_indirect_dma source(%dma_start3A_761 : memref<100000x128xf32, #tpu.memory_space<hbm>>) target(%dma_start3A_758 : memref<320x128xf32, #tpu.memory_space<vmem>>) offsets(%dma_start3A_759 : memref<320xi32, #tpu.memory_space<vmem>>) semaphore(%arg11 : memref<!tpu.dma_semaphore, #tpu.memory_space<semaphore_mem>>)
      } else {
      }
    }
    %scan3A_36 = arith.constant 17 : i32
    "tpu.region"() ({
      %run_scoped3A = tpu.sem_alloc : memref<!tpu.dma_semaphore, #tpu.memory_space<semaphore_mem>>
      %dma_start3A_37 = arith.constant 0 : i32
      %dma_start3A_38 = tpu.memref_slice %arg5[%add3A, %dma_start3A_37] : memref<32x10880xf32, #tpu.memory_space<hbm>> -> memref<1x10880xf32, #tpu.memory_space<hbm>>
      %dma_start3A_39 = tpu.memref_squeeze %dma_start3A_38 : memref<1x10880xf32, #tpu.memory_space<hbm>> -> memref<10880xf32, #tpu.memory_space<hbm>>
      %dma_start3A_40 = arith.constant 0 : i32
      %dma_start3A_41 = tpu.memref_slice %arg5[%add3A, %dma_start3A_40] : memref<32x10880xf32, #tpu.memory_space<hbm>> -> memref<1x10880xf32, #tpu.memory_space<hbm>>
      %dma_start3A_42 = tpu.memref_squeeze %dma_start3A_41 : memref<1x10880xf32, #tpu.memory_space<hbm>> -> memref<10880xf32, #tpu.memory_space<hbm>>
      tpu.enqueue_dma source(%arg8 : memref<10880xf32, #tpu.memory_space<vmem>>) target(%dma_start3A_42 : memref<10880xf32, #tpu.memory_space<hbm>>) target_semaphore(%run_scoped3A : memref<!tpu.dma_semaphore, #tpu.memory_space<semaphore_mem>>)
      %dma_wait3A = arith.constant 0 : i32
      %dma_wait3A_43 = tpu.memref_slice %arg5[%add3A, %dma_wait3A] : memref<32x10880xf32, #tpu.memory_space<hbm>> -> memref<1x10880xf32, #tpu.memory_space<hbm>>
      %dma_wait3A_44 = tpu.memref_squeeze %dma_wait3A_43 : memref<1x10880xf32, #tpu.memory_space<hbm>> -> memref<10880xf32, #tpu.memory_space<hbm>>
      %dma_wait3A_45 = arith.constant 0 : i32
      %dma_wait3A_46 = tpu.memref_slice %arg5[%add3A, %dma_wait3A_45] : memref<32x10880xf32, #tpu.memory_space<hbm>> -> memref<1x10880xf32, #tpu.memory_space<hbm>>
      %dma_wait3A_47 = tpu.memref_squeeze %dma_wait3A_46 : memref<1x10880xf32, #tpu.memory_space<hbm>> -> memref<10880xf32, #tpu.memory_space<hbm>>
      tpu.wait_dma2 semaphore(%run_scoped3A : memref<!tpu.dma_semaphore, #tpu.memory_space<semaphore_mem>>) src(%arg8 : memref<10880xf32, #tpu.memory_space<vmem>>) dst(%dma_wait3A_47 : memref<10880xf32, #tpu.memory_space<hbm>>)
      tpu.yield
    }) : () -> ()
    return
  }
}

module attributes {stable_mosaic.version = 14 : i64} {
  func.func @_tc_loss_body(%arg0: memref<680x512xf32, #tpu.memory_space<vmem>>, %arg1: memref<680x512xf32, #tpu.memory_space<vmem>>, %arg2: memref<680x512xf32, #tpu.memory_space<vmem>>, %arg3: memref<1x1xf32, #tpu.memory_space<smem>>) attributes {dimension_semantics = [], scalar_prefetch = 0 : i64, scratch_operands = 0 : i64, tpu.core_type = #tpu.core_type<tc>} {
    %get3A = arith.constant 0 : index
    %get3A_0 = arith.constant 0 : index
    %get3A_1 = vector.load %arg0[%get3A, %get3A_0] : memref<680x512xf32, #tpu.memory_space<vmem>>, vector<680x512xf32>
    %get3A_2 = arith.constant 0 : index
    %get3A_3 = arith.constant 0 : index
    %get3A_4 = vector.load %arg1[%get3A_2, %get3A_3] : memref<680x512xf32, #tpu.memory_space<vmem>>, vector<680x512xf32>
    %get3A_5 = arith.constant 0 : index
    %get3A_6 = arith.constant 0 : index
    %get3A_7 = vector.load %arg2[%get3A_5, %get3A_6] : memref<680x512xf32, #tpu.memory_space<vmem>>, vector<680x512xf32>
    %max3A = arith.constant 0.000000e+00 : f32
    %max3A_8 = vector.broadcast %max3A : f32 to vector<680x512xf32>
    %max3A_9 = arith.maximumf %get3A_1, %max3A_8 : vector<680x512xf32>
    %abs3A = math.absf %get3A_1 : vector<680x512xf32>
    %neg3A = arith.constant 0.000000e+00 : f32
    %neg3A_10 = vector.broadcast %neg3A : f32 to vector<680x512xf32>
    %neg3A_11 = arith.subf %neg3A_10, %abs3A : vector<680x512xf32>
    %exp3A = math.exp %neg3A_11 : vector<680x512xf32>
    %log1p3A = math.log1p %exp3A : vector<680x512xf32>
    %add3A = arith.addf %max3A_9, %log1p3A : vector<680x512xf32>
    %mul3A = arith.mulf %add3A, %get3A_4 : vector<680x512xf32>
    %mul3A_12 = arith.mulf %get3A_1, %get3A_7 : vector<680x512xf32>
    %sub3A = arith.subf %mul3A, %mul3A_12 : vector<680x512xf32>
    %reduce_sum3A = vector.shape_cast %sub3A : vector<680x512xf32> to vector<1x680x512xf32>
    %reduce_sum3A_13 = arith.constant dense<0.000000e+00> : vector<1xf32>
    %reduce_sum3A_14 = vector.multi_reduction <add>, %reduce_sum3A, %reduce_sum3A_13 [1, 2] : vector<1x680x512xf32> to vector<1xf32>
    %reduce_sum3A_15 = vector.shape_cast %reduce_sum3A_14 : vector<1xf32> to vector<1x1x1xf32>
    %reduce_sum3A_16 = vector.extract %reduce_sum3A_15[0, 0, 0] : f32 from vector<1x1x1xf32>
    %swap3A = arith.constant 0 : index
    %swap3A_17 = arith.constant 0 : index
    %swap3A_18 = memref.load %arg3[%swap3A, %swap3A_17] : memref<1x1xf32, #tpu.memory_space<smem>>
    memref.store %reduce_sum3A_16, %arg3[%swap3A, %swap3A_17] : memref<1x1xf32, #tpu.memory_space<smem>>
    return
  }
}

</mosaic_0001>

<sc_bundles>
// kernel: kernel.4.cloned.1.call-start
scs
__scs_entry_jumppad:
0x0: {  	(pc) =	sbr.rel $0x88, $3  }
0x1: {  	(tag) =	ssettag $0x0;
	lr =	simm.s32 $0x1  }
0x2: {  	[smem:$0x3F9F] =	sst lr;
	_ =	strace $0xD0000000  }
0x3: {  	_ = 	snop  }
0x4: {  	_ = 	snop  }
0x5: {  	_ = 	snop  }
0x6: {  	_ = 	snop  }
0x7: {  	_ = 	snop  }
__scs_overlays_trampoline_lowered:
0x8: {  	[smem:$0x3FAE] =	sst s0  }
0x9: {  	[smem:$0x3FAF] =	sst s1  }
0xa: {  	[smem:$0x3FB0] =	sst s2  }
0xb: {  	[smem:$0x3FB1] =	sst s3  }
0xc: {  	[smem:$0x3FB2] =	sst s4  }
0xd: {  	[smem:$0x3FB3] =	sst s5  }
0xe: {  	[smem:$0x3FB4] =	sst s6  }
0xf: {  	[smem:$0x3FB5] =	sst s7  }
0x10: {  	[smem:$0x3FB6] =	sst s8  }
0x11: {  	[smem:$0x3FB7] =	sst s9;
	s0 =	simm.s32 @!p0 $0x0  }
0x12: {  	s1 =	sld [smem:$0x3F9D];
	s0 =	simm.s32 @p0 $0x1  }
0x13: {  	[smem:$0x3FB8] =	sst s0;
	s0 =	simm.s32 @!p1 $0x0  }
0x14: {  	s2 =	sld [smem:$0x3F9C];
	s0 =	simm.s32 @p1 $0x1  }
0x15: {  	[smem:$0x3FB9] =	sst s0;
	s0 =	simm.s32 @!p2 $0x0  }
0x16: {  	s3 =	sld [smem:$0x3FDB];
	s0 =	simm.s32 @p2 $0x1  }
0x17: {  	s4 =	simm.s32 $0x1BF5;
	[smem:$0x3FBB] =	sst s0  }
0x18: {  	s0 =	sld [smem:$0x3F9E];
	_ =	swait.ge [sflag:s4], $0x0  }
0x19: {  	s7 =	sld [smem:$0x3F9F]  }
0x1a: {  	s8 =	sadd.s32 $0xFFFFE003, lr  }
0x1b: {  	s9 =	sadd.s32 $0xFFFFFEF7, lr;
	s5 =	simm.s32 $0xFFFFFFFF;
	p2 =	slt.u32 s8, $0xFFFFF086  }
0x1c: {  	p1 =	slt.u32 s9, $0xF7A;
	s5 =	simm.s32 @!p2 $0x0  }
0x1d: {  	s5 =	simm.s32 @p1 $0x1;
	p0 =	seq.s32 s7, s2  }
0x1e: {  	s7 =	smul.u32 @!p0 $0xF7A, s2;
	p2 =	seq.s32 @!p0 s5, $0x0  }
0x1f: {  	s9 =	smul.u32 $0xF7A, s1;
	s8 =	simm.s32 @!p0 $0x1BF5;
	p2 =	por !p2, p0  }
0x20: {  	[sflag:s8] =	ssyncset.s32 @!p0 $0xFFFFF086;
	s6 =	sadd.s32 @!p0 s3, s7;
	s7 =	simm.s32 @!p0 $0x108  }
0x21: {  	s3 =	sadd.s32 s3, s9;
	s6 =	sadd.s32 @!p0 $0x88, s6;
	s7 =	simm.s32 @p2 $0x1082  }
0x22: {  	[simem:s7], [sflag:s8] =	dma.local @!p0 [hbm:s6], $0xF7A  }
0x23: {  	s9 =	sor.u32 $0xD0000000, s2;
	s6 =	simm.s32 $0x108;
	_ =	swait.ge @!p0 [sflag:s8], $0x0  }
0x24: {  	s3 =	sadd.s32 $0x88, s3;
	s6 =	simm.s32 @!p1 $0x1082;
	[sflag:s4] =	ssyncset.s32 $0xFFFFF086  }
0x25: {  	[simem:s6], [sflag:s4] =	dma.local [hbm:s3], $0xF7A  }
0x26: {  	[smem:$0x3F9F] =	sst s1;
	(tag) =	ssettag s2;
	_ =	strace s9  }
0x27: {  	s1 =	sld [smem:$0x3FAF]  }
0x28: {  	s2 =	sld [smem:$0x3FB0]  }
0x29: {  	s4 =	sld [smem:$0x3FB2]  }
0x2a: {  	p0 =	seq.s32 s5, $0x0;
	s5 =	sld [smem:$0x3FB3]  }
0x2b: {  	s6 =	sld [smem:$0x3FB4]  }
0x2c: {  	s7 =	sld [smem:$0x3FB5]  }
0x2d: {  	s3 =	simm.s32 $0x108;
	s8 =	sld [smem:$0x3FB6]  }
0x2e: {  	s3 =	simm.s32 @!p0 $0x1082;
	s9 =	sld [smem:$0x3FB7]  }
0x2f: {  	lr =	sadd.s32 s0, s3;
	s0 =	sld [smem:$0x3FAE]  }
0x30: {  	s3 =	sld [smem:$0x3FB1]  }
0x31: {  	[smem:$0x3FBA] =	sst s10  }
0x32: {  	s10 =	sld [smem:$0x3FB8];
	_ =	sdelay $0x3  }
0x33: {  	p0 =	seq.s32 s10, $0x1;
	s10 =	sld [smem:$0x3FBA];
	_ =	sdelay $0x3  }
0x34: {  	[smem:$0x3FBA] =	sst s10  }
0x35: {  	s10 =	sld [smem:$0x3FB9];
	_ =	sdelay $0x3  }
0x36: {  	p1 =	seq.s32 s10, $0x1;
	s10 =	sld [smem:$0x3FBA];
	_ =	sdelay $0x3  }
0x37: {  	[smem:$0x3FBA] =	sst s10  }
0x38: {  	s10 =	sld [smem:$0x3FBB]  }
0x39: {  	_ = 	snop;
	(pc) =	sbr.ind lr, $3  }
0x3a: {  	_ = 	snop  }
0x3b: {  	_ = 	snop  }
0x3c: {  	p2 =	seq.s32 s10, $0x1;
	s10 =	sld [smem:$0x3FBA]  }
0x3d: {  	_ =	shalt  }
0x3e: {  	_ =	shalt  }
0x3f: {  	_ =	shalt  }
0x40: {  	_ =	shalt  }
0x41: {  	_ =	shalt  }
0x42: {  	_ =	shalt  }
0x43: {  	_ =	shalt  }
0x44: {  	_ =	shalt  }
0x45: {  	_ =	shalt  }
0x46: {  	_ =	shalt  }
0x47: {  	_ =	shalt  }
0x48: {  	_ =	shalt  }
0x49: {  	_ =	shalt  }
0x4a: {  	_ =	shalt  }
0x4b: {  	_ =	shalt  }
0x4c: {  	_ =	shalt  }
0x4d: {  	_ =	shalt  }
0x4e: {  	_ =	shalt  }
0x4f: {  	_ =	shalt  }
0x50: {  	_ =	shalt  }
0x51: {  	_ =	shalt  }
0x52: {  	_ =	shalt  }
0x53: {  	_ =	shalt  }
0x54: {  	_ =	shalt  }
0x55: {  	_ =	shalt  }
0x56: {  	_ =	shalt  }
0x57: {  	_ =	shalt  }
0x58: {  	_ =	shalt  }
0x59: {  	_ =	shalt  }
0x5a: {  	_ =	shalt  }
0x5b: {  	_ =	shalt  }
0x5c: {  	_ =	shalt  }
0x5d: {  	_ =	shalt  }
0x5e: {  	_ =	shalt  }
0x5f: {  	_ =	shalt  }
0x60: {  	_ =	shalt  }
0x61: {  	_ =	shalt  }
0x62: {  	_ =	shalt  }
0x63: {  	_ =	shalt  }
0x64: {  	_ =	shalt  }
0x65: {  	_ =	shalt  }
0x66: {  	_ =	shalt  }
0x67: {  	_ =	shalt  }
0x68: {  	_ =	shalt  }
0x69: {  	_ =	shalt  }
0x6a: {  	_ =	shalt  }
0x6b: {  	_ =	shalt  }
0x6c: {  	_ =	shalt  }
0x6d: {  	_ =	shalt  }
0x6e: {  	_ =	shalt  }
0x6f: {  	_ =	shalt  }
0x70: {  	_ =	shalt  }
0x71: {  	_ =	shalt  }
0x72: {  	_ =	shalt  }
0x73: {  	_ =	shalt  }
0x74: {  	_ =	shalt  }
0x75: {  	_ =	shalt  }
0x76: {  	_ =	shalt  }
0x77: {  	_ =	shalt  }
0x78: {  	_ =	shalt  }
0x79: {  	_ =	shalt  }
0x7a: {  	_ =	shalt  }
0x7b: {  	_ =	shalt  }
0x7c: {  	_ =	shalt  }
0x7d: {  	_ =	shalt  }
0x7e: {  	_ =	shalt  }
0x7f: {  	_ =	shalt  }
0x80: {  	_ =	shalt  }
0x81: {  	_ =	shalt  }
0x82: {  	_ =	shalt  }
0x83: {  	_ =	shalt  }
0x84: {  	_ =	shalt  }
0x85: {  	_ =	shalt  }
0x86: {  	_ =	shalt  }
0x87: {  	_ =	shalt  }
.Lfunc_end0:
.L_simem_size_0:
called_computation_lowered:
.L_overlay_start_0:
0x88: {  	s2 =	sld [smem:$0x3FD9]  }
0x89: {  	s3 =	sld [smem:$0x3FFE];
	_ =	sdelay $0x1  }
0x8a: {  	s1 =	srdreg.scid  }
0x8b: {  	s0 =	sand.u32 $0x1, s1  }
0x8c: {  	s17 =	sshll.u32 s0, $0xA;
	s2 =	sadd.s32 s3, s2  }
0x8d: {  	s2 =	sadd.s32 s2, s17  }
0x8e: {  	[smem:$0x3FC6] =	sst s2  }
0x8f: {  	_ = 	snop  }
0x90: {  	s2 =	sld [smem:$0x3FC9];
	(tm) =	ssettm $0x1  }
0x91: {  	s18 =	sld [smem:$0x3FFB];
	_ =	sdelay $0x3  }
0x92: {  	_ =	strace s18  }
0x93: {  	s3 =	sld [smem:$0x3FFC];
	_ =	sdelay $0x3  }
0x94: {  	_ =	strace s3  }
0x95: {  	s3 =	sld [smem:$0x3FFD];
	_ =	sdelay $0x3  }
0x96: {  	_ =	strace s3  }
0x97: {  	_ =	strace $0x8FFFFFFF  }
0x98: {  	s19 =	sld [smem:$0x3FDB];
	_ =	sdelay $0x1  }
0x99: {  	s4 =	simm.s32 $_scs_section_size  }
0x9a: {  	s5 =	simm.s32 $_size__tile_overlayer_lowered;
	s6 =	simm.s32 $_tile_overlayer_lowered  }
0x9b: {  	s22 =	simm.s32 $0x1BFF;
	s21 =	sshll.u32 s6, $0x1;
	s3 =	sadd.s32 s4, s19  }
0x9c: {  	s7 =	simm.s32 $0x0;
	s20 =	sshll.u32 s5, $0x1;
	s5 =	sadd.s32 s21, s3  }
0x9d: {  	[timem:s7], [sflag:s22] =	dma.local [hbm:s5], s20  }
0x9e: {  	_ =	swait.ge [sflag:s22], s20  }
0x9f: {  	s4 =	ssub.s32 $0x0, s20;
	[sflag:s22] =	ssyncset.done $0x0  }
0xa0: {  	[sflag:s22] =	ssyncadd.s32 s4;
	_ =	sdelay $0x1  }
0xa1: {  	s23 =	simm.s32 $0x1B8B  }
0xa2: {  	_ =	swait.ge [sflag:s23], $0x1  }
0xa3: {  	[sflag:s23] =	ssyncset.done $0x0  }
0xa4: {  	s25 =	simm.s32 $0x1B8E;
	s24 =	sld [smem:$0x3FFE];
	[sflag:s23] =	ssyncadd.s32 $0xFFFFFFFF  }
0xa5: {  	s26 =	simm.s32 $execute0_lowered;
	[smem:$0x3FD2] =	sst s25  }
0xa6: {  	s5 =	sshll.u32 s26, $0x1;
	_ =	strace $0x80000046;
	[dreg:$0x1] =	wrdreg $0xFFFFFFFF  }
0xa7: {  	s28 =	simm.s32 $_size_execute0_lowered;
	s3 =	sadd.s32 s3, s5;
	[dreg:$0x0] =	wrdreg $0x0  }
0xa8: {  	s5 =	sshll.u32 s28, $0x1;
	[dreg:$0x2] =	wrdreg s3  }
0xa9: {  	[dreg:$0x3] =	wrdreg s5  }
0xaa: {  	[dreg:$0x4] =	wrdreg $0xC0  }
0xab: {  	_ =	task [dreg:s7], $0x5FFFF  }
0xac: {  	[dreg:$0x1] =	wrdreg $0xFFFFFFFF  }
0xad: {  	[dreg:$0x0] =	wrdreg $0x60  }
0xae: {  	[dreg:$0x2] =	wrdreg s2  }
0xaf: {  	[dreg:$0x3] =	wrdreg s24  }
0xb0: {  	[dreg:$0x4] =	wrdreg $0x9  }
0xb1: {  	_ =	task.clear_ibuf [dreg:s7], $0x5FFFF;
	_ =	strace $0x90000046  }
0xb2: {  	s29 =	simm.s32 $0x9;
	_ =	strace $0x80000048  }
0xb3: {  	_ =	swait.ge [sflag:s29], $0x1  }
0xb4: {  	[sflag:s29] =	ssyncadd.s32 $0xFFFFFFFF  }
0xb5: {  	_ =	strace $0x90000048  }
0xb6: {  	_ =	sfence  }
0xb7: {  	s30 =	sld [smem:$0x0];
	_ =	sdelay $0x2  }
0xb8: {  	s31 =	sshll.u32 s1, $0xD;
	s1 =	sshrl.u32 s1, $0x2  }
0xb9: {  	s3 =	sand.u32 $0x4000, s31;
	s1 =	sadd.s32 s1, s30  }
0xba: {  	s0 =	sor.u32 s3, s0;
	s1 =	sshll.u32 s1, $0x11  }
0xbb: {  	s0 =	sor.u32 s1, s0  }
0xbc: {  	s0 =	sadd.s32 $0x8F2B, s0  }
0xbd: {  	[sflag:s0] =	ssyncadd.remote.s32 $0x1  }
0xbe: {  	_ =	sfence.sel $0xFFFF  }
0xbf: {  	[dreg:$0x0] =	wrdreg $0xFFFFFFFF;
	(pc) =	sbr.abs _section_cstart, $3  }
0xc0: {  	[dreg:$0x1] =	wrdreg $0xFFFFFFFF  }
0xc1: {  	_ =	task.clear_ibuf [dreg:s7], $0x2FFFF;
	_ =	strace $0x9FFFFFFF  }
0xc2: {  	(tm) =	ssettm $0x7FFFFFFF  }
0xc3: {  	_ =	shalt  }
tec
execute0_lowered:
.L_overlay_start_1:
0x0: {  	(tag) =	ssettag $0x1  }
0x1: {  	s0 =	rddreg [dreg:$0x0]  }
0x2: {  	s1 =	rddreg [dreg:$0x1]  }
0x3: {  	s2 =	srdreg.scid;
	s7 =	stileid.u32;
	s12 =	simm.s32 $0x7F80  }
0x4: {  	s28 =	simm.s32 $0x1BF00;
	s29 =	simm.s32 $0x1BD80;
	s30 =	simm.s32 $0x1BE80  }
0x5: {  	s31 =	simm.s32 $0x1BE00;
	s11 =	simm.s32 $0x1BC80;
	s8 =	simm.s32 $0x1BA00  }
0x6: {  	s9 =	simm.s32 $0x1BA80;
	s10 =	simm.s32 $0x1B900;
	s13 =	simm.s32 $0x1B880  }
0x7: {  	s14 =	simm.s32 $0x1B800;
	s15 =	simm.s32 $0x1B680;
	s16 =	simm.s32 $0x1B700  }
0x8: {  	s17 =	simm.s32 $0x1B780;
	s18 =	simm.s32 $0x2;
	s3 =	sand.u32 $0x1, s2  }
0x9: {  	s20 =	sshrl.u32 s7, $0x2;
	s4 =	sshll.u32 s7, $0x8;
	s2 =	simm.s32 $0x0  }
0xa: {  	s22 =	sshll.u32 s7, $0x6;
	s7 =	simm.s32 $0x1BB00;
	s5 =	smul.u32 $0x15400, s20  }
0xb: {  	s6 =	sshll.u32 s3, $0x7;
	s4 =	sand.u32 $0x300, s4;
	[smem:$0x7FF] =	sst s2  }
0xc: {  	s3 =	ssub.s32 $0x2, s3;
	s20 =	simm.s32 $0x80;
	s4 =	sor.u32 s6, s4  }
0xd: {  	_ =	strace $0x80000047;
	s21 =	sshrl.u32 s3, $0x1;
	s6 =	simm.s32 $0x1BB80  }
0xe: {  	s4 =	sor.u32 s5, s4;
	s3 =	ssub.s32 s3, s21;
	s21 =	simm.s32 $0x400  }
0xf: {  	v0 =	vimm.s32 $0x7;
	s4 =	sshrl.u32 s4, $0x3;
	s26 =	smax.u32 s3, $0x1;
	s3 =	simm.s32 $0x1B980  }
0x10: {  	v1 =	vimm.s32 $0x3;
	v2 =	vimm.s32 $0x0;
	v3 =	vlaneseq.u32;
	s1 =	sadd.s32 s4, s1;
	s4 =	sand.u32 $0x380, s22;
	[dreg:$0x6] =	wrdreg s26  }
.Ltmp0:
0x11: {  	vm0 =	vmmov $0x1;
	v5 =	vimm.s32 $0x1;
	v6 =	vimm.s32 $0x2;
	s26 =	simm.s32 $0x1;
	s22 =	simm.s32 $0x0;
	(pc) =	sbr.rel .LBB2_1-.Ltmp0, $4  }
0x12: {  	v7 =	vimm.s32 $0x4;
	v8 =	vimm.s32 $0x5;
	v9 =	vimm.s32 $0x6;
	s23 =	sadd.s32 $0xA00, s1;
	s24 =	sadd.s32 $0xB400, s1;
	s5 =	sadd.s32 s0, s4  }
0x13: {  	v10 =	vimm.s32 $0x8;
	v11 =	vimm.s32 $0x9;
	v12 =	vimm.s32 $0xA;
	s25 =	sadd.s32 $0x15E00, s1;
	s1 =	simm.s32 $0x1B600;
	[dreg:$0x3] =	wrdreg s23  }
0x14: {  	v13 =	vimm.s32 $0xB;
	v14 =	vimm.s32 $0xC;
	v15 =	vimm.s32 $0xD;
	s0 =	simm.s32 $0x1BD00;
	s4 =	simm.s32 $0x1BC00;
	[dreg:$0x4] =	wrdreg s24  }
0x15: {  	v16 =	vimm.s32 $0xE;
	v17 =	vimm.s32 $0xF;
	v4 =	vmul.u32 $0x8, v3;
	[dreg:$0x5] =	wrdreg s25;
	s24 =	simm.s32 $0x1B500;
	s25 =	simm.s32 $0x1B580  }
.LBB2_6:
0x16: {  	s19 =	rddreg [dreg:$0x5]  }
0x17: {  	s20 =	simm.s32 $0x80;
	s21 =	simm.s32 $0x400;
	s22 =	simm.s32 $0x5500  }
0x18: {  	[hbm4b:s19+s20] =	stream.strided.scatter [tilespmem:s22], [sflag:$0x3], $0x2A80, s21, s20, $0x38;
	[tilespmem:$0x1BF80] =	vst v63  }
0x19: {  	s19 =	simm.s32 $0x3  }
0x1a: {  	_ =	swait.ge [sflag:s19], $0x2A80  }
0x1b: {  	s23 =	rddreg [dreg:$0x7]  }
0x1c: {  	s22 =	sadd.s32 $0x1, s23;
	s23 =	rddreg [dreg:$0x6]  }
0x1d: {  	p0 =	sne.s32 s22, s23  }
.Ltmp1:
0x1e: {  	_ = 	snop;
	(pc) =	sbr.rel @!p0 .LBB2_7-.Ltmp1, $3  }
0x1f: {  	_ =	sdelay $0x1  }
0x20: {  	[sflag:s19] =	ssyncset.done $0x0;
	s23 =	simm.s32 $0x3  }
0x21: {  	[sflag:s23] =	ssyncadd.s32 $0xFFFFD580  }
.LBB2_1:
0x22: {  	[dreg:$0x7] =	wrdreg s22  }
0x23: {  	s22 =	simm.s32 $0x3;
	s19 =	rddreg [dreg:$0x3]  }
0x24: {  	[tilespmem:s2], [sflag:$0x3] =	stream.strided.gather [hbm4b:s19+s20], $0x2A80, s21, s20, $0x38;
	[tilespmem:$0x1BF80] =	vst v63  }
0x25: {  	_ =	swait.ge [sflag:s22], $0x2A80  }
0x26: {  	[sflag:s22] =	ssyncset.done $0x0  }
0x27: {  	s23 =	simm.s32 $0x2A80;
	s19 =	rddreg [dreg:$0x4];
	[sflag:s22] =	ssyncadd.s32 $0xFFFFD580  }
0x28: {  	[tilespmem:s23], [sflag:$0x3] =	stream.strided.gather [hbm4b:s19+s20], $0x2A80, s21, s20, $0x38;
	[tilespmem:$0x1BF80] =	vst v63  }
0x29: {  	_ =	swait.ge [sflag:s22], $0x2A80  }
0x2a: {  	[sflag:s22] =	ssyncset.done $0x0  }
0x2b: {  	[sflag:s22] =	ssyncadd.s32 $0xFFFFD580  }
0x2c: {  	v18 =	vld [tilespmem:$0x0];
	_ =	sdelay $0x4  }
0x2d: {  	v19 =	vshll.u32 v18, $0x3  }
0x2e: {  	v18 =	vand.u32 $0x7, v18;
	v19 =	vand.u32 $0xFFFFFFC0, v19  }
0x2f: {  	v18 =	vor.u32 v18, v19  }
0x30: {  	v19 =	vperm.xlane v18, v2;
	_ =	sdelay $0x1  }
0x31: {  	v20 =	vperm.xlane v18, v5;
	v19 =	vadd.s32 v4, v19;
	_ =	sdelay $0x1  }
0x32: {  	v21 =	vperm.xlane v18, v6;
	v20 =	vadd.s32 v4, v20;
	_ =	sdelay $0x1  }
0x33: {  	v22 =	vperm.xlane v18, v1;
	v21 =	vadd.s32 v4, v21  }
0x34: {  	[tilespmem:s12], [sflag:$0x1] =	stream.indirect_vreg.gather [hbm4b:s5+s2], $0x80, v19, vm0, $0xb8;
	[tilespmem:$0x1BF80] =	vst v63  }
0x35: {  	s21 =	simm.s32 $0x8000;
	v27 =	vperm.xlane v18, v7;
	v19 =	vadd.s32 v4, v22  }
0x36: {  	[tilespmem:s21], [sflag:$0x1] =	stream.indirect_vreg.gather [hbm4b:s5+s2], $0x80, v20, vm0, $0xb8;
	[tilespmem:$0x1BF80] =	vst v63  }
0x37: {  	s22 =	simm.s32 $0x8080;
	v29 =	vperm.xlane v18, v8;
	v28 =	vadd.s32 v4, v27  }
0x38: {  	[tilespmem:s22], [sflag:$0x1] =	stream.indirect_vreg.gather [hbm4b:s5+s2], $0x80, v21, vm0, $0xb8;
	[tilespmem:$0x1BF80] =	vst v63  }
0x39: {  	s20 =	simm.s32 $0x8100;
	v31 =	vperm.xlane v18, v9;
	v30 =	vadd.s32 v4, v29  }
0x3a: {  	[tilespmem:s20], [sflag:$0x1] =	stream.indirect_vreg.gather [hbm4b:s5+s2], $0x80, v19, vm0, $0xb8;
	[tilespmem:$0x1BF80] =	vst v63  }
0x3b: {  	s23 =	simm.s32 $0x8180;
	v32 =	vperm.xlane v18, v0;
	v19 =	vadd.s32 v4, v31  }
0x3c: {  	[tilespmem:s23], [sflag:$0x1] =	stream.indirect_vreg.gather [hbm4b:s5+s2], $0x80, v28, vm0, $0xb8;
	[tilespmem:$0x1BF80] =	vst v63  }
0x3d: {  	v34 =	vperm.xlane v18, v10;
	v33 =	vadd.s32 v4, v32;
	s20 =	simm.s32 $0x8200  }
0x3e: {  	[tilespmem:s20], [sflag:$0x1] =	stream.indirect_vreg.gather [hbm4b:s5+s2], $0x80, v30, vm0, $0xb8;
	[tilespmem:$0x1BF80] =	vst v63  }
0x3f: {  	v36 =	vperm.xlane v18, v11;
	v35 =	vadd.s32 v4, v34;
	s23 =	simm.s32 $0x8280  }
0x40: {  	[tilespmem:s23], [sflag:$0x1] =	stream.indirect_vreg.gather [hbm4b:s5+s2], $0x80, v19, vm0, $0xb8;
	[tilespmem:$0x1BF80] =	vst v63  }
0x41: {  	v37 =	vperm.xlane v18, v12;
	s20 =	simm.s32 $0x8300;
	v19 =	vadd.s32 v4, v36  }
0x42: {  	[tilespmem:s20], [sflag:$0x1] =	stream.indirect_vreg.gather [hbm4b:s5+s2], $0x80, v33, vm0, $0xb8;
	[tilespmem:$0x1BF80] =	vst v63  }
0x43: {  	v39 =	vperm.xlane v18, v13;
	v38 =	vadd.s32 v4, v37;
	s23 =	simm.s32 $0x8380  }
0x44: {  	[tilespmem:s23], [sflag:$0x1] =	stream.indirect_vreg.gather [hbm4b:s5+s2], $0x80, v35, vm0, $0xb8;
	[tilespmem:$0x1BF80] =	vst v63  }
0x45: {  	v41 =	vperm.xlane v18, v14;
	v40 =	vadd.s32 v4, v39;
	s20 =	simm.s32 $0x8400  }
0x46: {  	[tilespmem:s20], [sflag:$0x1] =	stream.indirect_vreg.gather [hbm4b:s5+s2], $0x80, v19, vm0, $0xb8;
	[tilespmem:$0x1BF80] =	vst v63  }
0x47: {  	v42 =	vperm.xlane v18, v15;
	s23 =	simm.s32 $0x8480;
	v19 =	vadd.s32 v4, v41  }
0x48: {  	[tilespmem:s23], [sflag:$0x1] =	stream.indirect_vreg.gather [hbm4b:s5+s2], $0x80, v38, vm0, $0xb8;
	[tilespmem:$0x1BF80] =	vst v63  }
0x49: {  	v44 =	vperm.xlane v18, v16;
	v43 =	vadd.s32 v4, v42;
	s20 =	simm.s32 $0x8500  }
0x4a: {  	[tilespmem:s20], [sflag:$0x1] =	stream.indirect_vreg.gather [hbm4b:s5+s2], $0x80, v40, vm0, $0xb8;
	[tilespmem:$0x1BF80] =	vst v63  }
0x4b: {  	v18 =	vperm.xlane v18, v17;
	v45 =	vadd.s32 v4, v44;
	s23 =	simm.s32 $0x8580  }
0x4c: {  	[tilespmem:s23], [sflag:$0x1] =	stream.indirect_vreg.gather [hbm4b:s5+s2], $0x80, v19, vm0, $0xb8;
	[tilespmem:$0x1BF80] =	vst v63  }
0x4d: {  	v18 =	vadd.s32 v4, v18;
	s20 =	simm.s32 $0x8600  }
0x4e: {  	[tilespmem:s20], [sflag:$0x1] =	stream.indirect_vreg.gather [hbm4b:s5+s2], $0x80, v43, vm0, $0xb8;
	[tilespmem:$0x1BF80] =	vst v63  }
0x4f: {  	s23 =	simm.s32 $0x8680  }
0x50: {  	[tilespmem:s23], [sflag:$0x1] =	stream.indirect_vreg.gather [hbm4b:s5+s2], $0x80, v45, vm0, $0xb8;
	[tilespmem:$0x1BF80] =	vst v63  }
0x51: {  	s20 =	simm.s32 $0x8700  }
0x52: {  	[tilespmem:s20], [sflag:$0x1] =	stream.indirect_vreg.gather [hbm4b:s5+s2], $0x80, v18, vm0, $0xb8;
	[tilespmem:$0x1BF80] =	vst v63  }
0x53: {  	v18 =	vld [tilespmem:$0x10];
	_ =	sdelay $0x4  }
0x54: {  	v19 =	vshll.u32 v18, $0x3  }
0x55: {  	v18 =	vand.u32 $0x7, v18;
	v19 =	vand.u32 $0xFFFFFFC0, v19  }
0x56: {  	v18 =	vor.u32 v18, v19  }
0x57: {  	v19 =	vperm.xlane v18, v2;
	_ =	sdelay $0x1  }
0x58: {  	v46 =	vperm.xlane v18, v5;
	v19 =	vadd.s32 v4, v19;
	_ =	sdelay $0x1  }
0x59: {  	v47 =	vperm.xlane v18, v6;
	v20 =	vadd.s32 v4, v46;
	_ =	sdelay $0x1  }
0x5a: {  	s23 =	simm.s32 $0x8780;
	v48 =	vperm.xlane v18, v1;
	v21 =	vadd.s32 v4, v47  }
0x5b: {  	[tilespmem:s23], [sflag:$0x1] =	stream.indirect_vreg.gather [hbm4b:s5+s2], $0x80, v19, vm0, $0xb8;
	[tilespmem:$0x1BF80] =	vst v63  }
0x5c: {  	s20 =	simm.s32 $0x8800;
	v49 =	vperm.xlane v18, v7;
	v19 =	vadd.s32 v4, v48  }
0x5d: {  	[tilespmem:s20], [sflag:$0x1] =	stream.indirect_vreg.gather [hbm4b:s5+s2], $0x80, v20, vm0, $0xb8;
	[tilespmem:$0x1BF80] =	vst v63  }
0x5e: {  	v51 =	vperm.xlane v18, v8;
	v50 =	vadd.s32 v4, v49;
	s23 =	simm.s32 $0x8880  }
0x5f: {  	[tilespmem:s23], [sflag:$0x1] =	stream.indirect_vreg.gather [hbm4b:s5+s2], $0x80, v21, vm0, $0xb8;
	[tilespmem:$0x1BF80] =	vst v63  }
0x60: {  	v53 =	vperm.xlane v18, v9;
	v52 =	vadd.s32 v4, v51;
	s20 =	simm.s32 $0x8900  }
0x61: {  	[tilespmem:s20], [sflag:$0x1] =	stream.indirect_vreg.gather [hbm4b:s5+s2], $0x80, v19, vm0, $0xb8;
	[tilespmem:$0x1BF80] =	vst v63  }
0x62: {  	v54 =	vperm.xlane v18, v0;
	s23 =	simm.s32 $0x8980;
	v19 =	vadd.s32 v4, v53  }
0x63: {  	[tilespmem:s23], [sflag:$0x1] =	stream.indirect_vreg.gather [hbm4b:s5+s2], $0x80, v50, vm0, $0xb8;
	[tilespmem:$0x1BF80] =	vst v63  }
0x64: {  	v56 =	vperm.xlane v18, v10;
	v55 =	vadd.s32 v4, v54;
	s20 =	simm.s32 $0x8A00  }
0x65: {  	[tilespmem:s20], [sflag:$0x1] =	stream.indirect_vreg.gather [hbm4b:s5+s2], $0x80, v52, vm0, $0xb8;
	[tilespmem:$0x1BF80] =	vst v63  }
0x66: {  	v58 =	vperm.xlane v18, v11;
	v57 =	vadd.s32 v4, v56;
	s23 =	simm.s32 $0x8A80  }
0x67: {  	[tilespmem:s23], [sflag:$0x1] =	stream.indirect_vreg.gather [hbm4b:s5+s2], $0x80, v19, vm0, $0xb8;
	[tilespmem:$0x1BF80] =	vst v63  }
0x68: {  	v59 =	vperm.xlane v18, v12;
	s20 =	simm.s32 $0x8B00;
	v19 =	vadd.s32 v4, v58  }
0x69: {  	[tilespmem:s20], [sflag:$0x1] =	stream.indirect_vreg.gather [hbm4b:s5+s2], $0x80, v55, vm0, $0xb8;
	[tilespmem:$0x1BF80] =	vst v63  }
0x6a: {  	v61 =	vperm.xlane v18, v13;
	v60 =	vadd.s32 v4, v59;
	s23 =	simm.s32 $0x8B80  }
0x6b: {  	[tilespmem:s23], [sflag:$0x1] =	stream.indirect_vreg.gather [hbm4b:s5+s2], $0x80, v57, vm0, $0xb8;
	[tilespmem:$0x1BF80] =	vst v63  }
0x6c: {  	v63 =	vperm.xlane v18, v14;
	v62 =	vadd.s32 v4, v61;
	s20 =	simm.s32 $0x8C00  }
0x6d: {  	[tilespmem:s20], [sflag:$0x1] =	stream.indirect_vreg.gather [hbm4b:s5+s2], $0x80, v19, vm0, $0xb8;
	[tilespmem:$0x1BF80] =	vst v63  }
0x6e: {  	v24 =	vperm.xlane v18, v15;
	s23 =	simm.s32 $0x8C80;
	v19 =	vadd.s32 v4, v63  }
0x6f: {  	[tilespmem:s23], [sflag:$0x1] =	stream.indirect_vreg.gather [hbm4b:s5+s2], $0x80, v60, vm0, $0xb8;
	[tilespmem:$0x1BF80] =	vst v63  }
0x70: {  	v26 =	vperm.xlane v18, v16;
	v25 =	vadd.s32 v4, v24;
	s20 =	simm.s32 $0x8D00  }
0x71: {  	[tilespmem:s20], [sflag:$0x1] =	stream.indirect_vreg.gather [hbm4b:s5+s2], $0x80, v62, vm0, $0xb8;
	[tilespmem:$0x1BF80] =	vst v63  }
0x72: {  	v18 =	vperm.xlane v18, v17;
	v27 =	vadd.s32 v4, v26;
	s23 =	simm.s32 $0x8D80  }
0x73: {  	[tilespmem:s23], [sflag:$0x1] =	stream.indirect_vreg.gather [hbm4b:s5+s2], $0x80, v19, vm0, $0xb8;
	[tilespmem:$0x1BF80] =	vst v63  }
0x74: {  	v18 =	vadd.s32 v4, v18;
	s20 =	simm.s32 $0x8E00  }
0x75: {  	[tilespmem:s20], [sflag:$0x1] =	stream.indirect_vreg.gather [hbm4b:s5+s2], $0x80, v25, vm0, $0xb8;
	[tilespmem:$0x1BF80] =	vst v63  }
0x76: {  	s23 =	simm.s32 $0x8E80  }
0x77: {  	[tilespmem:s23], [sflag:$0x1] =	stream.indirect_vreg.gather [hbm4b:s5+s2], $0x80, v27, vm0, $0xb8;
	[tilespmem:$0x1BF80] =	vst v63  }
0x78: {  	s20 =	simm.s32 $0x8F00  }
0x79: {  	[tilespmem:s20], [sflag:$0x1] =	stream.indirect_vreg.gather [hbm4b:s5+s2], $0x80, v18, vm0, $0xb8;
	[tilespmem:$0x1BF80] =	vst v63  }
0x7a: {  	v18 =	vld [tilespmem:$0x20];
	_ =	sdelay $0x4  }
0x7b: {  	v19 =	vshll.u32 v18, $0x3  }
0x7c: {  	v18 =	vand.u32 $0x7, v18;
	v19 =	vand.u32 $0xFFFFFFC0, v19  }
0x7d: {  	v18 =	vor.u32 v18, v19  }
0x7e: {  	v19 =	vperm.xlane v18, v2;
	_ =	sdelay $0x1  }
0x7f: {  	v28 =	vperm.xlane v18, v5;
	v19 =	vadd.s32 v4, v19;
	_ =	sdelay $0x1  }
0x80: {  	v29 =	vperm.xlane v18, v6;
	v20 =	vadd.s32 v4, v28;
	_ =	sdelay $0x1  }
0x81: {  	s23 =	simm.s32 $0x8F80;
	v30 =	vperm.xlane v18, v1;
	v21 =	vadd.s32 v4, v29  }
0x82: {  	[tilespmem:s23], [sflag:$0x1] =	stream.indirect_vreg.gather [hbm4b:s5+s2], $0x80, v19, vm0, $0xb8;
	[tilespmem:$0x1BF80] =	vst v63  }
0x83: {  	s20 =	simm.s32 $0x9000;
	v31 =	vperm.xlane v18, v7;
	v19 =	vadd.s32 v4, v30  }
0x84: {  	[tilespmem:s20], [sflag:$0x1] =	stream.indirect_vreg.gather [hbm4b:s5+s2], $0x80, v20, vm0, $0xb8;
	[tilespmem:$0x1BF80] =	vst v63  }
0x85: {  	v33 =	vperm.xlane v18, v8;
	v32 =	vadd.s32 v4, v31;
	s23 =	simm.s32 $0x9080  }
0x86: {  	[tilespmem:s23], [sflag:$0x1] =	stream.indirect_vreg.gather [hbm4b:s5+s2], $0x80, v21, vm0, $0xb8;
	[tilespmem:$0x1BF80] =	vst v63  }
0x87: {  	v35 =	vperm.xlane v18, v9;
	v34 =	vadd.s32 v4, v33;
	s20 =	simm.s32 $0x9100  }
0x88: {  	[tilespmem:s20], [sflag:$0x1] =	stream.indirect_vreg.gather [hbm4b:s5+s2], $0x80, v19, vm0, $0xb8;
	[tilespmem:$0x1BF80] =	vst v63  }
0x89: {  	v36 =	vperm.xlane v18, v0;
	s23 =	simm.s32 $0x9180;
	v19 =	vadd.s32 v4, v35  }
0x8a: {  	[tilespmem:s23], [sflag:$0x1] =	stream.indirect_vreg.gather [hbm4b:s5+s2], $0x80, v32, vm0, $0xb8;
	[tilespmem:$0x1BF80] =	vst v63  }
0x8b: {  	v38 =	vperm.xlane v18, v10;
	v37 =	vadd.s32 v4, v36;
	s20 =	simm.s32 $0x9200  }
0x8c: {  	[tilespmem:s20], [sflag:$0x1] =	stream.indirect_vreg.gather [hbm4b:s5+s2], $0x80, v34, vm0, $0xb8;
	[tilespmem:$0x1BF80] =	vst v63  }
0x8d: {  	v40 =	vperm.xlane v18, v11;
	v39 =	vadd.s32 v4, v38;
	s23 =	simm.s32 $0x9280  }
0x8e: {  	[tilespmem:s23], [sflag:$0x1] =	stream.indirect_vreg.gather [hbm4b:s5+s2], $0x80, v19, vm0, $0xb8;
	[tilespmem:$0x1BF80] =	vst v63  }
0x8f: {  	v41 =	vperm.xlane v18, v12;
	s20 =	simm.s32 $0x9300;
	v19 =	vadd.s32 v4, v40  }
0x90: {  	[tilespmem:s20], [sflag:$0x1] =	stream.indirect_vreg.gather [hbm4b:s5+s2], $0x80, v37, vm0, $0xb8;
	[tilespmem:$0x1BF80] =	vst v63  }
0x91: {  	v43 =	vperm.xlane v18, v13;
	v42 =	vadd.s32 v4, v41;
	s23 =	simm.s32 $0x9380  }
0x92: {  	[tilespmem:s23], [sflag:$0x1] =	stream.indirect_vreg.gather [hbm4b:s5+s2], $0x80, v39, vm0, $0xb8;
	[tilespmem:$0x1BF80] =	vst v63  }
0x93: {  	v45 =	vperm.xlane v18, v14;
	v44 =	vadd.s32 v4, v43;
	s20 =	simm.s32 $0x9400  }
0x94: {  	[tilespmem:s20], [sflag:$0x1] =	stream.indirect_vreg.gather [hbm4b:s5+s2], $0x80, v19, vm0, $0xb8;
	[tilespmem:$0x1BF80] =	vst v63  }
0x95: {  	v46 =	vperm.xlane v18, v15;
	s23 =	simm.s32 $0x9480;
	v19 =	vadd.s32 v4, v45  }
0x96: {  	[tilespmem:s23], [sflag:$0x1] =	stream.indirect_vreg.gather [hbm4b:s5+s2], $0x80, v42, vm0, $0xb8;
	[tilespmem:$0x1BF80] =	vst v63  }
0x97: {  	v48 =	vperm.xlane v18, v16;
	v47 =	vadd.s32 v4, v46;
	s20 =	simm.s32 $0x9500  }
0x98: {  	[tilespmem:s20], [sflag:$0x1] =	stream.indirect_vreg.gather [hbm4b:s5+s2], $0x80, v44, vm0, $0xb8;
	[tilespmem:$0x1BF80] =	vst v63  }
0x99: {  	v18 =	vperm.xlane v18, v17;
	v49 =	vadd.s32 v4, v48;
	s23 =	simm.s32 $0x9580  }
0x9a: {  	[tilespmem:s23], [sflag:$0x1] =	stream.indirect_vreg.gather [hbm4b:s5+s2], $0x80, v19, vm0, $0xb8;
	[tilespmem:$0x1BF80] =	vst v63  }
0x9b: {  	v18 =	vadd.s32 v4, v18;
	s20 =	simm.s32 $0x9600  }
0x9c: {  	[tilespmem:s20], [sflag:$0x1] =	stream.indirect_vreg.gather [hbm4b:s5+s2], $0x80, v47, vm0, $0xb8;
	[tilespmem:$0x1BF80] =	vst v63  }
0x9d: {  	s23 =	simm.s32 $0x9680  }
0x9e: {  	[tilespmem:s23], [sflag:$0x1] =	stream.indirect_vreg.gather [hbm4b:s5+s2], $0x80, v49, vm0, $0xb8;
	[tilespmem:$0x1BF80] =	vst v63  }
0x9f: {  	s20 =	simm.s32 $0x9700  }
0xa0: {  	[tilespmem:s20], [sflag:$0x1] =	stream.indirect_vreg.gather [hbm4b:s5+s2], $0x80, v18, vm0, $0xb8;
	[tilespmem:$0x1BF80] =	vst v63  }
0xa1: {  	v18 =	vld [tilespmem:$0x30];
	_ =	sdelay $0x4  }
0xa2: {  	v19 =	vshll.u32 v18, $0x3  }
0xa3: {  	v18 =	vand.u32 $0x7, v18;
	v19 =	vand.u32 $0xFFFFFFC0, v19  }
0xa4: {  	v18 =	vor.u32 v18, v19  }
0xa5: {  	v19 =	vperm.xlane v18, v2;
	_ =	sdelay $0x1  }
0xa6: {  	v50 =	vperm.xlane v18, v5;
	v19 =	vadd.s32 v4, v19;
	_ =	sdelay $0x1  }
0xa7: {  	v51 =	vperm.xlane v18, v6;
	v20 =	vadd.s32 v4, v50;
	_ =	sdelay $0x1  }
0xa8: {  	s23 =	simm.s32 $0x9780;
	v52 =	vperm.xlane v18, v1;
	v21 =	vadd.s32 v4, v51  }
0xa9: {  	[tilespmem:s23], [sflag:$0x1] =	stream.indirect_vreg.gather [hbm4b:s5+s2], $0x80, v19, vm0, $0xb8;
	[tilespmem:$0x1BF80] =	vst v63  }
0xaa: {  	s20 =	simm.s32 $0x9800;
	v53 =	vperm.xlane v18, v7;
	v19 =	vadd.s32 v4, v52  }
0xab: {  	[tilespmem:s20], [sflag:$0x1] =	stream.indirect_vreg.gather [hbm4b:s5+s2], $0x80, v20, vm0, $0xb8;
	[tilespmem:$0x1BF80] =	vst v63  }
0xac: {  	v55 =	vperm.xlane v18, v8;
	v54 =	vadd.s32 v4, v53;
	s23 =	simm.s32 $0x9880  }
0xad: {  	[tilespmem:s23], [sflag:$0x1] =	stream.indirect_vreg.gather [hbm4b:s5+s2], $0x80, v21, vm0, $0xb8;
	[tilespmem:$0x1BF80] =	vst v63  }
0xae: {  	v57 =	vperm.xlane v18, v9;
	v56 =	vadd.s32 v4, v55;
	s20 =	simm.s32 $0x9900  }
0xaf: {  	[tilespmem:s20], [sflag:$0x1] =	stream.indirect_vreg.gather [hbm4b:s5+s2], $0x80, v19, vm0, $0xb8;
	[tilespmem:$0x1BF80] =	vst v63  }
0xb0: {  	v58 =	vperm.xlane v18, v0;
	s23 =	simm.s32 $0x9980;
	v19 =	vadd.s32 v4, v57  }
0xb1: {  	[tilespmem:s23], [sflag:$0x1] =	stream.indirect_vreg.gather [hbm4b:s5+s2], $0x80, v54, vm0, $0xb8;
	[tilespmem:$0x1BF80] =	vst v63  }
0xb2: {  	v60 =	vperm.xlane v18, v10;
	v59 =	vadd.s32 v4, v58;
	s20 =	simm.s32 $0x9A00  }
0xb3: {  	[tilespmem:s20], [sflag:$0x1] =	stream.indirect_vreg.gather [hbm4b:s5+s2], $0x80, v56, vm0, $0xb8;
	[tilespmem:$0x1BF80] =	vst v63  }
0xb4: {  	v62 =	vperm.xlane v18, v11;
	v61 =	vadd.s32 v4, v60;
	s23 =	simm.s32 $0x9A80  }
0xb5: {  	[tilespmem:s23], [sflag:$0x1] =	stream.indirect_vreg.gather [hbm4b:s5+s2], $0x80, v19, vm0, $0xb8;
	[tilespmem:$0x1BF80] =	vst v63  }
0xb6: {  	v63 =	vperm.xlane v18, v12;
	s20 =	simm.s32 $0x9B00;
	v19 =	vadd.s32 v4, v62  }
0xb7: {  	[tilespmem:s20], [sflag:$0x1] =	stream.indirect_vreg.gather [hbm4b:s5+s2], $0x80, v59, vm0, $0xb8;
	[tilespmem:$0x1BF80] =	vst v63  }
0xb8: {  	v25 =	vperm.xlane v18, v13;
	v24 =	vadd.s32 v4, v63;
	s23 =	simm.s32 $0x9B80  }
0xb9: {  	[tilespmem:s23], [sflag:$0x1] =	stream.indirect_vreg.gather [hbm4b:s5+s2], $0x80, v61, vm0, $0xb8;
	[tilespmem:$0x1BF80] =	vst v63  }
0xba: {  	v27 =	vperm.xlane v18, v14;
	v26 =	vadd.s32 v4, v25;
	s20 =	simm.s32 $0x9C00  }
0xbb: {  	[tilespmem:s20], [sflag:$0x1] =	stream.indirect_vreg.gather [hbm4b:s5+s2], $0x80, v19, vm0, $0xb8;
	[tilespmem:$0x1BF80] =	vst v63  }
0xbc: {  	v28 =	vperm.xlane v18, v15;
	s23 =	simm.s32 $0x9C80;
	v19 =	vadd.s32 v4, v27  }
0xbd: {  	[tilespmem:s23], [sflag:$0x1] =	stream.indirect_vreg.gather [hbm4b:s5+s2], $0x80, v24, vm0, $0xb8;
	[tilespmem:$0x1BF80] =	vst v63  }
0xbe: {  	v30 =	vperm.xlane v18, v16;
	v29 =	vadd.s32 v4, v28;
	s20 =	simm.s32 $0x9D00  }
0xbf: {  	[tilespmem:s20], [sflag:$0x1] =	stream.indirect_vreg.gather [hbm4b:s5+s2], $0x80, v26, vm0, $0xb8;
	[tilespmem:$0x1BF80] =	vst v63  }
0xc0: {  	v18 =	vperm.xlane v18, v17;
	v31 =	vadd.s32 v4, v30;
	s23 =	simm.s32 $0x9D80  }
0xc1: {  	[tilespmem:s23], [sflag:$0x1] =	stream.indirect_vreg.gather [hbm4b:s5+s2], $0x80, v19, vm0, $0xb8;
	[tilespmem:$0x1BF80] =	vst v63  }
0xc2: {  	v18 =	vadd.s32 v4, v18;
	s20 =	simm.s32 $0x9E00  }
0xc3: {  	[tilespmem:s20], [sflag:$0x1] =	stream.indirect_vreg.gather [hbm4b:s5+s2], $0x80, v29, vm0, $0xb8;
	[tilespmem:$0x1BF80] =	vst v63  }
0xc4: {  	s23 =	simm.s32 $0x9E80  }
0xc5: {  	[tilespmem:s23], [sflag:$0x1] =	stream.indirect_vreg.gather [hbm4b:s5+s2], $0x80, v31, vm0, $0xb8;
	[tilespmem:$0x1BF80] =	vst v63  }
0xc6: {  	s20 =	simm.s32 $0x9F00  }
0xc7: {  	[tilespmem:s20], [sflag:$0x1] =	stream.indirect_vreg.gather [hbm4b:s5+s2], $0x80, v18, vm0, $0xb8;
	[tilespmem:$0x1BF80] =	vst v63  }
0xc8: {  	v18 =	vld [tilespmem:$0x40];
	_ =	sdelay $0x4  }
0xc9: {  	v19 =	vshll.u32 v18, $0x3  }
0xca: {  	v18 =	vand.u32 $0x7, v18;
	v19 =	vand.u32 $0xFFFFFFC0, v19  }
0xcb: {  	v18 =	vor.u32 v18, v19  }
0xcc: {  	v19 =	vperm.xlane v18, v2;
	_ =	sdelay $0x1  }
0xcd: {  	v32 =	vperm.xlane v18, v5;
	v19 =	vadd.s32 v4, v19;
	_ =	sdelay $0x1  }
0xce: {  	v33 =	vperm.xlane v18, v6;
	v20 =	vadd.s32 v4, v32;
	_ =	sdelay $0x1  }
0xcf: {  	s23 =	simm.s32 $0x9F80;
	v34 =	vperm.xlane v18, v1;
	v21 =	vadd.s32 v4, v33  }
0xd0: {  	[tilespmem:s23], [sflag:$0x1] =	stream.indirect_vreg.gather [hbm4b:s5+s2], $0x80, v19, vm0, $0xb8;
	[tilespmem:$0x1BF80] =	vst v63  }
0xd1: {  	s20 =	simm.s32 $0xA000;
	v35 =	vperm.xlane v18, v7;
	v19 =	vadd.s32 v4, v34  }
0xd2: {  	[tilespmem:s20], [sflag:$0x1] =	stream.indirect_vreg.gather [hbm4b:s5+s2], $0x80, v20, vm0, $0xb8;
	[tilespmem:$0x1BF80] =	vst v63  }
0xd3: {  	v37 =	vperm.xlane v18, v8;
	v36 =	vadd.s32 v4, v35;
	s23 =	simm.s32 $0xA080  }
0xd4: {  	[tilespmem:s23], [sflag:$0x1] =	stream.indirect_vreg.gather [hbm4b:s5+s2], $0x80, v21, vm0, $0xb8;
	[tilespmem:$0x1BF80] =	vst v63  }
0xd5: {  	v39 =	vperm.xlane v18, v9;
	v38 =	vadd.s32 v4, v37;
	s20 =	simm.s32 $0xA100  }
0xd6: {  	[tilespmem:s20], [sflag:$0x1] =	stream.indirect_vreg.gather [hbm4b:s5+s2], $0x80, v19, vm0, $0xb8;
	[tilespmem:$0x1BF80] =	vst v63  }
0xd7: {  	v40 =	vperm.xlane v18, v0;
	s23 =	simm.s32 $0xA180;
	v19 =	vadd.s32 v4, v39  }
0xd8: {  	[tilespmem:s23], [sflag:$0x1] =	stream.indirect_vreg.gather [hbm4b:s5+s2], $0x80, v36, vm0, $0xb8;
	[tilespmem:$0x1BF80] =	vst v63  }
0xd9: {  	v42 =	vperm.xlane v18, v10;
	v41 =	vadd.s32 v4, v40;
	s20 =	simm.s32 $0xA200  }
0xda: {  	[tilespmem:s20], [sflag:$0x1] =	stream.indirect_vreg.gather [hbm4b:s5+s2], $0x80, v38, vm0, $0xb8;
	[tilespmem:$0x1BF80] =	vst v63  }
0xdb: {  	v44 =	vperm.xlane v18, v11;
	v43 =	vadd.s32 v4, v42;
	s23 =	simm.s32 $0xA280  }
0xdc: {  	[tilespmem:s23], [sflag:$0x1] =	stream.indirect_vreg.gather [hbm4b:s5+s2], $0x80, v19, vm0, $0xb8;
	[tilespmem:$0x1BF80] =	vst v63  }
0xdd: {  	v45 =	vperm.xlane v18, v12;
	s20 =	simm.s32 $0xA300;
	v19 =	vadd.s32 v4, v44  }
0xde: {  	[tilespmem:s20], [sflag:$0x1] =	stream.indirect_vreg.gather [hbm4b:s5+s2], $0x80, v41, vm0, $0xb8;
	[tilespmem:$0x1BF80] =	vst v63  }
0xdf: {  	v47 =	vperm.xlane v18, v13;
	v46 =	vadd.s32 v4, v45;
	s23 =	simm.s32 $0xA380  }
0xe0: {  	[tilespmem:s23], [sflag:$0x1] =	stream.indirect_vreg.gather [hbm4b:s5+s2], $0x80, v43, vm0, $0xb8;
	[tilespmem:$0x1BF80] =	vst v63  }
0xe1: {  	v49 =	vperm.xlane v18, v14;
	v48 =	vadd.s32 v4, v47;
	s20 =	simm.s32 $0xA400  }
0xe2: {  	[tilespmem:s20], [sflag:$0x1] =	stream.indirect_vreg.gather [hbm4b:s5+s2], $0x80, v19, vm0, $0xb8;
	[tilespmem:$0x1BF80] =	vst v63  }
0xe3: {  	v50 =	vperm.xlane v18, v15;
	s23 =	simm.s32 $0xA480;
	v19 =	vadd.s32 v4, v49  }
0xe4: {  	[tilespmem:s23], [sflag:$0x1] =	stream.indirect_vreg.gather [hbm4b:s5+s2], $0x80, v46, vm0, $0xb8;
	[tilespmem:$0x1BF80] =	vst v63  }
0xe5: {  	v52 =	vperm.xlane v18, v16;
	v51 =	vadd.s32 v4, v50;
	s20 =	simm.s32 $0xA500  }
0xe6: {  	[tilespmem:s20], [sflag:$0x1] =	stream.indirect_vreg.gather [hbm4b:s5+s2], $0x80, v48, vm0, $0xb8;
	[tilespmem:$0x1BF80] =	vst v63  }
0xe7: {  	v18 =	vperm.xlane v18, v17;
	v53 =	vadd.s32 v4, v52;
	s23 =	simm.s32 $0xA580  }
0xe8: {  	[tilespmem:s23], [sflag:$0x1] =	stream.indirect_vreg.gather [hbm4b:s5+s2], $0x80, v19, vm0, $0xb8;
	[tilespmem:$0x1BF80] =	vst v63  }
0xe9: {  	v18 =	vadd.s32 v4, v18;
	s20 =	simm.s32 $0xA600  }
0xea: {  	[tilespmem:s20], [sflag:$0x1] =	stream.indirect_vreg.gather [hbm4b:s5+s2], $0x80, v51, vm0, $0xb8;
	[tilespmem:$0x1BF80] =	vst v63  }
0xeb: {  	s23 =	simm.s32 $0xA680  }
0xec: {  	[tilespmem:s23], [sflag:$0x1] =	stream.indirect_vreg.gather [hbm4b:s5+s2], $0x80, v53, vm0, $0xb8;
	[tilespmem:$0x1BF80] =	vst v63  }
0xed: {  	s20 =	simm.s32 $0xA700  }
0xee: {  	[tilespmem:s20], [sflag:$0x1] =	stream.indirect_vreg.gather [hbm4b:s5+s2], $0x80, v18, vm0, $0xb8;
	[tilespmem:$0x1BF80] =	vst v63  }
0xef: {  	v18 =	vld [tilespmem:$0x50];
	_ =	sdelay $0x4  }
0xf0: {  	v19 =	vshll.u32 v18, $0x3  }
0xf1: {  	v18 =	vand.u32 $0x7, v18;
	v19 =	vand.u32 $0xFFFFFFC0, v19  }
0xf2: {  	v18 =	vor.u32 v18, v19  }
0xf3: {  	v19 =	vperm.xlane v18, v2;
	_ =	sdelay $0x1  }
0xf4: {  	v54 =	vperm.xlane v18, v5;
	v19 =	vadd.s32 v4, v19;
	_ =	sdelay $0x1  }
0xf5: {  	v55 =	vperm.xlane v18, v6;
	v20 =	vadd.s32 v4, v54;
	_ =	sdelay $0x1  }
0xf6: {  	s23 =	simm.s32 $0xA780;
	v56 =	vperm.xlane v18, v1;
	v21 =	vadd.s32 v4, v55  }
0xf7: {  	[tilespmem:s23], [sflag:$0x1] =	stream.indirect_vreg.gather [hbm4b:s5+s2], $0x80, v19, vm0, $0xb8;
	[tilespmem:$0x1BF80] =	vst v63  }
0xf8: {  	s20 =	simm.s32 $0xA800;
	v57 =	vperm.xlane v18, v7;
	v19 =	vadd.s32 v4, v56  }
0xf9: {  	[tilespmem:s20], [sflag:$0x1] =	stream.indirect_vreg.gather [hbm4b:s5+s2], $0x80, v20, vm0, $0xb8;
	[tilespmem:$0x1BF80] =	vst v63  }
0xfa: {  	v59 =	vperm.xlane v18, v8;
	v58 =	vadd.s32 v4, v57;
	s23 =	simm.s32 $0xA880  }
0xfb: {  	[tilespmem:s23], [sflag:$0x1] =	stream.indirect_vreg.gather [hbm4b:s5+s2], $0x80, v21, vm0, $0xb8;
	[tilespmem:$0x1BF80] =	vst v63  }
0xfc: {  	v61 =	vperm.xlane v18, v9;
	v60 =	vadd.s32 v4, v59;
	s20 =	simm.s32 $0xA900  }
0xfd: {  	[tilespmem:s20], [sflag:$0x1] =	stream.indirect_vreg.gather [hbm4b:s5+s2], $0x80, v19, vm0, $0xb8;
	[tilespmem:$0x1BF80] =	vst v63  }
0xfe: {  	v62 =	vperm.xlane v18, v0;
	s23 =	simm.s32 $0xA980;
	v19 =	vadd.s32 v4, v61  }
0xff: {  	[tilespmem:s23], [sflag:$0x1] =	stream.indirect_vreg.gather [hbm4b:s5+s2], $0x80, v58, vm0, $0xb8;
	[tilespmem:$0x1BF80] =	vst v63  }
0x100: {  	v24 =	vperm.xlane v18, v10;
	v63 =	vadd.s32 v4, v62;
	s20 =	simm.s32 $0xAA00  }
0x101: {  	[tilespmem:s20], [sflag:$0x1] =	stream.indirect_vreg.gather [hbm4b:s5+s2], $0x80, v60, vm0, $0xb8;
	[tilespmem:$0x1BF80] =	vst v63  }
0x102: {  	v26 =	vperm.xlane v18, v11;
	v25 =	vadd.s32 v4, v24;
	s23 =	simm.s32 $0xAA80  }
0x103: {  	[tilespmem:s23], [sflag:$0x1] =	stream.indirect_vreg.gather [hbm4b:s5+s2], $0x80, v19, vm0, $0xb8;
	[tilespmem:$0x1BF80] =	vst v63  }
0x104: {  	v27 =	vperm.xlane v18, v12;
	s20 =	simm.s32 $0xAB00;
	v19 =	vadd.s32 v4, v26  }
0x105: {  	[tilespmem:s20], [sflag:$0x1] =	stream.indirect_vreg.gather [hbm4b:s5+s2], $0x80, v63, vm0, $0xb8;
	[tilespmem:$0x1BF80] =	vst v63  }
0x106: {  	v29 =	vperm.xlane v18, v13;
	v28 =	vadd.s32 v4, v27;
	s23 =	simm.s32 $0xAB80  }
0x107: {  	[tilespmem:s23], [sflag:$0x1] =	stream.indirect_vreg.gather [hbm4b:s5+s2], $0x80, v25, vm0, $0xb8;
	[tilespmem:$0x1BF80] =	vst v63  }
0x108: {  	v31 =	vperm.xlane v18, v14;
	v30 =	vadd.s32 v4, v29;
	s20 =	simm.s32 $0xAC00  }
0x109: {  	[tilespmem:s20], [sflag:$0x1] =	stream.indirect_vreg.gather [hbm4b:s5+s2], $0x80, v19, vm0, $0xb8;
	[tilespmem:$0x1BF80] =	vst v63  }
0x10a: {  	v32 =	vperm.xlane v18, v15;
	s23 =	simm.s32 $0xAC80;
	v19 =	vadd.s32 v4, v31  }
0x10b: {  	[tilespmem:s23], [sflag:$0x1] =	stream.indirect_vreg.gather [hbm4b:s5+s2], $0x80, v28, vm0, $0xb8;
	[tilespmem:$0x1BF80] =	vst v63  }
0x10c: {  	v34 =	vperm.xlane v18, v16;
	v33 =	vadd.s32 v4, v32;
	s20 =	simm.s32 $0xAD00  }
0x10d: {  	[tilespmem:s20], [sflag:$0x1] =	stream.indirect_vreg.gather [hbm4b:s5+s2], $0x80, v30, vm0, $0xb8;
	[tilespmem:$0x1BF80] =	vst v63  }
0x10e: {  	v18 =	vperm.xlane v18, v17;
	v35 =	vadd.s32 v4, v34;
	s23 =	simm.s32 $0xAD80  }
0x10f: {  	[tilespmem:s23], [sflag:$0x1] =	stream.indirect_vreg.gather [hbm4b:s5+s2], $0x80, v19, vm0, $0xb8;
	[tilespmem:$0x1BF80] =	vst v63  }
0x110: {  	v18 =	vadd.s32 v4, v18;
	s20 =	simm.s32 $0xAE00  }
0x111: {  	[tilespmem:s20], [sflag:$0x1] =	stream.indirect_vreg.gather [hbm4b:s5+s2], $0x80, v33, vm0, $0xb8;
	[tilespmem:$0x1BF80] =	vst v63  }
0x112: {  	s23 =	simm.s32 $0xAE80  }
0x113: {  	[tilespmem:s23], [sflag:$0x1] =	stream.indirect_vreg.gather [hbm4b:s5+s2], $0x80, v35, vm0, $0xb8;
	[tilespmem:$0x1BF80] =	vst v63  }
0x114: {  	s20 =	simm.s32 $0xAF00  }
0x115: {  	[tilespmem:s20], [sflag:$0x1] =	stream.indirect_vreg.gather [hbm4b:s5+s2], $0x80, v18, vm0, $0xb8;
	[tilespmem:$0x1BF80] =	vst v63  }
0x116: {  	v18 =	vld [tilespmem:$0x60];
	_ =	sdelay $0x4  }
0x117: {  	v19 =	vshll.u32 v18, $0x3  }
0x118: {  	v18 =	vand.u32 $0x7, v18;
	v19 =	vand.u32 $0xFFFFFFC0, v19  }
0x119: {  	v18 =	vor.u32 v18, v19  }
0x11a: {  	v19 =	vperm.xlane v18, v2;
	_ =	sdelay $0x1  }
0x11b: {  	v36 =	vperm.xlane v18, v5;
	v19 =	vadd.s32 v4, v19;
	_ =	sdelay $0x1  }
0x11c: {  	v37 =	vperm.xlane v18, v6;
	v20 =	vadd.s32 v4, v36;
	_ =	sdelay $0x1  }
0x11d: {  	s23 =	simm.s32 $0xAF80;
	v38 =	vperm.xlane v18, v1;
	v21 =	vadd.s32 v4, v37  }
0x11e: {  	[tilespmem:s23], [sflag:$0x1] =	stream.indirect_vreg.gather [hbm4b:s5+s2], $0x80, v19, vm0, $0xb8;
	[tilespmem:$0x1BF80] =	vst v63  }
0x11f: {  	s20 =	simm.s32 $0xB000;
	v39 =	vperm.xlane v18, v7;
	v19 =	vadd.s32 v4, v38  }
0x120: {  	[tilespmem:s20], [sflag:$0x1] =	stream.indirect_vreg.gather [hbm4b:s5+s2], $0x80, v20, vm0, $0xb8;
	[tilespmem:$0x1BF80] =	vst v63  }
0x121: {  	v41 =	vperm.xlane v18, v8;
	v40 =	vadd.s32 v4, v39;
	s23 =	simm.s32 $0xB080  }
0x122: {  	[tilespmem:s23], [sflag:$0x1] =	stream.indirect_vreg.gather [hbm4b:s5+s2], $0x80, v21, vm0, $0xb8;
	[tilespmem:$0x1BF80] =	vst v63  }
0x123: {  	v43 =	vperm.xlane v18, v9;
	v42 =	vadd.s32 v4, v41;
	s20 =	simm.s32 $0xB100  }
0x124: {  	[tilespmem:s20], [sflag:$0x1] =	stream.indirect_vreg.gather [hbm4b:s5+s2], $0x80, v19, vm0, $0xb8;
	[tilespmem:$0x1BF80] =	vst v63  }
0x125: {  	v44 =	vperm.xlane v18, v0;
	s23 =	simm.s32 $0xB180;
	v19 =	vadd.s32 v4, v43  }
0x126: {  	[tilespmem:s23], [sflag:$0x1] =	stream.indirect_vreg.gather [hbm4b:s5+s2], $0x80, v40, vm0, $0xb8;
	[tilespmem:$0x1BF80] =	vst v63  }
0x127: {  	v46 =	vperm.xlane v18, v10;
	v45 =	vadd.s32 v4, v44;
	s20 =	simm.s32 $0xB200  }
0x128: {  	[tilespmem:s20], [sflag:$0x1] =	stream.indirect_vreg.gather [hbm4b:s5+s2], $0x80, v42, vm0, $0xb8;
	[tilespmem:$0x1BF80] =	vst v63  }
0x129: {  	v48 =	vperm.xlane v18, v11;
	v47 =	vadd.s32 v4, v46;
	s23 =	simm.s32 $0xB280  }
0x12a: {  	[tilespmem:s23], [sflag:$0x1] =	stream.indirect_vreg.gather [hbm4b:s5+s2], $0x80, v19, vm0, $0xb8;
	[tilespmem:$0x1BF80] =	vst v63  }
0x12b: {  	v49 =	vperm.xlane v18, v12;
	s20 =	simm.s32 $0xB300;
	v19 =	vadd.s32 v4, v48  }
0x12c: {  	[tilespmem:s20], [sflag:$0x1] =	stream.indirect_vreg.gather [hbm4b:s5+s2], $0x80, v45, vm0, $0xb8;
	[tilespmem:$0x1BF80] =	vst v63  }
0x12d: {  	v51 =	vperm.xlane v18, v13;
	v50 =	vadd.s32 v4, v49;
	s23 =	simm.s32 $0xB380  }
0x12e: {  	[tilespmem:s23], [sflag:$0x1] =	stream.indirect_vreg.gather [hbm4b:s5+s2], $0x80, v47, vm0, $0xb8;
	[tilespmem:$0x1BF80] =	vst v63  }
0x12f: {  	v53 =	vperm.xlane v18, v14;
	v52 =	vadd.s32 v4, v51;
	s20 =	simm.s32 $0xB400  }
0x130: {  	[tilespmem:s20], [sflag:$0x1] =	stream.indirect_vreg.gather [hbm4b:s5+s2], $0x80, v19, vm0, $0xb8;
	[tilespmem:$0x1BF80] =	vst v63  }
0x131: {  	v54 =	vperm.xlane v18, v15;
	s23 =	simm.s32 $0xB480;
	v19 =	vadd.s32 v4, v53  }
0x132: {  	[tilespmem:s23], [sflag:$0x1] =	stream.indirect_vreg.gather [hbm4b:s5+s2], $0x80, v50, vm0, $0xb8;
	[tilespmem:$0x1BF80] =	vst v63  }
0x133: {  	v56 =	vperm.xlane v18, v16;
	v55 =	vadd.s32 v4, v54;
	s20 =	simm.s32 $0xB500  }
0x134: {  	[tilespmem:s20], [sflag:$0x1] =	stream.indirect_vreg.gather [hbm4b:s5+s2], $0x80, v52, vm0, $0xb8;
	[tilespmem:$0x1BF80] =	vst v63  }
0x135: {  	v18 =	vperm.xlane v18, v17;
	v57 =	vadd.s32 v4, v56;
	s23 =	simm.s32 $0xB580  }
0x136: {  	[tilespmem:s23], [sflag:$0x1] =	stream.indirect_vreg.gather [hbm4b:s5+s2], $0x80, v19, vm0, $0xb8;
	[tilespmem:$0x1BF80] =	vst v63  }
0x137: {  	v18 =	vadd.s32 v4, v18;
	s20 =	simm.s32 $0xB600  }
0x138: {  	[tilespmem:s20], [sflag:$0x1] =	stream.indirect_vreg.gather [hbm4b:s5+s2], $0x80, v55, vm0, $0xb8;
	[tilespmem:$0x1BF80] =	vst v63  }
0x139: {  	s23 =	simm.s32 $0xB680  }
0x13a: {  	[tilespmem:s23], [sflag:$0x1] =	stream.indirect_vreg.gather [hbm4b:s5+s2], $0x80, v57, vm0, $0xb8;
	[tilespmem:$0x1BF80] =	vst v63  }
0x13b: {  	s20 =	simm.s32 $0xB700  }
0x13c: {  	[tilespmem:s20], [sflag:$0x1] =	stream.indirect_vreg.gather [hbm4b:s5+s2], $0x80, v18, vm0, $0xb8;
	[tilespmem:$0x1BF80] =	vst v63  }
0x13d: {  	v18 =	vld [tilespmem:$0x70];
	_ =	sdelay $0x4  }
0x13e: {  	v19 =	vshll.u32 v18, $0x3  }
0x13f: {  	v18 =	vand.u32 $0x7, v18;
	v19 =	vand.u32 $0xFFFFFFC0, v19  }
0x140: {  	v18 =	vor.u32 v18, v19  }
0x141: {  	v19 =	vperm.xlane v18, v2;
	_ =	sdelay $0x1  }
0x142: {  	v58 =	vperm.xlane v18, v5;
	v19 =	vadd.s32 v4, v19;
	_ =	sdelay $0x1  }
0x143: {  	v59 =	vperm.xlane v18, v6;
	v20 =	vadd.s32 v4, v58;
	_ =	sdelay $0x1  }
0x144: {  	s23 =	simm.s32 $0xB780;
	v60 =	vperm.xlane v18, v1;
	v21 =	vadd.s32 v4, v59  }
0x145: {  	[tilespmem:s23], [sflag:$0x1] =	stream.indirect_vreg.gather [hbm4b:s5+s2], $0x80, v19, vm0, $0xb8;
	[tilespmem:$0x1BF80] =	vst v63  }
0x146: {  	s20 =	simm.s32 $0xB800;
	v61 =	vperm.xlane v18, v7;
	v19 =	vadd.s32 v4, v60  }
0x147: {  	[tilespmem:s20], [sflag:$0x1] =	stream.indirect_vreg.gather [hbm4b:s5+s2], $0x80, v20, vm0, $0xb8;
	[tilespmem:$0x1BF80] =	vst v63  }
0x148: {  	v63 =	vperm.xlane v18, v8;
	v62 =	vadd.s32 v4, v61;
	s23 =	simm.s32 $0xB880  }
0x149: {  	[tilespmem:s23], [sflag:$0x1] =	stream.indirect_vreg.gather [hbm4b:s5+s2], $0x80, v21, vm0, $0xb8;
	[tilespmem:$0x1BF80] =	vst v63  }
0x14a: {  	v25 =	vperm.xlane v18, v9;
	v24 =	vadd.s32 v4, v63;
	s20 =	simm.s32 $0xB900  }
0x14b: {  	[tilespmem:s20], [sflag:$0x1] =	stream.indirect_vreg.gather [hbm4b:s5+s2], $0x80, v19, vm0, $0xb8;
	[tilespmem:$0x1BF80] =	vst v63  }
0x14c: {  	v26 =	vperm.xlane v18, v0;
	s23 =	simm.s32 $0xB980;
	v19 =	vadd.s32 v4, v25  }
0x14d: {  	[tilespmem:s23], [sflag:$0x1] =	stream.indirect_vreg.gather [hbm4b:s5+s2], $0x80, v62, vm0, $0xb8;
	[tilespmem:$0x1BF80] =	vst v63  }
0x14e: {  	v28 =	vperm.xlane v18, v10;
	v27 =	vadd.s32 v4, v26;
	s20 =	simm.s32 $0xBA00  }
0x14f: {  	[tilespmem:s20], [sflag:$0x1] =	stream.indirect_vreg.gather [hbm4b:s5+s2], $0x80, v24, vm0, $0xb8;
	[tilespmem:$0x1BF80] =	vst v63  }
0x150: {  	v30 =	vperm.xlane v18, v11;
	v29 =	vadd.s32 v4, v28;
	s23 =	simm.s32 $0xBA80  }
0x151: {  	[tilespmem:s23], [sflag:$0x1] =	stream.indirect_vreg.gather [hbm4b:s5+s2], $0x80, v19, vm0, $0xb8;
	[tilespmem:$0x1BF80] =	vst v63  }
0x152: {  	v31 =	vperm.xlane v18, v12;
	s20 =	simm.s32 $0xBB00;
	v19 =	vadd.s32 v4, v30  }
0x153: {  	[tilespmem:s20], [sflag:$0x1] =	stream.indirect_vreg.gather [hbm4b:s5+s2], $0x80, v27, vm0, $0xb8;
	[tilespmem:$0x1BF80] =	vst v63  }
0x154: {  	v33 =	vperm.xlane v18, v13;
	v32 =	vadd.s32 v4, v31;
	s23 =	simm.s32 $0xBB80  }
0x155: {  	[tilespmem:s23], [sflag:$0x1] =	stream.indirect_vreg.gather [hbm4b:s5+s2], $0x80, v29, vm0, $0xb8;
	[tilespmem:$0x1BF80] =	vst v63  }
0x156: {  	v35 =	vperm.xlane v18, v14;
	v34 =	vadd.s32 v4, v33;
	s20 =	simm.s32 $0xBC00  }
0x157: {  	[tilespmem:s20], [sflag:$0x1] =	stream.indirect_vreg.gather [hbm4b:s5+s2], $0x80, v19, vm0, $0xb8;
	[tilespmem:$0x1BF80] =	vst v63  }
0x158: {  	v36 =	vperm.xlane v18, v15;
	s23 =	simm.s32 $0xBC80;
	v19 =	vadd.s32 v4, v35  }
0x159: {  	[tilespmem:s23], [sflag:$0x1] =	stream.indirect_vreg.gather [hbm4b:s5+s2], $0x80, v32, vm0, $0xb8;
	[tilespmem:$0x1BF80] =	vst v63  }
0x15a: {  	v38 =	vperm.xlane v18, v16;
	v37 =	vadd.s32 v4, v36;
	s20 =	simm.s32 $0xBD00  }
0x15b: {  	[tilespmem:s20], [sflag:$0x1] =	stream.indirect_vreg.gather [hbm4b:s5+s2], $0x80, v34, vm0, $0xb8;
	[tilespmem:$0x1BF80] =	vst v63  }
0x15c: {  	v18 =	vperm.xlane v18, v17;
	v39 =	vadd.s32 v4, v38;
	s23 =	simm.s32 $0xBD80  }
0x15d: {  	[tilespmem:s23], [sflag:$0x1] =	stream.indirect_vreg.gather [hbm4b:s5+s2], $0x80, v19, vm0, $0xb8;
	[tilespmem:$0x1BF80] =	vst v63  }
0x15e: {  	v18 =	vadd.s32 v4, v18;
	s20 =	simm.s32 $0xBE00  }
0x15f: {  	[tilespmem:s20], [sflag:$0x1] =	stream.indirect_vreg.gather [hbm4b:s5+s2], $0x80, v37, vm0, $0xb8;
	[tilespmem:$0x1BF80] =	vst v63  }
0x160: {  	s23 =	simm.s32 $0xBE80  }
0x161: {  	[tilespmem:s23], [sflag:$0x1] =	stream.indirect_vreg.gather [hbm4b:s5+s2], $0x80, v39, vm0, $0xb8;
	[tilespmem:$0x1BF80] =	vst v63  }
0x162: {  	s20 =	simm.s32 $0xBF00  }
0x163: {  	[tilespmem:s20], [sflag:$0x1] =	stream.indirect_vreg.gather [hbm4b:s5+s2], $0x80, v18, vm0, $0xb8;
	[tilespmem:$0x1BF80] =	vst v63  }
0x164: {  	v18 =	vld [tilespmem:$0x80];
	_ =	sdelay $0x4  }
0x165: {  	v19 =	vshll.u32 v18, $0x3  }
0x166: {  	v18 =	vand.u32 $0x7, v18;
	v19 =	vand.u32 $0xFFFFFFC0, v19  }
0x167: {  	v18 =	vor.u32 v18, v19  }
0x168: {  	v19 =	vperm.xlane v18, v2;
	_ =	sdelay $0x1  }
0x169: {  	v40 =	vperm.xlane v18, v5;
	v19 =	vadd.s32 v4, v19;
	_ =	sdelay $0x1  }
0x16a: {  	v41 =	vperm.xlane v18, v6;
	v20 =	vadd.s32 v4, v40;
	_ =	sdelay $0x1  }
0x16b: {  	s23 =	simm.s32 $0xBF80;
	v42 =	vperm.xlane v18, v1;
	v21 =	vadd.s32 v4, v41  }
0x16c: {  	[tilespmem:s23], [sflag:$0x1] =	stream.indirect_vreg.gather [hbm4b:s5+s2], $0x80, v19, vm0, $0xb8;
	[tilespmem:$0x1BF80] =	vst v63  }
0x16d: {  	s20 =	simm.s32 $0xC000;
	v43 =	vperm.xlane v18, v7;
	v19 =	vadd.s32 v4, v42  }
0x16e: {  	[tilespmem:s20], [sflag:$0x1] =	stream.indirect_vreg.gather [hbm4b:s5+s2], $0x80, v20, vm0, $0xb8;
	[tilespmem:$0x1BF80] =	vst v63  }
0x16f: {  	v45 =	vperm.xlane v18, v8;
	v44 =	vadd.s32 v4, v43;
	s23 =	simm.s32 $0xC080  }
0x170: {  	[tilespmem:s23], [sflag:$0x1] =	stream.indirect_vreg.gather [hbm4b:s5+s2], $0x80, v21, vm0, $0xb8;
	[tilespmem:$0x1BF80] =	vst v63  }
0x171: {  	v47 =	vperm.xlane v18, v9;
	v46 =	vadd.s32 v4, v45;
	s20 =	simm.s32 $0xC100  }
0x172: {  	[tilespmem:s20], [sflag:$0x1] =	stream.indirect_vreg.gather [hbm4b:s5+s2], $0x80, v19, vm0, $0xb8;
	[tilespmem:$0x1BF80] =	vst v63  }
0x173: {  	v48 =	vperm.xlane v18, v0;
	s23 =	simm.s32 $0xC180;
	v19 =	vadd.s32 v4, v47  }
0x174: {  	[tilespmem:s23], [sflag:$0x1] =	stream.indirect_vreg.gather [hbm4b:s5+s2], $0x80, v44, vm0, $0xb8;
	[tilespmem:$0x1BF80] =	vst v63  }
0x175: {  	v50 =	vperm.xlane v18, v10;
	v49 =	vadd.s32 v4, v48;
	s20 =	simm.s32 $0xC200  }
0x176: {  	[tilespmem:s20], [sflag:$0x1] =	stream.indirect_vreg.gather [hbm4b:s5+s2], $0x80, v46, vm0, $0xb8;
	[tilespmem:$0x1BF80] =	vst v63  }
0x177: {  	v52 =	vperm.xlane v18, v11;
	v51 =	vadd.s32 v4, v50;
	s23 =	simm.s32 $0xC280  }
0x178: {  	[tilespmem:s23], [sflag:$0x1] =	stream.indirect_vreg.gather [hbm4b:s5+s2], $0x80, v19, vm0, $0xb8;
	[tilespmem:$0x1BF80] =	vst v63  }
0x179: {  	v53 =	vperm.xlane v18, v12;
	s20 =	simm.s32 $0xC300;
	v19 =	vadd.s32 v4, v52  }
0x17a: {  	[tilespmem:s20], [sflag:$0x1] =	stream.indirect_vreg.gather [hbm4b:s5+s2], $0x80, v49, vm0, $0xb8;
	[tilespmem:$0x1BF80] =	vst v63  }
0x17b: {  	v55 =	vperm.xlane v18, v13;
	v54 =	vadd.s32 v4, v53;
	s23 =	simm.s32 $0xC380  }
0x17c: {  	[tilespmem:s23], [sflag:$0x1] =	stream.indirect_vreg.gather [hbm4b:s5+s2], $0x80, v51, vm0, $0xb8;
	[tilespmem:$0x1BF80] =	vst v63  }
0x17d: {  	v57 =	vperm.xlane v18, v14;
	v56 =	vadd.s32 v4, v55;
	s20 =	simm.s32 $0xC400  }
0x17e: {  	[tilespmem:s20], [sflag:$0x1] =	stream.indirect_vreg.gather [hbm4b:s5+s2], $0x80, v19, vm0, $0xb8;
	[tilespmem:$0x1BF80] =	vst v63  }
0x17f: {  	v58 =	vperm.xlane v18, v15;
	s23 =	simm.s32 $0xC480;
	v19 =	vadd.s32 v4, v57  }
0x180: {  	[tilespmem:s23], [sflag:$0x1] =	stream.indirect_vreg.gather [hbm4b:s5+s2], $0x80, v54, vm0, $0xb8;
	[tilespmem:$0x1BF80] =	vst v63  }
0x181: {  	v60 =	vperm.xlane v18, v16;
	v59 =	vadd.s32 v4, v58;
	s20 =	simm.s32 $0xC500  }
0x182: {  	[tilespmem:s20], [sflag:$0x1] =	stream.indirect_vreg.gather [hbm4b:s5+s2], $0x80, v56, vm0, $0xb8;
	[tilespmem:$0x1BF80] =	vst v63  }
0x183: {  	v18 =	vperm.xlane v18, v17;
	v61 =	vadd.s32 v4, v60;
	s23 =	simm.s32 $0xC580  }
0x184: {  	[tilespmem:s23], [sflag:$0x1] =	stream.indirect_vreg.gather [hbm4b:s5+s2], $0x80, v19, vm0, $0xb8;
	[tilespmem:$0x1BF80] =	vst v63  }
0x185: {  	v18 =	vadd.s32 v4, v18;
	s20 =	simm.s32 $0xC600  }
0x186: {  	[tilespmem:s20], [sflag:$0x1] =	stream.indirect_vreg.gather [hbm4b:s5+s2], $0x80, v59, vm0, $0xb8;
	[tilespmem:$0x1BF80] =	vst v63  }
0x187: {  	s23 =	simm.s32 $0xC680  }
0x188: {  	[tilespmem:s23], [sflag:$0x1] =	stream.indirect_vreg.gather [hbm4b:s5+s2], $0x80, v61, vm0, $0xb8;
	[tilespmem:$0x1BF80] =	vst v63  }
0x189: {  	s20 =	simm.s32 $0xC700  }
0x18a: {  	[tilespmem:s20], [sflag:$0x1] =	stream.indirect_vreg.gather [hbm4b:s5+s2], $0x80, v18, vm0, $0xb8;
	[tilespmem:$0x1BF80] =	vst v63  }
0x18b: {  	v18 =	vld [tilespmem:$0x90];
	_ =	sdelay $0x4  }
0x18c: {  	v19 =	vshll.u32 v18, $0x3  }
0x18d: {  	v18 =	vand.u32 $0x7, v18;
	v19 =	vand.u32 $0xFFFFFFC0, v19  }
0x18e: {  	v18 =	vor.u32 v18, v19  }
0x18f: {  	v19 =	vperm.xlane v18, v2;
	_ =	sdelay $0x1  }
0x190: {  	v62 =	vperm.xlane v18, v5;
	v19 =	vadd.s32 v4, v19;
	_ =	sdelay $0x1  }
0x191: {  	v63 =	vperm.xlane v18, v6;
	v20 =	vadd.s32 v4, v62;
	_ =	sdelay $0x1  }
0x192: {  	s23 =	simm.s32 $0xC780;
	v24 =	vperm.xlane v18, v1;
	v21 =	vadd.s32 v4, v63  }
0x193: {  	[tilespmem:s23], [sflag:$0x1] =	stream.indirect_vreg.gather [hbm4b:s5+s2], $0x80, v19, vm0, $0xb8;
	[tilespmem:$0x1BF80] =	vst v63  }
0x194: {  	s20 =	simm.s32 $0xC800;
	v25 =	vperm.xlane v18, v7;
	v19 =	vadd.s32 v4, v24  }
0x195: {  	[tilespmem:s20], [sflag:$0x1] =	stream.indirect_vreg.gather [hbm4b:s5+s2], $0x80, v20, vm0, $0xb8;
	[tilespmem:$0x1BF80] =	vst v63  }
0x196: {  	v27 =	vperm.xlane v18, v8;
	v26 =	vadd.s32 v4, v25;
	s23 =	simm.s32 $0xC880  }
0x197: {  	[tilespmem:s23], [sflag:$0x1] =	stream.indirect_vreg.gather [hbm4b:s5+s2], $0x80, v21, vm0, $0xb8;
	[tilespmem:$0x1BF80] =	vst v63  }
0x198: {  	v29 =	vperm.xlane v18, v9;
	v28 =	vadd.s32 v4, v27;
	s20 =	simm.s32 $0xC900  }
0x199: {  	[tilespmem:s20], [sflag:$0x1] =	stream.indirect_vreg.gather [hbm4b:s5+s2], $0x80, v19, vm0, $0xb8;
	[tilespmem:$0x1BF80] =	vst v63  }
0x19a: {  	v30 =	vperm.xlane v18, v0;
	s23 =	simm.s32 $0xC980;
	v19 =	vadd.s32 v4, v29  }
0x19b: {  	[tilespmem:s23], [sflag:$0x1] =	stream.indirect_vreg.gather [hbm4b:s5+s2], $0x80, v26, vm0, $0xb8;
	[tilespmem:$0x1BF80] =	vst v63  }
0x19c: {  	v32 =	vperm.xlane v18, v10;
	v31 =	vadd.s32 v4, v30;
	s20 =	simm.s32 $0xCA00  }
0x19d: {  	[tilespmem:s20], [sflag:$0x1] =	stream.indirect_vreg.gather [hbm4b:s5+s2], $0x80, v28, vm0, $0xb8;
	[tilespmem:$0x1BF80] =	vst v63  }
0x19e: {  	v34 =	vperm.xlane v18, v11;
	v33 =	vadd.s32 v4, v32;
	s23 =	simm.s32 $0xCA80  }
0x19f: {  	[tilespmem:s23], [sflag:$0x1] =	stream.indirect_vreg.gather [hbm4b:s5+s2], $0x80, v19, vm0, $0xb8;
	[tilespmem:$0x1BF80] =	vst v63  }
0x1a0: {  	v35 =	vperm.xlane v18, v12;
	s20 =	simm.s32 $0xCB00;
	v19 =	vadd.s32 v4, v34  }
0x1a1: {  	[tilespmem:s20], [sflag:$0x1] =	stream.indirect_vreg.gather [hbm4b:s5+s2], $0x80, v31, vm0, $0xb8;
	[tilespmem:$0x1BF80] =	vst v63  }
0x1a2: {  	v37 =	vperm.xlane v18, v13;
	v36 =	vadd.s32 v4, v35;
	s23 =	simm.s32 $0xCB80  }
0x1a3: {  	[tilespmem:s23], [sflag:$0x1] =	stream.indirect_vreg.gather [hbm4b:s5+s2], $0x80, v33, vm0, $0xb8;
	[tilespmem:$0x1BF80] =	vst v63  }
0x1a4: {  	v39 =	vperm.xlane v18, v14;
	v38 =	vadd.s32 v4, v37;
	s20 =	simm.s32 $0xCC00  }
0x1a5: {  	[tilespmem:s20], [sflag:$0x1] =	stream.indirect_vreg.gather [hbm4b:s5+s2], $0x80, v19, vm0, $0xb8;
	[tilespmem:$0x1BF80] =	vst v63  }
0x1a6: {  	v40 =	vperm.xlane v18, v15;
	s23 =	simm.s32 $0xCC80;
	v19 =	vadd.s32 v4, v39  }
0x1a7: {  	[tilespmem:s23], [sflag:$0x1] =	stream.indirect_vreg.gather [hbm4b:s5+s2], $0x80, v36, vm0, $0xb8;
	[tilespmem:$0x1BF80] =	vst v63  }
0x1a8: {  	v42 =	vperm.xlane v18, v16;
	v41 =	vadd.s32 v4, v40;
	s20 =	simm.s32 $0xCD00  }
0x1a9: {  	[tilespmem:s20], [sflag:$0x1] =	stream.indirect_vreg.gather [hbm4b:s5+s2], $0x80, v38, vm0, $0xb8;
	[tilespmem:$0x1BF80] =	vst v63  }
0x1aa: {  	v18 =	vperm.xlane v18, v17;
	v43 =	vadd.s32 v4, v42;
	s23 =	simm.s32 $0xCD80  }
0x1ab: {  	[tilespmem:s23], [sflag:$0x1] =	stream.indirect_vreg.gather [hbm4b:s5+s2], $0x80, v19, vm0, $0xb8;
	[tilespmem:$0x1BF80] =	vst v63  }
0x1ac: {  	v18 =	vadd.s32 v4, v18;
	s20 =	simm.s32 $0xCE00  }
0x1ad: {  	[tilespmem:s20], [sflag:$0x1] =	stream.indirect_vreg.gather [hbm4b:s5+s2], $0x80, v41, vm0, $0xb8;
	[tilespmem:$0x1BF80] =	vst v63  }
0x1ae: {  	s23 =	simm.s32 $0xCE80  }
0x1af: {  	[tilespmem:s23], [sflag:$0x1] =	stream.indirect_vreg.gather [hbm4b:s5+s2], $0x80, v43, vm0, $0xb8;
	[tilespmem:$0x1BF80] =	vst v63  }
0x1b0: {  	s20 =	simm.s32 $0xCF00  }
0x1b1: {  	[tilespmem:s20], [sflag:$0x1] =	stream.indirect_vreg.gather [hbm4b:s5+s2], $0x80, v18, vm0, $0xb8;
	[tilespmem:$0x1BF80] =	vst v63  }
0x1b2: {  	v18 =	vld [tilespmem:$0xA0];
	_ =	sdelay $0x4  }
0x1b3: {  	v19 =	vshll.u32 v18, $0x3  }
0x1b4: {  	v18 =	vand.u32 $0x7, v18;
	v19 =	vand.u32 $0xFFFFFFC0, v19  }
0x1b5: {  	v18 =	vor.u32 v18, v19  }
0x1b6: {  	v19 =	vperm.xlane v18, v2;
	_ =	sdelay $0x1  }
0x1b7: {  	v44 =	vperm.xlane v18, v5;
	v19 =	vadd.s32 v4, v19;
	_ =	sdelay $0x1  }
0x1b8: {  	v45 =	vperm.xlane v18, v6;
	v20 =	vadd.s32 v4, v44;
	_ =	sdelay $0x1  }
0x1b9: {  	s23 =	simm.s32 $0xCF80;
	v46 =	vperm.xlane v18, v1;
	v21 =	vadd.s32 v4, v45  }
0x1ba: {  	[tilespmem:s23], [sflag:$0x1] =	stream.indirect_vreg.gather [hbm4b:s5+s2], $0x80, v19, vm0, $0xb8;
	[tilespmem:$0x1BF80] =	vst v63  }
0x1bb: {  	s20 =	simm.s32 $0xD000;
	v47 =	vperm.xlane v18, v7;
	v19 =	vadd.s32 v4, v46  }
0x1bc: {  	[tilespmem:s20], [sflag:$0x1] =	stream.indirect_vreg.gather [hbm4b:s5+s2], $0x80, v20, vm0, $0xb8;
	[tilespmem:$0x1BF80] =	vst v63  }
0x1bd: {  	v49 =	vperm.xlane v18, v8;
	v48 =	vadd.s32 v4, v47;
	s23 =	simm.s32 $0xD080  }
0x1be: {  	[tilespmem:s23], [sflag:$0x1] =	stream.indirect_vreg.gather [hbm4b:s5+s2], $0x80, v21, vm0, $0xb8;
	[tilespmem:$0x1BF80] =	vst v63  }
0x1bf: {  	v51 =	vperm.xlane v18, v9;
	v50 =	vadd.s32 v4, v49;
	s20 =	simm.s32 $0xD100  }
0x1c0: {  	[tilespmem:s20], [sflag:$0x1] =	stream.indirect_vreg.gather [hbm4b:s5+s2], $0x80, v19, vm0, $0xb8;
	[tilespmem:$0x1BF80] =	vst v63  }
0x1c1: {  	v52 =	vperm.xlane v18, v0;
	s23 =	simm.s32 $0xD180;
	v19 =	vadd.s32 v4, v51  }
0x1c2: {  	[tilespmem:s23], [sflag:$0x1] =	stream.indirect_vreg.gather [hbm4b:s5+s2], $0x80, v48, vm0, $0xb8;
	[tilespmem:$0x1BF80] =	vst v63  }
0x1c3: {  	v54 =	vperm.xlane v18, v10;
	v53 =	vadd.s32 v4, v52;
	s20 =	simm.s32 $0xD200  }
0x1c4: {  	[tilespmem:s20], [sflag:$0x1] =	stream.indirect_vreg.gather [hbm4b:s5+s2], $0x80, v50, vm0, $0xb8;
	[tilespmem:$0x1BF80] =	vst v63  }
0x1c5: {  	v56 =	vperm.xlane v18, v11;
	v55 =	vadd.s32 v4, v54;
	s23 =	simm.s32 $0xD280  }
0x1c6: {  	[tilespmem:s23], [sflag:$0x1] =	stream.indirect_vreg.gather [hbm4b:s5+s2], $0x80, v19, vm0, $0xb8;
	[tilespmem:$0x1BF80] =	vst v63  }
0x1c7: {  	v57 =	vperm.xlane v18, v12;
	s20 =	simm.s32 $0xD300;
	v19 =	vadd.s32 v4, v56  }
0x1c8: {  	[tilespmem:s20], [sflag:$0x1] =	stream.indirect_vreg.gather [hbm4b:s5+s2], $0x80, v53, vm0, $0xb8;
	[tilespmem:$0x1BF80] =	vst v63  }
0x1c9: {  	v59 =	vperm.xlane v18, v13;
	v58 =	vadd.s32 v4, v57;
	s23 =	simm.s32 $0xD380  }
0x1ca: {  	[tilespmem:s23], [sflag:$0x1] =	stream.indirect_vreg.gather [hbm4b:s5+s2], $0x80, v55, vm0, $0xb8;
	[tilespmem:$0x1BF80] =	vst v63  }
0x1cb: {  	v61 =	vperm.xlane v18, v14;
	v60 =	vadd.s32 v4, v59;
	s20 =	simm.s32 $0xD400  }
0x1cc: {  	[tilespmem:s20], [sflag:$0x1] =	stream.indirect_vreg.gather [hbm4b:s5+s2], $0x80, v19, vm0, $0xb8;
	[tilespmem:$0x1BF80] =	vst v63  }
0x1cd: {  	v62 =	vperm.xlane v18, v15;
	s23 =	simm.s32 $0xD480;
	v19 =	vadd.s32 v4, v61  }
0x1ce: {  	[tilespmem:s23], [sflag:$0x1] =	stream.indirect_vreg.gather [hbm4b:s5+s2], $0x80, v58, vm0, $0xb8;
	[tilespmem:$0x1BF80] =	vst v63  }
0x1cf: {  	v24 =	vperm.xlane v18, v16;
	v63 =	vadd.s32 v4, v62;
	s20 =	simm.s32 $0xD500  }
0x1d0: {  	[tilespmem:s20], [sflag:$0x1] =	stream.indirect_vreg.gather [hbm4b:s5+s2], $0x80, v60, vm0, $0xb8;
	[tilespmem:$0x1BF80] =	vst v63  }
0x1d1: {  	v18 =	vperm.xlane v18, v17;
	v25 =	vadd.s32 v4, v24;
	s23 =	simm.s32 $0xD580  }
0x1d2: {  	[tilespmem:s23], [sflag:$0x1] =	stream.indirect_vreg.gather [hbm4b:s5+s2], $0x80, v19, vm0, $0xb8;
	[tilespmem:$0x1BF80] =	vst v63  }
0x1d3: {  	v18 =	vadd.s32 v4, v18;
	s20 =	simm.s32 $0xD600  }
0x1d4: {  	[tilespmem:s20], [sflag:$0x1] =	stream.indirect_vreg.gather [hbm4b:s5+s2], $0x80, v63, vm0, $0xb8;
	[tilespmem:$0x1BF80] =	vst v63  }
0x1d5: {  	s23 =	simm.s32 $0xD680  }
0x1d6: {  	[tilespmem:s23], [sflag:$0x1] =	stream.indirect_vreg.gather [hbm4b:s5+s2], $0x80, v25, vm0, $0xb8;
	[tilespmem:$0x1BF80] =	vst v63  }
0x1d7: {  	s20 =	simm.s32 $0xD700  }
0x1d8: {  	[tilespmem:s20], [sflag:$0x1] =	stream.indirect_vreg.gather [hbm4b:s5+s2], $0x80, v18, vm0, $0xb8;
	[tilespmem:$0x1BF80] =	vst v63  }
0x1d9: {  	v18 =	vld [tilespmem:$0xB0];
	_ =	sdelay $0x4  }
0x1da: {  	v19 =	vshll.u32 v18, $0x3  }
0x1db: {  	v18 =	vand.u32 $0x7, v18;
	v19 =	vand.u32 $0xFFFFFFC0, v19  }
0x1dc: {  	v18 =	vor.u32 v18, v19  }
0x1dd: {  	v19 =	vperm.xlane v18, v2;
	_ =	sdelay $0x1  }
0x1de: {  	v26 =	vperm.xlane v18, v5;
	v19 =	vadd.s32 v4, v19;
	_ =	sdelay $0x1  }
0x1df: {  	v27 =	vperm.xlane v18, v6;
	v20 =	vadd.s32 v4, v26;
	_ =	sdelay $0x1  }
0x1e0: {  	s23 =	simm.s32 $0xD780;
	v28 =	vperm.xlane v18, v1;
	v21 =	vadd.s32 v4, v27  }
0x1e1: {  	[tilespmem:s23], [sflag:$0x1] =	stream.indirect_vreg.gather [hbm4b:s5+s2], $0x80, v19, vm0, $0xb8;
	[tilespmem:$0x1BF80] =	vst v63  }
0x1e2: {  	s20 =	simm.s32 $0xD800;
	v29 =	vperm.xlane v18, v7;
	v19 =	vadd.s32 v4, v28  }
0x1e3: {  	[tilespmem:s20], [sflag:$0x1] =	stream.indirect_vreg.gather [hbm4b:s5+s2], $0x80, v20, vm0, $0xb8;
	[tilespmem:$0x1BF80] =	vst v63  }
0x1e4: {  	v31 =	vperm.xlane v18, v8;
	v30 =	vadd.s32 v4, v29;
	s23 =	simm.s32 $0xD880  }
0x1e5: {  	[tilespmem:s23], [sflag:$0x1] =	stream.indirect_vreg.gather [hbm4b:s5+s2], $0x80, v21, vm0, $0xb8;
	[tilespmem:$0x1BF80] =	vst v63  }
0x1e6: {  	v33 =	vperm.xlane v18, v9;
	v32 =	vadd.s32 v4, v31;
	s20 =	simm.s32 $0xD900  }
0x1e7: {  	[tilespmem:s20], [sflag:$0x1] =	stream.indirect_vreg.gather [hbm4b:s5+s2], $0x80, v19, vm0, $0xb8;
	[tilespmem:$0x1BF80] =	vst v63  }
0x1e8: {  	v34 =	vperm.xlane v18, v0;
	s23 =	simm.s32 $0xD980;
	v19 =	vadd.s32 v4, v33  }
0x1e9: {  	[tilespmem:s23], [sflag:$0x1] =	stream.indirect_vreg.gather [hbm4b:s5+s2], $0x80, v30, vm0, $0xb8;
	[tilespmem:$0x1BF80] =	vst v63  }
0x1ea: {  	v36 =	vperm.xlane v18, v10;
	v35 =	vadd.s32 v4, v34;
	s20 =	simm.s32 $0xDA00  }
0x1eb: {  	[tilespmem:s20], [sflag:$0x1] =	stream.indirect_vreg.gather [hbm4b:s5+s2], $0x80, v32, vm0, $0xb8;
	[tilespmem:$0x1BF80] =	vst v63  }
0x1ec: {  	v38 =	vperm.xlane v18, v11;
	v37 =	vadd.s32 v4, v36;
	s23 =	simm.s32 $0xDA80  }
0x1ed: {  	[tilespmem:s23], [sflag:$0x1] =	stream.indirect_vreg.gather [hbm4b:s5+s2], $0x80, v19, vm0, $0xb8;
	[tilespmem:$0x1BF80] =	vst v63  }
0x1ee: {  	v39 =	vperm.xlane v18, v12;
	s20 =	simm.s32 $0xDB00;
	v19 =	vadd.s32 v4, v38  }
0x1ef: {  	[tilespmem:s20], [sflag:$0x1] =	stream.indirect_vreg.gather [hbm4b:s5+s2], $0x80, v35, vm0, $0xb8;
	[tilespmem:$0x1BF80] =	vst v63  }
0x1f0: {  	v41 =	vperm.xlane v18, v13;
	v40 =	vadd.s32 v4, v39;
	s23 =	simm.s32 $0xDB80  }
0x1f1: {  	[tilespmem:s23], [sflag:$0x1] =	stream.indirect_vreg.gather [hbm4b:s5+s2], $0x80, v37, vm0, $0xb8;
	[tilespmem:$0x1BF80] =	vst v63  }
0x1f2: {  	v43 =	vperm.xlane v18, v14;
	v42 =	vadd.s32 v4, v41;
	s20 =	simm.s32 $0xDC00  }
0x1f3: {  	[tilespmem:s20], [sflag:$0x1] =	stream.indirect_vreg.gather [hbm4b:s5+s2], $0x80, v19, vm0, $0xb8;
	[tilespmem:$0x1BF80] =	vst v63  }
0x1f4: {  	v44 =	vperm.xlane v18, v15;
	s23 =	simm.s32 $0xDC80;
	v19 =	vadd.s32 v4, v43  }
0x1f5: {  	[tilespmem:s23], [sflag:$0x1] =	stream.indirect_vreg.gather [hbm4b:s5+s2], $0x80, v40, vm0, $0xb8;
	[tilespmem:$0x1BF80] =	vst v63  }
0x1f6: {  	v46 =	vperm.xlane v18, v16;
	v45 =	vadd.s32 v4, v44;
	s20 =	simm.s32 $0xDD00  }
0x1f7: {  	[tilespmem:s20], [sflag:$0x1] =	stream.indirect_vreg.gather [hbm4b:s5+s2], $0x80, v42, vm0, $0xb8;
	[tilespmem:$0x1BF80] =	vst v63  }
0x1f8: {  	v18 =	vperm.xlane v18, v17;
	v47 =	vadd.s32 v4, v46;
	s23 =	simm.s32 $0xDD80  }
0x1f9: {  	[tilespmem:s23], [sflag:$0x1] =	stream.indirect_vreg.gather [hbm4b:s5+s2], $0x80, v19, vm0, $0xb8;
	[tilespmem:$0x1BF80] =	vst v63  }
0x1fa: {  	v18 =	vadd.s32 v4, v18;
	s20 =	simm.s32 $0xDE00  }
0x1fb: {  	[tilespmem:s20], [sflag:$0x1] =	stream.indirect_vreg.gather [hbm4b:s5+s2], $0x80, v45, vm0, $0xb8;
	[tilespmem:$0x1BF80] =	vst v63  }
0x1fc: {  	s23 =	simm.s32 $0xDE80  }
0x1fd: {  	[tilespmem:s23], [sflag:$0x1] =	stream.indirect_vreg.gather [hbm4b:s5+s2], $0x80, v47, vm0, $0xb8;
	[tilespmem:$0x1BF80] =	vst v63  }
0x1fe: {  	s20 =	simm.s32 $0xDF00  }
0x1ff: {  	[tilespmem:s20], [sflag:$0x1] =	stream.indirect_vreg.gather [hbm4b:s5+s2], $0x80, v18, vm0, $0xb8;
	[tilespmem:$0x1BF80] =	vst v63  }
0x200: {  	v18 =	vld [tilespmem:$0xC0];
	_ =	sdelay $0x4  }
0x201: {  	v19 =	vshll.u32 v18, $0x3  }
0x202: {  	v18 =	vand.u32 $0x7, v18;
	v19 =	vand.u32 $0xFFFFFFC0, v19  }
0x203: {  	v18 =	vor.u32 v18, v19  }
0x204: {  	v19 =	vperm.xlane v18, v2;
	_ =	sdelay $0x1  }
0x205: {  	v48 =	vperm.xlane v18, v5;
	v19 =	vadd.s32 v4, v19;
	_ =	sdelay $0x1  }
0x206: {  	v49 =	vperm.xlane v18, v6;
	v20 =	vadd.s32 v4, v48;
	_ =	sdelay $0x1  }
0x207: {  	s23 =	simm.s32 $0xDF80;
	v50 =	vperm.xlane v18, v1;
	v21 =	vadd.s32 v4, v49  }
0x208: {  	[tilespmem:s23], [sflag:$0x1] =	stream.indirect_vreg.gather [hbm4b:s5+s2], $0x80, v19, vm0, $0xb8;
	[tilespmem:$0x1BF80] =	vst v63  }
0x209: {  	s20 =	simm.s32 $0xE000;
	v51 =	vperm.xlane v18, v7;
	v19 =	vadd.s32 v4, v50  }
0x20a: {  	[tilespmem:s20], [sflag:$0x1] =	stream.indirect_vreg.gather [hbm4b:s5+s2], $0x80, v20, vm0, $0xb8;
	[tilespmem:$0x1BF80] =	vst v63  }
0x20b: {  	v53 =	vperm.xlane v18, v8;
	v52 =	vadd.s32 v4, v51;
	s23 =	simm.s32 $0xE080  }
0x20c: {  	[tilespmem:s23], [sflag:$0x1] =	stream.indirect_vreg.gather [hbm4b:s5+s2], $0x80, v21, vm0, $0xb8;
	[tilespmem:$0x1BF80] =	vst v63  }
0x20d: {  	v55 =	vperm.xlane v18, v9;
	v54 =	vadd.s32 v4, v53;
	s20 =	simm.s32 $0xE100  }
0x20e: {  	[tilespmem:s20], [sflag:$0x1] =	stream.indirect_vreg.gather [hbm4b:s5+s2], $0x80, v19, vm0, $0xb8;
	[tilespmem:$0x1BF80] =	vst v63  }
0x20f: {  	v56 =	vperm.xlane v18, v0;
	s23 =	simm.s32 $0xE180;
	v19 =	vadd.s32 v4, v55  }
0x210: {  	[tilespmem:s23], [sflag:$0x1] =	stream.indirect_vreg.gather [hbm4b:s5+s2], $0x80, v52, vm0, $0xb8;
	[tilespmem:$0x1BF80] =	vst v63  }
0x211: {  	v58 =	vperm.xlane v18, v10;
	v57 =	vadd.s32 v4, v56;
	s20 =	simm.s32 $0xE200  }
0x212: {  	[tilespmem:s20], [sflag:$0x1] =	stream.indirect_vreg.gather [hbm4b:s5+s2], $0x80, v54, vm0, $0xb8;
	[tilespmem:$0x1BF80] =	vst v63  }
0x213: {  	v60 =	vperm.xlane v18, v11;
	v59 =	vadd.s32 v4, v58;
	s23 =	simm.s32 $0xE280  }
0x214: {  	[tilespmem:s23], [sflag:$0x1] =	stream.indirect_vreg.gather [hbm4b:s5+s2], $0x80, v19, vm0, $0xb8;
	[tilespmem:$0x1BF80] =	vst v63  }
0x215: {  	v61 =	vperm.xlane v18, v12;
	s20 =	simm.s32 $0xE300;
	v19 =	vadd.s32 v4, v60  }
0x216: {  	[tilespmem:s20], [sflag:$0x1] =	stream.indirect_vreg.gather [hbm4b:s5+s2], $0x80, v57, vm0, $0xb8;
	[tilespmem:$0x1BF80] =	vst v63  }
0x217: {  	v63 =	vperm.xlane v18, v13;
	v62 =	vadd.s32 v4, v61;
	s23 =	simm.s32 $0xE380  }
0x218: {  	[tilespmem:s23], [sflag:$0x1] =	stream.indirect_vreg.gather [hbm4b:s5+s2], $0x80, v59, vm0, $0xb8;
	[tilespmem:$0x1BF80] =	vst v63  }
0x219: {  	v25 =	vperm.xlane v18, v14;
	v24 =	vadd.s32 v4, v63;
	s20 =	simm.s32 $0xE400  }
0x21a: {  	[tilespmem:s20], [sflag:$0x1] =	stream.indirect_vreg.gather [hbm4b:s5+s2], $0x80, v19, vm0, $0xb8;
	[tilespmem:$0x1BF80] =	vst v63  }
0x21b: {  	v26 =	vperm.xlane v18, v15;
	s23 =	simm.s32 $0xE480;
	v19 =	vadd.s32 v4, v25  }
0x21c: {  	[tilespmem:s23], [sflag:$0x1] =	stream.indirect_vreg.gather [hbm4b:s5+s2], $0x80, v62, vm0, $0xb8;
	[tilespmem:$0x1BF80] =	vst v63  }
0x21d: {  	v28 =	vperm.xlane v18, v16;
	v27 =	vadd.s32 v4, v26;
	s20 =	simm.s32 $0xE500  }
0x21e: {  	[tilespmem:s20], [sflag:$0x1] =	stream.indirect_vreg.gather [hbm4b:s5+s2], $0x80, v24, vm0, $0xb8;
	[tilespmem:$0x1BF80] =	vst v63  }
0x21f: {  	v18 =	vperm.xlane v18, v17;
	v29 =	vadd.s32 v4, v28;
	s23 =	simm.s32 $0xE580  }
0x220: {  	[tilespmem:s23], [sflag:$0x1] =	stream.indirect_vreg.gather [hbm4b:s5+s2], $0x80, v19, vm0, $0xb8;
	[tilespmem:$0x1BF80] =	vst v63  }
0x221: {  	v18 =	vadd.s32 v4, v18;
	s20 =	simm.s32 $0xE600  }
0x222: {  	[tilespmem:s20], [sflag:$0x1] =	stream.indirect_vreg.gather [hbm4b:s5+s2], $0x80, v27, vm0, $0xb8;
	[tilespmem:$0x1BF80] =	vst v63  }
0x223: {  	s23 =	simm.s32 $0xE680  }
0x224: {  	[tilespmem:s23], [sflag:$0x1] =	stream.indirect_vreg.gather [hbm4b:s5+s2], $0x80, v29, vm0, $0xb8;
	[tilespmem:$0x1BF80] =	vst v63  }
0x225: {  	s20 =	simm.s32 $0xE700  }
0x226: {  	[tilespmem:s20], [sflag:$0x1] =	stream.indirect_vreg.gather [hbm4b:s5+s2], $0x80, v18, vm0, $0xb8;
	[tilespmem:$0x1BF80] =	vst v63  }
0x227: {  	v18 =	vld [tilespmem:$0xD0];
	_ =	sdelay $0x4  }
0x228: {  	v19 =	vshll.u32 v18, $0x3  }
0x229: {  	v18 =	vand.u32 $0x7, v18;
	v19 =	vand.u32 $0xFFFFFFC0, v19  }
0x22a: {  	v18 =	vor.u32 v18, v19  }
0x22b: {  	v19 =	vperm.xlane v18, v2;
	_ =	sdelay $0x1  }
0x22c: {  	v30 =	vperm.xlane v18, v5;
	v19 =	vadd.s32 v4, v19;
	_ =	sdelay $0x1  }
0x22d: {  	v31 =	vperm.xlane v18, v6;
	v20 =	vadd.s32 v4, v30;
	_ =	sdelay $0x1  }
0x22e: {  	s23 =	simm.s32 $0xE780;
	v32 =	vperm.xlane v18, v1;
	v21 =	vadd.s32 v4, v31  }
0x22f: {  	[tilespmem:s23], [sflag:$0x1] =	stream.indirect_vreg.gather [hbm4b:s5+s2], $0x80, v19, vm0, $0xb8;
	[tilespmem:$0x1BF80] =	vst v63  }
0x230: {  	s20 =	simm.s32 $0xE800;
	v33 =	vperm.xlane v18, v7;
	v19 =	vadd.s32 v4, v32  }
0x231: {  	[tilespmem:s20], [sflag:$0x1] =	stream.indirect_vreg.gather [hbm4b:s5+s2], $0x80, v20, vm0, $0xb8;
	[tilespmem:$0x1BF80] =	vst v63  }
0x232: {  	v35 =	vperm.xlane v18, v8;
	v34 =	vadd.s32 v4, v33;
	s23 =	simm.s32 $0xE880  }
0x233: {  	[tilespmem:s23], [sflag:$0x1] =	stream.indirect_vreg.gather [hbm4b:s5+s2], $0x80, v21, vm0, $0xb8;
	[tilespmem:$0x1BF80] =	vst v63  }
0x234: {  	v37 =	vperm.xlane v18, v9;
	v36 =	vadd.s32 v4, v35;
	s20 =	simm.s32 $0xE900  }
0x235: {  	[tilespmem:s20], [sflag:$0x1] =	stream.indirect_vreg.gather [hbm4b:s5+s2], $0x80, v19, vm0, $0xb8;
	[tilespmem:$0x1BF80] =	vst v63  }
0x236: {  	v38 =	vperm.xlane v18, v0;
	s23 =	simm.s32 $0xE980;
	v19 =	vadd.s32 v4, v37  }
0x237: {  	[tilespmem:s23], [sflag:$0x1] =	stream.indirect_vreg.gather [hbm4b:s5+s2], $0x80, v34, vm0, $0xb8;
	[tilespmem:$0x1BF80] =	vst v63  }
0x238: {  	v40 =	vperm.xlane v18, v10;
	v39 =	vadd.s32 v4, v38;
	s20 =	simm.s32 $0xEA00  }
0x239: {  	[tilespmem:s20], [sflag:$0x1] =	stream.indirect_vreg.gather [hbm4b:s5+s2], $0x80, v36, vm0, $0xb8;
	[tilespmem:$0x1BF80] =	vst v63  }
0x23a: {  	v42 =	vperm.xlane v18, v11;
	v41 =	vadd.s32 v4, v40;
	s23 =	simm.s32 $0xEA80  }
0x23b: {  	[tilespmem:s23], [sflag:$0x1] =	stream.indirect_vreg.gather [hbm4b:s5+s2], $0x80, v19, vm0, $0xb8;
	[tilespmem:$0x1BF80] =	vst v63  }
0x23c: {  	v43 =	vperm.xlane v18, v12;
	s20 =	simm.s32 $0xEB00;
	v19 =	vadd.s32 v4, v42  }
0x23d: {  	[tilespmem:s20], [sflag:$0x1] =	stream.indirect_vreg.gather [hbm4b:s5+s2], $0x80, v39, vm0, $0xb8;
	[tilespmem:$0x1BF80] =	vst v63  }
0x23e: {  	v45 =	vperm.xlane v18, v13;
	v44 =	vadd.s32 v4, v43;
	s23 =	simm.s32 $0xEB80  }
0x23f: {  	[tilespmem:s23], [sflag:$0x1] =	stream.indirect_vreg.gather [hbm4b:s5+s2], $0x80, v41, vm0, $0xb8;
	[tilespmem:$0x1BF80] =	vst v63  }
0x240: {  	v47 =	vperm.xlane v18, v14;
	v46 =	vadd.s32 v4, v45;
	s20 =	simm.s32 $0xEC00  }
0x241: {  	[tilespmem:s20], [sflag:$0x1] =	stream.indirect_vreg.gather [hbm4b:s5+s2], $0x80, v19, vm0, $0xb8;
	[tilespmem:$0x1BF80] =	vst v63  }
0x242: {  	v48 =	vperm.xlane v18, v15;
	s23 =	simm.s32 $0xEC80;
	v19 =	vadd.s32 v4, v47  }
0x243: {  	[tilespmem:s23], [sflag:$0x1] =	stream.indirect_vreg.gather [hbm4b:s5+s2], $0x80, v44, vm0, $0xb8;
	[tilespmem:$0x1BF80] =	vst v63  }
0x244: {  	v50 =	vperm.xlane v18, v16;
	v49 =	vadd.s32 v4, v48;
	s20 =	simm.s32 $0xED00  }
0x245: {  	[tilespmem:s20], [sflag:$0x1] =	stream.indirect_vreg.gather [hbm4b:s5+s2], $0x80, v46, vm0, $0xb8;
	[tilespmem:$0x1BF80] =	vst v63  }
0x246: {  	v18 =	vperm.xlane v18, v17;
	v51 =	vadd.s32 v4, v50;
	s23 =	simm.s32 $0xED80  }
0x247: {  	[tilespmem:s23], [sflag:$0x1] =	stream.indirect_vreg.gather [hbm4b:s5+s2], $0x80, v19, vm0, $0xb8;
	[tilespmem:$0x1BF80] =	vst v63  }
0x248: {  	v18 =	vadd.s32 v4, v18;
	s20 =	simm.s32 $0xEE00  }
0x249: {  	[tilespmem:s20], [sflag:$0x1] =	stream.indirect_vreg.gather [hbm4b:s5+s2], $0x80, v49, vm0, $0xb8;
	[tilespmem:$0x1BF80] =	vst v63  }
0x24a: {  	s23 =	simm.s32 $0xEE80  }
0x24b: {  	[tilespmem:s23], [sflag:$0x1] =	stream.indirect_vreg.gather [hbm4b:s5+s2], $0x80, v51, vm0, $0xb8;
	[tilespmem:$0x1BF80] =	vst v63  }
0x24c: {  	s20 =	simm.s32 $0xEF00  }
0x24d: {  	[tilespmem:s20], [sflag:$0x1] =	stream.indirect_vreg.gather [hbm4b:s5+s2], $0x80, v18, vm0, $0xb8;
	[tilespmem:$0x1BF80] =	vst v63  }
0x24e: {  	v18 =	vld [tilespmem:$0xE0];
	_ =	sdelay $0x4  }
0x24f: {  	v19 =	vshll.u32 v18, $0x3  }
0x250: {  	v18 =	vand.u32 $0x7, v18;
	v19 =	vand.u32 $0xFFFFFFC0, v19  }
0x251: {  	v18 =	vor.u32 v18, v19  }
0x252: {  	v19 =	vperm.xlane v18, v2;
	_ =	sdelay $0x1  }
0x253: {  	v52 =	vperm.xlane v18, v5;
	v19 =	vadd.s32 v4, v19;
	_ =	sdelay $0x1  }
0x254: {  	v53 =	vperm.xlane v18, v6;
	v20 =	vadd.s32 v4, v52;
	_ =	sdelay $0x1  }
0x255: {  	s23 =	simm.s32 $0xEF80;
	v54 =	vperm.xlane v18, v1;
	v21 =	vadd.s32 v4, v53  }
0x256: {  	[tilespmem:s23], [sflag:$0x1] =	stream.indirect_vreg.gather [hbm4b:s5+s2], $0x80, v19, vm0, $0xb8;
	[tilespmem:$0x1BF80] =	vst v63  }
0x257: {  	s20 =	simm.s32 $0xF000;
	v55 =	vperm.xlane v18, v7;
	v19 =	vadd.s32 v4, v54  }
0x258: {  	[tilespmem:s20], [sflag:$0x1] =	stream.indirect_vreg.gather [hbm4b:s5+s2], $0x80, v20, vm0, $0xb8;
	[tilespmem:$0x1BF80] =	vst v63  }
0x259: {  	v57 =	vperm.xlane v18, v8;
	v56 =	vadd.s32 v4, v55;
	s23 =	simm.s32 $0xF080  }
0x25a: {  	[tilespmem:s23], [sflag:$0x1] =	stream.indirect_vreg.gather [hbm4b:s5+s2], $0x80, v21, vm0, $0xb8;
	[tilespmem:$0x1BF80] =	vst v63  }
0x25b: {  	v59 =	vperm.xlane v18, v9;
	v58 =	vadd.s32 v4, v57;
	s20 =	simm.s32 $0xF100  }
0x25c: {  	[tilespmem:s20], [sflag:$0x1] =	stream.indirect_vreg.gather [hbm4b:s5+s2], $0x80, v19, vm0, $0xb8;
	[tilespmem:$0x1BF80] =	vst v63  }
0x25d: {  	v60 =	vperm.xlane v18, v0;
	s23 =	simm.s32 $0xF180;
	v19 =	vadd.s32 v4, v59  }
0x25e: {  	[tilespmem:s23], [sflag:$0x1] =	stream.indirect_vreg.gather [hbm4b:s5+s2], $0x80, v56, vm0, $0xb8;
	[tilespmem:$0x1BF80] =	vst v63  }
0x25f: {  	v62 =	vperm.xlane v18, v10;
	v61 =	vadd.s32 v4, v60;
	s20 =	simm.s32 $0xF200  }
0x260: {  	[tilespmem:s20], [sflag:$0x1] =	stream.indirect_vreg.gather [hbm4b:s5+s2], $0x80, v58, vm0, $0xb8;
	[tilespmem:$0x1BF80] =	vst v63  }
0x261: {  	v24 =	vperm.xlane v18, v11;
	v63 =	vadd.s32 v4, v62;
	s23 =	simm.s32 $0xF280  }
0x262: {  	[tilespmem:s23], [sflag:$0x1] =	stream.indirect_vreg.gather [hbm4b:s5+s2], $0x80, v19, vm0, $0xb8;
	[tilespmem:$0x1BF80] =	vst v63  }
0x263: {  	v25 =	vperm.xlane v18, v12;
	s20 =	simm.s32 $0xF300;
	v19 =	vadd.s32 v4, v24  }
0x264: {  	[tilespmem:s20], [sflag:$0x1] =	stream.indirect_vreg.gather [hbm4b:s5+s2], $0x80, v61, vm0, $0xb8;
	[tilespmem:$0x1BF80] =	vst v63  }
0x265: {  	v27 =	vperm.xlane v18, v13;
	v26 =	vadd.s32 v4, v25;
	s23 =	simm.s32 $0xF380  }
0x266: {  	[tilespmem:s23], [sflag:$0x1] =	stream.indirect_vreg.gather [hbm4b:s5+s2], $0x80, v63, vm0, $0xb8;
	[tilespmem:$0x1BF80] =	vst v63  }
0x267: {  	v29 =	vperm.xlane v18, v14;
	v28 =	vadd.s32 v4, v27;
	s20 =	simm.s32 $0xF400  }
0x268: {  	[tilespmem:s20], [sflag:$0x1] =	stream.indirect_vreg.gather [hbm4b:s5+s2], $0x80, v19, vm0, $0xb8;
	[tilespmem:$0x1BF80] =	vst v63  }
0x269: {  	v30 =	vperm.xlane v18, v15;
	s23 =	simm.s32 $0xF480;
	v19 =	vadd.s32 v4, v29  }
0x26a: {  	[tilespmem:s23], [sflag:$0x1] =	stream.indirect_vreg.gather [hbm4b:s5+s2], $0x80, v26, vm0, $0xb8;
	[tilespmem:$0x1BF80] =	vst v63  }
0x26b: {  	v32 =	vperm.xlane v18, v16;
	v31 =	vadd.s32 v4, v30;
	s20 =	simm.s32 $0xF500  }
0x26c: {  	[tilespmem:s20], [sflag:$0x1] =	stream.indirect_vreg.gather [hbm4b:s5+s2], $0x80, v28, vm0, $0xb8;
	[tilespmem:$0x1BF80] =	vst v63  }
0x26d: {  	v18 =	vperm.xlane v18, v17;
	v33 =	vadd.s32 v4, v32;
	s23 =	simm.s32 $0xF580  }
0x26e: {  	[tilespmem:s23], [sflag:$0x1] =	stream.indirect_vreg.gather [hbm4b:s5+s2], $0x80, v19, vm0, $0xb8;
	[tilespmem:$0x1BF80] =	vst v63  }
0x26f: {  	v18 =	vadd.s32 v4, v18;
	s20 =	simm.s32 $0xF600  }
0x270: {  	[tilespmem:s20], [sflag:$0x1] =	stream.indirect_vreg.gather [hbm4b:s5+s2], $0x80, v31, vm0, $0xb8;
	[tilespmem:$0x1BF80] =	vst v63  }
0x271: {  	s23 =	simm.s32 $0xF680  }
0x272: {  	[tilespmem:s23], [sflag:$0x1] =	stream.indirect_vreg.gather [hbm4b:s5+s2], $0x80, v33, vm0, $0xb8;
	[tilespmem:$0x1BF80] =	vst v63  }
0x273: {  	s20 =	simm.s32 $0xF700  }
0x274: {  	[tilespmem:s20], [sflag:$0x1] =	stream.indirect_vreg.gather [hbm4b:s5+s2], $0x80, v18, vm0, $0xb8;
	[tilespmem:$0x1BF80] =	vst v63  }
0x275: {  	v18 =	vld [tilespmem:$0xF0];
	_ =	sdelay $0x4  }
0x276: {  	v19 =	vshll.u32 v18, $0x3  }
0x277: {  	v18 =	vand.u32 $0x7, v18;
	v19 =	vand.u32 $0xFFFFFFC0, v19  }
0x278: {  	v18 =	vor.u32 v18, v19  }
0x279: {  	v19 =	vperm.xlane v18, v2;
	_ =	sdelay $0x1  }
0x27a: {  	v34 =	vperm.xlane v18, v5;
	v19 =	vadd.s32 v4, v19;
	_ =	sdelay $0x1  }
0x27b: {  	v35 =	vperm.xlane v18, v6;
	v20 =	vadd.s32 v4, v34;
	_ =	sdelay $0x1  }
0x27c: {  	s23 =	simm.s32 $0xF780;
	v36 =	vperm.xlane v18, v1;
	v21 =	vadd.s32 v4, v35  }
0x27d: {  	[tilespmem:s23], [sflag:$0x1] =	stream.indirect_vreg.gather [hbm4b:s5+s2], $0x80, v19, vm0, $0xb8;
	[tilespmem:$0x1BF80] =	vst v63  }
0x27e: {  	s20 =	simm.s32 $0xF800;
	v37 =	vperm.xlane v18, v7;
	v19 =	vadd.s32 v4, v36  }
0x27f: {  	[tilespmem:s20], [sflag:$0x1] =	stream.indirect_vreg.gather [hbm4b:s5+s2], $0x80, v20, vm0, $0xb8;
	[tilespmem:$0x1BF80] =	vst v63  }
0x280: {  	v39 =	vperm.xlane v18, v8;
	v38 =	vadd.s32 v4, v37;
	s23 =	simm.s32 $0xF880  }
0x281: {  	[tilespmem:s23], [sflag:$0x1] =	stream.indirect_vreg.gather [hbm4b:s5+s2], $0x80, v21, vm0, $0xb8;
	[tilespmem:$0x1BF80] =	vst v63  }
0x282: {  	v41 =	vperm.xlane v18, v9;
	v40 =	vadd.s32 v4, v39;
	s20 =	simm.s32 $0xF900  }
0x283: {  	[tilespmem:s20], [sflag:$0x1] =	stream.indirect_vreg.gather [hbm4b:s5+s2], $0x80, v19, vm0, $0xb8;
	[tilespmem:$0x1BF80] =	vst v63  }
0x284: {  	v42 =	vperm.xlane v18, v0;
	s23 =	simm.s32 $0xF980;
	v19 =	vadd.s32 v4, v41  }
0x285: {  	[tilespmem:s23], [sflag:$0x1] =	stream.indirect_vreg.gather [hbm4b:s5+s2], $0x80, v38, vm0, $0xb8;
	[tilespmem:$0x1BF80] =	vst v63  }
0x286: {  	v44 =	vperm.xlane v18, v10;
	v43 =	vadd.s32 v4, v42;
	s20 =	simm.s32 $0xFA00  }
0x287: {  	[tilespmem:s20], [sflag:$0x1] =	stream.indirect_vreg.gather [hbm4b:s5+s2], $0x80, v40, vm0, $0xb8;
	[tilespmem:$0x1BF80] =	vst v63  }
0x288: {  	v46 =	vperm.xlane v18, v11;
	v45 =	vadd.s32 v4, v44;
	s23 =	simm.s32 $0xFA80  }
0x289: {  	[tilespmem:s23], [sflag:$0x1] =	stream.indirect_vreg.gather [hbm4b:s5+s2], $0x80, v19, vm0, $0xb8;
	[tilespmem:$0x1BF80] =	vst v63  }
0x28a: {  	v47 =	vperm.xlane v18, v12;
	s20 =	simm.s32 $0xFB00;
	v19 =	vadd.s32 v4, v46  }
0x28b: {  	[tilespmem:s20], [sflag:$0x1] =	stream.indirect_vreg.gather [hbm4b:s5+s2], $0x80, v43, vm0, $0xb8;
	[tilespmem:$0x1BF80] =	vst v63  }
0x28c: {  	v49 =	vperm.xlane v18, v13;
	v48 =	vadd.s32 v4, v47;
	s23 =	simm.s32 $0xFB80  }
0x28d: {  	[tilespmem:s23], [sflag:$0x1] =	stream.indirect_vreg.gather [hbm4b:s5+s2], $0x80, v45, vm0, $0xb8;
	[tilespmem:$0x1BF80] =	vst v63  }
0x28e: {  	v51 =	vperm.xlane v18, v14;
	v50 =	vadd.s32 v4, v49;
	s20 =	simm.s32 $0xFC00  }
0x28f: {  	[tilespmem:s20], [sflag:$0x1] =	stream.indirect_vreg.gather [hbm4b:s5+s2], $0x80, v19, vm0, $0xb8;
	[tilespmem:$0x1BF80] =	vst v63  }
0x290: {  	v52 =	vperm.xlane v18, v15;
	s23 =	simm.s32 $0xFC80;
	v19 =	vadd.s32 v4, v51  }
0x291: {  	[tilespmem:s23], [sflag:$0x1] =	stream.indirect_vreg.gather [hbm4b:s5+s2], $0x80, v48, vm0, $0xb8;
	[tilespmem:$0x1BF80] =	vst v63  }
0x292: {  	v54 =	vperm.xlane v18, v16;
	v53 =	vadd.s32 v4, v52;
	s20 =	simm.s32 $0xFD00  }
0x293: {  	[tilespmem:s20], [sflag:$0x1] =	stream.indirect_vreg.gather [hbm4b:s5+s2], $0x80, v50, vm0, $0xb8;
	[tilespmem:$0x1BF80] =	vst v63  }
0x294: {  	v18 =	vperm.xlane v18, v17;
	v55 =	vadd.s32 v4, v54;
	s23 =	simm.s32 $0xFD80  }
0x295: {  	[tilespmem:s23], [sflag:$0x1] =	stream.indirect_vreg.gather [hbm4b:s5+s2], $0x80, v19, vm0, $0xb8;
	[tilespmem:$0x1BF80] =	vst v63  }
0x296: {  	v18 =	vadd.s32 v4, v18;
	s20 =	simm.s32 $0xFE00  }
0x297: {  	[tilespmem:s20], [sflag:$0x1] =	stream.indirect_vreg.gather [hbm4b:s5+s2], $0x80, v53, vm0, $0xb8;
	[tilespmem:$0x1BF80] =	vst v63  }
0x298: {  	s23 =	simm.s32 $0xFE80  }
0x299: {  	[tilespmem:s23], [sflag:$0x1] =	stream.indirect_vreg.gather [hbm4b:s5+s2], $0x80, v55, vm0, $0xb8;
	[tilespmem:$0x1BF80] =	vst v63  }
0x29a: {  	s20 =	simm.s32 $0xFF00  }
0x29b: {  	[tilespmem:s20], [sflag:$0x1] =	stream.indirect_vreg.gather [hbm4b:s5+s2], $0x80, v18, vm0, $0xb8;
	[tilespmem:$0x1BF80] =	vst v63  }
0x29c: {  	v18 =	vld [tilespmem:$0x100];
	_ =	sdelay $0x4  }
0x29d: {  	v19 =	vshll.u32 v18, $0x3  }
0x29e: {  	v18 =	vand.u32 $0x7, v18;
	v19 =	vand.u32 $0xFFFFFFC0, v19  }
0x29f: {  	v18 =	vor.u32 v18, v19  }
0x2a0: {  	v19 =	vperm.xlane v18, v2;
	_ =	sdelay $0x1  }
0x2a1: {  	v56 =	vperm.xlane v18, v5;
	v19 =	vadd.s32 v4, v19;
	_ =	sdelay $0x1  }
0x2a2: {  	v57 =	vperm.xlane v18, v6;
	v20 =	vadd.s32 v4, v56;
	_ =	sdelay $0x1  }
0x2a3: {  	s23 =	simm.s32 $0xFF80;
	v58 =	vperm.xlane v18, v1;
	v21 =	vadd.s32 v4, v57  }
0x2a4: {  	[tilespmem:s23], [sflag:$0x1] =	stream.indirect_vreg.gather [hbm4b:s5+s2], $0x80, v19, vm0, $0xb8;
	[tilespmem:$0x1BF80] =	vst v63  }
0x2a5: {  	s20 =	simm.s32 $0x10000;
	v59 =	vperm.xlane v18, v7;
	v19 =	vadd.s32 v4, v58  }
0x2a6: {  	[tilespmem:s20], [sflag:$0x1] =	stream.indirect_vreg.gather [hbm4b:s5+s2], $0x80, v20, vm0, $0xb8;
	[tilespmem:$0x1BF80] =	vst v63  }
0x2a7: {  	v61 =	vperm.xlane v18, v8;
	v60 =	vadd.s32 v4, v59;
	s23 =	simm.s32 $0x10080  }
0x2a8: {  	[tilespmem:s23], [sflag:$0x1] =	stream.indirect_vreg.gather [hbm4b:s5+s2], $0x80, v21, vm0, $0xb8;
	[tilespmem:$0x1BF80] =	vst v63  }
0x2a9: {  	v63 =	vperm.xlane v18, v9;
	v62 =	vadd.s32 v4, v61;
	s20 =	simm.s32 $0x10100  }
0x2aa: {  	[tilespmem:s20], [sflag:$0x1] =	stream.indirect_vreg.gather [hbm4b:s5+s2], $0x80, v19, vm0, $0xb8;
	[tilespmem:$0x1BF80] =	vst v63  }
0x2ab: {  	v24 =	vperm.xlane v18, v0;
	s23 =	simm.s32 $0x10180;
	v19 =	vadd.s32 v4, v63  }
0x2ac: {  	[tilespmem:s23], [sflag:$0x1] =	stream.indirect_vreg.gather [hbm4b:s5+s2], $0x80, v60, vm0, $0xb8;
	[tilespmem:$0x1BF80] =	vst v63  }
0x2ad: {  	v26 =	vperm.xlane v18, v10;
	v25 =	vadd.s32 v4, v24;
	s20 =	simm.s32 $0x10200  }
0x2ae: {  	[tilespmem:s20], [sflag:$0x1] =	stream.indirect_vreg.gather [hbm4b:s5+s2], $0x80, v62, vm0, $0xb8;
	[tilespmem:$0x1BF80] =	vst v63  }
0x2af: {  	v28 =	vperm.xlane v18, v11;
	v27 =	vadd.s32 v4, v26;
	s23 =	simm.s32 $0x10280  }
0x2b0: {  	[tilespmem:s23], [sflag:$0x1] =	stream.indirect_vreg.gather [hbm4b:s5+s2], $0x80, v19, vm0, $0xb8;
	[tilespmem:$0x1BF80] =	vst v63  }
0x2b1: {  	v29 =	vperm.xlane v18, v12;
	s20 =	simm.s32 $0x10300;
	v19 =	vadd.s32 v4, v28  }
0x2b2: {  	[tilespmem:s20], [sflag:$0x1] =	stream.indirect_vreg.gather [hbm4b:s5+s2], $0x80, v25, vm0, $0xb8;
	[tilespmem:$0x1BF80] =	vst v63  }
0x2b3: {  	v31 =	vperm.xlane v18, v13;
	v30 =	vadd.s32 v4, v29;
	s23 =	simm.s32 $0x10380  }
0x2b4: {  	[tilespmem:s23], [sflag:$0x1] =	stream.indirect_vreg.gather [hbm4b:s5+s2], $0x80, v27, vm0, $0xb8;
	[tilespmem:$0x1BF80] =	vst v63  }
0x2b5: {  	v33 =	vperm.xlane v18, v14;
	v32 =	vadd.s32 v4, v31;
	s20 =	simm.s32 $0x10400  }
0x2b6: {  	[tilespmem:s20], [sflag:$0x1] =	stream.indirect_vreg.gather [hbm4b:s5+s2], $0x80, v19, vm0, $0xb8;
	[tilespmem:$0x1BF80] =	vst v63  }
0x2b7: {  	v34 =	vperm.xlane v18, v15;
	s23 =	simm.s32 $0x10480;
	v19 =	vadd.s32 v4, v33  }
0x2b8: {  	[tilespmem:s23], [sflag:$0x1] =	stream.indirect_vreg.gather [hbm4b:s5+s2], $0x80, v30, vm0, $0xb8;
	[tilespmem:$0x1BF80] =	vst v63  }
0x2b9: {  	v36 =	vperm.xlane v18, v16;
	v35 =	vadd.s32 v4, v34;
	s20 =	simm.s32 $0x10500  }
0x2ba: {  	[tilespmem:s20], [sflag:$0x1] =	stream.indirect_vreg.gather [hbm4b:s5+s2], $0x80, v32, vm0, $0xb8;
	[tilespmem:$0x1BF80] =	vst v63  }
0x2bb: {  	v18 =	vperm.xlane v18, v17;
	v37 =	vadd.s32 v4, v36;
	s23 =	simm.s32 $0x10580  }
0x2bc: {  	[tilespmem:s23], [sflag:$0x1] =	stream.indirect_vreg.gather [hbm4b:s5+s2], $0x80, v19, vm0, $0xb8;
	[tilespmem:$0x1BF80] =	vst v63  }
0x2bd: {  	v18 =	vadd.s32 v4, v18;
	s20 =	simm.s32 $0x10600  }
0x2be: {  	[tilespmem:s20], [sflag:$0x1] =	stream.indirect_vreg.gather [hbm4b:s5+s2], $0x80, v35, vm0, $0xb8;
	[tilespmem:$0x1BF80] =	vst v63  }
0x2bf: {  	s23 =	simm.s32 $0x10680  }
0x2c0: {  	[tilespmem:s23], [sflag:$0x1] =	stream.indirect_vreg.gather [hbm4b:s5+s2], $0x80, v37, vm0, $0xb8;
	[tilespmem:$0x1BF80] =	vst v63  }
0x2c1: {  	s20 =	simm.s32 $0x10700  }
0x2c2: {  	[tilespmem:s20], [sflag:$0x1] =	stream.indirect_vreg.gather [hbm4b:s5+s2], $0x80, v18, vm0, $0xb8;
	[tilespmem:$0x1BF80] =	vst v63  }
0x2c3: {  	v18 =	vld [tilespmem:$0x110];
	_ =	sdelay $0x4  }
0x2c4: {  	v19 =	vshll.u32 v18, $0x3  }
0x2c5: {  	v18 =	vand.u32 $0x7, v18;
	v19 =	vand.u32 $0xFFFFFFC0, v19  }
0x2c6: {  	v18 =	vor.u32 v18, v19  }
0x2c7: {  	v19 =	vperm.xlane v18, v2;
	_ =	sdelay $0x1  }
0x2c8: {  	v38 =	vperm.xlane v18, v5;
	v19 =	vadd.s32 v4, v19;
	_ =	sdelay $0x1  }
0x2c9: {  	v39 =	vperm.xlane v18, v6;
	v20 =	vadd.s32 v4, v38;
	_ =	sdelay $0x1  }
0x2ca: {  	s23 =	simm.s32 $0x10780;
	v40 =	vperm.xlane v18, v1;
	v21 =	vadd.s32 v4, v39  }
0x2cb: {  	[tilespmem:s23], [sflag:$0x1] =	stream.indirect_vreg.gather [hbm4b:s5+s2], $0x80, v19, vm0, $0xb8;
	[tilespmem:$0x1BF80] =	vst v63  }
0x2cc: {  	s20 =	simm.s32 $0x10800;
	v41 =	vperm.xlane v18, v7;
	v19 =	vadd.s32 v4, v40  }
0x2cd: {  	[tilespmem:s20], [sflag:$0x1] =	stream.indirect_vreg.gather [hbm4b:s5+s2], $0x80, v20, vm0, $0xb8;
	[tilespmem:$0x1BF80] =	vst v63  }
0x2ce: {  	v43 =	vperm.xlane v18, v8;
	v42 =	vadd.s32 v4, v41;
	s23 =	simm.s32 $0x10880  }
0x2cf: {  	[tilespmem:s23], [sflag:$0x1] =	stream.indirect_vreg.gather [hbm4b:s5+s2], $0x80, v21, vm0, $0xb8;
	[tilespmem:$0x1BF80] =	vst v63  }
0x2d0: {  	v45 =	vperm.xlane v18, v9;
	v44 =	vadd.s32 v4, v43;
	s20 =	simm.s32 $0x10900  }
0x2d1: {  	[tilespmem:s20], [sflag:$0x1] =	stream.indirect_vreg.gather [hbm4b:s5+s2], $0x80, v19, vm0, $0xb8;
	[tilespmem:$0x1BF80] =	vst v63  }
0x2d2: {  	v46 =	vperm.xlane v18, v0;
	s23 =	simm.s32 $0x10980;
	v19 =	vadd.s32 v4, v45  }
0x2d3: {  	[tilespmem:s23], [sflag:$0x1] =	stream.indirect_vreg.gather [hbm4b:s5+s2], $0x80, v42, vm0, $0xb8;
	[tilespmem:$0x1BF80] =	vst v63  }
0x2d4: {  	v48 =	vperm.xlane v18, v10;
	v47 =	vadd.s32 v4, v46;
	s20 =	simm.s32 $0x10A00  }
0x2d5: {  	[tilespmem:s20], [sflag:$0x1] =	stream.indirect_vreg.gather [hbm4b:s5+s2], $0x80, v44, vm0, $0xb8;
	[tilespmem:$0x1BF80] =	vst v63  }
0x2d6: {  	v50 =	vperm.xlane v18, v11;
	v49 =	vadd.s32 v4, v48;
	s23 =	simm.s32 $0x10A80  }
0x2d7: {  	[tilespmem:s23], [sflag:$0x1] =	stream.indirect_vreg.gather [hbm4b:s5+s2], $0x80, v19, vm0, $0xb8;
	[tilespmem:$0x1BF80] =	vst v63  }
0x2d8: {  	v51 =	vperm.xlane v18, v12;
	s20 =	simm.s32 $0x10B00;
	v19 =	vadd.s32 v4, v50  }
0x2d9: {  	[tilespmem:s20], [sflag:$0x1] =	stream.indirect_vreg.gather [hbm4b:s5+s2], $0x80, v47, vm0, $0xb8;
	[tilespmem:$0x1BF80] =	vst v63  }
0x2da: {  	v53 =	vperm.xlane v18, v13;
	v52 =	vadd.s32 v4, v51;
	s23 =	simm.s32 $0x10B80  }
0x2db: {  	[tilespmem:s23], [sflag:$0x1] =	stream.indirect_vreg.gather [hbm4b:s5+s2], $0x80, v49, vm0, $0xb8;
	[tilespmem:$0x1BF80] =	vst v63  }
0x2dc: {  	v55 =	vperm.xlane v18, v14;
	v54 =	vadd.s32 v4, v53;
	s20 =	simm.s32 $0x10C00  }
0x2dd: {  	[tilespmem:s20], [sflag:$0x1] =	stream.indirect_vreg.gather [hbm4b:s5+s2], $0x80, v19, vm0, $0xb8;
	[tilespmem:$0x1BF80] =	vst v63  }
0x2de: {  	v56 =	vperm.xlane v18, v15;
	s23 =	simm.s32 $0x10C80;
	v19 =	vadd.s32 v4, v55  }
0x2df: {  	[tilespmem:s23], [sflag:$0x1] =	stream.indirect_vreg.gather [hbm4b:s5+s2], $0x80, v52, vm0, $0xb8;
	[tilespmem:$0x1BF80] =	vst v63  }
0x2e0: {  	v58 =	vperm.xlane v18, v16;
	v57 =	vadd.s32 v4, v56;
	s20 =	simm.s32 $0x10D00  }
0x2e1: {  	[tilespmem:s20], [sflag:$0x1] =	stream.indirect_vreg.gather [hbm4b:s5+s2], $0x80, v54, vm0, $0xb8;
	[tilespmem:$0x1BF80] =	vst v63  }
0x2e2: {  	v18 =	vperm.xlane v18, v17;
	v59 =	vadd.s32 v4, v58;
	s23 =	simm.s32 $0x10D80  }
0x2e3: {  	[tilespmem:s23], [sflag:$0x1] =	stream.indirect_vreg.gather [hbm4b:s5+s2], $0x80, v19, vm0, $0xb8;
	[tilespmem:$0x1BF80] =	vst v63  }
0x2e4: {  	v18 =	vadd.s32 v4, v18;
	s20 =	simm.s32 $0x10E00  }
0x2e5: {  	[tilespmem:s20], [sflag:$0x1] =	stream.indirect_vreg.gather [hbm4b:s5+s2], $0x80, v57, vm0, $0xb8;
	[tilespmem:$0x1BF80] =	vst v63  }
0x2e6: {  	s23 =	simm.s32 $0x10E80  }
0x2e7: {  	[tilespmem:s23], [sflag:$0x1] =	stream.indirect_vreg.gather [hbm4b:s5+s2], $0x80, v59, vm0, $0xb8;
	[tilespmem:$0x1BF80] =	vst v63  }
0x2e8: {  	s20 =	simm.s32 $0x10F00  }
0x2e9: {  	[tilespmem:s20], [sflag:$0x1] =	stream.indirect_vreg.gather [hbm4b:s5+s2], $0x80, v18, vm0, $0xb8;
	[tilespmem:$0x1BF80] =	vst v63  }
0x2ea: {  	v18 =	vld [tilespmem:$0x120];
	_ =	sdelay $0x4  }
0x2eb: {  	v19 =	vshll.u32 v18, $0x3  }
0x2ec: {  	v18 =	vand.u32 $0x7, v18;
	v19 =	vand.u32 $0xFFFFFFC0, v19  }
0x2ed: {  	v18 =	vor.u32 v18, v19  }
0x2ee: {  	v19 =	vperm.xlane v18, v2;
	_ =	sdelay $0x1  }
0x2ef: {  	v60 =	vperm.xlane v18, v5;
	v19 =	vadd.s32 v4, v19;
	_ =	sdelay $0x1  }
0x2f0: {  	v61 =	vperm.xlane v18, v6;
	v20 =	vadd.s32 v4, v60;
	_ =	sdelay $0x1  }
0x2f1: {  	s23 =	simm.s32 $0x10F80;
	v62 =	vperm.xlane v18, v1;
	v21 =	vadd.s32 v4, v61  }
0x2f2: {  	[tilespmem:s23], [sflag:$0x1] =	stream.indirect_vreg.gather [hbm4b:s5+s2], $0x80, v19, vm0, $0xb8;
	[tilespmem:$0x1BF80] =	vst v63  }
0x2f3: {  	s20 =	simm.s32 $0x11000;
	v63 =	vperm.xlane v18, v7;
	v19 =	vadd.s32 v4, v62  }
0x2f4: {  	[tilespmem:s20], [sflag:$0x1] =	stream.indirect_vreg.gather [hbm4b:s5+s2], $0x80, v20, vm0, $0xb8;
	[tilespmem:$0x1BF80] =	vst v63  }
0x2f5: {  	v25 =	vperm.xlane v18, v8;
	v24 =	vadd.s32 v4, v63;
	s23 =	simm.s32 $0x11080  }
0x2f6: {  	[tilespmem:s23], [sflag:$0x1] =	stream.indirect_vreg.gather [hbm4b:s5+s2], $0x80, v21, vm0, $0xb8;
	[tilespmem:$0x1BF80] =	vst v63  }
0x2f7: {  	v27 =	vperm.xlane v18, v9;
	v26 =	vadd.s32 v4, v25;
	s20 =	simm.s32 $0x11100  }
0x2f8: {  	[tilespmem:s20], [sflag:$0x1] =	stream.indirect_vreg.gather [hbm4b:s5+s2], $0x80, v19, vm0, $0xb8;
	[tilespmem:$0x1BF80] =	vst v63  }
0x2f9: {  	v28 =	vperm.xlane v18, v0;
	s23 =	simm.s32 $0x11180;
	v19 =	vadd.s32 v4, v27  }
0x2fa: {  	[tilespmem:s23], [sflag:$0x1] =	stream.indirect_vreg.gather [hbm4b:s5+s2], $0x80, v24, vm0, $0xb8;
	[tilespmem:$0x1BF80] =	vst v63  }
0x2fb: {  	v30 =	vperm.xlane v18, v10;
	v29 =	vadd.s32 v4, v28;
	s20 =	simm.s32 $0x11200  }
0x2fc: {  	[tilespmem:s20], [sflag:$0x1] =	stream.indirect_vreg.gather [hbm4b:s5+s2], $0x80, v26, vm0, $0xb8;
	[tilespmem:$0x1BF80] =	vst v63  }
0x2fd: {  	v32 =	vperm.xlane v18, v11;
	v31 =	vadd.s32 v4, v30;
	s23 =	simm.s32 $0x11280  }
0x2fe: {  	[tilespmem:s23], [sflag:$0x1] =	stream.indirect_vreg.gather [hbm4b:s5+s2], $0x80, v19, vm0, $0xb8;
	[tilespmem:$0x1BF80] =	vst v63  }
0x2ff: {  	v33 =	vperm.xlane v18, v12;
	s20 =	simm.s32 $0x11300;
	v19 =	vadd.s32 v4, v32  }
0x300: {  	[tilespmem:s20], [sflag:$0x1] =	stream.indirect_vreg.gather [hbm4b:s5+s2], $0x80, v29, vm0, $0xb8;
	[tilespmem:$0x1BF80] =	vst v63  }
0x301: {  	v35 =	vperm.xlane v18, v13;
	v34 =	vadd.s32 v4, v33;
	s23 =	simm.s32 $0x11380  }
0x302: {  	[tilespmem:s23], [sflag:$0x1] =	stream.indirect_vreg.gather [hbm4b:s5+s2], $0x80, v31, vm0, $0xb8;
	[tilespmem:$0x1BF80] =	vst v63  }
0x303: {  	v37 =	vperm.xlane v18, v14;
	v36 =	vadd.s32 v4, v35;
	s20 =	simm.s32 $0x11400  }
0x304: {  	[tilespmem:s20], [sflag:$0x1] =	stream.indirect_vreg.gather [hbm4b:s5+s2], $0x80, v19, vm0, $0xb8;
	[tilespmem:$0x1BF80] =	vst v63  }
0x305: {  	v38 =	vperm.xlane v18, v15;
	s23 =	simm.s32 $0x11480;
	v19 =	vadd.s32 v4, v37  }
0x306: {  	[tilespmem:s23], [sflag:$0x1] =	stream.indirect_vreg.gather [hbm4b:s5+s2], $0x80, v34, vm0, $0xb8;
	[tilespmem:$0x1BF80] =	vst v63  }
0x307: {  	v40 =	vperm.xlane v18, v16;
	v39 =	vadd.s32 v4, v38;
	s20 =	simm.s32 $0x11500  }
0x308: {  	[tilespmem:s20], [sflag:$0x1] =	stream.indirect_vreg.gather [hbm4b:s5+s2], $0x80, v36, vm0, $0xb8;
	[tilespmem:$0x1BF80] =	vst v63  }
0x309: {  	v18 =	vperm.xlane v18, v17;
	v41 =	vadd.s32 v4, v40;
	s23 =	simm.s32 $0x11580  }
0x30a: {  	[tilespmem:s23], [sflag:$0x1] =	stream.indirect_vreg.gather [hbm4b:s5+s2], $0x80, v19, vm0, $0xb8;
	[tilespmem:$0x1BF80] =	vst v63  }
0x30b: {  	v18 =	vadd.s32 v4, v18;
	s20 =	simm.s32 $0x11600  }
0x30c: {  	[tilespmem:s20], [sflag:$0x1] =	stream.indirect_vreg.gather [hbm4b:s5+s2], $0x80, v39, vm0, $0xb8;
	[tilespmem:$0x1BF80] =	vst v63  }
0x30d: {  	s23 =	simm.s32 $0x11680  }
0x30e: {  	[tilespmem:s23], [sflag:$0x1] =	stream.indirect_vreg.gather [hbm4b:s5+s2], $0x80, v41, vm0, $0xb8;
	[tilespmem:$0x1BF80] =	vst v63  }
0x30f: {  	s20 =	simm.s32 $0x11700  }
0x310: {  	[tilespmem:s20], [sflag:$0x1] =	stream.indirect_vreg.gather [hbm4b:s5+s2], $0x80, v18, vm0, $0xb8;
	[tilespmem:$0x1BF80] =	vst v63  }
0x311: {  	v18 =	vld [tilespmem:$0x130];
	_ =	sdelay $0x4  }
0x312: {  	v19 =	vshll.u32 v18, $0x3  }
0x313: {  	v18 =	vand.u32 $0x7, v18;
	v19 =	vand.u32 $0xFFFFFFC0, v19  }
0x314: {  	v18 =	vor.u32 v18, v19  }
0x315: {  	v19 =	vperm.xlane v18, v2;
	_ =	sdelay $0x1  }
0x316: {  	v42 =	vperm.xlane v18, v5;
	v19 =	vadd.s32 v4, v19;
	_ =	sdelay $0x1  }
0x317: {  	v43 =	vperm.xlane v18, v6;
	v20 =	vadd.s32 v4, v42;
	_ =	sdelay $0x1  }
0x318: {  	s23 =	simm.s32 $0x11780;
	v44 =	vperm.xlane v18, v1;
	v21 =	vadd.s32 v4, v43  }
0x319: {  	[tilespmem:s23], [sflag:$0x1] =	stream.indirect_vreg.gather [hbm4b:s5+s2], $0x80, v19, vm0, $0xb8;
	[tilespmem:$0x1BF80] =	vst v63  }
0x31a: {  	s20 =	simm.s32 $0x11800;
	v45 =	vperm.xlane v18, v7;
	v19 =	vadd.s32 v4, v44  }
0x31b: {  	[tilespmem:s20], [sflag:$0x1] =	stream.indirect_vreg.gather [hbm4b:s5+s2], $0x80, v20, vm0, $0xb8;
	[tilespmem:$0x1BF80] =	vst v63  }
0x31c: {  	v47 =	vperm.xlane v18, v8;
	v46 =	vadd.s32 v4, v45;
	s23 =	simm.s32 $0x11880  }
0x31d: {  	[tilespmem:s23], [sflag:$0x1] =	stream.indirect_vreg.gather [hbm4b:s5+s2], $0x80, v21, vm0, $0xb8;
	[tilespmem:$0x1BF80] =	vst v63  }
0x31e: {  	v49 =	vperm.xlane v18, v9;
	v48 =	vadd.s32 v4, v47;
	s20 =	simm.s32 $0x11900  }
0x31f: {  	[tilespmem:s20], [sflag:$0x1] =	stream.indirect_vreg.gather [hbm4b:s5+s2], $0x80, v19, vm0, $0xb8;
	[tilespmem:$0x1BF80] =	vst v63  }
0x320: {  	v50 =	vperm.xlane v18, v0;
	s23 =	simm.s32 $0x11980;
	v19 =	vadd.s32 v4, v49  }
0x321: {  	[tilespmem:s23], [sflag:$0x1] =	stream.indirect_vreg.gather [hbm4b:s5+s2], $0x80, v46, vm0, $0xb8;
	[tilespmem:$0x1BF80] =	vst v63  }
0x322: {  	v52 =	vperm.xlane v18, v10;
	v51 =	vadd.s32 v4, v50;
	s20 =	simm.s32 $0x11A00  }
0x323: {  	[tilespmem:s20], [sflag:$0x1] =	stream.indirect_vreg.gather [hbm4b:s5+s2], $0x80, v48, vm0, $0xb8;
	[tilespmem:$0x1BF80] =	vst v63  }
0x324: {  	v54 =	vperm.xlane v18, v11;
	v53 =	vadd.s32 v4, v52;
	s23 =	simm.s32 $0x11A80  }
0x325: {  	[tilespmem:s23], [sflag:$0x1] =	stream.indirect_vreg.gather [hbm4b:s5+s2], $0x80, v19, vm0, $0xb8;
	[tilespmem:$0x1BF80] =	vst v63  }
0x326: {  	v55 =	vperm.xlane v18, v12;
	s20 =	simm.s32 $0x11B00;
	v19 =	vadd.s32 v4, v54  }
0x327: {  	[tilespmem:s20], [sflag:$0x1] =	stream.indirect_vreg.gather [hbm4b:s5+s2], $0x80, v51, vm0, $0xb8;
	[tilespmem:$0x1BF80] =	vst v63  }
0x328: {  	v57 =	vperm.xlane v18, v13;
	v56 =	vadd.s32 v4, v55;
	s23 =	simm.s32 $0x11B80  }
0x329: {  	[tilespmem:s23], [sflag:$0x1] =	stream.indirect_vreg.gather [hbm4b:s5+s2], $0x80, v53, vm0, $0xb8;
	[tilespmem:$0x1BF80] =	vst v63  }
0x32a: {  	v59 =	vperm.xlane v18, v14;
	v58 =	vadd.s32 v4, v57;
	s20 =	simm.s32 $0x11C00  }
0x32b: {  	[tilespmem:s20], [sflag:$0x1] =	stream.indirect_vreg.gather [hbm4b:s5+s2], $0x80, v19, vm0, $0xb8;
	[tilespmem:$0x1BF80] =	vst v63  }
0x32c: {  	v60 =	vperm.xlane v18, v15;
	s23 =	simm.s32 $0x11C80;
	v19 =	vadd.s32 v4, v59  }
0x32d: {  	[tilespmem:s23], [sflag:$0x1] =	stream.indirect_vreg.gather [hbm4b:s5+s2], $0x80, v56, vm0, $0xb8;
	[tilespmem:$0x1BF80] =	vst v63  }
0x32e: {  	v62 =	vperm.xlane v18, v16;
	v61 =	vadd.s32 v4, v60;
	s20 =	simm.s32 $0x11D00  }
0x32f: {  	[tilespmem:s20], [sflag:$0x1] =	stream.indirect_vreg.gather [hbm4b:s5+s2], $0x80, v58, vm0, $0xb8;
	[tilespmem:$0x1BF80] =	vst v63  }
0x330: {  	v18 =	vperm.xlane v18, v17;
	v63 =	vadd.s32 v4, v62;
	s23 =	simm.s32 $0x11D80  }
0x331: {  	[tilespmem:s23], [sflag:$0x1] =	stream.indirect_vreg.gather [hbm4b:s5+s2], $0x80, v19, vm0, $0xb8;
	[tilespmem:$0x1BF80] =	vst v63  }
0x332: {  	v18 =	vadd.s32 v4, v18;
	s20 =	simm.s32 $0x11E00  }
0x333: {  	[tilespmem:s20], [sflag:$0x1] =	stream.indirect_vreg.gather [hbm4b:s5+s2], $0x80, v61, vm0, $0xb8;
	[tilespmem:$0x1BF80] =	vst v63  }
0x334: {  	s23 =	simm.s32 $0x11E80  }
0x335: {  	[tilespmem:s23], [sflag:$0x1] =	stream.indirect_vreg.gather [hbm4b:s5+s2], $0x80, v63, vm0, $0xb8;
	[tilespmem:$0x1BF80] =	vst v63  }
0x336: {  	s20 =	simm.s32 $0x11F00  }
0x337: {  	[tilespmem:s20], [sflag:$0x1] =	stream.indirect_vreg.gather [hbm4b:s5+s2], $0x80, v18, vm0, $0xb8;
	[tilespmem:$0x1BF80] =	vst v63  }
0x338: {  	v18 =	vld [tilespmem:$0x140];
	_ =	sdelay $0x4  }
0x339: {  	v19 =	vshll.u32 v18, $0x3  }
0x33a: {  	v18 =	vand.u32 $0x7, v18;
	v19 =	vand.u32 $0xFFFFFFC0, v19  }
0x33b: {  	v18 =	vor.u32 v18, v19  }
0x33c: {  	v19 =	vperm.xlane v18, v2;
	_ =	sdelay $0x1  }
0x33d: {  	v24 =	vperm.xlane v18, v5;
	v19 =	vadd.s32 v4, v19;
	_ =	sdelay $0x1  }
0x33e: {  	v25 =	vperm.xlane v18, v6;
	v20 =	vadd.s32 v4, v24;
	_ =	sdelay $0x1  }
0x33f: {  	s23 =	simm.s32 $0x11F80;
	v26 =	vperm.xlane v18, v1;
	v21 =	vadd.s32 v4, v25  }
0x340: {  	[tilespmem:s23], [sflag:$0x2] =	stream.indirect_vreg.gather [hbm4b:s5+s2], $0x80, v19, vm0, $0xb8;
	[tilespmem:$0x1BF80] =	vst v63  }
0x341: {  	s20 =	simm.s32 $0x12000;
	v27 =	vperm.xlane v18, v7;
	v19 =	vadd.s32 v4, v26  }
0x342: {  	[tilespmem:s20], [sflag:$0x2] =	stream.indirect_vreg.gather [hbm4b:s5+s2], $0x80, v20, vm0, $0xb8;
	[tilespmem:$0x1BF80] =	vst v63  }
0x343: {  	v29 =	vperm.xlane v18, v8;
	v28 =	vadd.s32 v4, v27;
	s23 =	simm.s32 $0x12080  }
0x344: {  	[tilespmem:s23], [sflag:$0x2] =	stream.indirect_vreg.gather [hbm4b:s5+s2], $0x80, v21, vm0, $0xb8;
	[tilespmem:$0x1BF80] =	vst v63  }
0x345: {  	v31 =	vperm.xlane v18, v9;
	v30 =	vadd.s32 v4, v29;
	s20 =	simm.s32 $0x12100  }
0x346: {  	[tilespmem:s20], [sflag:$0x2] =	stream.indirect_vreg.gather [hbm4b:s5+s2], $0x80, v19, vm0, $0xb8;
	[tilespmem:$0x1BF80] =	vst v63  }
0x347: {  	v32 =	vperm.xlane v18, v0;
	s23 =	simm.s32 $0x12180;
	v19 =	vadd.s32 v4, v31  }
0x348: {  	[tilespmem:s23], [sflag:$0x2] =	stream.indirect_vreg.gather [hbm4b:s5+s2], $0x80, v28, vm0, $0xb8;
	[tilespmem:$0x1BF80] =	vst v63  }
0x349: {  	v34 =	vperm.xlane v18, v10;
	v33 =	vadd.s32 v4, v32;
	s20 =	simm.s32 $0x12200  }
0x34a: {  	[tilespmem:s20], [sflag:$0x2] =	stream.indirect_vreg.gather [hbm4b:s5+s2], $0x80, v30, vm0, $0xb8;
	[tilespmem:$0x1BF80] =	vst v63  }
0x34b: {  	v36 =	vperm.xlane v18, v11;
	v35 =	vadd.s32 v4, v34;
	s23 =	simm.s32 $0x12280  }
0x34c: {  	[tilespmem:s23], [sflag:$0x2] =	stream.indirect_vreg.gather [hbm4b:s5+s2], $0x80, v19, vm0, $0xb8;
	[tilespmem:$0x1BF80] =	vst v63  }
0x34d: {  	v37 =	vperm.xlane v18, v12;
	s20 =	simm.s32 $0x12300;
	v19 =	vadd.s32 v4, v36  }
0x34e: {  	[tilespmem:s20], [sflag:$0x2] =	stream.indirect_vreg.gather [hbm4b:s5+s2], $0x80, v33, vm0, $0xb8;
	[tilespmem:$0x1BF80] =	vst v63  }
0x34f: {  	v39 =	vperm.xlane v18, v13;
	v38 =	vadd.s32 v4, v37;
	s23 =	simm.s32 $0x12380  }
0x350: {  	[tilespmem:s23], [sflag:$0x2] =	stream.indirect_vreg.gather [hbm4b:s5+s2], $0x80, v35, vm0, $0xb8;
	[tilespmem:$0x1BF80] =	vst v63  }
0x351: {  	v41 =	vperm.xlane v18, v14;
	v40 =	vadd.s32 v4, v39;
	s20 =	simm.s32 $0x12400  }
0x352: {  	[tilespmem:s20], [sflag:$0x2] =	stream.indirect_vreg.gather [hbm4b:s5+s2], $0x80, v19, vm0, $0xb8;
	[tilespmem:$0x1BF80] =	vst v63  }
0x353: {  	v42 =	vperm.xlane v18, v15;
	s23 =	simm.s32 $0x12480;
	v19 =	vadd.s32 v4, v41  }
0x354: {  	[tilespmem:s23], [sflag:$0x2] =	stream.indirect_vreg.gather [hbm4b:s5+s2], $0x80, v38, vm0, $0xb8;
	[tilespmem:$0x1BF80] =	vst v63  }
0x355: {  	v44 =	vperm.xlane v18, v16;
	v43 =	vadd.s32 v4, v42;
	s20 =	simm.s32 $0x12500  }
0x356: {  	[tilespmem:s20], [sflag:$0x2] =	stream.indirect_vreg.gather [hbm4b:s5+s2], $0x80, v40, vm0, $0xb8;
	[tilespmem:$0x1BF80] =	vst v63  }
0x357: {  	v18 =	vperm.xlane v18, v17;
	v45 =	vadd.s32 v4, v44;
	s23 =	simm.s32 $0x12580  }
0x358: {  	[tilespmem:s23], [sflag:$0x2] =	stream.indirect_vreg.gather [hbm4b:s5+s2], $0x80, v19, vm0, $0xb8;
	[tilespmem:$0x1BF80] =	vst v63  }
0x359: {  	v18 =	vadd.s32 v4, v18;
	s20 =	simm.s32 $0x12600  }
0x35a: {  	[tilespmem:s20], [sflag:$0x2] =	stream.indirect_vreg.gather [hbm4b:s5+s2], $0x80, v43, vm0, $0xb8;
	[tilespmem:$0x1BF80] =	vst v63  }
0x35b: {  	s23 =	simm.s32 $0x12680  }
0x35c: {  	[tilespmem:s23], [sflag:$0x2] =	stream.indirect_vreg.gather [hbm4b:s5+s2], $0x80, v45, vm0, $0xb8;
	[tilespmem:$0x1BF80] =	vst v63  }
0x35d: {  	s20 =	simm.s32 $0x12700  }
0x35e: {  	[tilespmem:s20], [sflag:$0x2] =	stream.indirect_vreg.gather [hbm4b:s5+s2], $0x80, v18, vm0, $0xb8;
	[tilespmem:$0x1BF80] =	vst v63  }
0x35f: {  	v18 =	vld [tilespmem:$0x150];
	_ =	sdelay $0x4  }
0x360: {  	v19 =	vshll.u32 v18, $0x3  }
0x361: {  	v18 =	vand.u32 $0x7, v18;
	v19 =	vand.u32 $0xFFFFFFC0, v19  }
0x362: {  	v18 =	vor.u32 v18, v19  }
0x363: {  	v19 =	vperm.xlane v18, v2;
	_ =	sdelay $0x1  }
0x364: {  	v46 =	vperm.xlane v18, v5;
	v19 =	vadd.s32 v4, v19;
	_ =	sdelay $0x1  }
0x365: {  	v47 =	vperm.xlane v18, v6;
	v20 =	vadd.s32 v4, v46;
	_ =	sdelay $0x1  }
0x366: {  	s23 =	simm.s32 $0x12780;
	v48 =	vperm.xlane v18, v1;
	v21 =	vadd.s32 v4, v47  }
0x367: {  	[tilespmem:s23], [sflag:$0x2] =	stream.indirect_vreg.gather [hbm4b:s5+s2], $0x80, v19, vm0, $0xb8;
	[tilespmem:$0x1BF80] =	vst v63  }
0x368: {  	s20 =	simm.s32 $0x12800;
	v49 =	vperm.xlane v18, v7;
	v19 =	vadd.s32 v4, v48  }
0x369: {  	[tilespmem:s20], [sflag:$0x2] =	stream.indirect_vreg.gather [hbm4b:s5+s2], $0x80, v20, vm0, $0xb8;
	[tilespmem:$0x1BF80] =	vst v63  }
0x36a: {  	v51 =	vperm.xlane v18, v8;
	v50 =	vadd.s32 v4, v49;
	s23 =	simm.s32 $0x12880  }
0x36b: {  	[tilespmem:s23], [sflag:$0x2] =	stream.indirect_vreg.gather [hbm4b:s5+s2], $0x80, v21, vm0, $0xb8;
	[tilespmem:$0x1BF80] =	vst v63  }
0x36c: {  	v53 =	vperm.xlane v18, v9;
	v52 =	vadd.s32 v4, v51;
	s20 =	simm.s32 $0x12900  }
0x36d: {  	[tilespmem:s20], [sflag:$0x2] =	stream.indirect_vreg.gather [hbm4b:s5+s2], $0x80, v19, vm0, $0xb8;
	[tilespmem:$0x1BF80] =	vst v63  }
0x36e: {  	v54 =	vperm.xlane v18, v0;
	s23 =	simm.s32 $0x12980;
	v19 =	vadd.s32 v4, v53  }
0x36f: {  	[tilespmem:s23], [sflag:$0x2] =	stream.indirect_vreg.gather [hbm4b:s5+s2], $0x80, v50, vm0, $0xb8;
	[tilespmem:$0x1BF80] =	vst v63  }
0x370: {  	v56 =	vperm.xlane v18, v10;
	v55 =	vadd.s32 v4, v54;
	s20 =	simm.s32 $0x12A00  }
0x371: {  	[tilespmem:s20], [sflag:$0x2] =	stream.indirect_vreg.gather [hbm4b:s5+s2], $0x80, v52, vm0, $0xb8;
	[tilespmem:$0x1BF80] =	vst v63  }
0x372: {  	v58 =	vperm.xlane v18, v11;
	v57 =	vadd.s32 v4, v56;
	s23 =	simm.s32 $0x12A80  }
0x373: {  	[tilespmem:s23], [sflag:$0x2] =	stream.indirect_vreg.gather [hbm4b:s5+s2], $0x80, v19, vm0, $0xb8;
	[tilespmem:$0x1BF80] =	vst v63  }
0x374: {  	v59 =	vperm.xlane v18, v12;
	s20 =	simm.s32 $0x12B00;
	v19 =	vadd.s32 v4, v58  }
0x375: {  	[tilespmem:s20], [sflag:$0x2] =	stream.indirect_vreg.gather [hbm4b:s5+s2], $0x80, v55, vm0, $0xb8;
	[tilespmem:$0x1BF80] =	vst v63  }
0x376: {  	v61 =	vperm.xlane v18, v13;
	v60 =	vadd.s32 v4, v59;
	s23 =	simm.s32 $0x12B80  }
0x377: {  	[tilespmem:s23], [sflag:$0x2] =	stream.indirect_vreg.gather [hbm4b:s5+s2], $0x80, v57, vm0, $0xb8;
	[tilespmem:$0x1BF80] =	vst v63  }
0x378: {  	v63 =	vperm.xlane v18, v14;
	v62 =	vadd.s32 v4, v61;
	s20 =	simm.s32 $0x12C00  }
0x379: {  	[tilespmem:s20], [sflag:$0x2] =	stream.indirect_vreg.gather [hbm4b:s5+s2], $0x80, v19, vm0, $0xb8;
	[tilespmem:$0x1BF80] =	vst v63  }
0x37a: {  	v24 =	vperm.xlane v18, v15;
	s23 =	simm.s32 $0x12C80;
	v19 =	vadd.s32 v4, v63  }
0x37b: {  	[tilespmem:s23], [sflag:$0x2] =	stream.indirect_vreg.gather [hbm4b:s5+s2], $0x80, v60, vm0, $0xb8;
	[tilespmem:$0x1BF80] =	vst v63  }
0x37c: {  	v26 =	vperm.xlane v18, v16;
	v25 =	vadd.s32 v4, v24;
	s20 =	simm.s32 $0x12D00  }
0x37d: {  	[tilespmem:s20], [sflag:$0x2] =	stream.indirect_vreg.gather [hbm4b:s5+s2], $0x80, v62, vm0, $0xb8;
	[tilespmem:$0x1BF80] =	vst v63  }
0x37e: {  	v18 =	vperm.xlane v18, v17;
	v27 =	vadd.s32 v4, v26;
	s23 =	simm.s32 $0x12D80  }
0x37f: {  	[tilespmem:s23], [sflag:$0x2] =	stream.indirect_vreg.gather [hbm4b:s5+s2], $0x80, v19, vm0, $0xb8;
	[tilespmem:$0x1BF80] =	vst v63  }
0x380: {  	v18 =	vadd.s32 v4, v18;
	s20 =	simm.s32 $0x12E00  }
0x381: {  	[tilespmem:s20], [sflag:$0x2] =	stream.indirect_vreg.gather [hbm4b:s5+s2], $0x80, v25, vm0, $0xb8;
	[tilespmem:$0x1BF80] =	vst v63  }
0x382: {  	s23 =	simm.s32 $0x12E80  }
0x383: {  	[tilespmem:s23], [sflag:$0x2] =	stream.indirect_vreg.gather [hbm4b:s5+s2], $0x80, v27, vm0, $0xb8;
	[tilespmem:$0x1BF80] =	vst v63  }
0x384: {  	s20 =	simm.s32 $0x12F00  }
0x385: {  	[tilespmem:s20], [sflag:$0x2] =	stream.indirect_vreg.gather [hbm4b:s5+s2], $0x80, v18, vm0, $0xb8;
	[tilespmem:$0x1BF80] =	vst v63  }
0x386: {  	v18 =	vld [tilespmem:$0x160];
	_ =	sdelay $0x4  }
0x387: {  	v19 =	vshll.u32 v18, $0x3  }
0x388: {  	v18 =	vand.u32 $0x7, v18;
	v19 =	vand.u32 $0xFFFFFFC0, v19  }
0x389: {  	v18 =	vor.u32 v18, v19  }
0x38a: {  	v19 =	vperm.xlane v18, v2;
	_ =	sdelay $0x1  }
0x38b: {  	v28 =	vperm.xlane v18, v5;
	v19 =	vadd.s32 v4, v19;
	_ =	sdelay $0x1  }
0x38c: {  	v29 =	vperm.xlane v18, v6;
	v20 =	vadd.s32 v4, v28;
	_ =	sdelay $0x1  }
0x38d: {  	s23 =	simm.s32 $0x12F80;
	v30 =	vperm.xlane v18, v1;
	v21 =	vadd.s32 v4, v29  }
0x38e: {  	[tilespmem:s23], [sflag:$0x2] =	stream.indirect_vreg.gather [hbm4b:s5+s2], $0x80, v19, vm0, $0xb8;
	[tilespmem:$0x1BF80] =	vst v63  }
0x38f: {  	s20 =	simm.s32 $0x13000;
	v31 =	vperm.xlane v18, v7;
	v19 =	vadd.s32 v4, v30  }
0x390: {  	[tilespmem:s20], [sflag:$0x2] =	stream.indirect_vreg.gather [hbm4b:s5+s2], $0x80, v20, vm0, $0xb8;
	[tilespmem:$0x1BF80] =	vst v63  }
0x391: {  	v33 =	vperm.xlane v18, v8;
	v32 =	vadd.s32 v4, v31;
	s23 =	simm.s32 $0x13080  }
0x392: {  	[tilespmem:s23], [sflag:$0x2] =	stream.indirect_vreg.gather [hbm4b:s5+s2], $0x80, v21, vm0, $0xb8;
	[tilespmem:$0x1BF80] =	vst v63  }
0x393: {  	v35 =	vperm.xlane v18, v9;
	v34 =	vadd.s32 v4, v33;
	s20 =	simm.s32 $0x13100  }
0x394: {  	[tilespmem:s20], [sflag:$0x2] =	stream.indirect_vreg.gather [hbm4b:s5+s2], $0x80, v19, vm0, $0xb8;
	[tilespmem:$0x1BF80] =	vst v63  }
0x395: {  	v36 =	vperm.xlane v18, v0;
	s23 =	simm.s32 $0x13180;
	v19 =	vadd.s32 v4, v35  }
0x396: {  	[tilespmem:s23], [sflag:$0x2] =	stream.indirect_vreg.gather [hbm4b:s5+s2], $0x80, v32, vm0, $0xb8;
	[tilespmem:$0x1BF80] =	vst v63  }
0x397: {  	v38 =	vperm.xlane v18, v10;
	v37 =	vadd.s32 v4, v36;
	s20 =	simm.s32 $0x13200  }
0x398: {  	[tilespmem:s20], [sflag:$0x2] =	stream.indirect_vreg.gather [hbm4b:s5+s2], $0x80, v34, vm0, $0xb8;
	[tilespmem:$0x1BF80] =	vst v63  }
0x399: {  	v40 =	vperm.xlane v18, v11;
	v39 =	vadd.s32 v4, v38;
	s23 =	simm.s32 $0x13280  }
0x39a: {  	[tilespmem:s23], [sflag:$0x2] =	stream.indirect_vreg.gather [hbm4b:s5+s2], $0x80, v19, vm0, $0xb8;
	[tilespmem:$0x1BF80] =	vst v63  }
0x39b: {  	v41 =	vperm.xlane v18, v12;
	s20 =	simm.s32 $0x13300;
	v19 =	vadd.s32 v4, v40  }
0x39c: {  	[tilespmem:s20], [sflag:$0x2] =	stream.indirect_vreg.gather [hbm4b:s5+s2], $0x80, v37, vm0, $0xb8;
	[tilespmem:$0x1BF80] =	vst v63  }
0x39d: {  	v43 =	vperm.xlane v18, v13;
	v42 =	vadd.s32 v4, v41;
	s23 =	simm.s32 $0x13380  }
0x39e: {  	[tilespmem:s23], [sflag:$0x2] =	stream.indirect_vreg.gather [hbm4b:s5+s2], $0x80, v39, vm0, $0xb8;
	[tilespmem:$0x1BF80] =	vst v63  }
0x39f: {  	v45 =	vperm.xlane v18, v14;
	v44 =	vadd.s32 v4, v43;
	s20 =	simm.s32 $0x13400  }
0x3a0: {  	[tilespmem:s20], [sflag:$0x2] =	stream.indirect_vreg.gather [hbm4b:s5+s2], $0x80, v19, vm0, $0xb8;
	[tilespmem:$0x1BF80] =	vst v63  }
0x3a1: {  	v46 =	vperm.xlane v18, v15;
	s23 =	simm.s32 $0x13480;
	v19 =	vadd.s32 v4, v45  }
0x3a2: {  	[tilespmem:s23], [sflag:$0x2] =	stream.indirect_vreg.gather [hbm4b:s5+s2], $0x80, v42, vm0, $0xb8;
	[tilespmem:$0x1BF80] =	vst v63  }
0x3a3: {  	v48 =	vperm.xlane v18, v16;
	v47 =	vadd.s32 v4, v46;
	s20 =	simm.s32 $0x13500  }
0x3a4: {  	[tilespmem:s20], [sflag:$0x2] =	stream.indirect_vreg.gather [hbm4b:s5+s2], $0x80, v44, vm0, $0xb8;
	[tilespmem:$0x1BF80] =	vst v63  }
0x3a5: {  	v18 =	vperm.xlane v18, v17;
	v49 =	vadd.s32 v4, v48;
	s23 =	simm.s32 $0x13580  }
0x3a6: {  	[tilespmem:s23], [sflag:$0x2] =	stream.indirect_vreg.gather [hbm4b:s5+s2], $0x80, v19, vm0, $0xb8;
	[tilespmem:$0x1BF80] =	vst v63  }
0x3a7: {  	v18 =	vadd.s32 v4, v18;
	s20 =	simm.s32 $0x13600  }
0x3a8: {  	[tilespmem:s20], [sflag:$0x2] =	stream.indirect_vreg.gather [hbm4b:s5+s2], $0x80, v47, vm0, $0xb8;
	[tilespmem:$0x1BF80] =	vst v63  }
0x3a9: {  	s23 =	simm.s32 $0x13680  }
0x3aa: {  	[tilespmem:s23], [sflag:$0x2] =	stream.indirect_vreg.gather [hbm4b:s5+s2], $0x80, v49, vm0, $0xb8;
	[tilespmem:$0x1BF80] =	vst v63  }
0x3ab: {  	s20 =	simm.s32 $0x13700  }
0x3ac: {  	[tilespmem:s20], [sflag:$0x2] =	stream.indirect_vreg.gather [hbm4b:s5+s2], $0x80, v18, vm0, $0xb8;
	[tilespmem:$0x1BF80] =	vst v63  }
0x3ad: {  	v18 =	vld [tilespmem:$0x170];
	_ =	sdelay $0x4  }
0x3ae: {  	v19 =	vshll.u32 v18, $0x3  }
0x3af: {  	v18 =	vand.u32 $0x7, v18;
	v19 =	vand.u32 $0xFFFFFFC0, v19  }
0x3b0: {  	v18 =	vor.u32 v18, v19  }
0x3b1: {  	v19 =	vperm.xlane v18, v2;
	_ =	sdelay $0x1  }
0x3b2: {  	v50 =	vperm.xlane v18, v5;
	v19 =	vadd.s32 v4, v19;
	_ =	sdelay $0x1  }
0x3b3: {  	v51 =	vperm.xlane v18, v6;
	v20 =	vadd.s32 v4, v50;
	_ =	sdelay $0x1  }
0x3b4: {  	s23 =	simm.s32 $0x13780;
	v52 =	vperm.xlane v18, v1;
	v21 =	vadd.s32 v4, v51  }
0x3b5: {  	[tilespmem:s23], [sflag:$0x2] =	stream.indirect_vreg.gather [hbm4b:s5+s2], $0x80, v19, vm0, $0xb8;
	[tilespmem:$0x1BF80] =	vst v63  }
0x3b6: {  	s20 =	simm.s32 $0x13800;
	v53 =	vperm.xlane v18, v7;
	v19 =	vadd.s32 v4, v52  }
0x3b7: {  	[tilespmem:s20], [sflag:$0x2] =	stream.indirect_vreg.gather [hbm4b:s5+s2], $0x80, v20, vm0, $0xb8;
	[tilespmem:$0x1BF80] =	vst v63  }
0x3b8: {  	v55 =	vperm.xlane v18, v8;
	v54 =	vadd.s32 v4, v53;
	s23 =	simm.s32 $0x13880  }
0x3b9: {  	[tilespmem:s23], [sflag:$0x2] =	stream.indirect_vreg.gather [hbm4b:s5+s2], $0x80, v21, vm0, $0xb8;
	[tilespmem:$0x1BF80] =	vst v63  }
0x3ba: {  	v57 =	vperm.xlane v18, v9;
	v56 =	vadd.s32 v4, v55;
	s20 =	simm.s32 $0x13900  }
0x3bb: {  	[tilespmem:s20], [sflag:$0x2] =	stream.indirect_vreg.gather [hbm4b:s5+s2], $0x80, v19, vm0, $0xb8;
	[tilespmem:$0x1BF80] =	vst v63  }
0x3bc: {  	v58 =	vperm.xlane v18, v0;
	s23 =	simm.s32 $0x13980;
	v19 =	vadd.s32 v4, v57  }
0x3bd: {  	[tilespmem:s23], [sflag:$0x2] =	stream.indirect_vreg.gather [hbm4b:s5+s2], $0x80, v54, vm0, $0xb8;
	[tilespmem:$0x1BF80] =	vst v63  }
0x3be: {  	v60 =	vperm.xlane v18, v10;
	v59 =	vadd.s32 v4, v58;
	s20 =	simm.s32 $0x13A00  }
0x3bf: {  	[tilespmem:s20], [sflag:$0x2] =	stream.indirect_vreg.gather [hbm4b:s5+s2], $0x80, v56, vm0, $0xb8;
	[tilespmem:$0x1BF80] =	vst v63  }
0x3c0: {  	v62 =	vperm.xlane v18, v11;
	v61 =	vadd.s32 v4, v60;
	s23 =	simm.s32 $0x13A80  }
0x3c1: {  	[tilespmem:s23], [sflag:$0x2] =	stream.indirect_vreg.gather [hbm4b:s5+s2], $0x80, v19, vm0, $0xb8;
	[tilespmem:$0x1BF80] =	vst v63  }
0x3c2: {  	v63 =	vperm.xlane v18, v12;
	s20 =	simm.s32 $0x13B00;
	v19 =	vadd.s32 v4, v62  }
0x3c3: {  	[tilespmem:s20], [sflag:$0x2] =	stream.indirect_vreg.gather [hbm4b:s5+s2], $0x80, v59, vm0, $0xb8;
	[tilespmem:$0x1BF80] =	vst v63  }
0x3c4: {  	v25 =	vperm.xlane v18, v13;
	v24 =	vadd.s32 v4, v63;
	s23 =	simm.s32 $0x13B80  }
0x3c5: {  	[tilespmem:s23], [sflag:$0x2] =	stream.indirect_vreg.gather [hbm4b:s5+s2], $0x80, v61, vm0, $0xb8;
	[tilespmem:$0x1BF80] =	vst v63  }
0x3c6: {  	v27 =	vperm.xlane v18, v14;
	v26 =	vadd.s32 v4, v25;
	s20 =	simm.s32 $0x13C00  }
0x3c7: {  	[tilespmem:s20], [sflag:$0x2] =	stream.indirect_vreg.gather [hbm4b:s5+s2], $0x80, v19, vm0, $0xb8;
	[tilespmem:$0x1BF80] =	vst v63  }
0x3c8: {  	v28 =	vperm.xlane v18, v15;
	s23 =	simm.s32 $0x13C80;
	v19 =	vadd.s32 v4, v27  }
0x3c9: {  	[tilespmem:s23], [sflag:$0x2] =	stream.indirect_vreg.gather [hbm4b:s5+s2], $0x80, v24, vm0, $0xb8;
	[tilespmem:$0x1BF80] =	vst v63  }
0x3ca: {  	v30 =	vperm.xlane v18, v16;
	v29 =	vadd.s32 v4, v28;
	s20 =	simm.s32 $0x13D00  }
0x3cb: {  	[tilespmem:s20], [sflag:$0x2] =	stream.indirect_vreg.gather [hbm4b:s5+s2], $0x80, v26, vm0, $0xb8;
	[tilespmem:$0x1BF80] =	vst v63  }
0x3cc: {  	v18 =	vperm.xlane v18, v17;
	v31 =	vadd.s32 v4, v30;
	s23 =	simm.s32 $0x13D80  }
0x3cd: {  	[tilespmem:s23], [sflag:$0x2] =	stream.indirect_vreg.gather [hbm4b:s5+s2], $0x80, v19, vm0, $0xb8;
	[tilespmem:$0x1BF80] =	vst v63  }
0x3ce: {  	v18 =	vadd.s32 v4, v18;
	s20 =	simm.s32 $0x13E00  }
0x3cf: {  	[tilespmem:s20], [sflag:$0x2] =	stream.indirect_vreg.gather [hbm4b:s5+s2], $0x80, v29, vm0, $0xb8;
	[tilespmem:$0x1BF80] =	vst v63  }
0x3d0: {  	s23 =	simm.s32 $0x13E80  }
0x3d1: {  	[tilespmem:s23], [sflag:$0x2] =	stream.indirect_vreg.gather [hbm4b:s5+s2], $0x80, v31, vm0, $0xb8;
	[tilespmem:$0x1BF80] =	vst v63  }
0x3d2: {  	s20 =	simm.s32 $0x13F00  }
0x3d3: {  	[tilespmem:s20], [sflag:$0x2] =	stream.indirect_vreg.gather [hbm4b:s5+s2], $0x80, v18, vm0, $0xb8;
	[tilespmem:$0x1BF80] =	vst v63  }
0x3d4: {  	v18 =	vld [tilespmem:$0x180];
	_ =	sdelay $0x4  }
0x3d5: {  	v19 =	vshll.u32 v18, $0x3  }
0x3d6: {  	v18 =	vand.u32 $0x7, v18;
	v19 =	vand.u32 $0xFFFFFFC0, v19  }
0x3d7: {  	v18 =	vor.u32 v18, v19  }
0x3d8: {  	v19 =	vperm.xlane v18, v2;
	_ =	sdelay $0x1  }
0x3d9: {  	v32 =	vperm.xlane v18, v5;
	v19 =	vadd.s32 v4, v19;
	_ =	sdelay $0x1  }
0x3da: {  	v33 =	vperm.xlane v18, v6;
	v20 =	vadd.s32 v4, v32;
	_ =	sdelay $0x1  }
0x3db: {  	s23 =	simm.s32 $0x13F80;
	v34 =	vperm.xlane v18, v1;
	v21 =	vadd.s32 v4, v33  }
0x3dc: {  	[tilespmem:s23], [sflag:$0x2] =	stream.indirect_vreg.gather [hbm4b:s5+s2], $0x80, v19, vm0, $0xb8;
	[tilespmem:$0x1BF80] =	vst v63  }
0x3dd: {  	s20 =	simm.s32 $0x14000;
	v35 =	vperm.xlane v18, v7;
	v19 =	vadd.s32 v4, v34  }
0x3de: {  	[tilespmem:s20], [sflag:$0x2] =	stream.indirect_vreg.gather [hbm4b:s5+s2], $0x80, v20, vm0, $0xb8;
	[tilespmem:$0x1BF80] =	vst v63  }
0x3df: {  	v37 =	vperm.xlane v18, v8;
	v36 =	vadd.s32 v4, v35;
	s23 =	simm.s32 $0x14080  }
0x3e0: {  	[tilespmem:s23], [sflag:$0x2] =	stream.indirect_vreg.gather [hbm4b:s5+s2], $0x80, v21, vm0, $0xb8;
	[tilespmem:$0x1BF80] =	vst v63  }
0x3e1: {  	v39 =	vperm.xlane v18, v9;
	v38 =	vadd.s32 v4, v37;
	s20 =	simm.s32 $0x14100  }
0x3e2: {  	[tilespmem:s20], [sflag:$0x2] =	stream.indirect_vreg.gather [hbm4b:s5+s2], $0x80, v19, vm0, $0xb8;
	[tilespmem:$0x1BF80] =	vst v63  }
0x3e3: {  	v40 =	vperm.xlane v18, v0;
	s23 =	simm.s32 $0x14180;
	v19 =	vadd.s32 v4, v39  }
0x3e4: {  	[tilespmem:s23], [sflag:$0x2] =	stream.indirect_vreg.gather [hbm4b:s5+s2], $0x80, v36, vm0, $0xb8;
	[tilespmem:$0x1BF80] =	vst v63  }
0x3e5: {  	v42 =	vperm.xlane v18, v10;
	v41 =	vadd.s32 v4, v40;
	s20 =	simm.s32 $0x14200  }
0x3e6: {  	[tilespmem:s20], [sflag:$0x2] =	stream.indirect_vreg.gather [hbm4b:s5+s2], $0x80, v38, vm0, $0xb8;
	[tilespmem:$0x1BF80] =	vst v63  }
0x3e7: {  	v44 =	vperm.xlane v18, v11;
	v43 =	vadd.s32 v4, v42;
	s23 =	simm.s32 $0x14280  }
0x3e8: {  	[tilespmem:s23], [sflag:$0x2] =	stream.indirect_vreg.gather [hbm4b:s5+s2], $0x80, v19, vm0, $0xb8;
	[tilespmem:$0x1BF80] =	vst v63  }
0x3e9: {  	v45 =	vperm.xlane v18, v12;
	s20 =	simm.s32 $0x14300;
	v19 =	vadd.s32 v4, v44  }
0x3ea: {  	[tilespmem:s20], [sflag:$0x2] =	stream.indirect_vreg.gather [hbm4b:s5+s2], $0x80, v41, vm0, $0xb8;
	[tilespmem:$0x1BF80] =	vst v63  }
0x3eb: {  	v47 =	vperm.xlane v18, v13;
	v46 =	vadd.s32 v4, v45;
	s23 =	simm.s32 $0x14380  }
0x3ec: {  	[tilespmem:s23], [sflag:$0x2] =	stream.indirect_vreg.gather [hbm4b:s5+s2], $0x80, v43, vm0, $0xb8;
	[tilespmem:$0x1BF80] =	vst v63  }
0x3ed: {  	v49 =	vperm.xlane v18, v14;
	v48 =	vadd.s32 v4, v47;
	s20 =	simm.s32 $0x14400  }
0x3ee: {  	[tilespmem:s20], [sflag:$0x2] =	stream.indirect_vreg.gather [hbm4b:s5+s2], $0x80, v19, vm0, $0xb8;
	[tilespmem:$0x1BF80] =	vst v63  }
0x3ef: {  	v50 =	vperm.xlane v18, v15;
	s23 =	simm.s32 $0x14480;
	v19 =	vadd.s32 v4, v49  }
0x3f0: {  	[tilespmem:s23], [sflag:$0x2] =	stream.indirect_vreg.gather [hbm4b:s5+s2], $0x80, v46, vm0, $0xb8;
	[tilespmem:$0x1BF80] =	vst v63  }
0x3f1: {  	v52 =	vperm.xlane v18, v16;
	v51 =	vadd.s32 v4, v50;
	s20 =	simm.s32 $0x14500  }
0x3f2: {  	[tilespmem:s20], [sflag:$0x2] =	stream.indirect_vreg.gather [hbm4b:s5+s2], $0x80, v48, vm0, $0xb8;
	[tilespmem:$0x1BF80] =	vst v63  }
0x3f3: {  	v18 =	vperm.xlane v18, v17;
	v53 =	vadd.s32 v4, v52;
	s23 =	simm.s32 $0x14580  }
0x3f4: {  	[tilespmem:s23], [sflag:$0x2] =	stream.indirect_vreg.gather [hbm4b:s5+s2], $0x80, v19, vm0, $0xb8;
	[tilespmem:$0x1BF80] =	vst v63  }
0x3f5: {  	v18 =	vadd.s32 v4, v18;
	s20 =	simm.s32 $0x14600  }
0x3f6: {  	[tilespmem:s20], [sflag:$0x2] =	stream.indirect_vreg.gather [hbm4b:s5+s2], $0x80, v51, vm0, $0xb8;
	[tilespmem:$0x1BF80] =	vst v63  }
0x3f7: {  	s23 =	simm.s32 $0x14680  }
0x3f8: {  	[tilespmem:s23], [sflag:$0x2] =	stream.indirect_vreg.gather [hbm4b:s5+s2], $0x80, v53, vm0, $0xb8;
	[tilespmem:$0x1BF80] =	vst v63  }
0x3f9: {  	s20 =	simm.s32 $0x14700  }
0x3fa: {  	[tilespmem:s20], [sflag:$0x2] =	stream.indirect_vreg.gather [hbm4b:s5+s2], $0x80, v18, vm0, $0xb8;
	[tilespmem:$0x1BF80] =	vst v63  }
0x3fb: {  	v18 =	vld [tilespmem:$0x190];
	_ =	sdelay $0x4  }
0x3fc: {  	v19 =	vshll.u32 v18, $0x3  }
0x3fd: {  	v18 =	vand.u32 $0x7, v18;
	v19 =	vand.u32 $0xFFFFFFC0, v19  }
0x3fe: {  	v18 =	vor.u32 v18, v19  }
0x3ff: {  	v19 =	vperm.xlane v18, v2;
	_ =	sdelay $0x1  }
0x400: {  	v54 =	vperm.xlane v18, v5;
	v19 =	vadd.s32 v4, v19;
	_ =	sdelay $0x1  }
0x401: {  	v55 =	vperm.xlane v18, v6;
	v20 =	vadd.s32 v4, v54;
	_ =	sdelay $0x1  }
0x402: {  	s23 =	simm.s32 $0x14780;
	v56 =	vperm.xlane v18, v1;
	v21 =	vadd.s32 v4, v55  }
0x403: {  	[tilespmem:s23], [sflag:$0x2] =	stream.indirect_vreg.gather [hbm4b:s5+s2], $0x80, v19, vm0, $0xb8;
	[tilespmem:$0x1BF80] =	vst v63  }
0x404: {  	s20 =	simm.s32 $0x14800;
	v57 =	vperm.xlane v18, v7;
	v19 =	vadd.s32 v4, v56  }
0x405: {  	[tilespmem:s20], [sflag:$0x2] =	stream.indirect_vreg.gather [hbm4b:s5+s2], $0x80, v20, vm0, $0xb8;
	[tilespmem:$0x1BF80] =	vst v63  }
0x406: {  	v59 =	vperm.xlane v18, v8;
	v58 =	vadd.s32 v4, v57;
	s23 =	simm.s32 $0x14880  }
0x407: {  	[tilespmem:s23], [sflag:$0x2] =	stream.indirect_vreg.gather [hbm4b:s5+s2], $0x80, v21, vm0, $0xb8;
	[tilespmem:$0x1BF80] =	vst v63  }
0x408: {  	v61 =	vperm.xlane v18, v9;
	v60 =	vadd.s32 v4, v59;
	s20 =	simm.s32 $0x14900  }
0x409: {  	[tilespmem:s20], [sflag:$0x2] =	stream.indirect_vreg.gather [hbm4b:s5+s2], $0x80, v19, vm0, $0xb8;
	[tilespmem:$0x1BF80] =	vst v63  }
0x40a: {  	v62 =	vperm.xlane v18, v0;
	s23 =	simm.s32 $0x14980;
	v19 =	vadd.s32 v4, v61  }
0x40b: {  	[tilespmem:s23], [sflag:$0x2] =	stream.indirect_vreg.gather [hbm4b:s5+s2], $0x80, v58, vm0, $0xb8;
	[tilespmem:$0x1BF80] =	vst v63  }
0x40c: {  	v24 =	vperm.xlane v18, v10;
	v63 =	vadd.s32 v4, v62;
	s20 =	simm.s32 $0x14A00  }
0x40d: {  	[tilespmem:s20], [sflag:$0x2] =	stream.indirect_vreg.gather [hbm4b:s5+s2], $0x80, v60, vm0, $0xb8;
	[tilespmem:$0x1BF80] =	vst v63  }
0x40e: {  	v26 =	vperm.xlane v18, v11;
	v25 =	vadd.s32 v4, v24;
	s23 =	simm.s32 $0x14A80  }
0x40f: {  	[tilespmem:s23], [sflag:$0x2] =	stream.indirect_vreg.gather [hbm4b:s5+s2], $0x80, v19, vm0, $0xb8;
	[tilespmem:$0x1BF80] =	vst v63  }
0x410: {  	v27 =	vperm.xlane v18, v12;
	s20 =	simm.s32 $0x14B00;
	v19 =	vadd.s32 v4, v26  }
0x411: {  	[tilespmem:s20], [sflag:$0x2] =	stream.indirect_vreg.gather [hbm4b:s5+s2], $0x80, v63, vm0, $0xb8;
	[tilespmem:$0x1BF80] =	vst v63  }
0x412: {  	v29 =	vperm.xlane v18, v13;
	v28 =	vadd.s32 v4, v27;
	s23 =	simm.s32 $0x14B80  }
0x413: {  	[tilespmem:s23], [sflag:$0x2] =	stream.indirect_vreg.gather [hbm4b:s5+s2], $0x80, v25, vm0, $0xb8;
	[tilespmem:$0x1BF80] =	vst v63  }
0x414: {  	v31 =	vperm.xlane v18, v14;
	v30 =	vadd.s32 v4, v29;
	s20 =	simm.s32 $0x14C00  }
0x415: {  	[tilespmem:s20], [sflag:$0x2] =	stream.indirect_vreg.gather [hbm4b:s5+s2], $0x80, v19, vm0, $0xb8;
	[tilespmem:$0x1BF80] =	vst v63  }
0x416: {  	v32 =	vperm.xlane v18, v15;
	s23 =	simm.s32 $0x14C80;
	v19 =	vadd.s32 v4, v31  }
0x417: {  	[tilespmem:s23], [sflag:$0x2] =	stream.indirect_vreg.gather [hbm4b:s5+s2], $0x80, v28, vm0, $0xb8;
	[tilespmem:$0x1BF80] =	vst v63  }
0x418: {  	v34 =	vperm.xlane v18, v16;
	v33 =	vadd.s32 v4, v32;
	s20 =	simm.s32 $0x14D00  }
0x419: {  	[tilespmem:s20], [sflag:$0x2] =	stream.indirect_vreg.gather [hbm4b:s5+s2], $0x80, v30, vm0, $0xb8;
	[tilespmem:$0x1BF80] =	vst v63  }
0x41a: {  	v18 =	vperm.xlane v18, v17;
	v35 =	vadd.s32 v4, v34;
	s23 =	simm.s32 $0x14D80  }
0x41b: {  	[tilespmem:s23], [sflag:$0x2] =	stream.indirect_vreg.gather [hbm4b:s5+s2], $0x80, v19, vm0, $0xb8;
	[tilespmem:$0x1BF80] =	vst v63  }
0x41c: {  	v18 =	vadd.s32 v4, v18;
	s20 =	simm.s32 $0x14E00  }
0x41d: {  	[tilespmem:s20], [sflag:$0x2] =	stream.indirect_vreg.gather [hbm4b:s5+s2], $0x80, v33, vm0, $0xb8;
	[tilespmem:$0x1BF80] =	vst v63  }
0x41e: {  	s23 =	simm.s32 $0x14E80  }
0x41f: {  	[tilespmem:s23], [sflag:$0x2] =	stream.indirect_vreg.gather [hbm4b:s5+s2], $0x80, v35, vm0, $0xb8;
	[tilespmem:$0x1BF80] =	vst v63  }
0x420: {  	s20 =	simm.s32 $0x14F00  }
0x421: {  	[tilespmem:s20], [sflag:$0x2] =	stream.indirect_vreg.gather [hbm4b:s5+s2], $0x80, v18, vm0, $0xb8;
	[tilespmem:$0x1BF80] =	vst v63  }
0x422: {  	v18 =	vld [tilespmem:$0x1A0];
	_ =	sdelay $0x4  }
0x423: {  	v19 =	vshll.u32 v18, $0x3  }
0x424: {  	v18 =	vand.u32 $0x7, v18;
	v19 =	vand.u32 $0xFFFFFFC0, v19  }
0x425: {  	v18 =	vor.u32 v18, v19  }
0x426: {  	v19 =	vperm.xlane v18, v2;
	_ =	sdelay $0x1  }
0x427: {  	v36 =	vperm.xlane v18, v5;
	v19 =	vadd.s32 v4, v19;
	_ =	sdelay $0x1  }
0x428: {  	v37 =	vperm.xlane v18, v6;
	v20 =	vadd.s32 v4, v36;
	_ =	sdelay $0x1  }
0x429: {  	s23 =	simm.s32 $0x14F80;
	v38 =	vperm.xlane v18, v1;
	v21 =	vadd.s32 v4, v37  }
0x42a: {  	[tilespmem:s23], [sflag:$0x2] =	stream.indirect_vreg.gather [hbm4b:s5+s2], $0x80, v19, vm0, $0xb8;
	[tilespmem:$0x1BF80] =	vst v63  }
0x42b: {  	s20 =	simm.s32 $0x15000;
	v39 =	vperm.xlane v18, v7;
	v19 =	vadd.s32 v4, v38  }
0x42c: {  	[tilespmem:s20], [sflag:$0x2] =	stream.indirect_vreg.gather [hbm4b:s5+s2], $0x80, v20, vm0, $0xb8;
	[tilespmem:$0x1BF80] =	vst v63  }
0x42d: {  	v41 =	vperm.xlane v18, v8;
	v40 =	vadd.s32 v4, v39;
	s23 =	simm.s32 $0x15080  }
0x42e: {  	[tilespmem:s23], [sflag:$0x2] =	stream.indirect_vreg.gather [hbm4b:s5+s2], $0x80, v21, vm0, $0xb8;
	[tilespmem:$0x1BF80] =	vst v63  }
0x42f: {  	v43 =	vperm.xlane v18, v9;
	v42 =	vadd.s32 v4, v41;
	s20 =	simm.s32 $0x15100  }
0x430: {  	[tilespmem:s20], [sflag:$0x2] =	stream.indirect_vreg.gather [hbm4b:s5+s2], $0x80, v19, vm0, $0xb8;
	[tilespmem:$0x1BF80] =	vst v63  }
0x431: {  	v44 =	vperm.xlane v18, v0;
	s23 =	simm.s32 $0x15180;
	v19 =	vadd.s32 v4, v43  }
0x432: {  	[tilespmem:s23], [sflag:$0x2] =	stream.indirect_vreg.gather [hbm4b:s5+s2], $0x80, v40, vm0, $0xb8;
	[tilespmem:$0x1BF80] =	vst v63  }
0x433: {  	v46 =	vperm.xlane v18, v10;
	v45 =	vadd.s32 v4, v44;
	s20 =	simm.s32 $0x15200  }
0x434: {  	[tilespmem:s20], [sflag:$0x2] =	stream.indirect_vreg.gather [hbm4b:s5+s2], $0x80, v42, vm0, $0xb8;
	[tilespmem:$0x1BF80] =	vst v63  }
0x435: {  	v48 =	vperm.xlane v18, v11;
	v47 =	vadd.s32 v4, v46;
	s23 =	simm.s32 $0x15280  }
0x436: {  	[tilespmem:s23], [sflag:$0x2] =	stream.indirect_vreg.gather [hbm4b:s5+s2], $0x80, v19, vm0, $0xb8;
	[tilespmem:$0x1BF80] =	vst v63  }
0x437: {  	v49 =	vperm.xlane v18, v12;
	s20 =	simm.s32 $0x15300;
	v19 =	vadd.s32 v4, v48  }
0x438: {  	[tilespmem:s20], [sflag:$0x2] =	stream.indirect_vreg.gather [hbm4b:s5+s2], $0x80, v45, vm0, $0xb8;
	[tilespmem:$0x1BF80] =	vst v63  }
0x439: {  	v51 =	vperm.xlane v18, v13;
	v50 =	vadd.s32 v4, v49;
	s23 =	simm.s32 $0x15380  }
0x43a: {  	[tilespmem:s23], [sflag:$0x2] =	stream.indirect_vreg.gather [hbm4b:s5+s2], $0x80, v47, vm0, $0xb8;
	[tilespmem:$0x1BF80] =	vst v63  }
0x43b: {  	v53 =	vperm.xlane v18, v14;
	v52 =	vadd.s32 v4, v51;
	s20 =	simm.s32 $0x15400  }
0x43c: {  	[tilespmem:s20], [sflag:$0x2] =	stream.indirect_vreg.gather [hbm4b:s5+s2], $0x80, v19, vm0, $0xb8;
	[tilespmem:$0x1BF80] =	vst v63  }
0x43d: {  	v54 =	vperm.xlane v18, v15;
	s23 =	simm.s32 $0x15480;
	v19 =	vadd.s32 v4, v53  }
0x43e: {  	[tilespmem:s23], [sflag:$0x2] =	stream.indirect_vreg.gather [hbm4b:s5+s2], $0x80, v50, vm0, $0xb8;
	[tilespmem:$0x1BF80] =	vst v63  }
0x43f: {  	v56 =	vperm.xlane v18, v16;
	v55 =	vadd.s32 v4, v54;
	s20 =	simm.s32 $0x15500  }
0x440: {  	[tilespmem:s20], [sflag:$0x2] =	stream.indirect_vreg.gather [hbm4b:s5+s2], $0x80, v52, vm0, $0xb8;
	[tilespmem:$0x1BF80] =	vst v63  }
0x441: {  	v18 =	vperm.xlane v18, v17;
	v57 =	vadd.s32 v4, v56;
	s23 =	simm.s32 $0x15580  }
0x442: {  	[tilespmem:s23], [sflag:$0x2] =	stream.indirect_vreg.gather [hbm4b:s5+s2], $0x80, v19, vm0, $0xb8;
	[tilespmem:$0x1BF80] =	vst v63  }
0x443: {  	v18 =	vadd.s32 v4, v18;
	s20 =	simm.s32 $0x15600  }
0x444: {  	[tilespmem:s20], [sflag:$0x2] =	stream.indirect_vreg.gather [hbm4b:s5+s2], $0x80, v55, vm0, $0xb8;
	[tilespmem:$0x1BF80] =	vst v63  }
0x445: {  	s23 =	simm.s32 $0x15680  }
0x446: {  	[tilespmem:s23], [sflag:$0x2] =	stream.indirect_vreg.gather [hbm4b:s5+s2], $0x80, v57, vm0, $0xb8;
	[tilespmem:$0x1BF80] =	vst v63  }
0x447: {  	s20 =	simm.s32 $0x15700  }
0x448: {  	[tilespmem:s20], [sflag:$0x2] =	stream.indirect_vreg.gather [hbm4b:s5+s2], $0x80, v18, vm0, $0xb8;
	[tilespmem:$0x1BF80] =	vst v63  }
0x449: {  	v18 =	vld [tilespmem:$0x1B0];
	_ =	sdelay $0x4  }
0x44a: {  	v19 =	vshll.u32 v18, $0x3  }
0x44b: {  	v18 =	vand.u32 $0x7, v18;
	v19 =	vand.u32 $0xFFFFFFC0, v19  }
0x44c: {  	v18 =	vor.u32 v18, v19  }
0x44d: {  	v19 =	vperm.xlane v18, v2;
	_ =	sdelay $0x1  }
0x44e: {  	v58 =	vperm.xlane v18, v5;
	v19 =	vadd.s32 v4, v19;
	_ =	sdelay $0x1  }
0x44f: {  	v59 =	vperm.xlane v18, v6;
	v20 =	vadd.s32 v4, v58;
	_ =	sdelay $0x1  }
0x450: {  	s23 =	simm.s32 $0x15780;
	v60 =	vperm.xlane v18, v1;
	v21 =	vadd.s32 v4, v59  }
0x451: {  	[tilespmem:s23], [sflag:$0x2] =	stream.indirect_vreg.gather [hbm4b:s5+s2], $0x80, v19, vm0, $0xb8;
	[tilespmem:$0x1BF80] =	vst v63  }
0x452: {  	s20 =	simm.s32 $0x15800;
	v61 =	vperm.xlane v18, v7;
	v19 =	vadd.s32 v4, v60  }
0x453: {  	[tilespmem:s20], [sflag:$0x2] =	stream.indirect_vreg.gather [hbm4b:s5+s2], $0x80, v20, vm0, $0xb8;
	[tilespmem:$0x1BF80] =	vst v63  }
0x454: {  	v63 =	vperm.xlane v18, v8;
	v62 =	vadd.s32 v4, v61;
	s23 =	simm.s32 $0x15880  }
0x455: {  	[tilespmem:s23], [sflag:$0x2] =	stream.indirect_vreg.gather [hbm4b:s5+s2], $0x80, v21, vm0, $0xb8;
	[tilespmem:$0x1BF80] =	vst v63  }
0x456: {  	v25 =	vperm.xlane v18, v9;
	v24 =	vadd.s32 v4, v63;
	s20 =	simm.s32 $0x15900  }
0x457: {  	[tilespmem:s20], [sflag:$0x2] =	stream.indirect_vreg.gather [hbm4b:s5+s2], $0x80, v19, vm0, $0xb8;
	[tilespmem:$0x1BF80] =	vst v63  }
0x458: {  	v26 =	vperm.xlane v18, v0;
	s23 =	simm.s32 $0x15980;
	v19 =	vadd.s32 v4, v25  }
0x459: {  	[tilespmem:s23], [sflag:$0x2] =	stream.indirect_vreg.gather [hbm4b:s5+s2], $0x80, v62, vm0, $0xb8;
	[tilespmem:$0x1BF80] =	vst v63  }
0x45a: {  	v28 =	vperm.xlane v18, v10;
	v27 =	vadd.s32 v4, v26;
	s20 =	simm.s32 $0x15A00  }
0x45b: {  	[tilespmem:s20], [sflag:$0x2] =	stream.indirect_vreg.gather [hbm4b:s5+s2], $0x80, v24, vm0, $0xb8;
	[tilespmem:$0x1BF80] =	vst v63  }
0x45c: {  	v30 =	vperm.xlane v18, v11;
	v29 =	vadd.s32 v4, v28;
	s23 =	simm.s32 $0x15A80  }
0x45d: {  	[tilespmem:s23], [sflag:$0x2] =	stream.indirect_vreg.gather [hbm4b:s5+s2], $0x80, v19, vm0, $0xb8;
	[tilespmem:$0x1BF80] =	vst v63  }
0x45e: {  	v31 =	vperm.xlane v18, v12;
	s20 =	simm.s32 $0x15B00;
	v19 =	vadd.s32 v4, v30  }
0x45f: {  	[tilespmem:s20], [sflag:$0x2] =	stream.indirect_vreg.gather [hbm4b:s5+s2], $0x80, v27, vm0, $0xb8;
	[tilespmem:$0x1BF80] =	vst v63  }
0x460: {  	v33 =	vperm.xlane v18, v13;
	v32 =	vadd.s32 v4, v31;
	s23 =	simm.s32 $0x15B80  }
0x461: {  	[tilespmem:s23], [sflag:$0x2] =	stream.indirect_vreg.gather [hbm4b:s5+s2], $0x80, v29, vm0, $0xb8;
	[tilespmem:$0x1BF80] =	vst v63  }
0x462: {  	v35 =	vperm.xlane v18, v14;
	v34 =	vadd.s32 v4, v33;
	s20 =	simm.s32 $0x15C00  }
0x463: {  	[tilespmem:s20], [sflag:$0x2] =	stream.indirect_vreg.gather [hbm4b:s5+s2], $0x80, v19, vm0, $0xb8;
	[tilespmem:$0x1BF80] =	vst v63  }
0x464: {  	v36 =	vperm.xlane v18, v15;
	s23 =	simm.s32 $0x15C80;
	v19 =	vadd.s32 v4, v35  }
0x465: {  	[tilespmem:s23], [sflag:$0x2] =	stream.indirect_vreg.gather [hbm4b:s5+s2], $0x80, v32, vm0, $0xb8;
	[tilespmem:$0x1BF80] =	vst v63  }
0x466: {  	v38 =	vperm.xlane v18, v16;
	v37 =	vadd.s32 v4, v36;
	s20 =	simm.s32 $0x15D00  }
0x467: {  	[tilespmem:s20], [sflag:$0x2] =	stream.indirect_vreg.gather [hbm4b:s5+s2], $0x80, v34, vm0, $0xb8;
	[tilespmem:$0x1BF80] =	vst v63  }
0x468: {  	v18 =	vperm.xlane v18, v17;
	v39 =	vadd.s32 v4, v38;
	s23 =	simm.s32 $0x15D80  }
0x469: {  	[tilespmem:s23], [sflag:$0x2] =	stream.indirect_vreg.gather [hbm4b:s5+s2], $0x80, v19, vm0, $0xb8;
	[tilespmem:$0x1BF80] =	vst v63  }
0x46a: {  	v18 =	vadd.s32 v4, v18;
	s20 =	simm.s32 $0x15E00  }
0x46b: {  	[tilespmem:s20], [sflag:$0x2] =	stream.indirect_vreg.gather [hbm4b:s5+s2], $0x80, v37, vm0, $0xb8;
	[tilespmem:$0x1BF80] =	vst v63  }
0x46c: {  	s23 =	simm.s32 $0x15E80  }
0x46d: {  	[tilespmem:s23], [sflag:$0x2] =	stream.indirect_vreg.gather [hbm4b:s5+s2], $0x80, v39, vm0, $0xb8;
	[tilespmem:$0x1BF80] =	vst v63  }
0x46e: {  	s20 =	simm.s32 $0x15F00  }
0x46f: {  	[tilespmem:s20], [sflag:$0x2] =	stream.indirect_vreg.gather [hbm4b:s5+s2], $0x80, v18, vm0, $0xb8;
	[tilespmem:$0x1BF80] =	vst v63  }
0x470: {  	v18 =	vld [tilespmem:$0x1C0];
	_ =	sdelay $0x4  }
0x471: {  	v19 =	vshll.u32 v18, $0x3  }
0x472: {  	v18 =	vand.u32 $0x7, v18;
	v19 =	vand.u32 $0xFFFFFFC0, v19  }
0x473: {  	v18 =	vor.u32 v18, v19  }
0x474: {  	v19 =	vperm.xlane v18, v2;
	_ =	sdelay $0x1  }
0x475: {  	v40 =	vperm.xlane v18, v5;
	v19 =	vadd.s32 v4, v19;
	_ =	sdelay $0x1  }
0x476: {  	v41 =	vperm.xlane v18, v6;
	v20 =	vadd.s32 v4, v40;
	_ =	sdelay $0x1  }
0x477: {  	s23 =	simm.s32 $0x15F80;
	v42 =	vperm.xlane v18, v1;
	v21 =	vadd.s32 v4, v41  }
0x478: {  	[tilespmem:s23], [sflag:$0x2] =	stream.indirect_vreg.gather [hbm4b:s5+s2], $0x80, v19, vm0, $0xb8;
	[tilespmem:$0x1BF80] =	vst v63  }
0x479: {  	s20 =	simm.s32 $0x16000;
	v43 =	vperm.xlane v18, v7;
	v19 =	vadd.s32 v4, v42  }
0x47a: {  	[tilespmem:s20], [sflag:$0x2] =	stream.indirect_vreg.gather [hbm4b:s5+s2], $0x80, v20, vm0, $0xb8;
	[tilespmem:$0x1BF80] =	vst v63  }
0x47b: {  	v45 =	vperm.xlane v18, v8;
	v44 =	vadd.s32 v4, v43;
	s23 =	simm.s32 $0x16080  }
0x47c: {  	[tilespmem:s23], [sflag:$0x2] =	stream.indirect_vreg.gather [hbm4b:s5+s2], $0x80, v21, vm0, $0xb8;
	[tilespmem:$0x1BF80] =	vst v63  }
0x47d: {  	v47 =	vperm.xlane v18, v9;
	v46 =	vadd.s32 v4, v45;
	s20 =	simm.s32 $0x16100  }
0x47e: {  	[tilespmem:s20], [sflag:$0x2] =	stream.indirect_vreg.gather [hbm4b:s5+s2], $0x80, v19, vm0, $0xb8;
	[tilespmem:$0x1BF80] =	vst v63  }
0x47f: {  	v48 =	vperm.xlane v18, v0;
	s23 =	simm.s32 $0x16180;
	v19 =	vadd.s32 v4, v47  }
0x480: {  	[tilespmem:s23], [sflag:$0x2] =	stream.indirect_vreg.gather [hbm4b:s5+s2], $0x80, v44, vm0, $0xb8;
	[tilespmem:$0x1BF80] =	vst v63  }
0x481: {  	v50 =	vperm.xlane v18, v10;
	v49 =	vadd.s32 v4, v48;
	s20 =	simm.s32 $0x16200  }
0x482: {  	[tilespmem:s20], [sflag:$0x2] =	stream.indirect_vreg.gather [hbm4b:s5+s2], $0x80, v46, vm0, $0xb8;
	[tilespmem:$0x1BF80] =	vst v63  }
0x483: {  	v52 =	vperm.xlane v18, v11;
	v51 =	vadd.s32 v4, v50;
	s23 =	simm.s32 $0x16280  }
0x484: {  	[tilespmem:s23], [sflag:$0x2] =	stream.indirect_vreg.gather [hbm4b:s5+s2], $0x80, v19, vm0, $0xb8;
	[tilespmem:$0x1BF80] =	vst v63  }
0x485: {  	v53 =	vperm.xlane v18, v12;
	s20 =	simm.s32 $0x16300;
	v19 =	vadd.s32 v4, v52  }
0x486: {  	[tilespmem:s20], [sflag:$0x2] =	stream.indirect_vreg.gather [hbm4b:s5+s2], $0x80, v49, vm0, $0xb8;
	[tilespmem:$0x1BF80] =	vst v63  }
0x487: {  	v55 =	vperm.xlane v18, v13;
	v54 =	vadd.s32 v4, v53;
	s23 =	simm.s32 $0x16380  }
0x488: {  	[tilespmem:s23], [sflag:$0x2] =	stream.indirect_vreg.gather [hbm4b:s5+s2], $0x80, v51, vm0, $0xb8;
	[tilespmem:$0x1BF80] =	vst v63  }
0x489: {  	v57 =	vperm.xlane v18, v14;
	v56 =	vadd.s32 v4, v55;
	s20 =	simm.s32 $0x16400  }
0x48a: {  	[tilespmem:s20], [sflag:$0x2] =	stream.indirect_vreg.gather [hbm4b:s5+s2], $0x80, v19, vm0, $0xb8;
	[tilespmem:$0x1BF80] =	vst v63  }
0x48b: {  	v58 =	vperm.xlane v18, v15;
	s23 =	simm.s32 $0x16480;
	v19 =	vadd.s32 v4, v57  }
0x48c: {  	[tilespmem:s23], [sflag:$0x2] =	stream.indirect_vreg.gather [hbm4b:s5+s2], $0x80, v54, vm0, $0xb8;
	[tilespmem:$0x1BF80] =	vst v63  }
0x48d: {  	v60 =	vperm.xlane v18, v16;
	v59 =	vadd.s32 v4, v58;
	s20 =	simm.s32 $0x16500  }
0x48e: {  	[tilespmem:s20], [sflag:$0x2] =	stream.indirect_vreg.gather [hbm4b:s5+s2], $0x80, v56, vm0, $0xb8;
	[tilespmem:$0x1BF80] =	vst v63  }
0x48f: {  	v18 =	vperm.xlane v18, v17;
	v61 =	vadd.s32 v4, v60;
	s23 =	simm.s32 $0x16580  }
0x490: {  	[tilespmem:s23], [sflag:$0x2] =	stream.indirect_vreg.gather [hbm4b:s5+s2], $0x80, v19, vm0, $0xb8;
	[tilespmem:$0x1BF80] =	vst v63  }
0x491: {  	v18 =	vadd.s32 v4, v18;
	s20 =	simm.s32 $0x16600  }
0x492: {  	[tilespmem:s20], [sflag:$0x2] =	stream.indirect_vreg.gather [hbm4b:s5+s2], $0x80, v59, vm0, $0xb8;
	[tilespmem:$0x1BF80] =	vst v63  }
0x493: {  	s23 =	simm.s32 $0x16680  }
0x494: {  	[tilespmem:s23], [sflag:$0x2] =	stream.indirect_vreg.gather [hbm4b:s5+s2], $0x80, v61, vm0, $0xb8;
	[tilespmem:$0x1BF80] =	vst v63  }
0x495: {  	s20 =	simm.s32 $0x16700  }
0x496: {  	[tilespmem:s20], [sflag:$0x2] =	stream.indirect_vreg.gather [hbm4b:s5+s2], $0x80, v18, vm0, $0xb8;
	[tilespmem:$0x1BF80] =	vst v63  }
0x497: {  	v18 =	vld [tilespmem:$0x1D0];
	_ =	sdelay $0x4  }
0x498: {  	v19 =	vshll.u32 v18, $0x3  }
0x499: {  	v18 =	vand.u32 $0x7, v18;
	v19 =	vand.u32 $0xFFFFFFC0, v19  }
0x49a: {  	v18 =	vor.u32 v18, v19  }
0x49b: {  	v19 =	vperm.xlane v18, v2;
	_ =	sdelay $0x1  }
0x49c: {  	v62 =	vperm.xlane v18, v5;
	v19 =	vadd.s32 v4, v19;
	_ =	sdelay $0x1  }
0x49d: {  	v63 =	vperm.xlane v18, v6;
	v20 =	vadd.s32 v4, v62;
	_ =	sdelay $0x1  }
0x49e: {  	s23 =	simm.s32 $0x16780;
	v24 =	vperm.xlane v18, v1;
	v21 =	vadd.s32 v4, v63  }
0x49f: {  	[tilespmem:s23], [sflag:$0x2] =	stream.indirect_vreg.gather [hbm4b:s5+s2], $0x80, v19, vm0, $0xb8;
	[tilespmem:$0x1BF80] =	vst v63  }
0x4a0: {  	s20 =	simm.s32 $0x16800;
	v25 =	vperm.xlane v18, v7;
	v19 =	vadd.s32 v4, v24  }
0x4a1: {  	[tilespmem:s20], [sflag:$0x2] =	stream.indirect_vreg.gather [hbm4b:s5+s2], $0x80, v20, vm0, $0xb8;
	[tilespmem:$0x1BF80] =	vst v63  }
0x4a2: {  	v27 =	vperm.xlane v18, v8;
	v26 =	vadd.s32 v4, v25;
	s23 =	simm.s32 $0x16880  }
0x4a3: {  	[tilespmem:s23], [sflag:$0x2] =	stream.indirect_vreg.gather [hbm4b:s5+s2], $0x80, v21, vm0, $0xb8;
	[tilespmem:$0x1BF80] =	vst v63  }
0x4a4: {  	v29 =	vperm.xlane v18, v9;
	v28 =	vadd.s32 v4, v27;
	s20 =	simm.s32 $0x16900  }
0x4a5: {  	[tilespmem:s20], [sflag:$0x2] =	stream.indirect_vreg.gather [hbm4b:s5+s2], $0x80, v19, vm0, $0xb8;
	[tilespmem:$0x1BF80] =	vst v63  }
0x4a6: {  	v30 =	vperm.xlane v18, v0;
	s23 =	simm.s32 $0x16980;
	v19 =	vadd.s32 v4, v29  }
0x4a7: {  	[tilespmem:s23], [sflag:$0x2] =	stream.indirect_vreg.gather [hbm4b:s5+s2], $0x80, v26, vm0, $0xb8;
	[tilespmem:$0x1BF80] =	vst v63  }
0x4a8: {  	v32 =	vperm.xlane v18, v10;
	v31 =	vadd.s32 v4, v30;
	s20 =	simm.s32 $0x16A00  }
0x4a9: {  	[tilespmem:s20], [sflag:$0x2] =	stream.indirect_vreg.gather [hbm4b:s5+s2], $0x80, v28, vm0, $0xb8;
	[tilespmem:$0x1BF80] =	vst v63  }
0x4aa: {  	v34 =	vperm.xlane v18, v11;
	v33 =	vadd.s32 v4, v32;
	s23 =	simm.s32 $0x16A80  }
0x4ab: {  	[tilespmem:s23], [sflag:$0x2] =	stream.indirect_vreg.gather [hbm4b:s5+s2], $0x80, v19, vm0, $0xb8;
	[tilespmem:$0x1BF80] =	vst v63  }
0x4ac: {  	v35 =	vperm.xlane v18, v12;
	s20 =	simm.s32 $0x16B00;
	v19 =	vadd.s32 v4, v34  }
0x4ad: {  	[tilespmem:s20], [sflag:$0x2] =	stream.indirect_vreg.gather [hbm4b:s5+s2], $0x80, v31, vm0, $0xb8;
	[tilespmem:$0x1BF80] =	vst v63  }
0x4ae: {  	v37 =	vperm.xlane v18, v13;
	v36 =	vadd.s32 v4, v35;
	s23 =	simm.s32 $0x16B80  }
0x4af: {  	[tilespmem:s23], [sflag:$0x2] =	stream.indirect_vreg.gather [hbm4b:s5+s2], $0x80, v33, vm0, $0xb8;
	[tilespmem:$0x1BF80] =	vst v63  }
0x4b0: {  	v39 =	vperm.xlane v18, v14;
	v38 =	vadd.s32 v4, v37;
	s20 =	simm.s32 $0x16C00  }
0x4b1: {  	[tilespmem:s20], [sflag:$0x2] =	stream.indirect_vreg.gather [hbm4b:s5+s2], $0x80, v19, vm0, $0xb8;
	[tilespmem:$0x1BF80] =	vst v63  }
0x4b2: {  	v40 =	vperm.xlane v18, v15;
	s23 =	simm.s32 $0x16C80;
	v19 =	vadd.s32 v4, v39  }
0x4b3: {  	[tilespmem:s23], [sflag:$0x2] =	stream.indirect_vreg.gather [hbm4b:s5+s2], $0x80, v36, vm0, $0xb8;
	[tilespmem:$0x1BF80] =	vst v63  }
0x4b4: {  	v42 =	vperm.xlane v18, v16;
	v41 =	vadd.s32 v4, v40;
	s20 =	simm.s32 $0x16D00  }
0x4b5: {  	[tilespmem:s20], [sflag:$0x2] =	stream.indirect_vreg.gather [hbm4b:s5+s2], $0x80, v38, vm0, $0xb8;
	[tilespmem:$0x1BF80] =	vst v63  }
0x4b6: {  	v18 =	vperm.xlane v18, v17;
	v43 =	vadd.s32 v4, v42;
	s23 =	simm.s32 $0x16D80  }
0x4b7: {  	[tilespmem:s23], [sflag:$0x2] =	stream.indirect_vreg.gather [hbm4b:s5+s2], $0x80, v19, vm0, $0xb8;
	[tilespmem:$0x1BF80] =	vst v63  }
0x4b8: {  	v18 =	vadd.s32 v4, v18;
	s20 =	simm.s32 $0x16E00  }
0x4b9: {  	[tilespmem:s20], [sflag:$0x2] =	stream.indirect_vreg.gather [hbm4b:s5+s2], $0x80, v41, vm0, $0xb8;
	[tilespmem:$0x1BF80] =	vst v63  }
0x4ba: {  	s23 =	simm.s32 $0x16E80  }
0x4bb: {  	[tilespmem:s23], [sflag:$0x2] =	stream.indirect_vreg.gather [hbm4b:s5+s2], $0x80, v43, vm0, $0xb8;
	[tilespmem:$0x1BF80] =	vst v63  }
0x4bc: {  	s20 =	simm.s32 $0x16F00  }
0x4bd: {  	[tilespmem:s20], [sflag:$0x2] =	stream.indirect_vreg.gather [hbm4b:s5+s2], $0x80, v18, vm0, $0xb8;
	[tilespmem:$0x1BF80] =	vst v63  }
0x4be: {  	v18 =	vld [tilespmem:$0x1E0];
	_ =	sdelay $0x4  }
0x4bf: {  	v19 =	vshll.u32 v18, $0x3  }
0x4c0: {  	v18 =	vand.u32 $0x7, v18;
	v19 =	vand.u32 $0xFFFFFFC0, v19  }
0x4c1: {  	v18 =	vor.u32 v18, v19  }
0x4c2: {  	v19 =	vperm.xlane v18, v2;
	_ =	sdelay $0x1  }
0x4c3: {  	v44 =	vperm.xlane v18, v5;
	v19 =	vadd.s32 v4, v19;
	_ =	sdelay $0x1  }
0x4c4: {  	v45 =	vperm.xlane v18, v6;
	v20 =	vadd.s32 v4, v44;
	_ =	sdelay $0x1  }
0x4c5: {  	s23 =	simm.s32 $0x16F80;
	v46 =	vperm.xlane v18, v1;
	v21 =	vadd.s32 v4, v45  }
0x4c6: {  	[tilespmem:s23], [sflag:$0x2] =	stream.indirect_vreg.gather [hbm4b:s5+s2], $0x80, v19, vm0, $0xb8;
	[tilespmem:$0x1BF80] =	vst v63  }
0x4c7: {  	s20 =	simm.s32 $0x17000;
	v47 =	vperm.xlane v18, v7;
	v19 =	vadd.s32 v4, v46  }
0x4c8: {  	[tilespmem:s20], [sflag:$0x2] =	stream.indirect_vreg.gather [hbm4b:s5+s2], $0x80, v20, vm0, $0xb8;
	[tilespmem:$0x1BF80] =	vst v63  }
0x4c9: {  	v49 =	vperm.xlane v18, v8;
	v48 =	vadd.s32 v4, v47;
	s23 =	simm.s32 $0x17080  }
0x4ca: {  	[tilespmem:s23], [sflag:$0x2] =	stream.indirect_vreg.gather [hbm4b:s5+s2], $0x80, v21, vm0, $0xb8;
	[tilespmem:$0x1BF80] =	vst v63  }
0x4cb: {  	v51 =	vperm.xlane v18, v9;
	v50 =	vadd.s32 v4, v49;
	s20 =	simm.s32 $0x17100  }
0x4cc: {  	[tilespmem:s20], [sflag:$0x2] =	stream.indirect_vreg.gather [hbm4b:s5+s2], $0x80, v19, vm0, $0xb8;
	[tilespmem:$0x1BF80] =	vst v63  }
0x4cd: {  	v52 =	vperm.xlane v18, v0;
	s23 =	simm.s32 $0x17180;
	v19 =	vadd.s32 v4, v51  }
0x4ce: {  	[tilespmem:s23], [sflag:$0x2] =	stream.indirect_vreg.gather [hbm4b:s5+s2], $0x80, v48, vm0, $0xb8;
	[tilespmem:$0x1BF80] =	vst v63  }
0x4cf: {  	v54 =	vperm.xlane v18, v10;
	v53 =	vadd.s32 v4, v52;
	s20 =	simm.s32 $0x17200  }
0x4d0: {  	[tilespmem:s20], [sflag:$0x2] =	stream.indirect_vreg.gather [hbm4b:s5+s2], $0x80, v50, vm0, $0xb8;
	[tilespmem:$0x1BF80] =	vst v63  }
0x4d1: {  	v56 =	vperm.xlane v18, v11;
	v55 =	vadd.s32 v4, v54;
	s23 =	simm.s32 $0x17280  }
0x4d2: {  	[tilespmem:s23], [sflag:$0x2] =	stream.indirect_vreg.gather [hbm4b:s5+s2], $0x80, v19, vm0, $0xb8;
	[tilespmem:$0x1BF80] =	vst v63  }
0x4d3: {  	v57 =	vperm.xlane v18, v12;
	s20 =	simm.s32 $0x17300;
	v19 =	vadd.s32 v4, v56  }
0x4d4: {  	[tilespmem:s20], [sflag:$0x2] =	stream.indirect_vreg.gather [hbm4b:s5+s2], $0x80, v53, vm0, $0xb8;
	[tilespmem:$0x1BF80] =	vst v63  }
0x4d5: {  	v59 =	vperm.xlane v18, v13;
	v58 =	vadd.s32 v4, v57;
	s23 =	simm.s32 $0x17380  }
0x4d6: {  	[tilespmem:s23], [sflag:$0x2] =	stream.indirect_vreg.gather [hbm4b:s5+s2], $0x80, v55, vm0, $0xb8;
	[tilespmem:$0x1BF80] =	vst v63  }
0x4d7: {  	v61 =	vperm.xlane v18, v14;
	v60 =	vadd.s32 v4, v59;
	s20 =	simm.s32 $0x17400  }
0x4d8: {  	[tilespmem:s20], [sflag:$0x2] =	stream.indirect_vreg.gather [hbm4b:s5+s2], $0x80, v19, vm0, $0xb8;
	[tilespmem:$0x1BF80] =	vst v63  }
0x4d9: {  	v62 =	vperm.xlane v18, v15;
	s23 =	simm.s32 $0x17480;
	v19 =	vadd.s32 v4, v61  }
0x4da: {  	[tilespmem:s23], [sflag:$0x2] =	stream.indirect_vreg.gather [hbm4b:s5+s2], $0x80, v58, vm0, $0xb8;
	[tilespmem:$0x1BF80] =	vst v63  }
0x4db: {  	v24 =	vperm.xlane v18, v16;
	v63 =	vadd.s32 v4, v62;
	s20 =	simm.s32 $0x17500  }
0x4dc: {  	[tilespmem:s20], [sflag:$0x2] =	stream.indirect_vreg.gather [hbm4b:s5+s2], $0x80, v60, vm0, $0xb8;
	[tilespmem:$0x1BF80] =	vst v63  }
0x4dd: {  	v18 =	vperm.xlane v18, v17;
	v25 =	vadd.s32 v4, v24;
	s23 =	simm.s32 $0x17580  }
0x4de: {  	[tilespmem:s23], [sflag:$0x2] =	stream.indirect_vreg.gather [hbm4b:s5+s2], $0x80, v19, vm0, $0xb8;
	[tilespmem:$0x1BF80] =	vst v63  }
0x4df: {  	v18 =	vadd.s32 v4, v18;
	s20 =	simm.s32 $0x17600  }
0x4e0: {  	[tilespmem:s20], [sflag:$0x2] =	stream.indirect_vreg.gather [hbm4b:s5+s2], $0x80, v63, vm0, $0xb8;
	[tilespmem:$0x1BF80] =	vst v63  }
0x4e1: {  	s23 =	simm.s32 $0x17680  }
0x4e2: {  	[tilespmem:s23], [sflag:$0x2] =	stream.indirect_vreg.gather [hbm4b:s5+s2], $0x80, v25, vm0, $0xb8;
	[tilespmem:$0x1BF80] =	vst v63  }
0x4e3: {  	s20 =	simm.s32 $0x17700  }
0x4e4: {  	[tilespmem:s20], [sflag:$0x2] =	stream.indirect_vreg.gather [hbm4b:s5+s2], $0x80, v18, vm0, $0xb8;
	[tilespmem:$0x1BF80] =	vst v63  }
0x4e5: {  	v18 =	vld [tilespmem:$0x1F0];
	_ =	sdelay $0x4  }
0x4e6: {  	v19 =	vshll.u32 v18, $0x3  }
0x4e7: {  	v18 =	vand.u32 $0x7, v18;
	v19 =	vand.u32 $0xFFFFFFC0, v19  }
0x4e8: {  	v18 =	vor.u32 v18, v19  }
0x4e9: {  	v19 =	vperm.xlane v18, v2;
	_ =	sdelay $0x1  }
0x4ea: {  	v26 =	vperm.xlane v18, v5;
	v19 =	vadd.s32 v4, v19;
	_ =	sdelay $0x1  }
0x4eb: {  	v27 =	vperm.xlane v18, v6;
	v20 =	vadd.s32 v4, v26;
	_ =	sdelay $0x1  }
0x4ec: {  	s23 =	simm.s32 $0x17780;
	v28 =	vperm.xlane v18, v1;
	v21 =	vadd.s32 v4, v27  }
0x4ed: {  	[tilespmem:s23], [sflag:$0x2] =	stream.indirect_vreg.gather [hbm4b:s5+s2], $0x80, v19, vm0, $0xb8;
	[tilespmem:$0x1BF80] =	vst v63  }
0x4ee: {  	s20 =	simm.s32 $0x17800;
	v29 =	vperm.xlane v18, v7;
	v19 =	vadd.s32 v4, v28  }
0x4ef: {  	[tilespmem:s20], [sflag:$0x2] =	stream.indirect_vreg.gather [hbm4b:s5+s2], $0x80, v20, vm0, $0xb8;
	[tilespmem:$0x1BF80] =	vst v63  }
0x4f0: {  	v31 =	vperm.xlane v18, v8;
	v30 =	vadd.s32 v4, v29;
	s23 =	simm.s32 $0x17880  }
0x4f1: {  	[tilespmem:s23], [sflag:$0x2] =	stream.indirect_vreg.gather [hbm4b:s5+s2], $0x80, v21, vm0, $0xb8;
	[tilespmem:$0x1BF80] =	vst v63  }
0x4f2: {  	v33 =	vperm.xlane v18, v9;
	v32 =	vadd.s32 v4, v31;
	s20 =	simm.s32 $0x17900  }
0x4f3: {  	[tilespmem:s20], [sflag:$0x2] =	stream.indirect_vreg.gather [hbm4b:s5+s2], $0x80, v19, vm0, $0xb8;
	[tilespmem:$0x1BF80] =	vst v63  }
0x4f4: {  	v34 =	vperm.xlane v18, v0;
	s23 =	simm.s32 $0x17980;
	v19 =	vadd.s32 v4, v33  }
0x4f5: {  	[tilespmem:s23], [sflag:$0x2] =	stream.indirect_vreg.gather [hbm4b:s5+s2], $0x80, v30, vm0, $0xb8;
	[tilespmem:$0x1BF80] =	vst v63  }
0x4f6: {  	v36 =	vperm.xlane v18, v10;
	v35 =	vadd.s32 v4, v34;
	s20 =	simm.s32 $0x17A00  }
0x4f7: {  	[tilespmem:s20], [sflag:$0x2] =	stream.indirect_vreg.gather [hbm4b:s5+s2], $0x80, v32, vm0, $0xb8;
	[tilespmem:$0x1BF80] =	vst v63  }
0x4f8: {  	v38 =	vperm.xlane v18, v11;
	v37 =	vadd.s32 v4, v36;
	s23 =	simm.s32 $0x17A80  }
0x4f9: {  	[tilespmem:s23], [sflag:$0x2] =	stream.indirect_vreg.gather [hbm4b:s5+s2], $0x80, v19, vm0, $0xb8;
	[tilespmem:$0x1BF80] =	vst v63  }
0x4fa: {  	v39 =	vperm.xlane v18, v12;
	s20 =	simm.s32 $0x17B00;
	v19 =	vadd.s32 v4, v38  }
0x4fb: {  	[tilespmem:s20], [sflag:$0x2] =	stream.indirect_vreg.gather [hbm4b:s5+s2], $0x80, v35, vm0, $0xb8;
	[tilespmem:$0x1BF80] =	vst v63  }
0x4fc: {  	v41 =	vperm.xlane v18, v13;
	v40 =	vadd.s32 v4, v39;
	s23 =	simm.s32 $0x17B80  }
0x4fd: {  	[tilespmem:s23], [sflag:$0x2] =	stream.indirect_vreg.gather [hbm4b:s5+s2], $0x80, v37, vm0, $0xb8;
	[tilespmem:$0x1BF80] =	vst v63  }
0x4fe: {  	v43 =	vperm.xlane v18, v14;
	v42 =	vadd.s32 v4, v41;
	s20 =	simm.s32 $0x17C00  }
0x4ff: {  	[tilespmem:s20], [sflag:$0x2] =	stream.indirect_vreg.gather [hbm4b:s5+s2], $0x80, v19, vm0, $0xb8;
	[tilespmem:$0x1BF80] =	vst v63  }
0x500: {  	v44 =	vperm.xlane v18, v15;
	s23 =	simm.s32 $0x17C80;
	v19 =	vadd.s32 v4, v43  }
0x501: {  	[tilespmem:s23], [sflag:$0x2] =	stream.indirect_vreg.gather [hbm4b:s5+s2], $0x80, v40, vm0, $0xb8;
	[tilespmem:$0x1BF80] =	vst v63  }
0x502: {  	v46 =	vperm.xlane v18, v16;
	v45 =	vadd.s32 v4, v44;
	s20 =	simm.s32 $0x17D00  }
0x503: {  	[tilespmem:s20], [sflag:$0x2] =	stream.indirect_vreg.gather [hbm4b:s5+s2], $0x80, v42, vm0, $0xb8;
	[tilespmem:$0x1BF80] =	vst v63  }
0x504: {  	v18 =	vperm.xlane v18, v17;
	v47 =	vadd.s32 v4, v46;
	s23 =	simm.s32 $0x17D80  }
0x505: {  	[tilespmem:s23], [sflag:$0x2] =	stream.indirect_vreg.gather [hbm4b:s5+s2], $0x80, v19, vm0, $0xb8;
	[tilespmem:$0x1BF80] =	vst v63  }
0x506: {  	v18 =	vadd.s32 v4, v18;
	s20 =	simm.s32 $0x17E00  }
0x507: {  	[tilespmem:s20], [sflag:$0x2] =	stream.indirect_vreg.gather [hbm4b:s5+s2], $0x80, v45, vm0, $0xb8;
	[tilespmem:$0x1BF80] =	vst v63  }
0x508: {  	s23 =	simm.s32 $0x17E80  }
0x509: {  	[tilespmem:s23], [sflag:$0x2] =	stream.indirect_vreg.gather [hbm4b:s5+s2], $0x80, v47, vm0, $0xb8;
	[tilespmem:$0x1BF80] =	vst v63  }
0x50a: {  	s20 =	simm.s32 $0x17F00  }
0x50b: {  	[tilespmem:s20], [sflag:$0x2] =	stream.indirect_vreg.gather [hbm4b:s5+s2], $0x80, v18, vm0, $0xb8;
	[tilespmem:$0x1BF80] =	vst v63  }
0x50c: {  	v18 =	vld [tilespmem:$0x200];
	_ =	sdelay $0x4  }
0x50d: {  	v19 =	vshll.u32 v18, $0x3  }
0x50e: {  	v18 =	vand.u32 $0x7, v18;
	v19 =	vand.u32 $0xFFFFFFC0, v19  }
0x50f: {  	v18 =	vor.u32 v18, v19  }
0x510: {  	v19 =	vperm.xlane v18, v2;
	_ =	sdelay $0x1  }
0x511: {  	v48 =	vperm.xlane v18, v5;
	v19 =	vadd.s32 v4, v19;
	_ =	sdelay $0x1  }
0x512: {  	v49 =	vperm.xlane v18, v6;
	v20 =	vadd.s32 v4, v48;
	_ =	sdelay $0x1  }
0x513: {  	s23 =	simm.s32 $0x17F80;
	v50 =	vperm.xlane v18, v1;
	v21 =	vadd.s32 v4, v49  }
0x514: {  	[tilespmem:s23], [sflag:$0x2] =	stream.indirect_vreg.gather [hbm4b:s5+s2], $0x80, v19, vm0, $0xb8;
	[tilespmem:$0x1BF80] =	vst v63  }
0x515: {  	s20 =	simm.s32 $0x18000;
	v51 =	vperm.xlane v18, v7;
	v19 =	vadd.s32 v4, v50  }
0x516: {  	[tilespmem:s20], [sflag:$0x2] =	stream.indirect_vreg.gather [hbm4b:s5+s2], $0x80, v20, vm0, $0xb8;
	[tilespmem:$0x1BF80] =	vst v63  }
0x517: {  	v53 =	vperm.xlane v18, v8;
	v52 =	vadd.s32 v4, v51;
	s23 =	simm.s32 $0x18080  }
0x518: {  	[tilespmem:s23], [sflag:$0x2] =	stream.indirect_vreg.gather [hbm4b:s5+s2], $0x80, v21, vm0, $0xb8;
	[tilespmem:$0x1BF80] =	vst v63  }
0x519: {  	v55 =	vperm.xlane v18, v9;
	v54 =	vadd.s32 v4, v53;
	s20 =	simm.s32 $0x18100  }
0x51a: {  	[tilespmem:s20], [sflag:$0x2] =	stream.indirect_vreg.gather [hbm4b:s5+s2], $0x80, v19, vm0, $0xb8;
	[tilespmem:$0x1BF80] =	vst v63  }
0x51b: {  	v56 =	vperm.xlane v18, v0;
	s23 =	simm.s32 $0x18180;
	v19 =	vadd.s32 v4, v55  }
0x51c: {  	[tilespmem:s23], [sflag:$0x2] =	stream.indirect_vreg.gather [hbm4b:s5+s2], $0x80, v52, vm0, $0xb8;
	[tilespmem:$0x1BF80] =	vst v63  }
0x51d: {  	v58 =	vperm.xlane v18, v10;
	v57 =	vadd.s32 v4, v56;
	s20 =	simm.s32 $0x18200  }
0x51e: {  	[tilespmem:s20], [sflag:$0x2] =	stream.indirect_vreg.gather [hbm4b:s5+s2], $0x80, v54, vm0, $0xb8;
	[tilespmem:$0x1BF80] =	vst v63  }
0x51f: {  	v60 =	vperm.xlane v18, v11;
	v59 =	vadd.s32 v4, v58;
	s23 =	simm.s32 $0x18280  }
0x520: {  	[tilespmem:s23], [sflag:$0x2] =	stream.indirect_vreg.gather [hbm4b:s5+s2], $0x80, v19, vm0, $0xb8;
	[tilespmem:$0x1BF80] =	vst v63  }
0x521: {  	v61 =	vperm.xlane v18, v12;
	s20 =	simm.s32 $0x18300;
	v19 =	vadd.s32 v4, v60  }
0x522: {  	[tilespmem:s20], [sflag:$0x2] =	stream.indirect_vreg.gather [hbm4b:s5+s2], $0x80, v57, vm0, $0xb8;
	[tilespmem:$0x1BF80] =	vst v63  }
0x523: {  	v63 =	vperm.xlane v18, v13;
	v62 =	vadd.s32 v4, v61;
	s23 =	simm.s32 $0x18380  }
0x524: {  	[tilespmem:s23], [sflag:$0x2] =	stream.indirect_vreg.gather [hbm4b:s5+s2], $0x80, v59, vm0, $0xb8;
	[tilespmem:$0x1BF80] =	vst v63  }
0x525: {  	v25 =	vperm.xlane v18, v14;
	v24 =	vadd.s32 v4, v63;
	s20 =	simm.s32 $0x18400  }
0x526: {  	[tilespmem:s20], [sflag:$0x2] =	stream.indirect_vreg.gather [hbm4b:s5+s2], $0x80, v19, vm0, $0xb8;
	[tilespmem:$0x1BF80] =	vst v63  }
0x527: {  	v26 =	vperm.xlane v18, v15;
	s23 =	simm.s32 $0x18480;
	v19 =	vadd.s32 v4, v25  }
0x528: {  	[tilespmem:s23], [sflag:$0x2] =	stream.indirect_vreg.gather [hbm4b:s5+s2], $0x80, v62, vm0, $0xb8;
	[tilespmem:$0x1BF80] =	vst v63  }
0x529: {  	v28 =	vperm.xlane v18, v16;
	v27 =	vadd.s32 v4, v26;
	s20 =	simm.s32 $0x18500  }
0x52a: {  	[tilespmem:s20], [sflag:$0x2] =	stream.indirect_vreg.gather [hbm4b:s5+s2], $0x80, v24, vm0, $0xb8;
	[tilespmem:$0x1BF80] =	vst v63  }
0x52b: {  	v18 =	vperm.xlane v18, v17;
	v29 =	vadd.s32 v4, v28;
	s23 =	simm.s32 $0x18580  }
0x52c: {  	[tilespmem:s23], [sflag:$0x2] =	stream.indirect_vreg.gather [hbm4b:s5+s2], $0x80, v19, vm0, $0xb8;
	[tilespmem:$0x1BF80] =	vst v63  }
0x52d: {  	v18 =	vadd.s32 v4, v18;
	s20 =	simm.s32 $0x18600  }
0x52e: {  	[tilespmem:s20], [sflag:$0x2] =	stream.indirect_vreg.gather [hbm4b:s5+s2], $0x80, v27, vm0, $0xb8;
	[tilespmem:$0x1BF80] =	vst v63  }
0x52f: {  	s23 =	simm.s32 $0x18680  }
0x530: {  	[tilespmem:s23], [sflag:$0x2] =	stream.indirect_vreg.gather [hbm4b:s5+s2], $0x80, v29, vm0, $0xb8;
	[tilespmem:$0x1BF80] =	vst v63  }
0x531: {  	s20 =	simm.s32 $0x18700  }
0x532: {  	[tilespmem:s20], [sflag:$0x2] =	stream.indirect_vreg.gather [hbm4b:s5+s2], $0x80, v18, vm0, $0xb8;
	[tilespmem:$0x1BF80] =	vst v63  }
0x533: {  	v18 =	vld [tilespmem:$0x210];
	_ =	sdelay $0x4  }
0x534: {  	v19 =	vshll.u32 v18, $0x3  }
0x535: {  	v18 =	vand.u32 $0x7, v18;
	v19 =	vand.u32 $0xFFFFFFC0, v19  }
0x536: {  	v18 =	vor.u32 v18, v19  }
0x537: {  	v19 =	vperm.xlane v18, v2;
	_ =	sdelay $0x1  }
0x538: {  	v30 =	vperm.xlane v18, v5;
	v19 =	vadd.s32 v4, v19;
	_ =	sdelay $0x1  }
0x539: {  	v31 =	vperm.xlane v18, v6;
	v20 =	vadd.s32 v4, v30;
	_ =	sdelay $0x1  }
0x53a: {  	s23 =	simm.s32 $0x18780;
	v32 =	vperm.xlane v18, v1;
	v21 =	vadd.s32 v4, v31  }
0x53b: {  	[tilespmem:s23], [sflag:$0x2] =	stream.indirect_vreg.gather [hbm4b:s5+s2], $0x80, v19, vm0, $0xb8;
	[tilespmem:$0x1BF80] =	vst v63  }
0x53c: {  	s20 =	simm.s32 $0x18800;
	v33 =	vperm.xlane v18, v7;
	v19 =	vadd.s32 v4, v32  }
0x53d: {  	[tilespmem:s20], [sflag:$0x2] =	stream.indirect_vreg.gather [hbm4b:s5+s2], $0x80, v20, vm0, $0xb8;
	[tilespmem:$0x1BF80] =	vst v63  }
0x53e: {  	v35 =	vperm.xlane v18, v8;
	v34 =	vadd.s32 v4, v33;
	s23 =	simm.s32 $0x18880  }
0x53f: {  	[tilespmem:s23], [sflag:$0x2] =	stream.indirect_vreg.gather [hbm4b:s5+s2], $0x80, v21, vm0, $0xb8;
	[tilespmem:$0x1BF80] =	vst v63  }
0x540: {  	v37 =	vperm.xlane v18, v9;
	v36 =	vadd.s32 v4, v35;
	s20 =	simm.s32 $0x18900  }
0x541: {  	[tilespmem:s20], [sflag:$0x2] =	stream.indirect_vreg.gather [hbm4b:s5+s2], $0x80, v19, vm0, $0xb8;
	[tilespmem:$0x1BF80] =	vst v63  }
0x542: {  	v38 =	vperm.xlane v18, v0;
	s23 =	simm.s32 $0x18980;
	v19 =	vadd.s32 v4, v37  }
0x543: {  	[tilespmem:s23], [sflag:$0x2] =	stream.indirect_vreg.gather [hbm4b:s5+s2], $0x80, v34, vm0, $0xb8;
	[tilespmem:$0x1BF80] =	vst v63  }
0x544: {  	v40 =	vperm.xlane v18, v10;
	v39 =	vadd.s32 v4, v38;
	s20 =	simm.s32 $0x18A00  }
0x545: {  	[tilespmem:s20], [sflag:$0x2] =	stream.indirect_vreg.gather [hbm4b:s5+s2], $0x80, v36, vm0, $0xb8;
	[tilespmem:$0x1BF80] =	vst v63  }
0x546: {  	v42 =	vperm.xlane v18, v11;
	v41 =	vadd.s32 v4, v40;
	s23 =	simm.s32 $0x18A80  }
0x547: {  	[tilespmem:s23], [sflag:$0x2] =	stream.indirect_vreg.gather [hbm4b:s5+s2], $0x80, v19, vm0, $0xb8;
	[tilespmem:$0x1BF80] =	vst v63  }
0x548: {  	v43 =	vperm.xlane v18, v12;
	s20 =	simm.s32 $0x18B00;
	v19 =	vadd.s32 v4, v42  }
0x549: {  	[tilespmem:s20], [sflag:$0x2] =	stream.indirect_vreg.gather [hbm4b:s5+s2], $0x80, v39, vm0, $0xb8;
	[tilespmem:$0x1BF80] =	vst v63  }
0x54a: {  	v45 =	vperm.xlane v18, v13;
	v44 =	vadd.s32 v4, v43;
	s23 =	simm.s32 $0x18B80  }
0x54b: {  	[tilespmem:s23], [sflag:$0x2] =	stream.indirect_vreg.gather [hbm4b:s5+s2], $0x80, v41, vm0, $0xb8;
	[tilespmem:$0x1BF80] =	vst v63  }
0x54c: {  	v47 =	vperm.xlane v18, v14;
	v46 =	vadd.s32 v4, v45;
	s20 =	simm.s32 $0x18C00  }
0x54d: {  	[tilespmem:s20], [sflag:$0x2] =	stream.indirect_vreg.gather [hbm4b:s5+s2], $0x80, v19, vm0, $0xb8;
	[tilespmem:$0x1BF80] =	vst v63  }
0x54e: {  	v48 =	vperm.xlane v18, v15;
	s23 =	simm.s32 $0x18C80;
	v19 =	vadd.s32 v4, v47  }
0x54f: {  	[tilespmem:s23], [sflag:$0x2] =	stream.indirect_vreg.gather [hbm4b:s5+s2], $0x80, v44, vm0, $0xb8;
	[tilespmem:$0x1BF80] =	vst v63  }
0x550: {  	v50 =	vperm.xlane v18, v16;
	v49 =	vadd.s32 v4, v48;
	s20 =	simm.s32 $0x18D00  }
0x551: {  	[tilespmem:s20], [sflag:$0x2] =	stream.indirect_vreg.gather [hbm4b:s5+s2], $0x80, v46, vm0, $0xb8;
	[tilespmem:$0x1BF80] =	vst v63  }
0x552: {  	v18 =	vperm.xlane v18, v17;
	v51 =	vadd.s32 v4, v50;
	s23 =	simm.s32 $0x18D80  }
0x553: {  	[tilespmem:s23], [sflag:$0x2] =	stream.indirect_vreg.gather [hbm4b:s5+s2], $0x80, v19, vm0, $0xb8;
	[tilespmem:$0x1BF80] =	vst v63  }
0x554: {  	v18 =	vadd.s32 v4, v18;
	s20 =	simm.s32 $0x18E00  }
0x555: {  	[tilespmem:s20], [sflag:$0x2] =	stream.indirect_vreg.gather [hbm4b:s5+s2], $0x80, v49, vm0, $0xb8;
	[tilespmem:$0x1BF80] =	vst v63  }
0x556: {  	s23 =	simm.s32 $0x18E80  }
0x557: {  	[tilespmem:s23], [sflag:$0x2] =	stream.indirect_vreg.gather [hbm4b:s5+s2], $0x80, v51, vm0, $0xb8;
	[tilespmem:$0x1BF80] =	vst v63  }
0x558: {  	s20 =	simm.s32 $0x18F00  }
0x559: {  	[tilespmem:s20], [sflag:$0x2] =	stream.indirect_vreg.gather [hbm4b:s5+s2], $0x80, v18, vm0, $0xb8;
	[tilespmem:$0x1BF80] =	vst v63  }
0x55a: {  	v18 =	vld [tilespmem:$0x220];
	_ =	sdelay $0x4  }
0x55b: {  	v19 =	vshll.u32 v18, $0x3  }
0x55c: {  	v18 =	vand.u32 $0x7, v18;
	v19 =	vand.u32 $0xFFFFFFC0, v19  }
0x55d: {  	v18 =	vor.u32 v18, v19  }
0x55e: {  	v19 =	vperm.xlane v18, v2;
	_ =	sdelay $0x1  }
0x55f: {  	v52 =	vperm.xlane v18, v5;
	v19 =	vadd.s32 v4, v19;
	_ =	sdelay $0x1  }
0x560: {  	v53 =	vperm.xlane v18, v6;
	v20 =	vadd.s32 v4, v52;
	_ =	sdelay $0x1  }
0x561: {  	s23 =	simm.s32 $0x18F80;
	v54 =	vperm.xlane v18, v1;
	v21 =	vadd.s32 v4, v53  }
0x562: {  	[tilespmem:s23], [sflag:$0x2] =	stream.indirect_vreg.gather [hbm4b:s5+s2], $0x80, v19, vm0, $0xb8;
	[tilespmem:$0x1BF80] =	vst v63  }
0x563: {  	s20 =	simm.s32 $0x19000;
	v55 =	vperm.xlane v18, v7;
	v19 =	vadd.s32 v4, v54  }
0x564: {  	[tilespmem:s20], [sflag:$0x2] =	stream.indirect_vreg.gather [hbm4b:s5+s2], $0x80, v20, vm0, $0xb8;
	[tilespmem:$0x1BF80] =	vst v63  }
0x565: {  	v57 =	vperm.xlane v18, v8;
	v56 =	vadd.s32 v4, v55;
	s23 =	simm.s32 $0x19080  }
0x566: {  	[tilespmem:s23], [sflag:$0x2] =	stream.indirect_vreg.gather [hbm4b:s5+s2], $0x80, v21, vm0, $0xb8;
	[tilespmem:$0x1BF80] =	vst v63  }
0x567: {  	v59 =	vperm.xlane v18, v9;
	v58 =	vadd.s32 v4, v57;
	s20 =	simm.s32 $0x19100  }
0x568: {  	[tilespmem:s20], [sflag:$0x2] =	stream.indirect_vreg.gather [hbm4b:s5+s2], $0x80, v19, vm0, $0xb8;
	[tilespmem:$0x1BF80] =	vst v63  }
0x569: {  	v60 =	vperm.xlane v18, v0;
	s23 =	simm.s32 $0x19180;
	v19 =	vadd.s32 v4, v59  }
0x56a: {  	[tilespmem:s23], [sflag:$0x2] =	stream.indirect_vreg.gather [hbm4b:s5+s2], $0x80, v56, vm0, $0xb8;
	[tilespmem:$0x1BF80] =	vst v63  }
0x56b: {  	v62 =	vperm.xlane v18, v10;
	v61 =	vadd.s32 v4, v60;
	s20 =	simm.s32 $0x19200  }
0x56c: {  	[tilespmem:s20], [sflag:$0x2] =	stream.indirect_vreg.gather [hbm4b:s5+s2], $0x80, v58, vm0, $0xb8;
	[tilespmem:$0x1BF80] =	vst v63  }
0x56d: {  	v24 =	vperm.xlane v18, v11;
	v63 =	vadd.s32 v4, v62;
	s23 =	simm.s32 $0x19280  }
0x56e: {  	[tilespmem:s23], [sflag:$0x2] =	stream.indirect_vreg.gather [hbm4b:s5+s2], $0x80, v19, vm0, $0xb8;
	[tilespmem:$0x1BF80] =	vst v63  }
0x56f: {  	v25 =	vperm.xlane v18, v12;
	s20 =	simm.s32 $0x19300;
	v19 =	vadd.s32 v4, v24  }
0x570: {  	[tilespmem:s20], [sflag:$0x2] =	stream.indirect_vreg.gather [hbm4b:s5+s2], $0x80, v61, vm0, $0xb8;
	[tilespmem:$0x1BF80] =	vst v63  }
0x571: {  	v27 =	vperm.xlane v18, v13;
	v26 =	vadd.s32 v4, v25;
	s23 =	simm.s32 $0x19380  }
0x572: {  	[tilespmem:s23], [sflag:$0x2] =	stream.indirect_vreg.gather [hbm4b:s5+s2], $0x80, v63, vm0, $0xb8;
	[tilespmem:$0x1BF80] =	vst v63  }
0x573: {  	v29 =	vperm.xlane v18, v14;
	v28 =	vadd.s32 v4, v27;
	s20 =	simm.s32 $0x19400  }
0x574: {  	[tilespmem:s20], [sflag:$0x2] =	stream.indirect_vreg.gather [hbm4b:s5+s2], $0x80, v19, vm0, $0xb8;
	[tilespmem:$0x1BF80] =	vst v63  }
0x575: {  	v30 =	vperm.xlane v18, v15;
	s23 =	simm.s32 $0x19480;
	v19 =	vadd.s32 v4, v29  }
0x576: {  	[tilespmem:s23], [sflag:$0x2] =	stream.indirect_vreg.gather [hbm4b:s5+s2], $0x80, v26, vm0, $0xb8;
	[tilespmem:$0x1BF80] =	vst v63  }
0x577: {  	v32 =	vperm.xlane v18, v16;
	v31 =	vadd.s32 v4, v30;
	s20 =	simm.s32 $0x19500  }
0x578: {  	[tilespmem:s20], [sflag:$0x2] =	stream.indirect_vreg.gather [hbm4b:s5+s2], $0x80, v28, vm0, $0xb8;
	[tilespmem:$0x1BF80] =	vst v63  }
0x579: {  	v18 =	vperm.xlane v18, v17;
	v33 =	vadd.s32 v4, v32;
	s23 =	simm.s32 $0x19580  }
0x57a: {  	[tilespmem:s23], [sflag:$0x2] =	stream.indirect_vreg.gather [hbm4b:s5+s2], $0x80, v19, vm0, $0xb8;
	[tilespmem:$0x1BF80] =	vst v63  }
0x57b: {  	v18 =	vadd.s32 v4, v18;
	s20 =	simm.s32 $0x19600  }
0x57c: {  	[tilespmem:s20], [sflag:$0x2] =	stream.indirect_vreg.gather [hbm4b:s5+s2], $0x80, v31, vm0, $0xb8;
	[tilespmem:$0x1BF80] =	vst v63  }
0x57d: {  	s23 =	simm.s32 $0x19680  }
0x57e: {  	[tilespmem:s23], [sflag:$0x2] =	stream.indirect_vreg.gather [hbm4b:s5+s2], $0x80, v33, vm0, $0xb8;
	[tilespmem:$0x1BF80] =	vst v63  }
0x57f: {  	s20 =	simm.s32 $0x19700  }
0x580: {  	[tilespmem:s20], [sflag:$0x2] =	stream.indirect_vreg.gather [hbm4b:s5+s2], $0x80, v18, vm0, $0xb8;
	[tilespmem:$0x1BF80] =	vst v63  }
0x581: {  	v18 =	vld [tilespmem:$0x230];
	_ =	sdelay $0x4  }
0x582: {  	v19 =	vshll.u32 v18, $0x3  }
0x583: {  	v18 =	vand.u32 $0x7, v18;
	v19 =	vand.u32 $0xFFFFFFC0, v19  }
0x584: {  	v18 =	vor.u32 v18, v19  }
0x585: {  	v19 =	vperm.xlane v18, v2;
	_ =	sdelay $0x1  }
0x586: {  	v34 =	vperm.xlane v18, v5;
	v19 =	vadd.s32 v4, v19;
	_ =	sdelay $0x1  }
0x587: {  	v35 =	vperm.xlane v18, v6;
	v20 =	vadd.s32 v4, v34;
	_ =	sdelay $0x1  }
0x588: {  	s23 =	simm.s32 $0x19780;
	v36 =	vperm.xlane v18, v1;
	v21 =	vadd.s32 v4, v35  }
0x589: {  	[tilespmem:s23], [sflag:$0x2] =	stream.indirect_vreg.gather [hbm4b:s5+s2], $0x80, v19, vm0, $0xb8;
	[tilespmem:$0x1BF80] =	vst v63  }
0x58a: {  	s20 =	simm.s32 $0x19800;
	v37 =	vperm.xlane v18, v7;
	v19 =	vadd.s32 v4, v36  }
0x58b: {  	[tilespmem:s20], [sflag:$0x2] =	stream.indirect_vreg.gather [hbm4b:s5+s2], $0x80, v20, vm0, $0xb8;
	[tilespmem:$0x1BF80] =	vst v63  }
0x58c: {  	v39 =	vperm.xlane v18, v8;
	v38 =	vadd.s32 v4, v37;
	s23 =	simm.s32 $0x19880  }
0x58d: {  	[tilespmem:s23], [sflag:$0x2] =	stream.indirect_vreg.gather [hbm4b:s5+s2], $0x80, v21, vm0, $0xb8;
	[tilespmem:$0x1BF80] =	vst v63  }
0x58e: {  	v41 =	vperm.xlane v18, v9;
	v40 =	vadd.s32 v4, v39;
	s20 =	simm.s32 $0x19900  }
0x58f: {  	[tilespmem:s20], [sflag:$0x2] =	stream.indirect_vreg.gather [hbm4b:s5+s2], $0x80, v19, vm0, $0xb8;
	[tilespmem:$0x1BF80] =	vst v63  }
0x590: {  	v42 =	vperm.xlane v18, v0;
	s23 =	simm.s32 $0x19980;
	v19 =	vadd.s32 v4, v41  }
0x591: {  	[tilespmem:s23], [sflag:$0x2] =	stream.indirect_vreg.gather [hbm4b:s5+s2], $0x80, v38, vm0, $0xb8;
	[tilespmem:$0x1BF80] =	vst v63  }
0x592: {  	v44 =	vperm.xlane v18, v10;
	v43 =	vadd.s32 v4, v42;
	s20 =	simm.s32 $0x19A00  }
0x593: {  	[tilespmem:s20], [sflag:$0x2] =	stream.indirect_vreg.gather [hbm4b:s5+s2], $0x80, v40, vm0, $0xb8;
	[tilespmem:$0x1BF80] =	vst v63  }
0x594: {  	v46 =	vperm.xlane v18, v11;
	v45 =	vadd.s32 v4, v44;
	s23 =	simm.s32 $0x19A80  }
0x595: {  	[tilespmem:s23], [sflag:$0x2] =	stream.indirect_vreg.gather [hbm4b:s5+s2], $0x80, v19, vm0, $0xb8;
	[tilespmem:$0x1BF80] =	vst v63  }
0x596: {  	v47 =	vperm.xlane v18, v12;
	s20 =	simm.s32 $0x19B00;
	v19 =	vadd.s32 v4, v46  }
0x597: {  	[tilespmem:s20], [sflag:$0x2] =	stream.indirect_vreg.gather [hbm4b:s5+s2], $0x80, v43, vm0, $0xb8;
	[tilespmem:$0x1BF80] =	vst v63  }
0x598: {  	v49 =	vperm.xlane v18, v13;
	v48 =	vadd.s32 v4, v47;
	s23 =	simm.s32 $0x19B80  }
0x599: {  	[tilespmem:s23], [sflag:$0x2] =	stream.indirect_vreg.gather [hbm4b:s5+s2], $0x80, v45, vm0, $0xb8;
	[tilespmem:$0x1BF80] =	vst v63  }
0x59a: {  	v51 =	vperm.xlane v18, v14;
	v50 =	vadd.s32 v4, v49;
	s20 =	simm.s32 $0x19C00  }
0x59b: {  	[tilespmem:s20], [sflag:$0x2] =	stream.indirect_vreg.gather [hbm4b:s5+s2], $0x80, v19, vm0, $0xb8;
	[tilespmem:$0x1BF80] =	vst v63  }
0x59c: {  	v52 =	vperm.xlane v18, v15;
	s23 =	simm.s32 $0x19C80;
	v19 =	vadd.s32 v4, v51  }
0x59d: {  	[tilespmem:s23], [sflag:$0x2] =	stream.indirect_vreg.gather [hbm4b:s5+s2], $0x80, v48, vm0, $0xb8;
	[tilespmem:$0x1BF80] =	vst v63  }
0x59e: {  	v54 =	vperm.xlane v18, v16;
	v53 =	vadd.s32 v4, v52;
	s20 =	simm.s32 $0x19D00  }
0x59f: {  	[tilespmem:s20], [sflag:$0x2] =	stream.indirect_vreg.gather [hbm4b:s5+s2], $0x80, v50, vm0, $0xb8;
	[tilespmem:$0x1BF80] =	vst v63  }
0x5a0: {  	v18 =	vperm.xlane v18, v17;
	v55 =	vadd.s32 v4, v54;
	s23 =	simm.s32 $0x19D80  }
0x5a1: {  	[tilespmem:s23], [sflag:$0x2] =	stream.indirect_vreg.gather [hbm4b:s5+s2], $0x80, v19, vm0, $0xb8;
	[tilespmem:$0x1BF80] =	vst v63  }
0x5a2: {  	v18 =	vadd.s32 v4, v18;
	s20 =	simm.s32 $0x19E00  }
0x5a3: {  	[tilespmem:s20], [sflag:$0x2] =	stream.indirect_vreg.gather [hbm4b:s5+s2], $0x80, v53, vm0, $0xb8;
	[tilespmem:$0x1BF80] =	vst v63  }
0x5a4: {  	s23 =	simm.s32 $0x19E80  }
0x5a5: {  	[tilespmem:s23], [sflag:$0x2] =	stream.indirect_vreg.gather [hbm4b:s5+s2], $0x80, v55, vm0, $0xb8;
	[tilespmem:$0x1BF80] =	vst v63  }
0x5a6: {  	s20 =	simm.s32 $0x19F00  }
0x5a7: {  	[tilespmem:s20], [sflag:$0x2] =	stream.indirect_vreg.gather [hbm4b:s5+s2], $0x80, v18, vm0, $0xb8;
	[tilespmem:$0x1BF80] =	vst v63  }
0x5a8: {  	v18 =	vld [tilespmem:$0x240];
	_ =	sdelay $0x4  }
0x5a9: {  	v19 =	vshll.u32 v18, $0x3  }
0x5aa: {  	v18 =	vand.u32 $0x7, v18;
	v19 =	vand.u32 $0xFFFFFFC0, v19  }
0x5ab: {  	v18 =	vor.u32 v18, v19  }
0x5ac: {  	v19 =	vperm.xlane v18, v2;
	_ =	sdelay $0x1  }
0x5ad: {  	v56 =	vperm.xlane v18, v5;
	v19 =	vadd.s32 v4, v19;
	_ =	sdelay $0x1  }
0x5ae: {  	v57 =	vperm.xlane v18, v6;
	v20 =	vadd.s32 v4, v56;
	_ =	sdelay $0x1  }
0x5af: {  	s23 =	simm.s32 $0x19F80;
	v58 =	vperm.xlane v18, v1;
	v21 =	vadd.s32 v4, v57  }
0x5b0: {  	[tilespmem:s23], [sflag:$0x2] =	stream.indirect_vreg.gather [hbm4b:s5+s2], $0x80, v19, vm0, $0xb8;
	[tilespmem:$0x1BF80] =	vst v63  }
0x5b1: {  	s20 =	simm.s32 $0x1A000;
	v59 =	vperm.xlane v18, v7;
	v19 =	vadd.s32 v4, v58  }
0x5b2: {  	[tilespmem:s20], [sflag:$0x2] =	stream.indirect_vreg.gather [hbm4b:s5+s2], $0x80, v20, vm0, $0xb8;
	[tilespmem:$0x1BF80] =	vst v63  }
0x5b3: {  	v61 =	vperm.xlane v18, v8;
	v60 =	vadd.s32 v4, v59;
	s23 =	simm.s32 $0x1A080  }
0x5b4: {  	[tilespmem:s23], [sflag:$0x2] =	stream.indirect_vreg.gather [hbm4b:s5+s2], $0x80, v21, vm0, $0xb8;
	[tilespmem:$0x1BF80] =	vst v63  }
0x5b5: {  	v63 =	vperm.xlane v18, v9;
	v62 =	vadd.s32 v4, v61;
	s20 =	simm.s32 $0x1A100  }
0x5b6: {  	[tilespmem:s20], [sflag:$0x2] =	stream.indirect_vreg.gather [hbm4b:s5+s2], $0x80, v19, vm0, $0xb8;
	[tilespmem:$0x1BF80] =	vst v63  }
0x5b7: {  	v24 =	vperm.xlane v18, v0;
	s23 =	simm.s32 $0x1A180;
	v19 =	vadd.s32 v4, v63  }
0x5b8: {  	[tilespmem:s23], [sflag:$0x2] =	stream.indirect_vreg.gather [hbm4b:s5+s2], $0x80, v60, vm0, $0xb8;
	[tilespmem:$0x1BF80] =	vst v63  }
0x5b9: {  	v26 =	vperm.xlane v18, v10;
	v25 =	vadd.s32 v4, v24;
	s20 =	simm.s32 $0x1A200  }
0x5ba: {  	[tilespmem:s20], [sflag:$0x2] =	stream.indirect_vreg.gather [hbm4b:s5+s2], $0x80, v62, vm0, $0xb8;
	[tilespmem:$0x1BF80] =	vst v63  }
0x5bb: {  	v28 =	vperm.xlane v18, v11;
	v27 =	vadd.s32 v4, v26;
	s23 =	simm.s32 $0x1A280  }
0x5bc: {  	[tilespmem:s23], [sflag:$0x2] =	stream.indirect_vreg.gather [hbm4b:s5+s2], $0x80, v19, vm0, $0xb8;
	[tilespmem:$0x1BF80] =	vst v63  }
0x5bd: {  	v29 =	vperm.xlane v18, v12;
	s20 =	simm.s32 $0x1A300;
	v19 =	vadd.s32 v4, v28  }
0x5be: {  	[tilespmem:s20], [sflag:$0x2] =	stream.indirect_vreg.gather [hbm4b:s5+s2], $0x80, v25, vm0, $0xb8;
	[tilespmem:$0x1BF80] =	vst v63  }
0x5bf: {  	v31 =	vperm.xlane v18, v13;
	v30 =	vadd.s32 v4, v29;
	s23 =	simm.s32 $0x1A380  }
0x5c0: {  	[tilespmem:s23], [sflag:$0x2] =	stream.indirect_vreg.gather [hbm4b:s5+s2], $0x80, v27, vm0, $0xb8;
	[tilespmem:$0x1BF80] =	vst v63  }
0x5c1: {  	v33 =	vperm.xlane v18, v14;
	v32 =	vadd.s32 v4, v31;
	s20 =	simm.s32 $0x1A400  }
0x5c2: {  	[tilespmem:s20], [sflag:$0x2] =	stream.indirect_vreg.gather [hbm4b:s5+s2], $0x80, v19, vm0, $0xb8;
	[tilespmem:$0x1BF80] =	vst v63  }
0x5c3: {  	v34 =	vperm.xlane v18, v15;
	s23 =	simm.s32 $0x1A480;
	v19 =	vadd.s32 v4, v33  }
0x5c4: {  	[tilespmem:s23], [sflag:$0x2] =	stream.indirect_vreg.gather [hbm4b:s5+s2], $0x80, v30, vm0, $0xb8;
	[tilespmem:$0x1BF80] =	vst v63  }
0x5c5: {  	v36 =	vperm.xlane v18, v16;
	v35 =	vadd.s32 v4, v34;
	s20 =	simm.s32 $0x1A500  }
0x5c6: {  	[tilespmem:s20], [sflag:$0x2] =	stream.indirect_vreg.gather [hbm4b:s5+s2], $0x80, v32, vm0, $0xb8;
	[tilespmem:$0x1BF80] =	vst v63  }
0x5c7: {  	v18 =	vperm.xlane v18, v17;
	v37 =	vadd.s32 v4, v36;
	s23 =	simm.s32 $0x1A580  }
0x5c8: {  	[tilespmem:s23], [sflag:$0x2] =	stream.indirect_vreg.gather [hbm4b:s5+s2], $0x80, v19, vm0, $0xb8;
	[tilespmem:$0x1BF80] =	vst v63  }
0x5c9: {  	v18 =	vadd.s32 v4, v18;
	s20 =	simm.s32 $0x1A600  }
0x5ca: {  	[tilespmem:s20], [sflag:$0x2] =	stream.indirect_vreg.gather [hbm4b:s5+s2], $0x80, v35, vm0, $0xb8;
	[tilespmem:$0x1BF80] =	vst v63  }
0x5cb: {  	s23 =	simm.s32 $0x1A680  }
0x5cc: {  	[tilespmem:s23], [sflag:$0x2] =	stream.indirect_vreg.gather [hbm4b:s5+s2], $0x80, v37, vm0, $0xb8;
	[tilespmem:$0x1BF80] =	vst v63  }
0x5cd: {  	s20 =	simm.s32 $0x1A700  }
0x5ce: {  	[tilespmem:s20], [sflag:$0x2] =	stream.indirect_vreg.gather [hbm4b:s5+s2], $0x80, v18, vm0, $0xb8;
	[tilespmem:$0x1BF80] =	vst v63  }
0x5cf: {  	v18 =	vld [tilespmem:$0x250];
	_ =	sdelay $0x4  }
0x5d0: {  	v19 =	vshll.u32 v18, $0x3  }
0x5d1: {  	v18 =	vand.u32 $0x7, v18;
	v19 =	vand.u32 $0xFFFFFFC0, v19  }
0x5d2: {  	v18 =	vor.u32 v18, v19  }
0x5d3: {  	v19 =	vperm.xlane v18, v2;
	_ =	sdelay $0x1  }
0x5d4: {  	v38 =	vperm.xlane v18, v5;
	v19 =	vadd.s32 v4, v19;
	_ =	sdelay $0x1  }
0x5d5: {  	v39 =	vperm.xlane v18, v6;
	v20 =	vadd.s32 v4, v38;
	_ =	sdelay $0x1  }
0x5d6: {  	s23 =	simm.s32 $0x1A780;
	v40 =	vperm.xlane v18, v1;
	v21 =	vadd.s32 v4, v39  }
0x5d7: {  	[tilespmem:s23], [sflag:$0x2] =	stream.indirect_vreg.gather [hbm4b:s5+s2], $0x80, v19, vm0, $0xb8;
	[tilespmem:$0x1BF80] =	vst v63  }
0x5d8: {  	s20 =	simm.s32 $0x1A800;
	v41 =	vperm.xlane v18, v7;
	v19 =	vadd.s32 v4, v40  }
0x5d9: {  	[tilespmem:s20], [sflag:$0x2] =	stream.indirect_vreg.gather [hbm4b:s5+s2], $0x80, v20, vm0, $0xb8;
	[tilespmem:$0x1BF80] =	vst v63  }
0x5da: {  	v43 =	vperm.xlane v18, v8;
	v42 =	vadd.s32 v4, v41;
	s23 =	simm.s32 $0x1A880  }
0x5db: {  	[tilespmem:s23], [sflag:$0x2] =	stream.indirect_vreg.gather [hbm4b:s5+s2], $0x80, v21, vm0, $0xb8;
	[tilespmem:$0x1BF80] =	vst v63  }
0x5dc: {  	v45 =	vperm.xlane v18, v9;
	v44 =	vadd.s32 v4, v43;
	s20 =	simm.s32 $0x1A900  }
0x5dd: {  	[tilespmem:s20], [sflag:$0x2] =	stream.indirect_vreg.gather [hbm4b:s5+s2], $0x80, v19, vm0, $0xb8;
	[tilespmem:$0x1BF80] =	vst v63  }
0x5de: {  	v46 =	vperm.xlane v18, v0;
	s23 =	simm.s32 $0x1A980;
	v19 =	vadd.s32 v4, v45  }
0x5df: {  	[tilespmem:s23], [sflag:$0x2] =	stream.indirect_vreg.gather [hbm4b:s5+s2], $0x80, v42, vm0, $0xb8;
	[tilespmem:$0x1BF80] =	vst v63  }
0x5e0: {  	v48 =	vperm.xlane v18, v10;
	v47 =	vadd.s32 v4, v46;
	s20 =	simm.s32 $0x1AA00  }
0x5e1: {  	[tilespmem:s20], [sflag:$0x2] =	stream.indirect_vreg.gather [hbm4b:s5+s2], $0x80, v44, vm0, $0xb8;
	[tilespmem:$0x1BF80] =	vst v63  }
0x5e2: {  	v50 =	vperm.xlane v18, v11;
	v49 =	vadd.s32 v4, v48;
	s23 =	simm.s32 $0x1AA80  }
0x5e3: {  	[tilespmem:s23], [sflag:$0x2] =	stream.indirect_vreg.gather [hbm4b:s5+s2], $0x80, v19, vm0, $0xb8;
	[tilespmem:$0x1BF80] =	vst v63  }
0x5e4: {  	v51 =	vperm.xlane v18, v12;
	s20 =	simm.s32 $0x1AB00;
	v19 =	vadd.s32 v4, v50  }
0x5e5: {  	[tilespmem:s20], [sflag:$0x2] =	stream.indirect_vreg.gather [hbm4b:s5+s2], $0x80, v47, vm0, $0xb8;
	[tilespmem:$0x1BF80] =	vst v63  }
0x5e6: {  	v53 =	vperm.xlane v18, v13;
	v52 =	vadd.s32 v4, v51;
	s23 =	simm.s32 $0x1AB80  }
0x5e7: {  	[tilespmem:s23], [sflag:$0x2] =	stream.indirect_vreg.gather [hbm4b:s5+s2], $0x80, v49, vm0, $0xb8;
	[tilespmem:$0x1BF80] =	vst v63  }
0x5e8: {  	v55 =	vperm.xlane v18, v14;
	v54 =	vadd.s32 v4, v53;
	s20 =	simm.s32 $0x1AC00  }
0x5e9: {  	[tilespmem:s20], [sflag:$0x2] =	stream.indirect_vreg.gather [hbm4b:s5+s2], $0x80, v19, vm0, $0xb8;
	[tilespmem:$0x1BF80] =	vst v63  }
0x5ea: {  	v56 =	vperm.xlane v18, v15;
	s23 =	simm.s32 $0x1AC80;
	v19 =	vadd.s32 v4, v55  }
0x5eb: {  	[tilespmem:s23], [sflag:$0x2] =	stream.indirect_vreg.gather [hbm4b:s5+s2], $0x80, v52, vm0, $0xb8;
	[tilespmem:$0x1BF80] =	vst v63  }
0x5ec: {  	v58 =	vperm.xlane v18, v16;
	v57 =	vadd.s32 v4, v56;
	s20 =	simm.s32 $0x1AD00  }
0x5ed: {  	[tilespmem:s20], [sflag:$0x2] =	stream.indirect_vreg.gather [hbm4b:s5+s2], $0x80, v54, vm0, $0xb8;
	[tilespmem:$0x1BF80] =	vst v63  }
0x5ee: {  	v18 =	vperm.xlane v18, v17;
	v59 =	vadd.s32 v4, v58;
	s23 =	simm.s32 $0x1AD80  }
0x5ef: {  	[tilespmem:s23], [sflag:$0x2] =	stream.indirect_vreg.gather [hbm4b:s5+s2], $0x80, v19, vm0, $0xb8;
	[tilespmem:$0x1BF80] =	vst v63  }
0x5f0: {  	v18 =	vadd.s32 v4, v18;
	s20 =	simm.s32 $0x1AE00  }
0x5f1: {  	[tilespmem:s20], [sflag:$0x2] =	stream.indirect_vreg.gather [hbm4b:s5+s2], $0x80, v57, vm0, $0xb8;
	[tilespmem:$0x1BF80] =	vst v63  }
0x5f2: {  	s23 =	simm.s32 $0x1AE80  }
0x5f3: {  	[tilespmem:s23], [sflag:$0x2] =	stream.indirect_vreg.gather [hbm4b:s5+s2], $0x80, v59, vm0, $0xb8;
	[tilespmem:$0x1BF80] =	vst v63  }
0x5f4: {  	s20 =	simm.s32 $0x1AF00  }
0x5f5: {  	[tilespmem:s20], [sflag:$0x2] =	stream.indirect_vreg.gather [hbm4b:s5+s2], $0x80, v18, vm0, $0xb8;
	[tilespmem:$0x1BF80] =	vst v63  }
0x5f6: {  	v18 =	vld [tilespmem:$0x260];
	_ =	sdelay $0x4  }
0x5f7: {  	v19 =	vshll.u32 v18, $0x3  }
0x5f8: {  	v18 =	vand.u32 $0x7, v18;
	v19 =	vand.u32 $0xFFFFFFC0, v19  }
0x5f9: {  	v18 =	vor.u32 v18, v19  }
0x5fa: {  	v19 =	vperm.xlane v18, v2;
	_ =	sdelay $0x1  }
0x5fb: {  	v60 =	vperm.xlane v18, v5;
	v19 =	vadd.s32 v4, v19;
	_ =	sdelay $0x1  }
0x5fc: {  	v61 =	vperm.xlane v18, v6;
	v20 =	vadd.s32 v4, v60;
	_ =	sdelay $0x1  }
0x5fd: {  	s23 =	simm.s32 $0x1AF80;
	v62 =	vperm.xlane v18, v1;
	v21 =	vadd.s32 v4, v61  }
0x5fe: {  	[tilespmem:s23], [sflag:$0x2] =	stream.indirect_vreg.gather [hbm4b:s5+s2], $0x80, v19, vm0, $0xb8;
	[tilespmem:$0x1BF80] =	vst v63  }
0x5ff: {  	s20 =	simm.s32 $0x1B000;
	v63 =	vperm.xlane v18, v7;
	v19 =	vadd.s32 v4, v62  }
0x600: {  	[tilespmem:s20], [sflag:$0x2] =	stream.indirect_vreg.gather [hbm4b:s5+s2], $0x80, v20, vm0, $0xb8;
	[tilespmem:$0x1BF80] =	vst v63  }
0x601: {  	v25 =	vperm.xlane v18, v8;
	v24 =	vadd.s32 v4, v63;
	s23 =	simm.s32 $0x1B080  }
0x602: {  	[tilespmem:s23], [sflag:$0x2] =	stream.indirect_vreg.gather [hbm4b:s5+s2], $0x80, v21, vm0, $0xb8;
	[tilespmem:$0x1BF80] =	vst v63  }
0x603: {  	v27 =	vperm.xlane v18, v9;
	v26 =	vadd.s32 v4, v25;
	s20 =	simm.s32 $0x1B100  }
0x604: {  	[tilespmem:s20], [sflag:$0x2] =	stream.indirect_vreg.gather [hbm4b:s5+s2], $0x80, v19, vm0, $0xb8;
	[tilespmem:$0x1BF80] =	vst v63  }
0x605: {  	v28 =	vperm.xlane v18, v0;
	s23 =	simm.s32 $0x1B180;
	v19 =	vadd.s32 v4, v27  }
0x606: {  	[tilespmem:s23], [sflag:$0x2] =	stream.indirect_vreg.gather [hbm4b:s5+s2], $0x80, v24, vm0, $0xb8;
	[tilespmem:$0x1BF80] =	vst v63  }
0x607: {  	v30 =	vperm.xlane v18, v10;
	v29 =	vadd.s32 v4, v28;
	s20 =	simm.s32 $0x1B200  }
0x608: {  	[tilespmem:s20], [sflag:$0x2] =	stream.indirect_vreg.gather [hbm4b:s5+s2], $0x80, v26, vm0, $0xb8;
	[tilespmem:$0x1BF80] =	vst v63  }
0x609: {  	v32 =	vperm.xlane v18, v11;
	v31 =	vadd.s32 v4, v30;
	s23 =	simm.s32 $0x1B280  }
0x60a: {  	[tilespmem:s23], [sflag:$0x2] =	stream.indirect_vreg.gather [hbm4b:s5+s2], $0x80, v19, vm0, $0xb8;
	[tilespmem:$0x1BF80] =	vst v63  }
0x60b: {  	v33 =	vperm.xlane v18, v12;
	s20 =	simm.s32 $0x1B300;
	v19 =	vadd.s32 v4, v32  }
0x60c: {  	[tilespmem:s20], [sflag:$0x2] =	stream.indirect_vreg.gather [hbm4b:s5+s2], $0x80, v29, vm0, $0xb8;
	[tilespmem:$0x1BF80] =	vst v63  }
0x60d: {  	v35 =	vperm.xlane v18, v13;
	v34 =	vadd.s32 v4, v33;
	s23 =	simm.s32 $0x1B380  }
0x60e: {  	[tilespmem:s23], [sflag:$0x2] =	stream.indirect_vreg.gather [hbm4b:s5+s2], $0x80, v31, vm0, $0xb8;
	[tilespmem:$0x1BF80] =	vst v63  }
0x60f: {  	v37 =	vperm.xlane v18, v14;
	v36 =	vadd.s32 v4, v35;
	s20 =	simm.s32 $0x1B400  }
0x610: {  	[tilespmem:s20], [sflag:$0x2] =	stream.indirect_vreg.gather [hbm4b:s5+s2], $0x80, v19, vm0, $0xb8;
	[tilespmem:$0x1BF80] =	vst v63  }
0x611: {  	v38 =	vperm.xlane v18, v15;
	s23 =	simm.s32 $0x1B480;
	v19 =	vadd.s32 v4, v37  }
0x612: {  	[tilespmem:s23], [sflag:$0x2] =	stream.indirect_vreg.gather [hbm4b:s5+s2], $0x80, v34, vm0, $0xb8;
	[tilespmem:$0x1BF80] =	vst v63  }
0x613: {  	v40 =	vperm.xlane v18, v16;
	v39 =	vadd.s32 v4, v38  }
0x614: {  	[tilespmem:s24], [sflag:$0x2] =	stream.indirect_vreg.gather [hbm4b:s5+s2], $0x80, v36, vm0, $0xb8;
	[tilespmem:$0x1BF80] =	vst v63  }
0x615: {  	v18 =	vperm.xlane v18, v17;
	v41 =	vadd.s32 v4, v40  }
0x616: {  	[tilespmem:s25], [sflag:$0x2] =	stream.indirect_vreg.gather [hbm4b:s5+s2], $0x80, v19, vm0, $0xb8;
	[tilespmem:$0x1BF80] =	vst v63  }
0x617: {  	v18 =	vadd.s32 v4, v18  }
0x618: {  	[tilespmem:s1], [sflag:$0x2] =	stream.indirect_vreg.gather [hbm4b:s5+s2], $0x80, v39, vm0, $0xb8;
	[tilespmem:$0x1BF80] =	vst v63  }
0x619: {  	_ = 	snop  }
0x61a: {  	[tilespmem:s15], [sflag:$0x2] =	stream.indirect_vreg.gather [hbm4b:s5+s2], $0x80, v41, vm0, $0xb8;
	[tilespmem:$0x1BF80] =	vst v63  }
0x61b: {  	_ = 	snop  }
0x61c: {  	[tilespmem:s16], [sflag:$0x2] =	stream.indirect_vreg.gather [hbm4b:s5+s2], $0x80, v18, vm0, $0xb8;
	[tilespmem:$0x1BF80] =	vst v63  }
0x61d: {  	v18 =	vld [tilespmem:$0x270];
	_ =	sdelay $0x4  }
0x61e: {  	v19 =	vshll.u32 v18, $0x3  }
0x61f: {  	v18 =	vand.u32 $0x7, v18;
	v19 =	vand.u32 $0xFFFFFFC0, v19  }
0x620: {  	v18 =	vor.u32 v18, v19  }
0x621: {  	v19 =	vperm.xlane v18, v2;
	_ =	sdelay $0x1  }
0x622: {  	v42 =	vperm.xlane v18, v5;
	v19 =	vadd.s32 v4, v19;
	_ =	sdelay $0x1  }
0x623: {  	v43 =	vperm.xlane v18, v6;
	v20 =	vadd.s32 v4, v42;
	_ =	sdelay $0x1  }
0x624: {  	v44 =	vperm.xlane v18, v1;
	v21 =	vadd.s32 v4, v43  }
0x625: {  	[tilespmem:s17], [sflag:$0x2] =	stream.indirect_vreg.gather [hbm4b:s5+s2], $0x80, v19, vm0, $0xb8;
	[tilespmem:$0x1BF80] =	vst v63  }
0x626: {  	v45 =	vperm.xlane v18, v7;
	v19 =	vadd.s32 v4, v44  }
0x627: {  	[tilespmem:s14], [sflag:$0x2] =	stream.indirect_vreg.gather [hbm4b:s5+s2], $0x80, v20, vm0, $0xb8;
	[tilespmem:$0x1BF80] =	vst v63  }
0x628: {  	v47 =	vperm.xlane v18, v8;
	v46 =	vadd.s32 v4, v45  }
0x629: {  	[tilespmem:s13], [sflag:$0x2] =	stream.indirect_vreg.gather [hbm4b:s5+s2], $0x80, v21, vm0, $0xb8;
	[tilespmem:$0x1BF80] =	vst v63  }
0x62a: {  	v49 =	vperm.xlane v18, v9;
	v48 =	vadd.s32 v4, v47  }
0x62b: {  	[tilespmem:s10], [sflag:$0x2] =	stream.indirect_vreg.gather [hbm4b:s5+s2], $0x80, v19, vm0, $0xb8;
	[tilespmem:$0x1BF80] =	vst v63  }
0x62c: {  	v50 =	vperm.xlane v18, v0;
	v19 =	vadd.s32 v4, v49  }
0x62d: {  	[tilespmem:s3], [sflag:$0x2] =	stream.indirect_vreg.gather [hbm4b:s5+s2], $0x80, v46, vm0, $0xb8;
	[tilespmem:$0x1BF80] =	vst v63  }
0x62e: {  	v52 =	vperm.xlane v18, v10;
	v51 =	vadd.s32 v4, v50  }
0x62f: {  	[tilespmem:s8], [sflag:$0x2] =	stream.indirect_vreg.gather [hbm4b:s5+s2], $0x80, v48, vm0, $0xb8;
	[tilespmem:$0x1BF80] =	vst v63  }
0x630: {  	v54 =	vperm.xlane v18, v11;
	v53 =	vadd.s32 v4, v52  }
0x631: {  	[tilespmem:s9], [sflag:$0x2] =	stream.indirect_vreg.gather [hbm4b:s5+s2], $0x80, v19, vm0, $0xb8;
	[tilespmem:$0x1BF80] =	vst v63  }
0x632: {  	v55 =	vperm.xlane v18, v12;
	v19 =	vadd.s32 v4, v54  }
0x633: {  	[tilespmem:s7], [sflag:$0x2] =	stream.indirect_vreg.gather [hbm4b:s5+s2], $0x80, v51, vm0, $0xb8;
	[tilespmem:$0x1BF80] =	vst v63  }
0x634: {  	v57 =	vperm.xlane v18, v13;
	v56 =	vadd.s32 v4, v55  }
0x635: {  	[tilespmem:s6], [sflag:$0x2] =	stream.indirect_vreg.gather [hbm4b:s5+s2], $0x80, v53, vm0, $0xb8;
	[tilespmem:$0x1BF80] =	vst v63  }
0x636: {  	v59 =	vperm.xlane v18, v14;
	v58 =	vadd.s32 v4, v57  }
0x637: {  	[tilespmem:s4], [sflag:$0x2] =	stream.indirect_vreg.gather [hbm4b:s5+s2], $0x80, v19, vm0, $0xb8;
	[tilespmem:$0x1BF80] =	vst v63  }
0x638: {  	v60 =	vperm.xlane v18, v15;
	v19 =	vadd.s32 v4, v59  }
0x639: {  	[tilespmem:s11], [sflag:$0x2] =	stream.indirect_vreg.gather [hbm4b:s5+s2], $0x80, v56, vm0, $0xb8;
	[tilespmem:$0x1BF80] =	vst v63  }
0x63a: {  	v62 =	vperm.xlane v18, v16;
	v61 =	vadd.s32 v4, v60  }
0x63b: {  	[tilespmem:s0], [sflag:$0x2] =	stream.indirect_vreg.gather [hbm4b:s5+s2], $0x80, v58, vm0, $0xb8;
	[tilespmem:$0x1BF80] =	vst v63  }
0x63c: {  	v18 =	vperm.xlane v18, v17;
	v63 =	vadd.s32 v4, v62  }
0x63d: {  	[tilespmem:s29], [sflag:$0x2] =	stream.indirect_vreg.gather [hbm4b:s5+s2], $0x80, v19, vm0, $0xb8;
	[tilespmem:$0x1BF80] =	vst v63  }
0x63e: {  	v18 =	vadd.s32 v4, v18  }
0x63f: {  	[tilespmem:s31], [sflag:$0x2] =	stream.indirect_vreg.gather [hbm4b:s5+s2], $0x80, v61, vm0, $0xb8;
	[tilespmem:$0x1BF80] =	vst v63  }
0x640: {  	_ = 	snop  }
0x641: {  	[tilespmem:s30], [sflag:$0x2] =	stream.indirect_vreg.gather [hbm4b:s5+s2], $0x80, v63, vm0, $0xb8;
	[tilespmem:$0x1BF80] =	vst v63  }
0x642: {  	s19 =	simm.s32 $0x0  }
0x643: {  	[tilespmem:s28], [sflag:$0x2] =	stream.indirect_vreg.gather [hbm4b:s5+s2], $0x80, v18, vm0, $0xb8;
	[tilespmem:$0x1BF80] =	vst v63  }
.LBB2_2:
0x644: {  	_ =	swait.ge [sflag:s26], $0xA000  }
0x645: {  	[sflag:s26] =	ssyncset.done $0x0  }
0x646: {  	s20 =	sshra.s32 s19, $0x2;
	[sflag:s26] =	ssyncadd.s32 $0xFFFF6000  }
0x647: {  	v19 =	vld [tilespmem:s20+$0x2A80];
	_ =	sdelay $0x2  }
0x648: {  	v18 =	vmul.u32 $0x80, v3;
	_ =	sdelay $0x1  }
0x649: {  	v19 =	vadd.s32 v18, v19  }
0x64a: {  	v20 =	vld [tilespmem:s20+$0x2A90];
	_ =	sdelay $0x3  }
0x64b: {  	v21 =	vor.u32 $0x800, v18;
	v19 =	vld.idx.msk [tilespmem:v19+s12+$0x0], $0xffff  }
0x64c: {  	v20 =	vadd.s32 v21, v20  }
0x64d: {  	v46 =	vld [tilespmem:s20+$0x2AA0];
	_ =	sdelay $0x2  }
0x64e: {  	[tilespmem:s20+$0x5500] =	vst v19  }
0x64f: {  	v19 =	vld.idx.msk [tilespmem:v20+s12+$0x0], $0xffff;
	v20 =	vor.u32 $0x1000, v18  }
0x650: {  	v20 =	vadd.s32 v20, v46  }
0x651: {  	v47 =	vld [tilespmem:s20+$0x2AB0];
	_ =	sdelay $0x2  }
0x652: {  	[tilespmem:s20+$0x5510] =	vst v19  }
0x653: {  	v19 =	vld.idx.msk [tilespmem:v20+s12+$0x0], $0xffff;
	v20 =	vor.u32 $0x1800, v18  }
0x654: {  	v20 =	vadd.s32 v20, v47  }
0x655: {  	v48 =	vld [tilespmem:s20+$0x2AC0];
	_ =	sdelay $0x2  }
0x656: {  	[tilespmem:s20+$0x5520] =	vst v19  }
0x657: {  	v19 =	vld.idx.msk [tilespmem:v20+s12+$0x0], $0xffff;
	v20 =	vor.u32 $0x2000, v18  }
0x658: {  	v20 =	vadd.s32 v20, v48  }
0x659: {  	v49 =	vld [tilespmem:s20+$0x2AD0];
	_ =	sdelay $0x2  }
0x65a: {  	[tilespmem:s20+$0x5530] =	vst v19  }
0x65b: {  	v19 =	vld.idx.msk [tilespmem:v20+s12+$0x0], $0xffff;
	v20 =	vor.u32 $0x2800, v18  }
0x65c: {  	v20 =	vadd.s32 v20, v49  }
0x65d: {  	v50 =	vld [tilespmem:s20+$0x2AE0];
	_ =	sdelay $0x2  }
0x65e: {  	[tilespmem:s20+$0x5540] =	vst v19  }
0x65f: {  	v19 =	vld.idx.msk [tilespmem:v20+s12+$0x0], $0xffff;
	v20 =	vor.u32 $0x3000, v18  }
0x660: {  	v20 =	vadd.s32 v20, v50  }
0x661: {  	v51 =	vld [tilespmem:s20+$0x2AF0];
	_ =	sdelay $0x2  }
0x662: {  	[tilespmem:s20+$0x5550] =	vst v19  }
0x663: {  	v19 =	vld.idx.msk [tilespmem:v20+s12+$0x0], $0xffff;
	v20 =	vor.u32 $0x3800, v18  }
0x664: {  	v20 =	vadd.s32 v20, v51  }
0x665: {  	v52 =	vld [tilespmem:s20+$0x2B00];
	_ =	sdelay $0x2  }
0x666: {  	[tilespmem:s20+$0x5560] =	vst v19  }
0x667: {  	v19 =	vld.idx.msk [tilespmem:v20+s12+$0x0], $0xffff;
	v20 =	vor.u32 $0x4000, v18  }
0x668: {  	v20 =	vadd.s32 v20, v52  }
0x669: {  	v53 =	vld [tilespmem:s20+$0x2B10];
	_ =	sdelay $0x2  }
0x66a: {  	[tilespmem:s20+$0x5570] =	vst v19  }
0x66b: {  	v19 =	vld.idx.msk [tilespmem:v20+s12+$0x0], $0xffff;
	v20 =	vor.u32 $0x4800, v18  }
0x66c: {  	v20 =	vadd.s32 v20, v53  }
0x66d: {  	v54 =	vld [tilespmem:s20+$0x2B20];
	_ =	sdelay $0x2  }
0x66e: {  	[tilespmem:s20+$0x5580] =	vst v19  }
0x66f: {  	v19 =	vld.idx.msk [tilespmem:v20+s12+$0x0], $0xffff;
	v20 =	vor.u32 $0x5000, v18  }
0x670: {  	v20 =	vadd.s32 v20, v54  }
0x671: {  	v55 =	vld [tilespmem:s20+$0x2B30];
	_ =	sdelay $0x2  }
0x672: {  	[tilespmem:s20+$0x5590] =	vst v19  }
0x673: {  	v19 =	vld.idx.msk [tilespmem:v20+s12+$0x0], $0xffff;
	v20 =	vor.u32 $0x5800, v18  }
0x674: {  	v20 =	vadd.s32 v20, v55  }
0x675: {  	v56 =	vld [tilespmem:s20+$0x2B40];
	_ =	sdelay $0x2  }
0x676: {  	[tilespmem:s20+$0x55A0] =	vst v19  }
0x677: {  	v19 =	vld.idx.msk [tilespmem:v20+s12+$0x0], $0xffff;
	v20 =	vor.u32 $0x6000, v18  }
0x678: {  	v20 =	vadd.s32 v20, v56  }
0x679: {  	v57 =	vld [tilespmem:s20+$0x2B50];
	_ =	sdelay $0x2  }
0x67a: {  	[tilespmem:s20+$0x55B0] =	vst v19  }
0x67b: {  	v19 =	vld.idx.msk [tilespmem:v20+s12+$0x0], $0xffff;
	v20 =	vor.u32 $0x6800, v18  }
0x67c: {  	v20 =	vadd.s32 v20, v57  }
0x67d: {  	v58 =	vld [tilespmem:s20+$0x2B60];
	_ =	sdelay $0x2  }
0x67e: {  	[tilespmem:s20+$0x55C0] =	vst v19  }
0x67f: {  	v19 =	vld.idx.msk [tilespmem:v20+s12+$0x0], $0xffff;
	v20 =	vor.u32 $0x7000, v18  }
0x680: {  	v20 =	vadd.s32 v20, v58  }
0x681: {  	v59 =	vld [tilespmem:s20+$0x2B70];
	_ =	sdelay $0x2  }
0x682: {  	[tilespmem:s20+$0x55D0] =	vst v19  }
0x683: {  	v19 =	vld.idx.msk [tilespmem:v20+s12+$0x0], $0xffff;
	v20 =	vor.u32 $0x7800, v18  }
0x684: {  	v20 =	vadd.s32 v20, v59  }
0x685: {  	v60 =	vld [tilespmem:s20+$0x2B80];
	_ =	sdelay $0x2  }
0x686: {  	[tilespmem:s20+$0x55E0] =	vst v19  }
0x687: {  	v19 =	vld.idx.msk [tilespmem:v20+s12+$0x0], $0xffff;
	v20 =	vor.u32 $0x8000, v18  }
0x688: {  	v20 =	vadd.s32 v20, v60  }
0x689: {  	v61 =	vld [tilespmem:s20+$0x2B90];
	_ =	sdelay $0x2  }
0x68a: {  	[tilespmem:s20+$0x55F0] =	vst v19  }
0x68b: {  	v19 =	vld.idx.msk [tilespmem:v20+s12+$0x0], $0xffff;
	v20 =	vor.u32 $0x8800, v18  }
0x68c: {  	v20 =	vadd.s32 v20, v61  }
0x68d: {  	v62 =	vld [tilespmem:s20+$0x2BA0];
	_ =	sdelay $0x2  }
0x68e: {  	[tilespmem:s20+$0x5600] =	vst v19  }
0x68f: {  	v19 =	vld.idx.msk [tilespmem:v20+s12+$0x0], $0xffff;
	v20 =	vor.u32 $0x9000, v18  }
0x690: {  	v20 =	vadd.s32 v20, v62  }
0x691: {  	v63 =	vld [tilespmem:s20+$0x2BB0];
	_ =	sdelay $0x2  }
0x692: {  	[tilespmem:s20+$0x5610] =	vst v19  }
0x693: {  	v19 =	vld.idx.msk [tilespmem:v20+s12+$0x0], $0xffff;
	v20 =	vor.u32 $0x9800, v18  }
0x694: {  	v20 =	vadd.s32 v20, v63;
	_ =	sdelay $0x3  }
0x695: {  	[tilespmem:s20+$0x5620] =	vst v19  }
0x696: {  	p0 =	seq.s32 s19, $0xA000;
	v19 =	vld.idx.msk [tilespmem:v20+s12+$0x0], $0xffff  }
.Ltmp2:
0x697: {  	_ = 	snop;
	(pc) =	sbr.rel @p0 .LBB2_4-.Ltmp2, $2  }
0x698: {  	_ =	sdelay $0x2  }
0x699: {  	[tilespmem:s20+$0x5630] =	vst v19  }
0x69a: {  	v19 =	vld [tilespmem:s20+$0x280];
	_ =	sdelay $0x4  }
0x69b: {  	v20 =	vshll.u32 v19, $0x3  }
0x69c: {  	v19 =	vand.u32 $0x7, v19;
	v20 =	vand.u32 $0xFFFFFFC0, v20  }
0x69d: {  	v19 =	vor.u32 v19, v20  }
0x69e: {  	v20 =	vperm.xlane v19, v2;
	_ =	sdelay $0x1  }
0x69f: {  	v21 =	vperm.xlane v19, v5;
	v20 =	vadd.s32 v4, v20;
	_ =	sdelay $0x1  }
0x6a0: {  	v22 =	vperm.xlane v19, v6;
	v21 =	vadd.s32 v4, v21;
	_ =	sdelay $0x1  }
0x6a1: {  	v23 =	vperm.xlane v19, v1;
	v22 =	vadd.s32 v4, v22  }
0x6a2: {  	[tilespmem:s12], [sflag:$0x1] =	stream.indirect_vreg.gather [hbm4b:s5+s2], $0x80, v20, vm0, $0xb8;
	[tilespmem:$0x1BF80] =	vst v63  }
0x6a3: {  	v27 =	vperm.xlane v19, v7;
	v20 =	vadd.s32 v4, v23  }
0x6a4: {  	[tilespmem:s21], [sflag:$0x1] =	stream.indirect_vreg.gather [hbm4b:s5+s2], $0x80, v21, vm0, $0xb8;
	[tilespmem:$0x1BF80] =	vst v63  }
0x6a5: {  	v29 =	vperm.xlane v19, v8;
	v28 =	vadd.s32 v4, v27  }
0x6a6: {  	[tilespmem:s22], [sflag:$0x1] =	stream.indirect_vreg.gather [hbm4b:s5+s2], $0x80, v22, vm0, $0xb8;
	[tilespmem:$0x1BF80] =	vst v63  }
0x6a7: {  	s23 =	simm.s32 $0x8100;
	v31 =	vperm.xlane v19, v9;
	v30 =	vadd.s32 v4, v29  }
0x6a8: {  	[tilespmem:s23], [sflag:$0x1] =	stream.indirect_vreg.gather [hbm4b:s5+s2], $0x80, v20, vm0, $0xb8;
	[tilespmem:$0x1BF80] =	vst v63  }
0x6a9: {  	v32 =	vperm.xlane v19, v0;
	v20 =	vadd.s32 v4, v31;
	s23 =	simm.s32 $0x8180  }
0x6aa: {  	[tilespmem:s23], [sflag:$0x1] =	stream.indirect_vreg.gather [hbm4b:s5+s2], $0x80, v28, vm0, $0xb8;
	[tilespmem:$0x1BF80] =	vst v63  }
0x6ab: {  	v34 =	vperm.xlane v19, v10;
	v33 =	vadd.s32 v4, v32;
	s23 =	simm.s32 $0x8200  }
0x6ac: {  	[tilespmem:s23], [sflag:$0x1] =	stream.indirect_vreg.gather [hbm4b:s5+s2], $0x80, v30, vm0, $0xb8;
	[tilespmem:$0x1BF80] =	vst v63  }
0x6ad: {  	v36 =	vperm.xlane v19, v11;
	v35 =	vadd.s32 v4, v34;
	s23 =	simm.s32 $0x8280  }
0x6ae: {  	[tilespmem:s23], [sflag:$0x1] =	stream.indirect_vreg.gather [hbm4b:s5+s2], $0x80, v20, vm0, $0xb8;
	[tilespmem:$0x1BF80] =	vst v63  }
0x6af: {  	v37 =	vperm.xlane v19, v12;
	v20 =	vadd.s32 v4, v36;
	s23 =	simm.s32 $0x8300  }
0x6b0: {  	[tilespmem:s23], [sflag:$0x1] =	stream.indirect_vreg.gather [hbm4b:s5+s2], $0x80, v33, vm0, $0xb8;
	[tilespmem:$0x1BF80] =	vst v63  }
0x6b1: {  	v39 =	vperm.xlane v19, v13;
	v38 =	vadd.s32 v4, v37;
	s23 =	simm.s32 $0x8380  }
0x6b2: {  	[tilespmem:s23], [sflag:$0x1] =	stream.indirect_vreg.gather [hbm4b:s5+s2], $0x80, v35, vm0, $0xb8;
	[tilespmem:$0x1BF80] =	vst v63  }
0x6b3: {  	v41 =	vperm.xlane v19, v14;
	v40 =	vadd.s32 v4, v39;
	s23 =	simm.s32 $0x8400  }
0x6b4: {  	[tilespmem:s23], [sflag:$0x1] =	stream.indirect_vreg.gather [hbm4b:s5+s2], $0x80, v20, vm0, $0xb8;
	[tilespmem:$0x1BF80] =	vst v63  }
0x6b5: {  	v42 =	vperm.xlane v19, v15;
	v20 =	vadd.s32 v4, v41;
	s23 =	simm.s32 $0x8480  }
0x6b6: {  	[tilespmem:s23], [sflag:$0x1] =	stream.indirect_vreg.gather [hbm4b:s5+s2], $0x80, v38, vm0, $0xb8;
	[tilespmem:$0x1BF80] =	vst v63  }
0x6b7: {  	v44 =	vperm.xlane v19, v16;
	v43 =	vadd.s32 v4, v42;
	s23 =	simm.s32 $0x8500  }
0x6b8: {  	[tilespmem:s23], [sflag:$0x1] =	stream.indirect_vreg.gather [hbm4b:s5+s2], $0x80, v40, vm0, $0xb8;
	[tilespmem:$0x1BF80] =	vst v63  }
0x6b9: {  	v19 =	vperm.xlane v19, v17;
	v45 =	vadd.s32 v4, v44;
	s23 =	simm.s32 $0x8580  }
0x6ba: {  	[tilespmem:s23], [sflag:$0x1] =	stream.indirect_vreg.gather [hbm4b:s5+s2], $0x80, v20, vm0, $0xb8;
	[tilespmem:$0x1BF80] =	vst v63  }
0x6bb: {  	v19 =	vadd.s32 v4, v19;
	s23 =	simm.s32 $0x8600  }
0x6bc: {  	[tilespmem:s23], [sflag:$0x1] =	stream.indirect_vreg.gather [hbm4b:s5+s2], $0x80, v43, vm0, $0xb8;
	[tilespmem:$0x1BF80] =	vst v63  }
0x6bd: {  	s23 =	simm.s32 $0x8680  }
0x6be: {  	[tilespmem:s23], [sflag:$0x1] =	stream.indirect_vreg.gather [hbm4b:s5+s2], $0x80, v45, vm0, $0xb8;
	[tilespmem:$0x1BF80] =	vst v63  }
0x6bf: {  	s23 =	simm.s32 $0x8700  }
0x6c0: {  	[tilespmem:s23], [sflag:$0x1] =	stream.indirect_vreg.gather [hbm4b:s5+s2], $0x80, v19, vm0, $0xb8;
	[tilespmem:$0x1BF80] =	vst v63  }
0x6c1: {  	v19 =	vld [tilespmem:s20+$0x290];
	_ =	sdelay $0x4  }
0x6c2: {  	v20 =	vshll.u32 v19, $0x3  }
0x6c3: {  	v19 =	vand.u32 $0x7, v19;
	v20 =	vand.u32 $0xFFFFFFC0, v20  }
0x6c4: {  	v19 =	vor.u32 v19, v20  }
0x6c5: {  	v20 =	vperm.xlane v19, v2;
	_ =	sdelay $0x1  }
0x6c6: {  	v46 =	vperm.xlane v19, v5;
	v20 =	vadd.s32 v4, v20;
	_ =	sdelay $0x1  }
0x6c7: {  	v47 =	vperm.xlane v19, v6;
	v21 =	vadd.s32 v4, v46;
	_ =	sdelay $0x1  }
0x6c8: {  	s23 =	simm.s32 $0x8780;
	v48 =	vperm.xlane v19, v1;
	v22 =	vadd.s32 v4, v47  }
0x6c9: {  	[tilespmem:s23], [sflag:$0x1] =	stream.indirect_vreg.gather [hbm4b:s5+s2], $0x80, v20, vm0, $0xb8;
	[tilespmem:$0x1BF80] =	vst v63  }
0x6ca: {  	v49 =	vperm.xlane v19, v7;
	v20 =	vadd.s32 v4, v48;
	s23 =	simm.s32 $0x8800  }
0x6cb: {  	[tilespmem:s23], [sflag:$0x1] =	stream.indirect_vreg.gather [hbm4b:s5+s2], $0x80, v21, vm0, $0xb8;
	[tilespmem:$0x1BF80] =	vst v63  }
0x6cc: {  	v51 =	vperm.xlane v19, v8;
	v50 =	vadd.s32 v4, v49;
	s23 =	simm.s32 $0x8880  }
0x6cd: {  	[tilespmem:s23], [sflag:$0x1] =	stream.indirect_vreg.gather [hbm4b:s5+s2], $0x80, v22, vm0, $0xb8;
	[tilespmem:$0x1BF80] =	vst v63  }
0x6ce: {  	v53 =	vperm.xlane v19, v9;
	v52 =	vadd.s32 v4, v51;
	s23 =	simm.s32 $0x8900  }
0x6cf: {  	[tilespmem:s23], [sflag:$0x1] =	stream.indirect_vreg.gather [hbm4b:s5+s2], $0x80, v20, vm0, $0xb8;
	[tilespmem:$0x1BF80] =	vst v63  }
0x6d0: {  	v54 =	vperm.xlane v19, v0;
	v20 =	vadd.s32 v4, v53;
	s23 =	simm.s32 $0x8980  }
0x6d1: {  	[tilespmem:s23], [sflag:$0x1] =	stream.indirect_vreg.gather [hbm4b:s5+s2], $0x80, v50, vm0, $0xb8;
	[tilespmem:$0x1BF80] =	vst v63  }
0x6d2: {  	v56 =	vperm.xlane v19, v10;
	v55 =	vadd.s32 v4, v54;
	s23 =	simm.s32 $0x8A00  }
0x6d3: {  	[tilespmem:s23], [sflag:$0x1] =	stream.indirect_vreg.gather [hbm4b:s5+s2], $0x80, v52, vm0, $0xb8;
	[tilespmem:$0x1BF80] =	vst v63  }
0x6d4: {  	v58 =	vperm.xlane v19, v11;
	v57 =	vadd.s32 v4, v56;
	s23 =	simm.s32 $0x8A80  }
0x6d5: {  	[tilespmem:s23], [sflag:$0x1] =	stream.indirect_vreg.gather [hbm4b:s5+s2], $0x80, v20, vm0, $0xb8;
	[tilespmem:$0x1BF80] =	vst v63  }
0x6d6: {  	v59 =	vperm.xlane v19, v12;
	v20 =	vadd.s32 v4, v58;
	s23 =	simm.s32 $0x8B00  }
0x6d7: {  	[tilespmem:s23], [sflag:$0x1] =	stream.indirect_vreg.gather [hbm4b:s5+s2], $0x80, v55, vm0, $0xb8;
	[tilespmem:$0x1BF80] =	vst v63  }
0x6d8: {  	v61 =	vperm.xlane v19, v13;
	v60 =	vadd.s32 v4, v59;
	s23 =	simm.s32 $0x8B80  }
0x6d9: {  	[tilespmem:s23], [sflag:$0x1] =	stream.indirect_vreg.gather [hbm4b:s5+s2], $0x80, v57, vm0, $0xb8;
	[tilespmem:$0x1BF80] =	vst v63  }
0x6da: {  	v63 =	vperm.xlane v19, v14;
	v62 =	vadd.s32 v4, v61;
	s23 =	simm.s32 $0x8C00  }
0x6db: {  	[tilespmem:s23], [sflag:$0x1] =	stream.indirect_vreg.gather [hbm4b:s5+s2], $0x80, v20, vm0, $0xb8;
	[tilespmem:$0x1BF80] =	vst v63  }
0x6dc: {  	v24 =	vperm.xlane v19, v15;
	v20 =	vadd.s32 v4, v63;
	s23 =	simm.s32 $0x8C80  }
0x6dd: {  	[tilespmem:s23], [sflag:$0x1] =	stream.indirect_vreg.gather [hbm4b:s5+s2], $0x80, v60, vm0, $0xb8;
	[tilespmem:$0x1BF80] =	vst v63  }
0x6de: {  	v26 =	vperm.xlane v19, v16;
	v25 =	vadd.s32 v4, v24;
	s23 =	simm.s32 $0x8D00  }
0x6df: {  	[tilespmem:s23], [sflag:$0x1] =	stream.indirect_vreg.gather [hbm4b:s5+s2], $0x80, v62, vm0, $0xb8;
	[tilespmem:$0x1BF80] =	vst v63  }
0x6e0: {  	v19 =	vperm.xlane v19, v17;
	v27 =	vadd.s32 v4, v26;
	s23 =	simm.s32 $0x8D80  }
0x6e1: {  	[tilespmem:s23], [sflag:$0x1] =	stream.indirect_vreg.gather [hbm4b:s5+s2], $0x80, v20, vm0, $0xb8;
	[tilespmem:$0x1BF80] =	vst v63  }
0x6e2: {  	v19 =	vadd.s32 v4, v19;
	s23 =	simm.s32 $0x8E00  }
0x6e3: {  	[tilespmem:s23], [sflag:$0x1] =	stream.indirect_vreg.gather [hbm4b:s5+s2], $0x80, v25, vm0, $0xb8;
	[tilespmem:$0x1BF80] =	vst v63  }
0x6e4: {  	s23 =	simm.s32 $0x8E80  }
0x6e5: {  	[tilespmem:s23], [sflag:$0x1] =	stream.indirect_vreg.gather [hbm4b:s5+s2], $0x80, v27, vm0, $0xb8;
	[tilespmem:$0x1BF80] =	vst v63  }
0x6e6: {  	s23 =	simm.s32 $0x8F00  }
0x6e7: {  	[tilespmem:s23], [sflag:$0x1] =	stream.indirect_vreg.gather [hbm4b:s5+s2], $0x80, v19, vm0, $0xb8;
	[tilespmem:$0x1BF80] =	vst v63  }
0x6e8: {  	v19 =	vld [tilespmem:s20+$0x2A0];
	_ =	sdelay $0x4  }
0x6e9: {  	v20 =	vshll.u32 v19, $0x3  }
0x6ea: {  	v19 =	vand.u32 $0x7, v19;
	v20 =	vand.u32 $0xFFFFFFC0, v20  }
0x6eb: {  	v19 =	vor.u32 v19, v20  }
0x6ec: {  	v20 =	vperm.xlane v19, v2;
	_ =	sdelay $0x1  }
0x6ed: {  	v28 =	vperm.xlane v19, v5;
	v20 =	vadd.s32 v4, v20;
	_ =	sdelay $0x1  }
0x6ee: {  	v29 =	vperm.xlane v19, v6;
	v21 =	vadd.s32 v4, v28;
	_ =	sdelay $0x1  }
0x6ef: {  	s23 =	simm.s32 $0x8F80;
	v30 =	vperm.xlane v19, v1;
	v22 =	vadd.s32 v4, v29  }
0x6f0: {  	[tilespmem:s23], [sflag:$0x1] =	stream.indirect_vreg.gather [hbm4b:s5+s2], $0x80, v20, vm0, $0xb8;
	[tilespmem:$0x1BF80] =	vst v63  }
0x6f1: {  	v31 =	vperm.xlane v19, v7;
	v20 =	vadd.s32 v4, v30;
	s23 =	simm.s32 $0x9000  }
0x6f2: {  	[tilespmem:s23], [sflag:$0x1] =	stream.indirect_vreg.gather [hbm4b:s5+s2], $0x80, v21, vm0, $0xb8;
	[tilespmem:$0x1BF80] =	vst v63  }
0x6f3: {  	v33 =	vperm.xlane v19, v8;
	v32 =	vadd.s32 v4, v31;
	s23 =	simm.s32 $0x9080  }
0x6f4: {  	[tilespmem:s23], [sflag:$0x1] =	stream.indirect_vreg.gather [hbm4b:s5+s2], $0x80, v22, vm0, $0xb8;
	[tilespmem:$0x1BF80] =	vst v63  }
0x6f5: {  	v35 =	vperm.xlane v19, v9;
	v34 =	vadd.s32 v4, v33;
	s23 =	simm.s32 $0x9100  }
0x6f6: {  	[tilespmem:s23], [sflag:$0x1] =	stream.indirect_vreg.gather [hbm4b:s5+s2], $0x80, v20, vm0, $0xb8;
	[tilespmem:$0x1BF80] =	vst v63  }
0x6f7: {  	v36 =	vperm.xlane v19, v0;
	v20 =	vadd.s32 v4, v35;
	s23 =	simm.s32 $0x9180  }
0x6f8: {  	[tilespmem:s23], [sflag:$0x1] =	stream.indirect_vreg.gather [hbm4b:s5+s2], $0x80, v32, vm0, $0xb8;
	[tilespmem:$0x1BF80] =	vst v63  }
0x6f9: {  	v38 =	vperm.xlane v19, v10;
	v37 =	vadd.s32 v4, v36;
	s23 =	simm.s32 $0x9200  }
0x6fa: {  	[tilespmem:s23], [sflag:$0x1] =	stream.indirect_vreg.gather [hbm4b:s5+s2], $0x80, v34, vm0, $0xb8;
	[tilespmem:$0x1BF80] =	vst v63  }
0x6fb: {  	v40 =	vperm.xlane v19, v11;
	v39 =	vadd.s32 v4, v38;
	s23 =	simm.s32 $0x9280  }
0x6fc: {  	[tilespmem:s23], [sflag:$0x1] =	stream.indirect_vreg.gather [hbm4b:s5+s2], $0x80, v20, vm0, $0xb8;
	[tilespmem:$0x1BF80] =	vst v63  }
0x6fd: {  	v41 =	vperm.xlane v19, v12;
	v20 =	vadd.s32 v4, v40;
	s23 =	simm.s32 $0x9300  }
0x6fe: {  	[tilespmem:s23], [sflag:$0x1] =	stream.indirect_vreg.gather [hbm4b:s5+s2], $0x80, v37, vm0, $0xb8;
	[tilespmem:$0x1BF80] =	vst v63  }
0x6ff: {  	v43 =	vperm.xlane v19, v13;
	v42 =	vadd.s32 v4, v41;
	s23 =	simm.s32 $0x9380  }
0x700: {  	[tilespmem:s23], [sflag:$0x1] =	stream.indirect_vreg.gather [hbm4b:s5+s2], $0x80, v39, vm0, $0xb8;
	[tilespmem:$0x1BF80] =	vst v63  }
0x701: {  	v45 =	vperm.xlane v19, v14;
	v44 =	vadd.s32 v4, v43;
	s23 =	simm.s32 $0x9400  }
0x702: {  	[tilespmem:s23], [sflag:$0x1] =	stream.indirect_vreg.gather [hbm4b:s5+s2], $0x80, v20, vm0, $0xb8;
	[tilespmem:$0x1BF80] =	vst v63  }
0x703: {  	v46 =	vperm.xlane v19, v15;
	v20 =	vadd.s32 v4, v45;
	s23 =	simm.s32 $0x9480  }
0x704: {  	[tilespmem:s23], [sflag:$0x1] =	stream.indirect_vreg.gather [hbm4b:s5+s2], $0x80, v42, vm0, $0xb8;
	[tilespmem:$0x1BF80] =	vst v63  }
0x705: {  	v48 =	vperm.xlane v19, v16;
	v47 =	vadd.s32 v4, v46;
	s23 =	simm.s32 $0x9500  }
0x706: {  	[tilespmem:s23], [sflag:$0x1] =	stream.indirect_vreg.gather [hbm4b:s5+s2], $0x80, v44, vm0, $0xb8;
	[tilespmem:$0x1BF80] =	vst v63  }
0x707: {  	v19 =	vperm.xlane v19, v17;
	v49 =	vadd.s32 v4, v48;
	s23 =	simm.s32 $0x9580  }
0x708: {  	[tilespmem:s23], [sflag:$0x1] =	stream.indirect_vreg.gather [hbm4b:s5+s2], $0x80, v20, vm0, $0xb8;
	[tilespmem:$0x1BF80] =	vst v63  }
0x709: {  	v19 =	vadd.s32 v4, v19;
	s23 =	simm.s32 $0x9600  }
0x70a: {  	[tilespmem:s23], [sflag:$0x1] =	stream.indirect_vreg.gather [hbm4b:s5+s2], $0x80, v47, vm0, $0xb8;
	[tilespmem:$0x1BF80] =	vst v63  }
0x70b: {  	s23 =	simm.s32 $0x9680  }
0x70c: {  	[tilespmem:s23], [sflag:$0x1] =	stream.indirect_vreg.gather [hbm4b:s5+s2], $0x80, v49, vm0, $0xb8;
	[tilespmem:$0x1BF80] =	vst v63  }
0x70d: {  	s23 =	simm.s32 $0x9700  }
0x70e: {  	[tilespmem:s23], [sflag:$0x1] =	stream.indirect_vreg.gather [hbm4b:s5+s2], $0x80, v19, vm0, $0xb8;
	[tilespmem:$0x1BF80] =	vst v63  }
0x70f: {  	v19 =	vld [tilespmem:s20+$0x2B0];
	_ =	sdelay $0x4  }
0x710: {  	v20 =	vshll.u32 v19, $0x3  }
0x711: {  	v19 =	vand.u32 $0x7, v19;
	v20 =	vand.u32 $0xFFFFFFC0, v20  }
0x712: {  	v19 =	vor.u32 v19, v20  }
0x713: {  	v20 =	vperm.xlane v19, v2;
	_ =	sdelay $0x1  }
0x714: {  	v50 =	vperm.xlane v19, v5;
	v20 =	vadd.s32 v4, v20;
	_ =	sdelay $0x1  }
0x715: {  	v51 =	vperm.xlane v19, v6;
	v21 =	vadd.s32 v4, v50;
	_ =	sdelay $0x1  }
0x716: {  	s23 =	simm.s32 $0x9780;
	v52 =	vperm.xlane v19, v1;
	v22 =	vadd.s32 v4, v51  }
0x717: {  	[tilespmem:s23], [sflag:$0x1] =	stream.indirect_vreg.gather [hbm4b:s5+s2], $0x80, v20, vm0, $0xb8;
	[tilespmem:$0x1BF80] =	vst v63  }
0x718: {  	v53 =	vperm.xlane v19, v7;
	v20 =	vadd.s32 v4, v52;
	s23 =	simm.s32 $0x9800  }
0x719: {  	[tilespmem:s23], [sflag:$0x1] =	stream.indirect_vreg.gather [hbm4b:s5+s2], $0x80, v21, vm0, $0xb8;
	[tilespmem:$0x1BF80] =	vst v63  }
0x71a: {  	v55 =	vperm.xlane v19, v8;
	v54 =	vadd.s32 v4, v53;
	s23 =	simm.s32 $0x9880  }
0x71b: {  	[tilespmem:s23], [sflag:$0x1] =	stream.indirect_vreg.gather [hbm4b:s5+s2], $0x80, v22, vm0, $0xb8;
	[tilespmem:$0x1BF80] =	vst v63  }
0x71c: {  	v57 =	vperm.xlane v19, v9;
	v56 =	vadd.s32 v4, v55;
	s23 =	simm.s32 $0x9900  }
0x71d: {  	[tilespmem:s23], [sflag:$0x1] =	stream.indirect_vreg.gather [hbm4b:s5+s2], $0x80, v20, vm0, $0xb8;
	[tilespmem:$0x1BF80] =	vst v63  }
0x71e: {  	v58 =	vperm.xlane v19, v0;
	v20 =	vadd.s32 v4, v57;
	s23 =	simm.s32 $0x9980  }
0x71f: {  	[tilespmem:s23], [sflag:$0x1] =	stream.indirect_vreg.gather [hbm4b:s5+s2], $0x80, v54, vm0, $0xb8;
	[tilespmem:$0x1BF80] =	vst v63  }
0x720: {  	v60 =	vperm.xlane v19, v10;
	v59 =	vadd.s32 v4, v58;
	s23 =	simm.s32 $0x9A00  }
0x721: {  	[tilespmem:s23], [sflag:$0x1] =	stream.indirect_vreg.gather [hbm4b:s5+s2], $0x80, v56, vm0, $0xb8;
	[tilespmem:$0x1BF80] =	vst v63  }
0x722: {  	v62 =	vperm.xlane v19, v11;
	v61 =	vadd.s32 v4, v60;
	s23 =	simm.s32 $0x9A80  }
0x723: {  	[tilespmem:s23], [sflag:$0x1] =	stream.indirect_vreg.gather [hbm4b:s5+s2], $0x80, v20, vm0, $0xb8;
	[tilespmem:$0x1BF80] =	vst v63  }
0x724: {  	v63 =	vperm.xlane v19, v12;
	v20 =	vadd.s32 v4, v62;
	s23 =	simm.s32 $0x9B00  }
0x725: {  	[tilespmem:s23], [sflag:$0x1] =	stream.indirect_vreg.gather [hbm4b:s5+s2], $0x80, v59, vm0, $0xb8;
	[tilespmem:$0x1BF80] =	vst v63  }
0x726: {  	v25 =	vperm.xlane v19, v13;
	v24 =	vadd.s32 v4, v63;
	s23 =	simm.s32 $0x9B80  }
0x727: {  	[tilespmem:s23], [sflag:$0x1] =	stream.indirect_vreg.gather [hbm4b:s5+s2], $0x80, v61, vm0, $0xb8;
	[tilespmem:$0x1BF80] =	vst v63  }
0x728: {  	v27 =	vperm.xlane v19, v14;
	v26 =	vadd.s32 v4, v25;
	s23 =	simm.s32 $0x9C00  }
0x729: {  	[tilespmem:s23], [sflag:$0x1] =	stream.indirect_vreg.gather [hbm4b:s5+s2], $0x80, v20, vm0, $0xb8;
	[tilespmem:$0x1BF80] =	vst v63  }
0x72a: {  	v28 =	vperm.xlane v19, v15;
	v20 =	vadd.s32 v4, v27;
	s23 =	simm.s32 $0x9C80  }
0x72b: {  	[tilespmem:s23], [sflag:$0x1] =	stream.indirect_vreg.gather [hbm4b:s5+s2], $0x80, v24, vm0, $0xb8;
	[tilespmem:$0x1BF80] =	vst v63  }
0x72c: {  	v30 =	vperm.xlane v19, v16;
	v29 =	vadd.s32 v4, v28;
	s23 =	simm.s32 $0x9D00  }
0x72d: {  	[tilespmem:s23], [sflag:$0x1] =	stream.indirect_vreg.gather [hbm4b:s5+s2], $0x80, v26, vm0, $0xb8;
	[tilespmem:$0x1BF80] =	vst v63  }
0x72e: {  	v19 =	vperm.xlane v19, v17;
	v31 =	vadd.s32 v4, v30;
	s23 =	simm.s32 $0x9D80  }
0x72f: {  	[tilespmem:s23], [sflag:$0x1] =	stream.indirect_vreg.gather [hbm4b:s5+s2], $0x80, v20, vm0, $0xb8;
	[tilespmem:$0x1BF80] =	vst v63  }
0x730: {  	v19 =	vadd.s32 v4, v19;
	s23 =	simm.s32 $0x9E00  }
0x731: {  	[tilespmem:s23], [sflag:$0x1] =	stream.indirect_vreg.gather [hbm4b:s5+s2], $0x80, v29, vm0, $0xb8;
	[tilespmem:$0x1BF80] =	vst v63  }
0x732: {  	s23 =	simm.s32 $0x9E80  }
0x733: {  	[tilespmem:s23], [sflag:$0x1] =	stream.indirect_vreg.gather [hbm4b:s5+s2], $0x80, v31, vm0, $0xb8;
	[tilespmem:$0x1BF80] =	vst v63  }
0x734: {  	s23 =	simm.s32 $0x9F00  }
0x735: {  	[tilespmem:s23], [sflag:$0x1] =	stream.indirect_vreg.gather [hbm4b:s5+s2], $0x80, v19, vm0, $0xb8;
	[tilespmem:$0x1BF80] =	vst v63  }
0x736: {  	v19 =	vld [tilespmem:s20+$0x2C0];
	_ =	sdelay $0x4  }
0x737: {  	v20 =	vshll.u32 v19, $0x3  }
0x738: {  	v19 =	vand.u32 $0x7, v19;
	v20 =	vand.u32 $0xFFFFFFC0, v20  }
0x739: {  	v19 =	vor.u32 v19, v20  }
0x73a: {  	v20 =	vperm.xlane v19, v2;
	_ =	sdelay $0x1  }
0x73b: {  	v32 =	vperm.xlane v19, v5;
	v20 =	vadd.s32 v4, v20;
	_ =	sdelay $0x1  }
0x73c: {  	v33 =	vperm.xlane v19, v6;
	v21 =	vadd.s32 v4, v32;
	_ =	sdelay $0x1  }
0x73d: {  	s23 =	simm.s32 $0x9F80;
	v34 =	vperm.xlane v19, v1;
	v22 =	vadd.s32 v4, v33  }
0x73e: {  	[tilespmem:s23], [sflag:$0x1] =	stream.indirect_vreg.gather [hbm4b:s5+s2], $0x80, v20, vm0, $0xb8;
	[tilespmem:$0x1BF80] =	vst v63  }
0x73f: {  	v35 =	vperm.xlane v19, v7;
	v20 =	vadd.s32 v4, v34;
	s23 =	simm.s32 $0xA000  }
0x740: {  	[tilespmem:s23], [sflag:$0x1] =	stream.indirect_vreg.gather [hbm4b:s5+s2], $0x80, v21, vm0, $0xb8;
	[tilespmem:$0x1BF80] =	vst v63  }
0x741: {  	v37 =	vperm.xlane v19, v8;
	v36 =	vadd.s32 v4, v35;
	s23 =	simm.s32 $0xA080  }
0x742: {  	[tilespmem:s23], [sflag:$0x1] =	stream.indirect_vreg.gather [hbm4b:s5+s2], $0x80, v22, vm0, $0xb8;
	[tilespmem:$0x1BF80] =	vst v63  }
0x743: {  	v39 =	vperm.xlane v19, v9;
	v38 =	vadd.s32 v4, v37;
	s23 =	simm.s32 $0xA100  }
0x744: {  	[tilespmem:s23], [sflag:$0x1] =	stream.indirect_vreg.gather [hbm4b:s5+s2], $0x80, v20, vm0, $0xb8;
	[tilespmem:$0x1BF80] =	vst v63  }
0x745: {  	v40 =	vperm.xlane v19, v0;
	v20 =	vadd.s32 v4, v39;
	s23 =	simm.s32 $0xA180  }
0x746: {  	[tilespmem:s23], [sflag:$0x1] =	stream.indirect_vreg.gather [hbm4b:s5+s2], $0x80, v36, vm0, $0xb8;
	[tilespmem:$0x1BF80] =	vst v63  }
0x747: {  	v42 =	vperm.xlane v19, v10;
	v41 =	vadd.s32 v4, v40;
	s23 =	simm.s32 $0xA200  }
0x748: {  	[tilespmem:s23], [sflag:$0x1] =	stream.indirect_vreg.gather [hbm4b:s5+s2], $0x80, v38, vm0, $0xb8;
	[tilespmem:$0x1BF80] =	vst v63  }
0x749: {  	v44 =	vperm.xlane v19, v11;
	v43 =	vadd.s32 v4, v42;
	s23 =	simm.s32 $0xA280  }
0x74a: {  	[tilespmem:s23], [sflag:$0x1] =	stream.indirect_vreg.gather [hbm4b:s5+s2], $0x80, v20, vm0, $0xb8;
	[tilespmem:$0x1BF80] =	vst v63  }
0x74b: {  	v45 =	vperm.xlane v19, v12;
	v20 =	vadd.s32 v4, v44;
	s23 =	simm.s32 $0xA300  }
0x74c: {  	[tilespmem:s23], [sflag:$0x1] =	stream.indirect_vreg.gather [hbm4b:s5+s2], $0x80, v41, vm0, $0xb8;
	[tilespmem:$0x1BF80] =	vst v63  }
0x74d: {  	v47 =	vperm.xlane v19, v13;
	v46 =	vadd.s32 v4, v45;
	s23 =	simm.s32 $0xA380  }
0x74e: {  	[tilespmem:s23], [sflag:$0x1] =	stream.indirect_vreg.gather [hbm4b:s5+s2], $0x80, v43, vm0, $0xb8;
	[tilespmem:$0x1BF80] =	vst v63  }
0x74f: {  	v49 =	vperm.xlane v19, v14;
	v48 =	vadd.s32 v4, v47;
	s23 =	simm.s32 $0xA400  }
0x750: {  	[tilespmem:s23], [sflag:$0x1] =	stream.indirect_vreg.gather [hbm4b:s5+s2], $0x80, v20, vm0, $0xb8;
	[tilespmem:$0x1BF80] =	vst v63  }
0x751: {  	v50 =	vperm.xlane v19, v15;
	v20 =	vadd.s32 v4, v49;
	s23 =	simm.s32 $0xA480  }
0x752: {  	[tilespmem:s23], [sflag:$0x1] =	stream.indirect_vreg.gather [hbm4b:s5+s2], $0x80, v46, vm0, $0xb8;
	[tilespmem:$0x1BF80] =	vst v63  }
0x753: {  	v52 =	vperm.xlane v19, v16;
	v51 =	vadd.s32 v4, v50;
	s23 =	simm.s32 $0xA500  }
0x754: {  	[tilespmem:s23], [sflag:$0x1] =	stream.indirect_vreg.gather [hbm4b:s5+s2], $0x80, v48, vm0, $0xb8;
	[tilespmem:$0x1BF80] =	vst v63  }
0x755: {  	v19 =	vperm.xlane v19, v17;
	v53 =	vadd.s32 v4, v52;
	s23 =	simm.s32 $0xA580  }
0x756: {  	[tilespmem:s23], [sflag:$0x1] =	stream.indirect_vreg.gather [hbm4b:s5+s2], $0x80, v20, vm0, $0xb8;
	[tilespmem:$0x1BF80] =	vst v63  }
0x757: {  	v19 =	vadd.s32 v4, v19;
	s23 =	simm.s32 $0xA600  }
0x758: {  	[tilespmem:s23], [sflag:$0x1] =	stream.indirect_vreg.gather [hbm4b:s5+s2], $0x80, v51, vm0, $0xb8;
	[tilespmem:$0x1BF80] =	vst v63  }
0x759: {  	s23 =	simm.s32 $0xA680  }
0x75a: {  	[tilespmem:s23], [sflag:$0x1] =	stream.indirect_vreg.gather [hbm4b:s5+s2], $0x80, v53, vm0, $0xb8;
	[tilespmem:$0x1BF80] =	vst v63  }
0x75b: {  	s23 =	simm.s32 $0xA700  }
0x75c: {  	[tilespmem:s23], [sflag:$0x1] =	stream.indirect_vreg.gather [hbm4b:s5+s2], $0x80, v19, vm0, $0xb8;
	[tilespmem:$0x1BF80] =	vst v63  }
0x75d: {  	v19 =	vld [tilespmem:s20+$0x2D0];
	_ =	sdelay $0x4  }
0x75e: {  	v20 =	vshll.u32 v19, $0x3  }
0x75f: {  	v19 =	vand.u32 $0x7, v19;
	v20 =	vand.u32 $0xFFFFFFC0, v20  }
0x760: {  	v19 =	vor.u32 v19, v20  }
0x761: {  	v20 =	vperm.xlane v19, v2;
	_ =	sdelay $0x1  }
0x762: {  	v54 =	vperm.xlane v19, v5;
	v20 =	vadd.s32 v4, v20;
	_ =	sdelay $0x1  }
0x763: {  	v55 =	vperm.xlane v19, v6;
	v21 =	vadd.s32 v4, v54;
	_ =	sdelay $0x1  }
0x764: {  	s23 =	simm.s32 $0xA780;
	v56 =	vperm.xlane v19, v1;
	v22 =	vadd.s32 v4, v55  }
0x765: {  	[tilespmem:s23], [sflag:$0x1] =	stream.indirect_vreg.gather [hbm4b:s5+s2], $0x80, v20, vm0, $0xb8;
	[tilespmem:$0x1BF80] =	vst v63  }
0x766: {  	v57 =	vperm.xlane v19, v7;
	v20 =	vadd.s32 v4, v56;
	s23 =	simm.s32 $0xA800  }
0x767: {  	[tilespmem:s23], [sflag:$0x1] =	stream.indirect_vreg.gather [hbm4b:s5+s2], $0x80, v21, vm0, $0xb8;
	[tilespmem:$0x1BF80] =	vst v63  }
0x768: {  	v59 =	vperm.xlane v19, v8;
	v58 =	vadd.s32 v4, v57;
	s23 =	simm.s32 $0xA880  }
0x769: {  	[tilespmem:s23], [sflag:$0x1] =	stream.indirect_vreg.gather [hbm4b:s5+s2], $0x80, v22, vm0, $0xb8;
	[tilespmem:$0x1BF80] =	vst v63  }
0x76a: {  	v61 =	vperm.xlane v19, v9;
	v60 =	vadd.s32 v4, v59;
	s23 =	simm.s32 $0xA900  }
0x76b: {  	[tilespmem:s23], [sflag:$0x1] =	stream.indirect_vreg.gather [hbm4b:s5+s2], $0x80, v20, vm0, $0xb8;
	[tilespmem:$0x1BF80] =	vst v63  }
0x76c: {  	v62 =	vperm.xlane v19, v0;
	v20 =	vadd.s32 v4, v61;
	s23 =	simm.s32 $0xA980  }
0x76d: {  	[tilespmem:s23], [sflag:$0x1] =	stream.indirect_vreg.gather [hbm4b:s5+s2], $0x80, v58, vm0, $0xb8;
	[tilespmem:$0x1BF80] =	vst v63  }
0x76e: {  	v24 =	vperm.xlane v19, v10;
	v63 =	vadd.s32 v4, v62;
	s23 =	simm.s32 $0xAA00  }
0x76f: {  	[tilespmem:s23], [sflag:$0x1] =	stream.indirect_vreg.gather [hbm4b:s5+s2], $0x80, v60, vm0, $0xb8;
	[tilespmem:$0x1BF80] =	vst v63  }
0x770: {  	v26 =	vperm.xlane v19, v11;
	v25 =	vadd.s32 v4, v24;
	s23 =	simm.s32 $0xAA80  }
0x771: {  	[tilespmem:s23], [sflag:$0x1] =	stream.indirect_vreg.gather [hbm4b:s5+s2], $0x80, v20, vm0, $0xb8;
	[tilespmem:$0x1BF80] =	vst v63  }
0x772: {  	v27 =	vperm.xlane v19, v12;
	v20 =	vadd.s32 v4, v26;
	s23 =	simm.s32 $0xAB00  }
0x773: {  	[tilespmem:s23], [sflag:$0x1] =	stream.indirect_vreg.gather [hbm4b:s5+s2], $0x80, v63, vm0, $0xb8;
	[tilespmem:$0x1BF80] =	vst v63  }
0x774: {  	v29 =	vperm.xlane v19, v13;
	v28 =	vadd.s32 v4, v27;
	s23 =	simm.s32 $0xAB80  }
0x775: {  	[tilespmem:s23], [sflag:$0x1] =	stream.indirect_vreg.gather [hbm4b:s5+s2], $0x80, v25, vm0, $0xb8;
	[tilespmem:$0x1BF80] =	vst v63  }
0x776: {  	v31 =	vperm.xlane v19, v14;
	v30 =	vadd.s32 v4, v29;
	s23 =	simm.s32 $0xAC00  }
0x777: {  	[tilespmem:s23], [sflag:$0x1] =	stream.indirect_vreg.gather [hbm4b:s5+s2], $0x80, v20, vm0, $0xb8;
	[tilespmem:$0x1BF80] =	vst v63  }
0x778: {  	v32 =	vperm.xlane v19, v15;
	v20 =	vadd.s32 v4, v31;
	s23 =	simm.s32 $0xAC80  }
0x779: {  	[tilespmem:s23], [sflag:$0x1] =	stream.indirect_vreg.gather [hbm4b:s5+s2], $0x80, v28, vm0, $0xb8;
	[tilespmem:$0x1BF80] =	vst v63  }
0x77a: {  	v34 =	vperm.xlane v19, v16;
	v33 =	vadd.s32 v4, v32;
	s23 =	simm.s32 $0xAD00  }
0x77b: {  	[tilespmem:s23], [sflag:$0x1] =	stream.indirect_vreg.gather [hbm4b:s5+s2], $0x80, v30, vm0, $0xb8;
	[tilespmem:$0x1BF80] =	vst v63  }
0x77c: {  	v19 =	vperm.xlane v19, v17;
	v35 =	vadd.s32 v4, v34;
	s23 =	simm.s32 $0xAD80  }
0x77d: {  	[tilespmem:s23], [sflag:$0x1] =	stream.indirect_vreg.gather [hbm4b:s5+s2], $0x80, v20, vm0, $0xb8;
	[tilespmem:$0x1BF80] =	vst v63  }
0x77e: {  	v19 =	vadd.s32 v4, v19;
	s23 =	simm.s32 $0xAE00  }
0x77f: {  	[tilespmem:s23], [sflag:$0x1] =	stream.indirect_vreg.gather [hbm4b:s5+s2], $0x80, v33, vm0, $0xb8;
	[tilespmem:$0x1BF80] =	vst v63  }
0x780: {  	s23 =	simm.s32 $0xAE80  }
0x781: {  	[tilespmem:s23], [sflag:$0x1] =	stream.indirect_vreg.gather [hbm4b:s5+s2], $0x80, v35, vm0, $0xb8;
	[tilespmem:$0x1BF80] =	vst v63  }
0x782: {  	s23 =	simm.s32 $0xAF00  }
0x783: {  	[tilespmem:s23], [sflag:$0x1] =	stream.indirect_vreg.gather [hbm4b:s5+s2], $0x80, v19, vm0, $0xb8;
	[tilespmem:$0x1BF80] =	vst v63  }
0x784: {  	v19 =	vld [tilespmem:s20+$0x2E0];
	_ =	sdelay $0x4  }
0x785: {  	v20 =	vshll.u32 v19, $0x3  }
0x786: {  	v19 =	vand.u32 $0x7, v19;
	v20 =	vand.u32 $0xFFFFFFC0, v20  }
0x787: {  	v19 =	vor.u32 v19, v20  }
0x788: {  	v20 =	vperm.xlane v19, v2;
	_ =	sdelay $0x1  }
0x789: {  	v36 =	vperm.xlane v19, v5;
	v20 =	vadd.s32 v4, v20;
	_ =	sdelay $0x1  }
0x78a: {  	v37 =	vperm.xlane v19, v6;
	v21 =	vadd.s32 v4, v36;
	_ =	sdelay $0x1  }
0x78b: {  	s23 =	simm.s32 $0xAF80;
	v38 =	vperm.xlane v19, v1;
	v22 =	vadd.s32 v4, v37  }
0x78c: {  	[tilespmem:s23], [sflag:$0x1] =	stream.indirect_vreg.gather [hbm4b:s5+s2], $0x80, v20, vm0, $0xb8;
	[tilespmem:$0x1BF80] =	vst v63  }
0x78d: {  	v39 =	vperm.xlane v19, v7;
	v20 =	vadd.s32 v4, v38;
	s23 =	simm.s32 $0xB000  }
0x78e: {  	[tilespmem:s23], [sflag:$0x1] =	stream.indirect_vreg.gather [hbm4b:s5+s2], $0x80, v21, vm0, $0xb8;
	[tilespmem:$0x1BF80] =	vst v63  }
0x78f: {  	v41 =	vperm.xlane v19, v8;
	v40 =	vadd.s32 v4, v39;
	s23 =	simm.s32 $0xB080  }
0x790: {  	[tilespmem:s23], [sflag:$0x1] =	stream.indirect_vreg.gather [hbm4b:s5+s2], $0x80, v22, vm0, $0xb8;
	[tilespmem:$0x1BF80] =	vst v63  }
0x791: {  	v43 =	vperm.xlane v19, v9;
	v42 =	vadd.s32 v4, v41;
	s23 =	simm.s32 $0xB100  }
0x792: {  	[tilespmem:s23], [sflag:$0x1] =	stream.indirect_vreg.gather [hbm4b:s5+s2], $0x80, v20, vm0, $0xb8;
	[tilespmem:$0x1BF80] =	vst v63  }
0x793: {  	v44 =	vperm.xlane v19, v0;
	v20 =	vadd.s32 v4, v43;
	s23 =	simm.s32 $0xB180  }
0x794: {  	[tilespmem:s23], [sflag:$0x1] =	stream.indirect_vreg.gather [hbm4b:s5+s2], $0x80, v40, vm0, $0xb8;
	[tilespmem:$0x1BF80] =	vst v63  }
0x795: {  	v46 =	vperm.xlane v19, v10;
	v45 =	vadd.s32 v4, v44;
	s23 =	simm.s32 $0xB200  }
0x796: {  	[tilespmem:s23], [sflag:$0x1] =	stream.indirect_vreg.gather [hbm4b:s5+s2], $0x80, v42, vm0, $0xb8;
	[tilespmem:$0x1BF80] =	vst v63  }
0x797: {  	v48 =	vperm.xlane v19, v11;
	v47 =	vadd.s32 v4, v46;
	s23 =	simm.s32 $0xB280  }
0x798: {  	[tilespmem:s23], [sflag:$0x1] =	stream.indirect_vreg.gather [hbm4b:s5+s2], $0x80, v20, vm0, $0xb8;
	[tilespmem:$0x1BF80] =	vst v63  }
0x799: {  	v49 =	vperm.xlane v19, v12;
	v20 =	vadd.s32 v4, v48;
	s23 =	simm.s32 $0xB300  }
0x79a: {  	[tilespmem:s23], [sflag:$0x1] =	stream.indirect_vreg.gather [hbm4b:s5+s2], $0x80, v45, vm0, $0xb8;
	[tilespmem:$0x1BF80] =	vst v63  }
0x79b: {  	v51 =	vperm.xlane v19, v13;
	v50 =	vadd.s32 v4, v49;
	s23 =	simm.s32 $0xB380  }
0x79c: {  	[tilespmem:s23], [sflag:$0x1] =	stream.indirect_vreg.gather [hbm4b:s5+s2], $0x80, v47, vm0, $0xb8;
	[tilespmem:$0x1BF80] =	vst v63  }
0x79d: {  	v53 =	vperm.xlane v19, v14;
	v52 =	vadd.s32 v4, v51;
	s23 =	simm.s32 $0xB400  }
0x79e: {  	[tilespmem:s23], [sflag:$0x1] =	stream.indirect_vreg.gather [hbm4b:s5+s2], $0x80, v20, vm0, $0xb8;
	[tilespmem:$0x1BF80] =	vst v63  }
0x79f: {  	v54 =	vperm.xlane v19, v15;
	v20 =	vadd.s32 v4, v53;
	s23 =	simm.s32 $0xB480  }
0x7a0: {  	[tilespmem:s23], [sflag:$0x1] =	stream.indirect_vreg.gather [hbm4b:s5+s2], $0x80, v50, vm0, $0xb8;
	[tilespmem:$0x1BF80] =	vst v63  }
0x7a1: {  	v56 =	vperm.xlane v19, v16;
	v55 =	vadd.s32 v4, v54;
	s23 =	simm.s32 $0xB500  }
0x7a2: {  	[tilespmem:s23], [sflag:$0x1] =	stream.indirect_vreg.gather [hbm4b:s5+s2], $0x80, v52, vm0, $0xb8;
	[tilespmem:$0x1BF80] =	vst v63  }
0x7a3: {  	v19 =	vperm.xlane v19, v17;
	v57 =	vadd.s32 v4, v56;
	s23 =	simm.s32 $0xB580  }
0x7a4: {  	[tilespmem:s23], [sflag:$0x1] =	stream.indirect_vreg.gather [hbm4b:s5+s2], $0x80, v20, vm0, $0xb8;
	[tilespmem:$0x1BF80] =	vst v63  }
0x7a5: {  	v19 =	vadd.s32 v4, v19;
	s23 =	simm.s32 $0xB600  }
0x7a6: {  	[tilespmem:s23], [sflag:$0x1] =	stream.indirect_vreg.gather [hbm4b:s5+s2], $0x80, v55, vm0, $0xb8;
	[tilespmem:$0x1BF80] =	vst v63  }
0x7a7: {  	s23 =	simm.s32 $0xB680  }
0x7a8: {  	[tilespmem:s23], [sflag:$0x1] =	stream.indirect_vreg.gather [hbm4b:s5+s2], $0x80, v57, vm0, $0xb8;
	[tilespmem:$0x1BF80] =	vst v63  }
0x7a9: {  	s23 =	simm.s32 $0xB700  }
0x7aa: {  	[tilespmem:s23], [sflag:$0x1] =	stream.indirect_vreg.gather [hbm4b:s5+s2], $0x80, v19, vm0, $0xb8;
	[tilespmem:$0x1BF80] =	vst v63  }
0x7ab: {  	v19 =	vld [tilespmem:s20+$0x2F0];
	_ =	sdelay $0x4  }
0x7ac: {  	v20 =	vshll.u32 v19, $0x3  }
0x7ad: {  	v19 =	vand.u32 $0x7, v19;
	v20 =	vand.u32 $0xFFFFFFC0, v20  }
0x7ae: {  	v19 =	vor.u32 v19, v20  }
0x7af: {  	v20 =	vperm.xlane v19, v2;
	_ =	sdelay $0x1  }
0x7b0: {  	v58 =	vperm.xlane v19, v5;
	v20 =	vadd.s32 v4, v20;
	_ =	sdelay $0x1  }
0x7b1: {  	v59 =	vperm.xlane v19, v6;
	v21 =	vadd.s32 v4, v58;
	_ =	sdelay $0x1  }
0x7b2: {  	s23 =	simm.s32 $0xB780;
	v60 =	vperm.xlane v19, v1;
	v22 =	vadd.s32 v4, v59  }
0x7b3: {  	[tilespmem:s23], [sflag:$0x1] =	stream.indirect_vreg.gather [hbm4b:s5+s2], $0x80, v20, vm0, $0xb8;
	[tilespmem:$0x1BF80] =	vst v63  }
0x7b4: {  	v61 =	vperm.xlane v19, v7;
	v20 =	vadd.s32 v4, v60;
	s23 =	simm.s32 $0xB800  }
0x7b5: {  	[tilespmem:s23], [sflag:$0x1] =	stream.indirect_vreg.gather [hbm4b:s5+s2], $0x80, v21, vm0, $0xb8;
	[tilespmem:$0x1BF80] =	vst v63  }
0x7b6: {  	v63 =	vperm.xlane v19, v8;
	v62 =	vadd.s32 v4, v61;
	s23 =	simm.s32 $0xB880  }
0x7b7: {  	[tilespmem:s23], [sflag:$0x1] =	stream.indirect_vreg.gather [hbm4b:s5+s2], $0x80, v22, vm0, $0xb8;
	[tilespmem:$0x1BF80] =	vst v63  }
0x7b8: {  	v25 =	vperm.xlane v19, v9;
	v24 =	vadd.s32 v4, v63;
	s23 =	simm.s32 $0xB900  }
0x7b9: {  	[tilespmem:s23], [sflag:$0x1] =	stream.indirect_vreg.gather [hbm4b:s5+s2], $0x80, v20, vm0, $0xb8;
	[tilespmem:$0x1BF80] =	vst v63  }
0x7ba: {  	v26 =	vperm.xlane v19, v0;
	v20 =	vadd.s32 v4, v25;
	s23 =	simm.s32 $0xB980  }
0x7bb: {  	[tilespmem:s23], [sflag:$0x1] =	stream.indirect_vreg.gather [hbm4b:s5+s2], $0x80, v62, vm0, $0xb8;
	[tilespmem:$0x1BF80] =	vst v63  }
0x7bc: {  	v28 =	vperm.xlane v19, v10;
	v27 =	vadd.s32 v4, v26;
	s23 =	simm.s32 $0xBA00  }
0x7bd: {  	[tilespmem:s23], [sflag:$0x1] =	stream.indirect_vreg.gather [hbm4b:s5+s2], $0x80, v24, vm0, $0xb8;
	[tilespmem:$0x1BF80] =	vst v63  }
0x7be: {  	v30 =	vperm.xlane v19, v11;
	v29 =	vadd.s32 v4, v28;
	s23 =	simm.s32 $0xBA80  }
0x7bf: {  	[tilespmem:s23], [sflag:$0x1] =	stream.indirect_vreg.gather [hbm4b:s5+s2], $0x80, v20, vm0, $0xb8;
	[tilespmem:$0x1BF80] =	vst v63  }
0x7c0: {  	v31 =	vperm.xlane v19, v12;
	v20 =	vadd.s32 v4, v30;
	s23 =	simm.s32 $0xBB00  }
0x7c1: {  	[tilespmem:s23], [sflag:$0x1] =	stream.indirect_vreg.gather [hbm4b:s5+s2], $0x80, v27, vm0, $0xb8;
	[tilespmem:$0x1BF80] =	vst v63  }
0x7c2: {  	v33 =	vperm.xlane v19, v13;
	v32 =	vadd.s32 v4, v31;
	s23 =	simm.s32 $0xBB80  }
0x7c3: {  	[tilespmem:s23], [sflag:$0x1] =	stream.indirect_vreg.gather [hbm4b:s5+s2], $0x80, v29, vm0, $0xb8;
	[tilespmem:$0x1BF80] =	vst v63  }
0x7c4: {  	v35 =	vperm.xlane v19, v14;
	v34 =	vadd.s32 v4, v33;
	s23 =	simm.s32 $0xBC00  }
0x7c5: {  	[tilespmem:s23], [sflag:$0x1] =	stream.indirect_vreg.gather [hbm4b:s5+s2], $0x80, v20, vm0, $0xb8;
	[tilespmem:$0x1BF80] =	vst v63  }
0x7c6: {  	v36 =	vperm.xlane v19, v15;
	v20 =	vadd.s32 v4, v35;
	s23 =	simm.s32 $0xBC80  }
0x7c7: {  	[tilespmem:s23], [sflag:$0x1] =	stream.indirect_vreg.gather [hbm4b:s5+s2], $0x80, v32, vm0, $0xb8;
	[tilespmem:$0x1BF80] =	vst v63  }
0x7c8: {  	v38 =	vperm.xlane v19, v16;
	v37 =	vadd.s32 v4, v36;
	s23 =	simm.s32 $0xBD00  }
0x7c9: {  	[tilespmem:s23], [sflag:$0x1] =	stream.indirect_vreg.gather [hbm4b:s5+s2], $0x80, v34, vm0, $0xb8;
	[tilespmem:$0x1BF80] =	vst v63  }
0x7ca: {  	v19 =	vperm.xlane v19, v17;
	v39 =	vadd.s32 v4, v38;
	s23 =	simm.s32 $0xBD80  }
0x7cb: {  	[tilespmem:s23], [sflag:$0x1] =	stream.indirect_vreg.gather [hbm4b:s5+s2], $0x80, v20, vm0, $0xb8;
	[tilespmem:$0x1BF80] =	vst v63  }
0x7cc: {  	v19 =	vadd.s32 v4, v19;
	s23 =	simm.s32 $0xBE00  }
0x7cd: {  	[tilespmem:s23], [sflag:$0x1] =	stream.indirect_vreg.gather [hbm4b:s5+s2], $0x80, v37, vm0, $0xb8;
	[tilespmem:$0x1BF80] =	vst v63  }
0x7ce: {  	s23 =	simm.s32 $0xBE80  }
0x7cf: {  	[tilespmem:s23], [sflag:$0x1] =	stream.indirect_vreg.gather [hbm4b:s5+s2], $0x80, v39, vm0, $0xb8;
	[tilespmem:$0x1BF80] =	vst v63  }
0x7d0: {  	s23 =	simm.s32 $0xBF00  }
0x7d1: {  	[tilespmem:s23], [sflag:$0x1] =	stream.indirect_vreg.gather [hbm4b:s5+s2], $0x80, v19, vm0, $0xb8;
	[tilespmem:$0x1BF80] =	vst v63  }
0x7d2: {  	v19 =	vld [tilespmem:s20+$0x300];
	_ =	sdelay $0x4  }
0x7d3: {  	v20 =	vshll.u32 v19, $0x3  }
0x7d4: {  	v19 =	vand.u32 $0x7, v19;
	v20 =	vand.u32 $0xFFFFFFC0, v20  }
0x7d5: {  	v19 =	vor.u32 v19, v20  }
0x7d6: {  	v20 =	vperm.xlane v19, v2;
	_ =	sdelay $0x1  }
0x7d7: {  	v40 =	vperm.xlane v19, v5;
	v20 =	vadd.s32 v4, v20;
	_ =	sdelay $0x1  }
0x7d8: {  	v41 =	vperm.xlane v19, v6;
	v21 =	vadd.s32 v4, v40;
	_ =	sdelay $0x1  }
0x7d9: {  	s23 =	simm.s32 $0xBF80;
	v42 =	vperm.xlane v19, v1;
	v22 =	vadd.s32 v4, v41  }
0x7da: {  	[tilespmem:s23], [sflag:$0x1] =	stream.indirect_vreg.gather [hbm4b:s5+s2], $0x80, v20, vm0, $0xb8;
	[tilespmem:$0x1BF80] =	vst v63  }
0x7db: {  	v43 =	vperm.xlane v19, v7;
	v20 =	vadd.s32 v4, v42;
	s23 =	simm.s32 $0xC000  }
0x7dc: {  	[tilespmem:s23], [sflag:$0x1] =	stream.indirect_vreg.gather [hbm4b:s5+s2], $0x80, v21, vm0, $0xb8;
	[tilespmem:$0x1BF80] =	vst v63  }
0x7dd: {  	v45 =	vperm.xlane v19, v8;
	v44 =	vadd.s32 v4, v43;
	s23 =	simm.s32 $0xC080  }
0x7de: {  	[tilespmem:s23], [sflag:$0x1] =	stream.indirect_vreg.gather [hbm4b:s5+s2], $0x80, v22, vm0, $0xb8;
	[tilespmem:$0x1BF80] =	vst v63  }
0x7df: {  	v47 =	vperm.xlane v19, v9;
	v46 =	vadd.s32 v4, v45;
	s23 =	simm.s32 $0xC100  }
0x7e0: {  	[tilespmem:s23], [sflag:$0x1] =	stream.indirect_vreg.gather [hbm4b:s5+s2], $0x80, v20, vm0, $0xb8;
	[tilespmem:$0x1BF80] =	vst v63  }
0x7e1: {  	v48 =	vperm.xlane v19, v0;
	v20 =	vadd.s32 v4, v47;
	s23 =	simm.s32 $0xC180  }
0x7e2: {  	[tilespmem:s23], [sflag:$0x1] =	stream.indirect_vreg.gather [hbm4b:s5+s2], $0x80, v44, vm0, $0xb8;
	[tilespmem:$0x1BF80] =	vst v63  }
0x7e3: {  	v50 =	vperm.xlane v19, v10;
	v49 =	vadd.s32 v4, v48;
	s23 =	simm.s32 $0xC200  }
0x7e4: {  	[tilespmem:s23], [sflag:$0x1] =	stream.indirect_vreg.gather [hbm4b:s5+s2], $0x80, v46, vm0, $0xb8;
	[tilespmem:$0x1BF80] =	vst v63  }
0x7e5: {  	v52 =	vperm.xlane v19, v11;
	v51 =	vadd.s32 v4, v50;
	s23 =	simm.s32 $0xC280  }
0x7e6: {  	[tilespmem:s23], [sflag:$0x1] =	stream.indirect_vreg.gather [hbm4b:s5+s2], $0x80, v20, vm0, $0xb8;
	[tilespmem:$0x1BF80] =	vst v63  }
0x7e7: {  	v53 =	vperm.xlane v19, v12;
	v20 =	vadd.s32 v4, v52;
	s23 =	simm.s32 $0xC300  }
0x7e8: {  	[tilespmem:s23], [sflag:$0x1] =	stream.indirect_vreg.gather [hbm4b:s5+s2], $0x80, v49, vm0, $0xb8;
	[tilespmem:$0x1BF80] =	vst v63  }
0x7e9: {  	v55 =	vperm.xlane v19, v13;
	v54 =	vadd.s32 v4, v53;
	s23 =	simm.s32 $0xC380  }
0x7ea: {  	[tilespmem:s23], [sflag:$0x1] =	stream.indirect_vreg.gather [hbm4b:s5+s2], $0x80, v51, vm0, $0xb8;
	[tilespmem:$0x1BF80] =	vst v63  }
0x7eb: {  	v57 =	vperm.xlane v19, v14;
	v56 =	vadd.s32 v4, v55;
	s23 =	simm.s32 $0xC400  }
0x7ec: {  	[tilespmem:s23], [sflag:$0x1] =	stream.indirect_vreg.gather [hbm4b:s5+s2], $0x80, v20, vm0, $0xb8;
	[tilespmem:$0x1BF80] =	vst v63  }
0x7ed: {  	v58 =	vperm.xlane v19, v15;
	v20 =	vadd.s32 v4, v57;
	s23 =	simm.s32 $0xC480  }
0x7ee: {  	[tilespmem:s23], [sflag:$0x1] =	stream.indirect_vreg.gather [hbm4b:s5+s2], $0x80, v54, vm0, $0xb8;
	[tilespmem:$0x1BF80] =	vst v63  }
0x7ef: {  	v60 =	vperm.xlane v19, v16;
	v59 =	vadd.s32 v4, v58;
	s23 =	simm.s32 $0xC500  }
0x7f0: {  	[tilespmem:s23], [sflag:$0x1] =	stream.indirect_vreg.gather [hbm4b:s5+s2], $0x80, v56, vm0, $0xb8;
	[tilespmem:$0x1BF80] =	vst v63  }
0x7f1: {  	v19 =	vperm.xlane v19, v17;
	v61 =	vadd.s32 v4, v60;
	s23 =	simm.s32 $0xC580  }
0x7f2: {  	[tilespmem:s23], [sflag:$0x1] =	stream.indirect_vreg.gather [hbm4b:s5+s2], $0x80, v20, vm0, $0xb8;
	[tilespmem:$0x1BF80] =	vst v63  }
0x7f3: {  	v19 =	vadd.s32 v4, v19;
	s23 =	simm.s32 $0xC600  }
0x7f4: {  	[tilespmem:s23], [sflag:$0x1] =	stream.indirect_vreg.gather [hbm4b:s5+s2], $0x80, v59, vm0, $0xb8;
	[tilespmem:$0x1BF80] =	vst v63  }
0x7f5: {  	s23 =	simm.s32 $0xC680  }
0x7f6: {  	[tilespmem:s23], [sflag:$0x1] =	stream.indirect_vreg.gather [hbm4b:s5+s2], $0x80, v61, vm0, $0xb8;
	[tilespmem:$0x1BF80] =	vst v63  }
0x7f7: {  	s23 =	simm.s32 $0xC700  }
0x7f8: {  	[tilespmem:s23], [sflag:$0x1] =	stream.indirect_vreg.gather [hbm4b:s5+s2], $0x80, v19, vm0, $0xb8;
	[tilespmem:$0x1BF80] =	vst v63  }
0x7f9: {  	v19 =	vld [tilespmem:s20+$0x310];
	_ =	sdelay $0x4  }
0x7fa: {  	v20 =	vshll.u32 v19, $0x3  }
0x7fb: {  	v19 =	vand.u32 $0x7, v19;
	v20 =	vand.u32 $0xFFFFFFC0, v20  }
0x7fc: {  	v19 =	vor.u32 v19, v20  }
0x7fd: {  	v20 =	vperm.xlane v19, v2;
	_ =	sdelay $0x1  }
0x7fe: {  	v62 =	vperm.xlane v19, v5;
	v20 =	vadd.s32 v4, v20;
	_ =	sdelay $0x1  }
0x7ff: {  	v63 =	vperm.xlane v19, v6;
	v21 =	vadd.s32 v4, v62;
	_ =	sdelay $0x1  }
0x800: {  	s23 =	simm.s32 $0xC780;
	v24 =	vperm.xlane v19, v1;
	v22 =	vadd.s32 v4, v63  }
0x801: {  	[tilespmem:s23], [sflag:$0x1] =	stream.indirect_vreg.gather [hbm4b:s5+s2], $0x80, v20, vm0, $0xb8;
	[tilespmem:$0x1BF80] =	vst v63  }
0x802: {  	v25 =	vperm.xlane v19, v7;
	v20 =	vadd.s32 v4, v24;
	s23 =	simm.s32 $0xC800  }
0x803: {  	[tilespmem:s23], [sflag:$0x1] =	stream.indirect_vreg.gather [hbm4b:s5+s2], $0x80, v21, vm0, $0xb8;
	[tilespmem:$0x1BF80] =	vst v63  }
0x804: {  	v27 =	vperm.xlane v19, v8;
	v26 =	vadd.s32 v4, v25;
	s23 =	simm.s32 $0xC880  }
0x805: {  	[tilespmem:s23], [sflag:$0x1] =	stream.indirect_vreg.gather [hbm4b:s5+s2], $0x80, v22, vm0, $0xb8;
	[tilespmem:$0x1BF80] =	vst v63  }
0x806: {  	v29 =	vperm.xlane v19, v9;
	v28 =	vadd.s32 v4, v27;
	s23 =	simm.s32 $0xC900  }
0x807: {  	[tilespmem:s23], [sflag:$0x1] =	stream.indirect_vreg.gather [hbm4b:s5+s2], $0x80, v20, vm0, $0xb8;
	[tilespmem:$0x1BF80] =	vst v63  }
0x808: {  	v30 =	vperm.xlane v19, v0;
	v20 =	vadd.s32 v4, v29;
	s23 =	simm.s32 $0xC980  }
0x809: {  	[tilespmem:s23], [sflag:$0x1] =	stream.indirect_vreg.gather [hbm4b:s5+s2], $0x80, v26, vm0, $0xb8;
	[tilespmem:$0x1BF80] =	vst v63  }
0x80a: {  	v32 =	vperm.xlane v19, v10;
	v31 =	vadd.s32 v4, v30;
	s23 =	simm.s32 $0xCA00  }
0x80b: {  	[tilespmem:s23], [sflag:$0x1] =	stream.indirect_vreg.gather [hbm4b:s5+s2], $0x80, v28, vm0, $0xb8;
	[tilespmem:$0x1BF80] =	vst v63  }
0x80c: {  	v34 =	vperm.xlane v19, v11;
	v33 =	vadd.s32 v4, v32;
	s23 =	simm.s32 $0xCA80  }
0x80d: {  	[tilespmem:s23], [sflag:$0x1] =	stream.indirect_vreg.gather [hbm4b:s5+s2], $0x80, v20, vm0, $0xb8;
	[tilespmem:$0x1BF80] =	vst v63  }
0x80e: {  	v35 =	vperm.xlane v19, v12;
	v20 =	vadd.s32 v4, v34;
	s23 =	simm.s32 $0xCB00  }
0x80f: {  	[tilespmem:s23], [sflag:$0x1] =	stream.indirect_vreg.gather [hbm4b:s5+s2], $0x80, v31, vm0, $0xb8;
	[tilespmem:$0x1BF80] =	vst v63  }
0x810: {  	v37 =	vperm.xlane v19, v13;
	v36 =	vadd.s32 v4, v35;
	s23 =	simm.s32 $0xCB80  }
0x811: {  	[tilespmem:s23], [sflag:$0x1] =	stream.indirect_vreg.gather [hbm4b:s5+s2], $0x80, v33, vm0, $0xb8;
	[tilespmem:$0x1BF80] =	vst v63  }
0x812: {  	v39 =	vperm.xlane v19, v14;
	v38 =	vadd.s32 v4, v37;
	s23 =	simm.s32 $0xCC00  }
0x813: {  	[tilespmem:s23], [sflag:$0x1] =	stream.indirect_vreg.gather [hbm4b:s5+s2], $0x80, v20, vm0, $0xb8;
	[tilespmem:$0x1BF80] =	vst v63  }
0x814: {  	v40 =	vperm.xlane v19, v15;
	v20 =	vadd.s32 v4, v39;
	s23 =	simm.s32 $0xCC80  }
0x815: {  	[tilespmem:s23], [sflag:$0x1] =	stream.indirect_vreg.gather [hbm4b:s5+s2], $0x80, v36, vm0, $0xb8;
	[tilespmem:$0x1BF80] =	vst v63  }
0x816: {  	v42 =	vperm.xlane v19, v16;
	v41 =	vadd.s32 v4, v40;
	s23 =	simm.s32 $0xCD00  }
0x817: {  	[tilespmem:s23], [sflag:$0x1] =	stream.indirect_vreg.gather [hbm4b:s5+s2], $0x80, v38, vm0, $0xb8;
	[tilespmem:$0x1BF80] =	vst v63  }
0x818: {  	v19 =	vperm.xlane v19, v17;
	v43 =	vadd.s32 v4, v42;
	s23 =	simm.s32 $0xCD80  }
0x819: {  	[tilespmem:s23], [sflag:$0x1] =	stream.indirect_vreg.gather [hbm4b:s5+s2], $0x80, v20, vm0, $0xb8;
	[tilespmem:$0x1BF80] =	vst v63  }
0x81a: {  	v19 =	vadd.s32 v4, v19;
	s23 =	simm.s32 $0xCE00  }
0x81b: {  	[tilespmem:s23], [sflag:$0x1] =	stream.indirect_vreg.gather [hbm4b:s5+s2], $0x80, v41, vm0, $0xb8;
	[tilespmem:$0x1BF80] =	vst v63  }
0x81c: {  	s23 =	simm.s32 $0xCE80  }
0x81d: {  	[tilespmem:s23], [sflag:$0x1] =	stream.indirect_vreg.gather [hbm4b:s5+s2], $0x80, v43, vm0, $0xb8;
	[tilespmem:$0x1BF80] =	vst v63  }
0x81e: {  	s23 =	simm.s32 $0xCF00  }
0x81f: {  	[tilespmem:s23], [sflag:$0x1] =	stream.indirect_vreg.gather [hbm4b:s5+s2], $0x80, v19, vm0, $0xb8;
	[tilespmem:$0x1BF80] =	vst v63  }
0x820: {  	v19 =	vld [tilespmem:s20+$0x320];
	_ =	sdelay $0x4  }
0x821: {  	v20 =	vshll.u32 v19, $0x3  }
0x822: {  	v19 =	vand.u32 $0x7, v19;
	v20 =	vand.u32 $0xFFFFFFC0, v20  }
0x823: {  	v19 =	vor.u32 v19, v20  }
0x824: {  	v20 =	vperm.xlane v19, v2;
	_ =	sdelay $0x1  }
0x825: {  	v44 =	vperm.xlane v19, v5;
	v20 =	vadd.s32 v4, v20;
	_ =	sdelay $0x1  }
0x826: {  	v45 =	vperm.xlane v19, v6;
	v21 =	vadd.s32 v4, v44;
	_ =	sdelay $0x1  }
0x827: {  	s23 =	simm.s32 $0xCF80;
	v46 =	vperm.xlane v19, v1;
	v22 =	vadd.s32 v4, v45  }
0x828: {  	[tilespmem:s23], [sflag:$0x1] =	stream.indirect_vreg.gather [hbm4b:s5+s2], $0x80, v20, vm0, $0xb8;
	[tilespmem:$0x1BF80] =	vst v63  }
0x829: {  	v47 =	vperm.xlane v19, v7;
	v20 =	vadd.s32 v4, v46;
	s23 =	simm.s32 $0xD000  }
0x82a: {  	[tilespmem:s23], [sflag:$0x1] =	stream.indirect_vreg.gather [hbm4b:s5+s2], $0x80, v21, vm0, $0xb8;
	[tilespmem:$0x1BF80] =	vst v63  }
0x82b: {  	v49 =	vperm.xlane v19, v8;
	v48 =	vadd.s32 v4, v47;
	s23 =	simm.s32 $0xD080  }
0x82c: {  	[tilespmem:s23], [sflag:$0x1] =	stream.indirect_vreg.gather [hbm4b:s5+s2], $0x80, v22, vm0, $0xb8;
	[tilespmem:$0x1BF80] =	vst v63  }
0x82d: {  	v51 =	vperm.xlane v19, v9;
	v50 =	vadd.s32 v4, v49;
	s23 =	simm.s32 $0xD100  }
0x82e: {  	[tilespmem:s23], [sflag:$0x1] =	stream.indirect_vreg.gather [hbm4b:s5+s2], $0x80, v20, vm0, $0xb8;
	[tilespmem:$0x1BF80] =	vst v63  }
0x82f: {  	v52 =	vperm.xlane v19, v0;
	v20 =	vadd.s32 v4, v51;
	s23 =	simm.s32 $0xD180  }
0x830: {  	[tilespmem:s23], [sflag:$0x1] =	stream.indirect_vreg.gather [hbm4b:s5+s2], $0x80, v48, vm0, $0xb8;
	[tilespmem:$0x1BF80] =	vst v63  }
0x831: {  	v54 =	vperm.xlane v19, v10;
	v53 =	vadd.s32 v4, v52;
	s23 =	simm.s32 $0xD200  }
0x832: {  	[tilespmem:s23], [sflag:$0x1] =	stream.indirect_vreg.gather [hbm4b:s5+s2], $0x80, v50, vm0, $0xb8;
	[tilespmem:$0x1BF80] =	vst v63  }
0x833: {  	v56 =	vperm.xlane v19, v11;
	v55 =	vadd.s32 v4, v54;
	s23 =	simm.s32 $0xD280  }
0x834: {  	[tilespmem:s23], [sflag:$0x1] =	stream.indirect_vreg.gather [hbm4b:s5+s2], $0x80, v20, vm0, $0xb8;
	[tilespmem:$0x1BF80] =	vst v63  }
0x835: {  	v57 =	vperm.xlane v19, v12;
	v20 =	vadd.s32 v4, v56;
	s23 =	simm.s32 $0xD300  }
0x836: {  	[tilespmem:s23], [sflag:$0x1] =	stream.indirect_vreg.gather [hbm4b:s5+s2], $0x80, v53, vm0, $0xb8;
	[tilespmem:$0x1BF80] =	vst v63  }
0x837: {  	v59 =	vperm.xlane v19, v13;
	v58 =	vadd.s32 v4, v57;
	s23 =	simm.s32 $0xD380  }
0x838: {  	[tilespmem:s23], [sflag:$0x1] =	stream.indirect_vreg.gather [hbm4b:s5+s2], $0x80, v55, vm0, $0xb8;
	[tilespmem:$0x1BF80] =	vst v63  }
0x839: {  	v61 =	vperm.xlane v19, v14;
	v60 =	vadd.s32 v4, v59;
	s23 =	simm.s32 $0xD400  }
0x83a: {  	[tilespmem:s23], [sflag:$0x1] =	stream.indirect_vreg.gather [hbm4b:s5+s2], $0x80, v20, vm0, $0xb8;
	[tilespmem:$0x1BF80] =	vst v63  }
0x83b: {  	v62 =	vperm.xlane v19, v15;
	v20 =	vadd.s32 v4, v61;
	s23 =	simm.s32 $0xD480  }
0x83c: {  	[tilespmem:s23], [sflag:$0x1] =	stream.indirect_vreg.gather [hbm4b:s5+s2], $0x80, v58, vm0, $0xb8;
	[tilespmem:$0x1BF80] =	vst v63  }
0x83d: {  	v24 =	vperm.xlane v19, v16;
	v63 =	vadd.s32 v4, v62;
	s23 =	simm.s32 $0xD500  }
0x83e: {  	[tilespmem:s23], [sflag:$0x1] =	stream.indirect_vreg.gather [hbm4b:s5+s2], $0x80, v60, vm0, $0xb8;
	[tilespmem:$0x1BF80] =	vst v63  }
0x83f: {  	v19 =	vperm.xlane v19, v17;
	v25 =	vadd.s32 v4, v24;
	s23 =	simm.s32 $0xD580  }
0x840: {  	[tilespmem:s23], [sflag:$0x1] =	stream.indirect_vreg.gather [hbm4b:s5+s2], $0x80, v20, vm0, $0xb8;
	[tilespmem:$0x1BF80] =	vst v63  }
0x841: {  	v19 =	vadd.s32 v4, v19;
	s23 =	simm.s32 $0xD600  }
0x842: {  	[tilespmem:s23], [sflag:$0x1] =	stream.indirect_vreg.gather [hbm4b:s5+s2], $0x80, v63, vm0, $0xb8;
	[tilespmem:$0x1BF80] =	vst v63  }
0x843: {  	s23 =	simm.s32 $0xD680  }
0x844: {  	[tilespmem:s23], [sflag:$0x1] =	stream.indirect_vreg.gather [hbm4b:s5+s2], $0x80, v25, vm0, $0xb8;
	[tilespmem:$0x1BF80] =	vst v63  }
0x845: {  	s23 =	simm.s32 $0xD700  }
0x846: {  	[tilespmem:s23], [sflag:$0x1] =	stream.indirect_vreg.gather [hbm4b:s5+s2], $0x80, v19, vm0, $0xb8;
	[tilespmem:$0x1BF80] =	vst v63  }
0x847: {  	v19 =	vld [tilespmem:s20+$0x330];
	_ =	sdelay $0x4  }
0x848: {  	v20 =	vshll.u32 v19, $0x3  }
0x849: {  	v19 =	vand.u32 $0x7, v19;
	v20 =	vand.u32 $0xFFFFFFC0, v20  }
0x84a: {  	v19 =	vor.u32 v19, v20  }
0x84b: {  	v20 =	vperm.xlane v19, v2;
	_ =	sdelay $0x1  }
0x84c: {  	v26 =	vperm.xlane v19, v5;
	v20 =	vadd.s32 v4, v20;
	_ =	sdelay $0x1  }
0x84d: {  	v27 =	vperm.xlane v19, v6;
	v21 =	vadd.s32 v4, v26;
	_ =	sdelay $0x1  }
0x84e: {  	s23 =	simm.s32 $0xD780;
	v28 =	vperm.xlane v19, v1;
	v22 =	vadd.s32 v4, v27  }
0x84f: {  	[tilespmem:s23], [sflag:$0x1] =	stream.indirect_vreg.gather [hbm4b:s5+s2], $0x80, v20, vm0, $0xb8;
	[tilespmem:$0x1BF80] =	vst v63  }
0x850: {  	v29 =	vperm.xlane v19, v7;
	v20 =	vadd.s32 v4, v28;
	s23 =	simm.s32 $0xD800  }
0x851: {  	[tilespmem:s23], [sflag:$0x1] =	stream.indirect_vreg.gather [hbm4b:s5+s2], $0x80, v21, vm0, $0xb8;
	[tilespmem:$0x1BF80] =	vst v63  }
0x852: {  	v31 =	vperm.xlane v19, v8;
	v30 =	vadd.s32 v4, v29;
	s23 =	simm.s32 $0xD880  }
0x853: {  	[tilespmem:s23], [sflag:$0x1] =	stream.indirect_vreg.gather [hbm4b:s5+s2], $0x80, v22, vm0, $0xb8;
	[tilespmem:$0x1BF80] =	vst v63  }
0x854: {  	v33 =	vperm.xlane v19, v9;
	v32 =	vadd.s32 v4, v31;
	s23 =	simm.s32 $0xD900  }
0x855: {  	[tilespmem:s23], [sflag:$0x1] =	stream.indirect_vreg.gather [hbm4b:s5+s2], $0x80, v20, vm0, $0xb8;
	[tilespmem:$0x1BF80] =	vst v63  }
0x856: {  	v34 =	vperm.xlane v19, v0;
	v20 =	vadd.s32 v4, v33;
	s23 =	simm.s32 $0xD980  }
0x857: {  	[tilespmem:s23], [sflag:$0x1] =	stream.indirect_vreg.gather [hbm4b:s5+s2], $0x80, v30, vm0, $0xb8;
	[tilespmem:$0x1BF80] =	vst v63  }
0x858: {  	v36 =	vperm.xlane v19, v10;
	v35 =	vadd.s32 v4, v34;
	s23 =	simm.s32 $0xDA00  }
0x859: {  	[tilespmem:s23], [sflag:$0x1] =	stream.indirect_vreg.gather [hbm4b:s5+s2], $0x80, v32, vm0, $0xb8;
	[tilespmem:$0x1BF80] =	vst v63  }
0x85a: {  	v38 =	vperm.xlane v19, v11;
	v37 =	vadd.s32 v4, v36;
	s23 =	simm.s32 $0xDA80  }
0x85b: {  	[tilespmem:s23], [sflag:$0x1] =	stream.indirect_vreg.gather [hbm4b:s5+s2], $0x80, v20, vm0, $0xb8;
	[tilespmem:$0x1BF80] =	vst v63  }
0x85c: {  	v39 =	vperm.xlane v19, v12;
	v20 =	vadd.s32 v4, v38;
	s23 =	simm.s32 $0xDB00  }
0x85d: {  	[tilespmem:s23], [sflag:$0x1] =	stream.indirect_vreg.gather [hbm4b:s5+s2], $0x80, v35, vm0, $0xb8;
	[tilespmem:$0x1BF80] =	vst v63  }
0x85e: {  	v41 =	vperm.xlane v19, v13;
	v40 =	vadd.s32 v4, v39;
	s23 =	simm.s32 $0xDB80  }
0x85f: {  	[tilespmem:s23], [sflag:$0x1] =	stream.indirect_vreg.gather [hbm4b:s5+s2], $0x80, v37, vm0, $0xb8;
	[tilespmem:$0x1BF80] =	vst v63  }
0x860: {  	v43 =	vperm.xlane v19, v14;
	v42 =	vadd.s32 v4, v41;
	s23 =	simm.s32 $0xDC00  }
0x861: {  	[tilespmem:s23], [sflag:$0x1] =	stream.indirect_vreg.gather [hbm4b:s5+s2], $0x80, v20, vm0, $0xb8;
	[tilespmem:$0x1BF80] =	vst v63  }
0x862: {  	v44 =	vperm.xlane v19, v15;
	v20 =	vadd.s32 v4, v43;
	s23 =	simm.s32 $0xDC80  }
0x863: {  	[tilespmem:s23], [sflag:$0x1] =	stream.indirect_vreg.gather [hbm4b:s5+s2], $0x80, v40, vm0, $0xb8;
	[tilespmem:$0x1BF80] =	vst v63  }
0x864: {  	v46 =	vperm.xlane v19, v16;
	v45 =	vadd.s32 v4, v44;
	s23 =	simm.s32 $0xDD00  }
0x865: {  	[tilespmem:s23], [sflag:$0x1] =	stream.indirect_vreg.gather [hbm4b:s5+s2], $0x80, v42, vm0, $0xb8;
	[tilespmem:$0x1BF80] =	vst v63  }
0x866: {  	v19 =	vperm.xlane v19, v17;
	v47 =	vadd.s32 v4, v46;
	s23 =	simm.s32 $0xDD80  }
0x867: {  	[tilespmem:s23], [sflag:$0x1] =	stream.indirect_vreg.gather [hbm4b:s5+s2], $0x80, v20, vm0, $0xb8;
	[tilespmem:$0x1BF80] =	vst v63  }
0x868: {  	v19 =	vadd.s32 v4, v19;
	s23 =	simm.s32 $0xDE00  }
0x869: {  	[tilespmem:s23], [sflag:$0x1] =	stream.indirect_vreg.gather [hbm4b:s5+s2], $0x80, v45, vm0, $0xb8;
	[tilespmem:$0x1BF80] =	vst v63  }
0x86a: {  	s23 =	simm.s32 $0xDE80  }
0x86b: {  	[tilespmem:s23], [sflag:$0x1] =	stream.indirect_vreg.gather [hbm4b:s5+s2], $0x80, v47, vm0, $0xb8;
	[tilespmem:$0x1BF80] =	vst v63  }
0x86c: {  	s23 =	simm.s32 $0xDF00  }
0x86d: {  	[tilespmem:s23], [sflag:$0x1] =	stream.indirect_vreg.gather [hbm4b:s5+s2], $0x80, v19, vm0, $0xb8;
	[tilespmem:$0x1BF80] =	vst v63  }
0x86e: {  	v19 =	vld [tilespmem:s20+$0x340];
	_ =	sdelay $0x4  }
0x86f: {  	v20 =	vshll.u32 v19, $0x3  }
0x870: {  	v19 =	vand.u32 $0x7, v19;
	v20 =	vand.u32 $0xFFFFFFC0, v20  }
0x871: {  	v19 =	vor.u32 v19, v20  }
0x872: {  	v20 =	vperm.xlane v19, v2;
	_ =	sdelay $0x1  }
0x873: {  	v48 =	vperm.xlane v19, v5;
	v20 =	vadd.s32 v4, v20;
	_ =	sdelay $0x1  }
0x874: {  	v49 =	vperm.xlane v19, v6;
	v21 =	vadd.s32 v4, v48;
	_ =	sdelay $0x1  }
0x875: {  	s23 =	simm.s32 $0xDF80;
	v50 =	vperm.xlane v19, v1;
	v22 =	vadd.s32 v4, v49  }
0x876: {  	[tilespmem:s23], [sflag:$0x1] =	stream.indirect_vreg.gather [hbm4b:s5+s2], $0x80, v20, vm0, $0xb8;
	[tilespmem:$0x1BF80] =	vst v63  }
0x877: {  	v51 =	vperm.xlane v19, v7;
	v20 =	vadd.s32 v4, v50;
	s23 =	simm.s32 $0xE000  }
0x878: {  	[tilespmem:s23], [sflag:$0x1] =	stream.indirect_vreg.gather [hbm4b:s5+s2], $0x80, v21, vm0, $0xb8;
	[tilespmem:$0x1BF80] =	vst v63  }
0x879: {  	v53 =	vperm.xlane v19, v8;
	v52 =	vadd.s32 v4, v51;
	s23 =	simm.s32 $0xE080  }
0x87a: {  	[tilespmem:s23], [sflag:$0x1] =	stream.indirect_vreg.gather [hbm4b:s5+s2], $0x80, v22, vm0, $0xb8;
	[tilespmem:$0x1BF80] =	vst v63  }
0x87b: {  	v55 =	vperm.xlane v19, v9;
	v54 =	vadd.s32 v4, v53;
	s23 =	simm.s32 $0xE100  }
0x87c: {  	[tilespmem:s23], [sflag:$0x1] =	stream.indirect_vreg.gather [hbm4b:s5+s2], $0x80, v20, vm0, $0xb8;
	[tilespmem:$0x1BF80] =	vst v63  }
0x87d: {  	v56 =	vperm.xlane v19, v0;
	v20 =	vadd.s32 v4, v55;
	s23 =	simm.s32 $0xE180  }
0x87e: {  	[tilespmem:s23], [sflag:$0x1] =	stream.indirect_vreg.gather [hbm4b:s5+s2], $0x80, v52, vm0, $0xb8;
	[tilespmem:$0x1BF80] =	vst v63  }
0x87f: {  	v58 =	vperm.xlane v19, v10;
	v57 =	vadd.s32 v4, v56;
	s23 =	simm.s32 $0xE200  }
0x880: {  	[tilespmem:s23], [sflag:$0x1] =	stream.indirect_vreg.gather [hbm4b:s5+s2], $0x80, v54, vm0, $0xb8;
	[tilespmem:$0x1BF80] =	vst v63  }
0x881: {  	v60 =	vperm.xlane v19, v11;
	v59 =	vadd.s32 v4, v58;
	s23 =	simm.s32 $0xE280  }
0x882: {  	[tilespmem:s23], [sflag:$0x1] =	stream.indirect_vreg.gather [hbm4b:s5+s2], $0x80, v20, vm0, $0xb8;
	[tilespmem:$0x1BF80] =	vst v63  }
0x883: {  	v61 =	vperm.xlane v19, v12;
	v20 =	vadd.s32 v4, v60;
	s23 =	simm.s32 $0xE300  }
0x884: {  	[tilespmem:s23], [sflag:$0x1] =	stream.indirect_vreg.gather [hbm4b:s5+s2], $0x80, v57, vm0, $0xb8;
	[tilespmem:$0x1BF80] =	vst v63  }
0x885: {  	v63 =	vperm.xlane v19, v13;
	v62 =	vadd.s32 v4, v61;
	s23 =	simm.s32 $0xE380  }
0x886: {  	[tilespmem:s23], [sflag:$0x1] =	stream.indirect_vreg.gather [hbm4b:s5+s2], $0x80, v59, vm0, $0xb8;
	[tilespmem:$0x1BF80] =	vst v63  }
0x887: {  	v25 =	vperm.xlane v19, v14;
	v24 =	vadd.s32 v4, v63;
	s23 =	simm.s32 $0xE400  }
0x888: {  	[tilespmem:s23], [sflag:$0x1] =	stream.indirect_vreg.gather [hbm4b:s5+s2], $0x80, v20, vm0, $0xb8;
	[tilespmem:$0x1BF80] =	vst v63  }
0x889: {  	v26 =	vperm.xlane v19, v15;
	v20 =	vadd.s32 v4, v25;
	s23 =	simm.s32 $0xE480  }
0x88a: {  	[tilespmem:s23], [sflag:$0x1] =	stream.indirect_vreg.gather [hbm4b:s5+s2], $0x80, v62, vm0, $0xb8;
	[tilespmem:$0x1BF80] =	vst v63  }
0x88b: {  	v28 =	vperm.xlane v19, v16;
	v27 =	vadd.s32 v4, v26;
	s23 =	simm.s32 $0xE500  }
0x88c: {  	[tilespmem:s23], [sflag:$0x1] =	stream.indirect_vreg.gather [hbm4b:s5+s2], $0x80, v24, vm0, $0xb8;
	[tilespmem:$0x1BF80] =	vst v63  }
0x88d: {  	v19 =	vperm.xlane v19, v17;
	v29 =	vadd.s32 v4, v28;
	s23 =	simm.s32 $0xE580  }
0x88e: {  	[tilespmem:s23], [sflag:$0x1] =	stream.indirect_vreg.gather [hbm4b:s5+s2], $0x80, v20, vm0, $0xb8;
	[tilespmem:$0x1BF80] =	vst v63  }
0x88f: {  	v19 =	vadd.s32 v4, v19;
	s23 =	simm.s32 $0xE600  }
0x890: {  	[tilespmem:s23], [sflag:$0x1] =	stream.indirect_vreg.gather [hbm4b:s5+s2], $0x80, v27, vm0, $0xb8;
	[tilespmem:$0x1BF80] =	vst v63  }
0x891: {  	s23 =	simm.s32 $0xE680  }
0x892: {  	[tilespmem:s23], [sflag:$0x1] =	stream.indirect_vreg.gather [hbm4b:s5+s2], $0x80, v29, vm0, $0xb8;
	[tilespmem:$0x1BF80] =	vst v63  }
0x893: {  	s23 =	simm.s32 $0xE700  }
0x894: {  	[tilespmem:s23], [sflag:$0x1] =	stream.indirect_vreg.gather [hbm4b:s5+s2], $0x80, v19, vm0, $0xb8;
	[tilespmem:$0x1BF80] =	vst v63  }
0x895: {  	v19 =	vld [tilespmem:s20+$0x350];
	_ =	sdelay $0x4  }
0x896: {  	v20 =	vshll.u32 v19, $0x3  }
0x897: {  	v19 =	vand.u32 $0x7, v19;
	v20 =	vand.u32 $0xFFFFFFC0, v20  }
0x898: {  	v19 =	vor.u32 v19, v20  }
0x899: {  	v20 =	vperm.xlane v19, v2;
	_ =	sdelay $0x1  }
0x89a: {  	v30 =	vperm.xlane v19, v5;
	v20 =	vadd.s32 v4, v20;
	_ =	sdelay $0x1  }
0x89b: {  	v31 =	vperm.xlane v19, v6;
	v21 =	vadd.s32 v4, v30;
	_ =	sdelay $0x1  }
0x89c: {  	s23 =	simm.s32 $0xE780;
	v32 =	vperm.xlane v19, v1;
	v22 =	vadd.s32 v4, v31  }
0x89d: {  	[tilespmem:s23], [sflag:$0x1] =	stream.indirect_vreg.gather [hbm4b:s5+s2], $0x80, v20, vm0, $0xb8;
	[tilespmem:$0x1BF80] =	vst v63  }
0x89e: {  	v33 =	vperm.xlane v19, v7;
	v20 =	vadd.s32 v4, v32;
	s23 =	simm.s32 $0xE800  }
0x89f: {  	[tilespmem:s23], [sflag:$0x1] =	stream.indirect_vreg.gather [hbm4b:s5+s2], $0x80, v21, vm0, $0xb8;
	[tilespmem:$0x1BF80] =	vst v63  }
0x8a0: {  	v35 =	vperm.xlane v19, v8;
	v34 =	vadd.s32 v4, v33;
	s23 =	simm.s32 $0xE880  }
0x8a1: {  	[tilespmem:s23], [sflag:$0x1] =	stream.indirect_vreg.gather [hbm4b:s5+s2], $0x80, v22, vm0, $0xb8;
	[tilespmem:$0x1BF80] =	vst v63  }
0x8a2: {  	v37 =	vperm.xlane v19, v9;
	v36 =	vadd.s32 v4, v35;
	s23 =	simm.s32 $0xE900  }
0x8a3: {  	[tilespmem:s23], [sflag:$0x1] =	stream.indirect_vreg.gather [hbm4b:s5+s2], $0x80, v20, vm0, $0xb8;
	[tilespmem:$0x1BF80] =	vst v63  }
0x8a4: {  	v38 =	vperm.xlane v19, v0;
	v20 =	vadd.s32 v4, v37;
	s23 =	simm.s32 $0xE980  }
0x8a5: {  	[tilespmem:s23], [sflag:$0x1] =	stream.indirect_vreg.gather [hbm4b:s5+s2], $0x80, v34, vm0, $0xb8;
	[tilespmem:$0x1BF80] =	vst v63  }
0x8a6: {  	v40 =	vperm.xlane v19, v10;
	v39 =	vadd.s32 v4, v38;
	s23 =	simm.s32 $0xEA00  }
0x8a7: {  	[tilespmem:s23], [sflag:$0x1] =	stream.indirect_vreg.gather [hbm4b:s5+s2], $0x80, v36, vm0, $0xb8;
	[tilespmem:$0x1BF80] =	vst v63  }
0x8a8: {  	v42 =	vperm.xlane v19, v11;
	v41 =	vadd.s32 v4, v40;
	s23 =	simm.s32 $0xEA80  }
0x8a9: {  	[tilespmem:s23], [sflag:$0x1] =	stream.indirect_vreg.gather [hbm4b:s5+s2], $0x80, v20, vm0, $0xb8;
	[tilespmem:$0x1BF80] =	vst v63  }
0x8aa: {  	v43 =	vperm.xlane v19, v12;
	v20 =	vadd.s32 v4, v42;
	s23 =	simm.s32 $0xEB00  }
0x8ab: {  	[tilespmem:s23], [sflag:$0x1] =	stream.indirect_vreg.gather [hbm4b:s5+s2], $0x80, v39, vm0, $0xb8;
	[tilespmem:$0x1BF80] =	vst v63  }
0x8ac: {  	v45 =	vperm.xlane v19, v13;
	v44 =	vadd.s32 v4, v43;
	s23 =	simm.s32 $0xEB80  }
0x8ad: {  	[tilespmem:s23], [sflag:$0x1] =	stream.indirect_vreg.gather [hbm4b:s5+s2], $0x80, v41, vm0, $0xb8;
	[tilespmem:$0x1BF80] =	vst v63  }
0x8ae: {  	v47 =	vperm.xlane v19, v14;
	v46 =	vadd.s32 v4, v45;
	s23 =	simm.s32 $0xEC00  }
0x8af: {  	[tilespmem:s23], [sflag:$0x1] =	stream.indirect_vreg.gather [hbm4b:s5+s2], $0x80, v20, vm0, $0xb8;
	[tilespmem:$0x1BF80] =	vst v63  }
0x8b0: {  	v48 =	vperm.xlane v19, v15;
	v20 =	vadd.s32 v4, v47;
	s23 =	simm.s32 $0xEC80  }
0x8b1: {  	[tilespmem:s23], [sflag:$0x1] =	stream.indirect_vreg.gather [hbm4b:s5+s2], $0x80, v44, vm0, $0xb8;
	[tilespmem:$0x1BF80] =	vst v63  }
0x8b2: {  	v50 =	vperm.xlane v19, v16;
	v49 =	vadd.s32 v4, v48;
	s23 =	simm.s32 $0xED00  }
0x8b3: {  	[tilespmem:s23], [sflag:$0x1] =	stream.indirect_vreg.gather [hbm4b:s5+s2], $0x80, v46, vm0, $0xb8;
	[tilespmem:$0x1BF80] =	vst v63  }
0x8b4: {  	v19 =	vperm.xlane v19, v17;
	v51 =	vadd.s32 v4, v50;
	s23 =	simm.s32 $0xED80  }
0x8b5: {  	[tilespmem:s23], [sflag:$0x1] =	stream.indirect_vreg.gather [hbm4b:s5+s2], $0x80, v20, vm0, $0xb8;
	[tilespmem:$0x1BF80] =	vst v63  }
0x8b6: {  	v19 =	vadd.s32 v4, v19;
	s23 =	simm.s32 $0xEE00  }
0x8b7: {  	[tilespmem:s23], [sflag:$0x1] =	stream.indirect_vreg.gather [hbm4b:s5+s2], $0x80, v49, vm0, $0xb8;
	[tilespmem:$0x1BF80] =	vst v63  }
0x8b8: {  	s23 =	simm.s32 $0xEE80  }
0x8b9: {  	[tilespmem:s23], [sflag:$0x1] =	stream.indirect_vreg.gather [hbm4b:s5+s2], $0x80, v51, vm0, $0xb8;
	[tilespmem:$0x1BF80] =	vst v63  }
0x8ba: {  	s23 =	simm.s32 $0xEF00  }
0x8bb: {  	[tilespmem:s23], [sflag:$0x1] =	stream.indirect_vreg.gather [hbm4b:s5+s2], $0x80, v19, vm0, $0xb8;
	[tilespmem:$0x1BF80] =	vst v63  }
0x8bc: {  	v19 =	vld [tilespmem:s20+$0x360];
	_ =	sdelay $0x4  }
0x8bd: {  	v20 =	vshll.u32 v19, $0x3  }
0x8be: {  	v19 =	vand.u32 $0x7, v19;
	v20 =	vand.u32 $0xFFFFFFC0, v20  }
0x8bf: {  	v19 =	vor.u32 v19, v20  }
0x8c0: {  	v20 =	vperm.xlane v19, v2;
	_ =	sdelay $0x1  }
0x8c1: {  	v52 =	vperm.xlane v19, v5;
	v20 =	vadd.s32 v4, v20;
	_ =	sdelay $0x1  }
0x8c2: {  	v53 =	vperm.xlane v19, v6;
	v21 =	vadd.s32 v4, v52;
	_ =	sdelay $0x1  }
0x8c3: {  	s23 =	simm.s32 $0xEF80;
	v54 =	vperm.xlane v19, v1;
	v22 =	vadd.s32 v4, v53  }
0x8c4: {  	[tilespmem:s23], [sflag:$0x1] =	stream.indirect_vreg.gather [hbm4b:s5+s2], $0x80, v20, vm0, $0xb8;
	[tilespmem:$0x1BF80] =	vst v63  }
0x8c5: {  	v55 =	vperm.xlane v19, v7;
	v20 =	vadd.s32 v4, v54;
	s23 =	simm.s32 $0xF000  }
0x8c6: {  	[tilespmem:s23], [sflag:$0x1] =	stream.indirect_vreg.gather [hbm4b:s5+s2], $0x80, v21, vm0, $0xb8;
	[tilespmem:$0x1BF80] =	vst v63  }
0x8c7: {  	v57 =	vperm.xlane v19, v8;
	v56 =	vadd.s32 v4, v55;
	s23 =	simm.s32 $0xF080  }
0x8c8: {  	[tilespmem:s23], [sflag:$0x1] =	stream.indirect_vreg.gather [hbm4b:s5+s2], $0x80, v22, vm0, $0xb8;
	[tilespmem:$0x1BF80] =	vst v63  }
0x8c9: {  	v59 =	vperm.xlane v19, v9;
	v58 =	vadd.s32 v4, v57;
	s23 =	simm.s32 $0xF100  }
0x8ca: {  	[tilespmem:s23], [sflag:$0x1] =	stream.indirect_vreg.gather [hbm4b:s5+s2], $0x80, v20, vm0, $0xb8;
	[tilespmem:$0x1BF80] =	vst v63  }
0x8cb: {  	v60 =	vperm.xlane v19, v0;
	v20 =	vadd.s32 v4, v59;
	s23 =	simm.s32 $0xF180  }
0x8cc: {  	[tilespmem:s23], [sflag:$0x1] =	stream.indirect_vreg.gather [hbm4b:s5+s2], $0x80, v56, vm0, $0xb8;
	[tilespmem:$0x1BF80] =	vst v63  }
0x8cd: {  	v62 =	vperm.xlane v19, v10;
	v61 =	vadd.s32 v4, v60;
	s23 =	simm.s32 $0xF200  }
0x8ce: {  	[tilespmem:s23], [sflag:$0x1] =	stream.indirect_vreg.gather [hbm4b:s5+s2], $0x80, v58, vm0, $0xb8;
	[tilespmem:$0x1BF80] =	vst v63  }
0x8cf: {  	v24 =	vperm.xlane v19, v11;
	v63 =	vadd.s32 v4, v62;
	s23 =	simm.s32 $0xF280  }
0x8d0: {  	[tilespmem:s23], [sflag:$0x1] =	stream.indirect_vreg.gather [hbm4b:s5+s2], $0x80, v20, vm0, $0xb8;
	[tilespmem:$0x1BF80] =	vst v63  }
0x8d1: {  	v25 =	vperm.xlane v19, v12;
	v20 =	vadd.s32 v4, v24;
	s23 =	simm.s32 $0xF300  }
0x8d2: {  	[tilespmem:s23], [sflag:$0x1] =	stream.indirect_vreg.gather [hbm4b:s5+s2], $0x80, v61, vm0, $0xb8;
	[tilespmem:$0x1BF80] =	vst v63  }
0x8d3: {  	v27 =	vperm.xlane v19, v13;
	v26 =	vadd.s32 v4, v25;
	s23 =	simm.s32 $0xF380  }
0x8d4: {  	[tilespmem:s23], [sflag:$0x1] =	stream.indirect_vreg.gather [hbm4b:s5+s2], $0x80, v63, vm0, $0xb8;
	[tilespmem:$0x1BF80] =	vst v63  }
0x8d5: {  	v29 =	vperm.xlane v19, v14;
	v28 =	vadd.s32 v4, v27;
	s23 =	simm.s32 $0xF400  }
0x8d6: {  	[tilespmem:s23], [sflag:$0x1] =	stream.indirect_vreg.gather [hbm4b:s5+s2], $0x80, v20, vm0, $0xb8;
	[tilespmem:$0x1BF80] =	vst v63  }
0x8d7: {  	v30 =	vperm.xlane v19, v15;
	v20 =	vadd.s32 v4, v29;
	s23 =	simm.s32 $0xF480  }
0x8d8: {  	[tilespmem:s23], [sflag:$0x1] =	stream.indirect_vreg.gather [hbm4b:s5+s2], $0x80, v26, vm0, $0xb8;
	[tilespmem:$0x1BF80] =	vst v63  }
0x8d9: {  	v32 =	vperm.xlane v19, v16;
	v31 =	vadd.s32 v4, v30;
	s23 =	simm.s32 $0xF500  }
0x8da: {  	[tilespmem:s23], [sflag:$0x1] =	stream.indirect_vreg.gather [hbm4b:s5+s2], $0x80, v28, vm0, $0xb8;
	[tilespmem:$0x1BF80] =	vst v63  }
0x8db: {  	v19 =	vperm.xlane v19, v17;
	v33 =	vadd.s32 v4, v32;
	s23 =	simm.s32 $0xF580  }
0x8dc: {  	[tilespmem:s23], [sflag:$0x1] =	stream.indirect_vreg.gather [hbm4b:s5+s2], $0x80, v20, vm0, $0xb8;
	[tilespmem:$0x1BF80] =	vst v63  }
0x8dd: {  	v19 =	vadd.s32 v4, v19;
	s23 =	simm.s32 $0xF600  }
0x8de: {  	[tilespmem:s23], [sflag:$0x1] =	stream.indirect_vreg.gather [hbm4b:s5+s2], $0x80, v31, vm0, $0xb8;
	[tilespmem:$0x1BF80] =	vst v63  }
0x8df: {  	s23 =	simm.s32 $0xF680  }
0x8e0: {  	[tilespmem:s23], [sflag:$0x1] =	stream.indirect_vreg.gather [hbm4b:s5+s2], $0x80, v33, vm0, $0xb8;
	[tilespmem:$0x1BF80] =	vst v63  }
0x8e1: {  	s23 =	simm.s32 $0xF700  }
0x8e2: {  	[tilespmem:s23], [sflag:$0x1] =	stream.indirect_vreg.gather [hbm4b:s5+s2], $0x80, v19, vm0, $0xb8;
	[tilespmem:$0x1BF80] =	vst v63  }
0x8e3: {  	v19 =	vld [tilespmem:s20+$0x370];
	_ =	sdelay $0x4  }
0x8e4: {  	v20 =	vshll.u32 v19, $0x3  }
0x8e5: {  	v19 =	vand.u32 $0x7, v19;
	v20 =	vand.u32 $0xFFFFFFC0, v20  }
0x8e6: {  	v19 =	vor.u32 v19, v20  }
0x8e7: {  	v20 =	vperm.xlane v19, v2;
	_ =	sdelay $0x1  }
0x8e8: {  	v34 =	vperm.xlane v19, v5;
	v20 =	vadd.s32 v4, v20;
	_ =	sdelay $0x1  }
0x8e9: {  	v35 =	vperm.xlane v19, v6;
	v21 =	vadd.s32 v4, v34;
	_ =	sdelay $0x1  }
0x8ea: {  	s23 =	simm.s32 $0xF780;
	v36 =	vperm.xlane v19, v1;
	v22 =	vadd.s32 v4, v35  }
0x8eb: {  	[tilespmem:s23], [sflag:$0x1] =	stream.indirect_vreg.gather [hbm4b:s5+s2], $0x80, v20, vm0, $0xb8;
	[tilespmem:$0x1BF80] =	vst v63  }
0x8ec: {  	v37 =	vperm.xlane v19, v7;
	v20 =	vadd.s32 v4, v36;
	s23 =	simm.s32 $0xF800  }
0x8ed: {  	[tilespmem:s23], [sflag:$0x1] =	stream.indirect_vreg.gather [hbm4b:s5+s2], $0x80, v21, vm0, $0xb8;
	[tilespmem:$0x1BF80] =	vst v63  }
0x8ee: {  	v39 =	vperm.xlane v19, v8;
	v38 =	vadd.s32 v4, v37;
	s23 =	simm.s32 $0xF880  }
0x8ef: {  	[tilespmem:s23], [sflag:$0x1] =	stream.indirect_vreg.gather [hbm4b:s5+s2], $0x80, v22, vm0, $0xb8;
	[tilespmem:$0x1BF80] =	vst v63  }
0x8f0: {  	v41 =	vperm.xlane v19, v9;
	v40 =	vadd.s32 v4, v39;
	s23 =	simm.s32 $0xF900  }
0x8f1: {  	[tilespmem:s23], [sflag:$0x1] =	stream.indirect_vreg.gather [hbm4b:s5+s2], $0x80, v20, vm0, $0xb8;
	[tilespmem:$0x1BF80] =	vst v63  }
0x8f2: {  	v42 =	vperm.xlane v19, v0;
	v20 =	vadd.s32 v4, v41;
	s23 =	simm.s32 $0xF980  }
0x8f3: {  	[tilespmem:s23], [sflag:$0x1] =	stream.indirect_vreg.gather [hbm4b:s5+s2], $0x80, v38, vm0, $0xb8;
	[tilespmem:$0x1BF80] =	vst v63  }
0x8f4: {  	v44 =	vperm.xlane v19, v10;
	v43 =	vadd.s32 v4, v42;
	s23 =	simm.s32 $0xFA00  }
0x8f5: {  	[tilespmem:s23], [sflag:$0x1] =	stream.indirect_vreg.gather [hbm4b:s5+s2], $0x80, v40, vm0, $0xb8;
	[tilespmem:$0x1BF80] =	vst v63  }
0x8f6: {  	v46 =	vperm.xlane v19, v11;
	v45 =	vadd.s32 v4, v44;
	s23 =	simm.s32 $0xFA80  }
0x8f7: {  	[tilespmem:s23], [sflag:$0x1] =	stream.indirect_vreg.gather [hbm4b:s5+s2], $0x80, v20, vm0, $0xb8;
	[tilespmem:$0x1BF80] =	vst v63  }
0x8f8: {  	v47 =	vperm.xlane v19, v12;
	v20 =	vadd.s32 v4, v46;
	s23 =	simm.s32 $0xFB00  }
0x8f9: {  	[tilespmem:s23], [sflag:$0x1] =	stream.indirect_vreg.gather [hbm4b:s5+s2], $0x80, v43, vm0, $0xb8;
	[tilespmem:$0x1BF80] =	vst v63  }
0x8fa: {  	v49 =	vperm.xlane v19, v13;
	v48 =	vadd.s32 v4, v47;
	s23 =	simm.s32 $0xFB80  }
0x8fb: {  	[tilespmem:s23], [sflag:$0x1] =	stream.indirect_vreg.gather [hbm4b:s5+s2], $0x80, v45, vm0, $0xb8;
	[tilespmem:$0x1BF80] =	vst v63  }
0x8fc: {  	v51 =	vperm.xlane v19, v14;
	v50 =	vadd.s32 v4, v49;
	s23 =	simm.s32 $0xFC00  }
0x8fd: {  	[tilespmem:s23], [sflag:$0x1] =	stream.indirect_vreg.gather [hbm4b:s5+s2], $0x80, v20, vm0, $0xb8;
	[tilespmem:$0x1BF80] =	vst v63  }
0x8fe: {  	v52 =	vperm.xlane v19, v15;
	v20 =	vadd.s32 v4, v51;
	s23 =	simm.s32 $0xFC80  }
0x8ff: {  	[tilespmem:s23], [sflag:$0x1] =	stream.indirect_vreg.gather [hbm4b:s5+s2], $0x80, v48, vm0, $0xb8;
	[tilespmem:$0x1BF80] =	vst v63  }
0x900: {  	v54 =	vperm.xlane v19, v16;
	v53 =	vadd.s32 v4, v52;
	s23 =	simm.s32 $0xFD00  }
0x901: {  	[tilespmem:s23], [sflag:$0x1] =	stream.indirect_vreg.gather [hbm4b:s5+s2], $0x80, v50, vm0, $0xb8;
	[tilespmem:$0x1BF80] =	vst v63  }
0x902: {  	v19 =	vperm.xlane v19, v17;
	v55 =	vadd.s32 v4, v54;
	s23 =	simm.s32 $0xFD80  }
0x903: {  	[tilespmem:s23], [sflag:$0x1] =	stream.indirect_vreg.gather [hbm4b:s5+s2], $0x80, v20, vm0, $0xb8;
	[tilespmem:$0x1BF80] =	vst v63  }
0x904: {  	v19 =	vadd.s32 v4, v19;
	s23 =	simm.s32 $0xFE00  }
0x905: {  	[tilespmem:s23], [sflag:$0x1] =	stream.indirect_vreg.gather [hbm4b:s5+s2], $0x80, v53, vm0, $0xb8;
	[tilespmem:$0x1BF80] =	vst v63  }
0x906: {  	s23 =	simm.s32 $0xFE80  }
0x907: {  	[tilespmem:s23], [sflag:$0x1] =	stream.indirect_vreg.gather [hbm4b:s5+s2], $0x80, v55, vm0, $0xb8;
	[tilespmem:$0x1BF80] =	vst v63  }
0x908: {  	s23 =	simm.s32 $0xFF00  }
0x909: {  	[tilespmem:s23], [sflag:$0x1] =	stream.indirect_vreg.gather [hbm4b:s5+s2], $0x80, v19, vm0, $0xb8;
	[tilespmem:$0x1BF80] =	vst v63  }
0x90a: {  	v19 =	vld [tilespmem:s20+$0x380];
	_ =	sdelay $0x4  }
0x90b: {  	v20 =	vshll.u32 v19, $0x3  }
0x90c: {  	v19 =	vand.u32 $0x7, v19;
	v20 =	vand.u32 $0xFFFFFFC0, v20  }
0x90d: {  	v19 =	vor.u32 v19, v20  }
0x90e: {  	v20 =	vperm.xlane v19, v2;
	_ =	sdelay $0x1  }
0x90f: {  	v56 =	vperm.xlane v19, v5;
	v20 =	vadd.s32 v4, v20;
	_ =	sdelay $0x1  }
0x910: {  	v57 =	vperm.xlane v19, v6;
	v21 =	vadd.s32 v4, v56;
	_ =	sdelay $0x1  }
0x911: {  	s23 =	simm.s32 $0xFF80;
	v58 =	vperm.xlane v19, v1;
	v22 =	vadd.s32 v4, v57  }
0x912: {  	[tilespmem:s23], [sflag:$0x1] =	stream.indirect_vreg.gather [hbm4b:s5+s2], $0x80, v20, vm0, $0xb8;
	[tilespmem:$0x1BF80] =	vst v63  }
0x913: {  	v59 =	vperm.xlane v19, v7;
	v20 =	vadd.s32 v4, v58;
	s23 =	simm.s32 $0x10000  }
0x914: {  	[tilespmem:s23], [sflag:$0x1] =	stream.indirect_vreg.gather [hbm4b:s5+s2], $0x80, v21, vm0, $0xb8;
	[tilespmem:$0x1BF80] =	vst v63  }
0x915: {  	v61 =	vperm.xlane v19, v8;
	v60 =	vadd.s32 v4, v59;
	s23 =	simm.s32 $0x10080  }
0x916: {  	[tilespmem:s23], [sflag:$0x1] =	stream.indirect_vreg.gather [hbm4b:s5+s2], $0x80, v22, vm0, $0xb8;
	[tilespmem:$0x1BF80] =	vst v63  }
0x917: {  	v63 =	vperm.xlane v19, v9;
	v62 =	vadd.s32 v4, v61;
	s23 =	simm.s32 $0x10100  }
0x918: {  	[tilespmem:s23], [sflag:$0x1] =	stream.indirect_vreg.gather [hbm4b:s5+s2], $0x80, v20, vm0, $0xb8;
	[tilespmem:$0x1BF80] =	vst v63  }
0x919: {  	v24 =	vperm.xlane v19, v0;
	v20 =	vadd.s32 v4, v63;
	s23 =	simm.s32 $0x10180  }
0x91a: {  	[tilespmem:s23], [sflag:$0x1] =	stream.indirect_vreg.gather [hbm4b:s5+s2], $0x80, v60, vm0, $0xb8;
	[tilespmem:$0x1BF80] =	vst v63  }
0x91b: {  	v26 =	vperm.xlane v19, v10;
	v25 =	vadd.s32 v4, v24;
	s23 =	simm.s32 $0x10200  }
0x91c: {  	[tilespmem:s23], [sflag:$0x1] =	stream.indirect_vreg.gather [hbm4b:s5+s2], $0x80, v62, vm0, $0xb8;
	[tilespmem:$0x1BF80] =	vst v63  }
0x91d: {  	v28 =	vperm.xlane v19, v11;
	v27 =	vadd.s32 v4, v26;
	s23 =	simm.s32 $0x10280  }
0x91e: {  	[tilespmem:s23], [sflag:$0x1] =	stream.indirect_vreg.gather [hbm4b:s5+s2], $0x80, v20, vm0, $0xb8;
	[tilespmem:$0x1BF80] =	vst v63  }
0x91f: {  	v29 =	vperm.xlane v19, v12;
	v20 =	vadd.s32 v4, v28;
	s23 =	simm.s32 $0x10300  }
0x920: {  	[tilespmem:s23], [sflag:$0x1] =	stream.indirect_vreg.gather [hbm4b:s5+s2], $0x80, v25, vm0, $0xb8;
	[tilespmem:$0x1BF80] =	vst v63  }
0x921: {  	v31 =	vperm.xlane v19, v13;
	v30 =	vadd.s32 v4, v29;
	s23 =	simm.s32 $0x10380  }
0x922: {  	[tilespmem:s23], [sflag:$0x1] =	stream.indirect_vreg.gather [hbm4b:s5+s2], $0x80, v27, vm0, $0xb8;
	[tilespmem:$0x1BF80] =	vst v63  }
0x923: {  	v33 =	vperm.xlane v19, v14;
	v32 =	vadd.s32 v4, v31;
	s23 =	simm.s32 $0x10400  }
0x924: {  	[tilespmem:s23], [sflag:$0x1] =	stream.indirect_vreg.gather [hbm4b:s5+s2], $0x80, v20, vm0, $0xb8;
	[tilespmem:$0x1BF80] =	vst v63  }
0x925: {  	v34 =	vperm.xlane v19, v15;
	v20 =	vadd.s32 v4, v33;
	s23 =	simm.s32 $0x10480  }
0x926: {  	[tilespmem:s23], [sflag:$0x1] =	stream.indirect_vreg.gather [hbm4b:s5+s2], $0x80, v30, vm0, $0xb8;
	[tilespmem:$0x1BF80] =	vst v63  }
0x927: {  	v36 =	vperm.xlane v19, v16;
	v35 =	vadd.s32 v4, v34;
	s23 =	simm.s32 $0x10500  }
0x928: {  	[tilespmem:s23], [sflag:$0x1] =	stream.indirect_vreg.gather [hbm4b:s5+s2], $0x80, v32, vm0, $0xb8;
	[tilespmem:$0x1BF80] =	vst v63  }
0x929: {  	v19 =	vperm.xlane v19, v17;
	v37 =	vadd.s32 v4, v36;
	s23 =	simm.s32 $0x10580  }
0x92a: {  	[tilespmem:s23], [sflag:$0x1] =	stream.indirect_vreg.gather [hbm4b:s5+s2], $0x80, v20, vm0, $0xb8;
	[tilespmem:$0x1BF80] =	vst v63  }
0x92b: {  	v19 =	vadd.s32 v4, v19;
	s23 =	simm.s32 $0x10600  }
0x92c: {  	[tilespmem:s23], [sflag:$0x1] =	stream.indirect_vreg.gather [hbm4b:s5+s2], $0x80, v35, vm0, $0xb8;
	[tilespmem:$0x1BF80] =	vst v63  }
0x92d: {  	s23 =	simm.s32 $0x10680  }
0x92e: {  	[tilespmem:s23], [sflag:$0x1] =	stream.indirect_vreg.gather [hbm4b:s5+s2], $0x80, v37, vm0, $0xb8;
	[tilespmem:$0x1BF80] =	vst v63  }
0x92f: {  	s23 =	simm.s32 $0x10700  }
0x930: {  	[tilespmem:s23], [sflag:$0x1] =	stream.indirect_vreg.gather [hbm4b:s5+s2], $0x80, v19, vm0, $0xb8;
	[tilespmem:$0x1BF80] =	vst v63  }
0x931: {  	v19 =	vld [tilespmem:s20+$0x390];
	_ =	sdelay $0x4  }
0x932: {  	v20 =	vshll.u32 v19, $0x3  }
0x933: {  	v19 =	vand.u32 $0x7, v19;
	v20 =	vand.u32 $0xFFFFFFC0, v20  }
0x934: {  	v19 =	vor.u32 v19, v20  }
0x935: {  	v20 =	vperm.xlane v19, v2;
	_ =	sdelay $0x1  }
0x936: {  	v38 =	vperm.xlane v19, v5;
	v20 =	vadd.s32 v4, v20;
	_ =	sdelay $0x1  }
0x937: {  	v39 =	vperm.xlane v19, v6;
	v21 =	vadd.s32 v4, v38;
	_ =	sdelay $0x1  }
0x938: {  	s23 =	simm.s32 $0x10780;
	v40 =	vperm.xlane v19, v1;
	v22 =	vadd.s32 v4, v39  }
0x939: {  	[tilespmem:s23], [sflag:$0x1] =	stream.indirect_vreg.gather [hbm4b:s5+s2], $0x80, v20, vm0, $0xb8;
	[tilespmem:$0x1BF80] =	vst v63  }
0x93a: {  	v41 =	vperm.xlane v19, v7;
	v20 =	vadd.s32 v4, v40;
	s23 =	simm.s32 $0x10800  }
0x93b: {  	[tilespmem:s23], [sflag:$0x1] =	stream.indirect_vreg.gather [hbm4b:s5+s2], $0x80, v21, vm0, $0xb8;
	[tilespmem:$0x1BF80] =	vst v63  }
0x93c: {  	v43 =	vperm.xlane v19, v8;
	v42 =	vadd.s32 v4, v41;
	s23 =	simm.s32 $0x10880  }
0x93d: {  	[tilespmem:s23], [sflag:$0x1] =	stream.indirect_vreg.gather [hbm4b:s5+s2], $0x80, v22, vm0, $0xb8;
	[tilespmem:$0x1BF80] =	vst v63  }
0x93e: {  	v45 =	vperm.xlane v19, v9;
	v44 =	vadd.s32 v4, v43;
	s23 =	simm.s32 $0x10900  }
0x93f: {  	[tilespmem:s23], [sflag:$0x1] =	stream.indirect_vreg.gather [hbm4b:s5+s2], $0x80, v20, vm0, $0xb8;
	[tilespmem:$0x1BF80] =	vst v63  }
0x940: {  	v46 =	vperm.xlane v19, v0;
	v20 =	vadd.s32 v4, v45;
	s23 =	simm.s32 $0x10980  }
0x941: {  	[tilespmem:s23], [sflag:$0x1] =	stream.indirect_vreg.gather [hbm4b:s5+s2], $0x80, v42, vm0, $0xb8;
	[tilespmem:$0x1BF80] =	vst v63  }
0x942: {  	v48 =	vperm.xlane v19, v10;
	v47 =	vadd.s32 v4, v46;
	s23 =	simm.s32 $0x10A00  }
0x943: {  	[tilespmem:s23], [sflag:$0x1] =	stream.indirect_vreg.gather [hbm4b:s5+s2], $0x80, v44, vm0, $0xb8;
	[tilespmem:$0x1BF80] =	vst v63  }
0x944: {  	v50 =	vperm.xlane v19, v11;
	v49 =	vadd.s32 v4, v48;
	s23 =	simm.s32 $0x10A80  }
0x945: {  	[tilespmem:s23], [sflag:$0x1] =	stream.indirect_vreg.gather [hbm4b:s5+s2], $0x80, v20, vm0, $0xb8;
	[tilespmem:$0x1BF80] =	vst v63  }
0x946: {  	v51 =	vperm.xlane v19, v12;
	v20 =	vadd.s32 v4, v50;
	s23 =	simm.s32 $0x10B00  }
0x947: {  	[tilespmem:s23], [sflag:$0x1] =	stream.indirect_vreg.gather [hbm4b:s5+s2], $0x80, v47, vm0, $0xb8;
	[tilespmem:$0x1BF80] =	vst v63  }
0x948: {  	v53 =	vperm.xlane v19, v13;
	v52 =	vadd.s32 v4, v51;
	s23 =	simm.s32 $0x10B80  }
0x949: {  	[tilespmem:s23], [sflag:$0x1] =	stream.indirect_vreg.gather [hbm4b:s5+s2], $0x80, v49, vm0, $0xb8;
	[tilespmem:$0x1BF80] =	vst v63  }
0x94a: {  	v55 =	vperm.xlane v19, v14;
	v54 =	vadd.s32 v4, v53;
	s23 =	simm.s32 $0x10C00  }
0x94b: {  	[tilespmem:s23], [sflag:$0x1] =	stream.indirect_vreg.gather [hbm4b:s5+s2], $0x80, v20, vm0, $0xb8;
	[tilespmem:$0x1BF80] =	vst v63  }
0x94c: {  	v56 =	vperm.xlane v19, v15;
	v20 =	vadd.s32 v4, v55;
	s23 =	simm.s32 $0x10C80  }
0x94d: {  	[tilespmem:s23], [sflag:$0x1] =	stream.indirect_vreg.gather [hbm4b:s5+s2], $0x80, v52, vm0, $0xb8;
	[tilespmem:$0x1BF80] =	vst v63  }
0x94e: {  	v58 =	vperm.xlane v19, v16;
	v57 =	vadd.s32 v4, v56;
	s23 =	simm.s32 $0x10D00  }
0x94f: {  	[tilespmem:s23], [sflag:$0x1] =	stream.indirect_vreg.gather [hbm4b:s5+s2], $0x80, v54, vm0, $0xb8;
	[tilespmem:$0x1BF80] =	vst v63  }
0x950: {  	v19 =	vperm.xlane v19, v17;
	v59 =	vadd.s32 v4, v58;
	s23 =	simm.s32 $0x10D80  }
0x951: {  	[tilespmem:s23], [sflag:$0x1] =	stream.indirect_vreg.gather [hbm4b:s5+s2], $0x80, v20, vm0, $0xb8;
	[tilespmem:$0x1BF80] =	vst v63  }
0x952: {  	v19 =	vadd.s32 v4, v19;
	s23 =	simm.s32 $0x10E00  }
0x953: {  	[tilespmem:s23], [sflag:$0x1] =	stream.indirect_vreg.gather [hbm4b:s5+s2], $0x80, v57, vm0, $0xb8;
	[tilespmem:$0x1BF80] =	vst v63  }
0x954: {  	s23 =	simm.s32 $0x10E80  }
0x955: {  	[tilespmem:s23], [sflag:$0x1] =	stream.indirect_vreg.gather [hbm4b:s5+s2], $0x80, v59, vm0, $0xb8;
	[tilespmem:$0x1BF80] =	vst v63  }
0x956: {  	s23 =	simm.s32 $0x10F00  }
0x957: {  	[tilespmem:s23], [sflag:$0x1] =	stream.indirect_vreg.gather [hbm4b:s5+s2], $0x80, v19, vm0, $0xb8;
	[tilespmem:$0x1BF80] =	vst v63  }
0x958: {  	v19 =	vld [tilespmem:s20+$0x3A0];
	_ =	sdelay $0x4  }
0x959: {  	v20 =	vshll.u32 v19, $0x3  }
0x95a: {  	v19 =	vand.u32 $0x7, v19;
	v20 =	vand.u32 $0xFFFFFFC0, v20  }
0x95b: {  	v19 =	vor.u32 v19, v20  }
0x95c: {  	v20 =	vperm.xlane v19, v2;
	_ =	sdelay $0x1  }
0x95d: {  	v60 =	vperm.xlane v19, v5;
	v20 =	vadd.s32 v4, v20;
	_ =	sdelay $0x1  }
0x95e: {  	v61 =	vperm.xlane v19, v6;
	v21 =	vadd.s32 v4, v60;
	_ =	sdelay $0x1  }
0x95f: {  	s23 =	simm.s32 $0x10F80;
	v62 =	vperm.xlane v19, v1;
	v22 =	vadd.s32 v4, v61  }
0x960: {  	[tilespmem:s23], [sflag:$0x1] =	stream.indirect_vreg.gather [hbm4b:s5+s2], $0x80, v20, vm0, $0xb8;
	[tilespmem:$0x1BF80] =	vst v63  }
0x961: {  	v63 =	vperm.xlane v19, v7;
	v20 =	vadd.s32 v4, v62;
	s23 =	simm.s32 $0x11000  }
0x962: {  	[tilespmem:s23], [sflag:$0x1] =	stream.indirect_vreg.gather [hbm4b:s5+s2], $0x80, v21, vm0, $0xb8;
	[tilespmem:$0x1BF80] =	vst v63  }
0x963: {  	v25 =	vperm.xlane v19, v8;
	v24 =	vadd.s32 v4, v63;
	s23 =	simm.s32 $0x11080  }
0x964: {  	[tilespmem:s23], [sflag:$0x1] =	stream.indirect_vreg.gather [hbm4b:s5+s2], $0x80, v22, vm0, $0xb8;
	[tilespmem:$0x1BF80] =	vst v63  }
0x965: {  	v27 =	vperm.xlane v19, v9;
	v26 =	vadd.s32 v4, v25;
	s23 =	simm.s32 $0x11100  }
0x966: {  	[tilespmem:s23], [sflag:$0x1] =	stream.indirect_vreg.gather [hbm4b:s5+s2], $0x80, v20, vm0, $0xb8;
	[tilespmem:$0x1BF80] =	vst v63  }
0x967: {  	v28 =	vperm.xlane v19, v0;
	v20 =	vadd.s32 v4, v27;
	s23 =	simm.s32 $0x11180  }
0x968: {  	[tilespmem:s23], [sflag:$0x1] =	stream.indirect_vreg.gather [hbm4b:s5+s2], $0x80, v24, vm0, $0xb8;
	[tilespmem:$0x1BF80] =	vst v63  }
0x969: {  	v30 =	vperm.xlane v19, v10;
	v29 =	vadd.s32 v4, v28;
	s23 =	simm.s32 $0x11200  }
0x96a: {  	[tilespmem:s23], [sflag:$0x1] =	stream.indirect_vreg.gather [hbm4b:s5+s2], $0x80, v26, vm0, $0xb8;
	[tilespmem:$0x1BF80] =	vst v63  }
0x96b: {  	v32 =	vperm.xlane v19, v11;
	v31 =	vadd.s32 v4, v30;
	s23 =	simm.s32 $0x11280  }
0x96c: {  	[tilespmem:s23], [sflag:$0x1] =	stream.indirect_vreg.gather [hbm4b:s5+s2], $0x80, v20, vm0, $0xb8;
	[tilespmem:$0x1BF80] =	vst v63  }
0x96d: {  	v33 =	vperm.xlane v19, v12;
	v20 =	vadd.s32 v4, v32;
	s23 =	simm.s32 $0x11300  }
0x96e: {  	[tilespmem:s23], [sflag:$0x1] =	stream.indirect_vreg.gather [hbm4b:s5+s2], $0x80, v29, vm0, $0xb8;
	[tilespmem:$0x1BF80] =	vst v63  }
0x96f: {  	v35 =	vperm.xlane v19, v13;
	v34 =	vadd.s32 v4, v33;
	s23 =	simm.s32 $0x11380  }
0x970: {  	[tilespmem:s23], [sflag:$0x1] =	stream.indirect_vreg.gather [hbm4b:s5+s2], $0x80, v31, vm0, $0xb8;
	[tilespmem:$0x1BF80] =	vst v63  }
0x971: {  	v37 =	vperm.xlane v19, v14;
	v36 =	vadd.s32 v4, v35;
	s23 =	simm.s32 $0x11400  }
0x972: {  	[tilespmem:s23], [sflag:$0x1] =	stream.indirect_vreg.gather [hbm4b:s5+s2], $0x80, v20, vm0, $0xb8;
	[tilespmem:$0x1BF80] =	vst v63  }
0x973: {  	v38 =	vperm.xlane v19, v15;
	v20 =	vadd.s32 v4, v37;
	s23 =	simm.s32 $0x11480  }
0x974: {  	[tilespmem:s23], [sflag:$0x1] =	stream.indirect_vreg.gather [hbm4b:s5+s2], $0x80, v34, vm0, $0xb8;
	[tilespmem:$0x1BF80] =	vst v63  }
0x975: {  	v40 =	vperm.xlane v19, v16;
	v39 =	vadd.s32 v4, v38;
	s23 =	simm.s32 $0x11500  }
0x976: {  	[tilespmem:s23], [sflag:$0x1] =	stream.indirect_vreg.gather [hbm4b:s5+s2], $0x80, v36, vm0, $0xb8;
	[tilespmem:$0x1BF80] =	vst v63  }
0x977: {  	v19 =	vperm.xlane v19, v17;
	v41 =	vadd.s32 v4, v40;
	s23 =	simm.s32 $0x11580  }
0x978: {  	[tilespmem:s23], [sflag:$0x1] =	stream.indirect_vreg.gather [hbm4b:s5+s2], $0x80, v20, vm0, $0xb8;
	[tilespmem:$0x1BF80] =	vst v63  }
0x979: {  	v19 =	vadd.s32 v4, v19;
	s23 =	simm.s32 $0x11600  }
0x97a: {  	[tilespmem:s23], [sflag:$0x1] =	stream.indirect_vreg.gather [hbm4b:s5+s2], $0x80, v39, vm0, $0xb8;
	[tilespmem:$0x1BF80] =	vst v63  }
0x97b: {  	s23 =	simm.s32 $0x11680  }
0x97c: {  	[tilespmem:s23], [sflag:$0x1] =	stream.indirect_vreg.gather [hbm4b:s5+s2], $0x80, v41, vm0, $0xb8;
	[tilespmem:$0x1BF80] =	vst v63  }
0x97d: {  	s23 =	simm.s32 $0x11700  }
0x97e: {  	[tilespmem:s23], [sflag:$0x1] =	stream.indirect_vreg.gather [hbm4b:s5+s2], $0x80, v19, vm0, $0xb8;
	[tilespmem:$0x1BF80] =	vst v63  }
0x97f: {  	v19 =	vld [tilespmem:s20+$0x3B0];
	_ =	sdelay $0x4  }
0x980: {  	v20 =	vshll.u32 v19, $0x3  }
0x981: {  	v19 =	vand.u32 $0x7, v19;
	v20 =	vand.u32 $0xFFFFFFC0, v20  }
0x982: {  	v19 =	vor.u32 v19, v20  }
0x983: {  	v20 =	vperm.xlane v19, v2;
	_ =	sdelay $0x1  }
0x984: {  	v42 =	vperm.xlane v19, v5;
	v20 =	vadd.s32 v4, v20;
	_ =	sdelay $0x1  }
0x985: {  	v43 =	vperm.xlane v19, v6;
	v21 =	vadd.s32 v4, v42;
	_ =	sdelay $0x1  }
0x986: {  	s23 =	simm.s32 $0x11780;
	v44 =	vperm.xlane v19, v1;
	v22 =	vadd.s32 v4, v43  }
0x987: {  	[tilespmem:s23], [sflag:$0x1] =	stream.indirect_vreg.gather [hbm4b:s5+s2], $0x80, v20, vm0, $0xb8;
	[tilespmem:$0x1BF80] =	vst v63  }
0x988: {  	v45 =	vperm.xlane v19, v7;
	v20 =	vadd.s32 v4, v44;
	s23 =	simm.s32 $0x11800  }
0x989: {  	[tilespmem:s23], [sflag:$0x1] =	stream.indirect_vreg.gather [hbm4b:s5+s2], $0x80, v21, vm0, $0xb8;
	[tilespmem:$0x1BF80] =	vst v63  }
0x98a: {  	v47 =	vperm.xlane v19, v8;
	v46 =	vadd.s32 v4, v45;
	s23 =	simm.s32 $0x11880  }
0x98b: {  	[tilespmem:s23], [sflag:$0x1] =	stream.indirect_vreg.gather [hbm4b:s5+s2], $0x80, v22, vm0, $0xb8;
	[tilespmem:$0x1BF80] =	vst v63  }
0x98c: {  	v49 =	vperm.xlane v19, v9;
	v48 =	vadd.s32 v4, v47;
	s23 =	simm.s32 $0x11900  }
0x98d: {  	[tilespmem:s23], [sflag:$0x1] =	stream.indirect_vreg.gather [hbm4b:s5+s2], $0x80, v20, vm0, $0xb8;
	[tilespmem:$0x1BF80] =	vst v63  }
0x98e: {  	v50 =	vperm.xlane v19, v0;
	v20 =	vadd.s32 v4, v49;
	s23 =	simm.s32 $0x11980  }
0x98f: {  	[tilespmem:s23], [sflag:$0x1] =	stream.indirect_vreg.gather [hbm4b:s5+s2], $0x80, v46, vm0, $0xb8;
	[tilespmem:$0x1BF80] =	vst v63  }
0x990: {  	v52 =	vperm.xlane v19, v10;
	v51 =	vadd.s32 v4, v50;
	s23 =	simm.s32 $0x11A00  }
0x991: {  	[tilespmem:s23], [sflag:$0x1] =	stream.indirect_vreg.gather [hbm4b:s5+s2], $0x80, v48, vm0, $0xb8;
	[tilespmem:$0x1BF80] =	vst v63  }
0x992: {  	v54 =	vperm.xlane v19, v11;
	v53 =	vadd.s32 v4, v52;
	s23 =	simm.s32 $0x11A80  }
0x993: {  	[tilespmem:s23], [sflag:$0x1] =	stream.indirect_vreg.gather [hbm4b:s5+s2], $0x80, v20, vm0, $0xb8;
	[tilespmem:$0x1BF80] =	vst v63  }
0x994: {  	v55 =	vperm.xlane v19, v12;
	v20 =	vadd.s32 v4, v54;
	s23 =	simm.s32 $0x11B00  }
0x995: {  	[tilespmem:s23], [sflag:$0x1] =	stream.indirect_vreg.gather [hbm4b:s5+s2], $0x80, v51, vm0, $0xb8;
	[tilespmem:$0x1BF80] =	vst v63  }
0x996: {  	v57 =	vperm.xlane v19, v13;
	v56 =	vadd.s32 v4, v55;
	s23 =	simm.s32 $0x11B80  }
0x997: {  	[tilespmem:s23], [sflag:$0x1] =	stream.indirect_vreg.gather [hbm4b:s5+s2], $0x80, v53, vm0, $0xb8;
	[tilespmem:$0x1BF80] =	vst v63  }
0x998: {  	v59 =	vperm.xlane v19, v14;
	v58 =	vadd.s32 v4, v57;
	s23 =	simm.s32 $0x11C00  }
0x999: {  	[tilespmem:s23], [sflag:$0x1] =	stream.indirect_vreg.gather [hbm4b:s5+s2], $0x80, v20, vm0, $0xb8;
	[tilespmem:$0x1BF80] =	vst v63  }
0x99a: {  	v60 =	vperm.xlane v19, v15;
	v20 =	vadd.s32 v4, v59;
	s23 =	simm.s32 $0x11C80  }
0x99b: {  	[tilespmem:s23], [sflag:$0x1] =	stream.indirect_vreg.gather [hbm4b:s5+s2], $0x80, v56, vm0, $0xb8;
	[tilespmem:$0x1BF80] =	vst v63  }
0x99c: {  	v62 =	vperm.xlane v19, v16;
	v61 =	vadd.s32 v4, v60;
	s23 =	simm.s32 $0x11D00  }
0x99d: {  	[tilespmem:s23], [sflag:$0x1] =	stream.indirect_vreg.gather [hbm4b:s5+s2], $0x80, v58, vm0, $0xb8;
	[tilespmem:$0x1BF80] =	vst v63  }
0x99e: {  	v19 =	vperm.xlane v19, v17;
	v63 =	vadd.s32 v4, v62;
	s23 =	simm.s32 $0x11D80  }
0x99f: {  	[tilespmem:s23], [sflag:$0x1] =	stream.indirect_vreg.gather [hbm4b:s5+s2], $0x80, v20, vm0, $0xb8;
	[tilespmem:$0x1BF80] =	vst v63  }
0x9a0: {  	v19 =	vadd.s32 v4, v19;
	s23 =	simm.s32 $0x11E00  }
0x9a1: {  	[tilespmem:s23], [sflag:$0x1] =	stream.indirect_vreg.gather [hbm4b:s5+s2], $0x80, v61, vm0, $0xb8;
	[tilespmem:$0x1BF80] =	vst v63  }
0x9a2: {  	s23 =	simm.s32 $0x11E80  }
0x9a3: {  	[tilespmem:s23], [sflag:$0x1] =	stream.indirect_vreg.gather [hbm4b:s5+s2], $0x80, v63, vm0, $0xb8;
	[tilespmem:$0x1BF80] =	vst v63  }
0x9a4: {  	s23 =	simm.s32 $0x11F00  }
0x9a5: {  	[tilespmem:s23], [sflag:$0x1] =	stream.indirect_vreg.gather [hbm4b:s5+s2], $0x80, v19, vm0, $0xb8;
	[tilespmem:$0x1BF80] =	vst v63  }
.LBB2_4:
0x9a6: {  	_ =	swait.ge [sflag:s18], $0xA000  }
0x9a7: {  	[sflag:s18] =	ssyncset.done $0x0  }
0x9a8: {  	[sflag:s18] =	ssyncadd.s32 $0xFFFF6000  }
0x9a9: {  	v19 =	vld [tilespmem:s20+$0x2BC0];
	_ =	sdelay $0x3  }
0x9aa: {  	v20 =	vor.u32 $0xA000, v18  }
0x9ab: {  	v19 =	vadd.s32 v20, v19  }
0x9ac: {  	v28 =	vld [tilespmem:s20+$0x2BD0];
	_ =	sdelay $0x3  }
0x9ad: {  	v21 =	vor.u32 $0xA800, v18;
	v19 =	vld.idx.msk [tilespmem:v19+s12+$0x0], $0xffff  }
0x9ae: {  	v20 =	vadd.s32 v21, v28  }
0x9af: {  	v29 =	vld [tilespmem:s20+$0x2BE0];
	_ =	sdelay $0x2  }
0x9b0: {  	[tilespmem:s20+$0x5640] =	vst v19  }
0x9b1: {  	v30 =	vor.u32 $0xB000, v18;
	v19 =	vld.idx.msk [tilespmem:v20+s12+$0x0], $0xffff  }
0x9b2: {  	v20 =	vadd.s32 v30, v29  }
0x9b3: {  	v31 =	vld [tilespmem:s20+$0x2BF0];
	_ =	sdelay $0x2  }
0x9b4: {  	[tilespmem:s20+$0x5650] =	vst v19  }
0x9b5: {  	v32 =	vor.u32 $0xB800, v18;
	v19 =	vld.idx.msk [tilespmem:v20+s12+$0x0], $0xffff  }
0x9b6: {  	v20 =	vadd.s32 v32, v31  }
0x9b7: {  	v33 =	vld [tilespmem:s20+$0x2C00];
	_ =	sdelay $0x2  }
0x9b8: {  	[tilespmem:s20+$0x5660] =	vst v19  }
0x9b9: {  	v34 =	vor.u32 $0xC000, v18;
	v19 =	vld.idx.msk [tilespmem:v20+s12+$0x0], $0xffff  }
0x9ba: {  	v20 =	vadd.s32 v34, v33  }
0x9bb: {  	v35 =	vld [tilespmem:s20+$0x2C10];
	_ =	sdelay $0x2  }
0x9bc: {  	[tilespmem:s20+$0x5670] =	vst v19  }
0x9bd: {  	v36 =	vor.u32 $0xC800, v18;
	v19 =	vld.idx.msk [tilespmem:v20+s12+$0x0], $0xffff  }
0x9be: {  	v20 =	vadd.s32 v36, v35  }
0x9bf: {  	v37 =	vld [tilespmem:s20+$0x2C20];
	_ =	sdelay $0x2  }
0x9c0: {  	[tilespmem:s20+$0x5680] =	vst v19  }
0x9c1: {  	v38 =	vor.u32 $0xD000, v18;
	v19 =	vld.idx.msk [tilespmem:v20+s12+$0x0], $0xffff  }
0x9c2: {  	v20 =	vadd.s32 v38, v37  }
0x9c3: {  	v39 =	vld [tilespmem:s20+$0x2C30];
	_ =	sdelay $0x2  }
0x9c4: {  	[tilespmem:s20+$0x5690] =	vst v19  }
0x9c5: {  	v40 =	vor.u32 $0xD800, v18;
	v19 =	vld.idx.msk [tilespmem:v20+s12+$0x0], $0xffff  }
0x9c6: {  	v20 =	vadd.s32 v40, v39  }
0x9c7: {  	v41 =	vld [tilespmem:s20+$0x2C40];
	_ =	sdelay $0x2  }
0x9c8: {  	[tilespmem:s20+$0x56A0] =	vst v19  }
0x9c9: {  	v42 =	vor.u32 $0xE000, v18;
	v19 =	vld.idx.msk [tilespmem:v20+s12+$0x0], $0xffff  }
0x9ca: {  	v20 =	vadd.s32 v42, v41  }
0x9cb: {  	v43 =	vld [tilespmem:s20+$0x2C50];
	_ =	sdelay $0x2  }
0x9cc: {  	[tilespmem:s20+$0x56B0] =	vst v19  }
0x9cd: {  	v44 =	vor.u32 $0xE800, v18;
	v19 =	vld.idx.msk [tilespmem:v20+s12+$0x0], $0xffff  }
0x9ce: {  	v20 =	vadd.s32 v44, v43  }
0x9cf: {  	v45 =	vld [tilespmem:s20+$0x2C60];
	_ =	sdelay $0x2  }
0x9d0: {  	[tilespmem:s20+$0x56C0] =	vst v19  }
0x9d1: {  	v46 =	vor.u32 $0xF000, v18;
	v19 =	vld.idx.msk [tilespmem:v20+s12+$0x0], $0xffff  }
0x9d2: {  	v20 =	vadd.s32 v46, v45  }
0x9d3: {  	v47 =	vld [tilespmem:s20+$0x2C70];
	_ =	sdelay $0x2  }
0x9d4: {  	[tilespmem:s20+$0x56D0] =	vst v19  }
0x9d5: {  	v48 =	vor.u32 $0xF800, v18;
	v19 =	vld.idx.msk [tilespmem:v20+s12+$0x0], $0xffff  }
0x9d6: {  	v20 =	vadd.s32 v48, v47  }
0x9d7: {  	v49 =	vld [tilespmem:s20+$0x2C80];
	_ =	sdelay $0x2  }
0x9d8: {  	[tilespmem:s20+$0x56E0] =	vst v19  }
0x9d9: {  	v50 =	vor.u32 $0x10000, v18;
	v19 =	vld.idx.msk [tilespmem:v20+s12+$0x0], $0xffff  }
0x9da: {  	v20 =	vadd.s32 v50, v49  }
0x9db: {  	v51 =	vld [tilespmem:s20+$0x2C90];
	_ =	sdelay $0x2  }
0x9dc: {  	[tilespmem:s20+$0x56F0] =	vst v19  }
0x9dd: {  	v52 =	vor.u32 $0x10800, v18;
	v19 =	vld.idx.msk [tilespmem:v20+s12+$0x0], $0xffff  }
0x9de: {  	v20 =	vadd.s32 v52, v51  }
0x9df: {  	v53 =	vld [tilespmem:s20+$0x2CA0];
	_ =	sdelay $0x2  }
0x9e0: {  	[tilespmem:s20+$0x5700] =	vst v19  }
0x9e1: {  	v54 =	vor.u32 $0x11000, v18;
	v19 =	vld.idx.msk [tilespmem:v20+s12+$0x0], $0xffff  }
0x9e2: {  	v20 =	vadd.s32 v54, v53  }
0x9e3: {  	v55 =	vld [tilespmem:s20+$0x2CB0];
	_ =	sdelay $0x2  }
0x9e4: {  	[tilespmem:s20+$0x5710] =	vst v19  }
0x9e5: {  	v56 =	vor.u32 $0x11800, v18;
	v19 =	vld.idx.msk [tilespmem:v20+s12+$0x0], $0xffff  }
0x9e6: {  	v20 =	vadd.s32 v56, v55  }
0x9e7: {  	v57 =	vld [tilespmem:s20+$0x2CC0];
	_ =	sdelay $0x2  }
0x9e8: {  	[tilespmem:s20+$0x5720] =	vst v19  }
0x9e9: {  	v58 =	vor.u32 $0x12000, v18;
	v19 =	vld.idx.msk [tilespmem:v20+s12+$0x0], $0xffff  }
0x9ea: {  	v20 =	vadd.s32 v58, v57  }
0x9eb: {  	v59 =	vld [tilespmem:s20+$0x2CD0];
	_ =	sdelay $0x2  }
0x9ec: {  	[tilespmem:s20+$0x5730] =	vst v19  }
0x9ed: {  	v60 =	vor.u32 $0x12800, v18;
	v19 =	vld.idx.msk [tilespmem:v20+s12+$0x0], $0xffff  }
0x9ee: {  	v20 =	vadd.s32 v60, v59  }
0x9ef: {  	v61 =	vld [tilespmem:s20+$0x2CE0];
	_ =	sdelay $0x2  }
0x9f0: {  	[tilespmem:s20+$0x5740] =	vst v19  }
0x9f1: {  	v62 =	vor.u32 $0x13000, v18;
	v19 =	vld.idx.msk [tilespmem:v20+s12+$0x0], $0xffff  }
0x9f2: {  	v20 =	vadd.s32 v62, v61  }
0x9f3: {  	v63 =	vld [tilespmem:s20+$0x2CF0];
	_ =	sdelay $0x2  }
0x9f4: {  	[tilespmem:s20+$0x5750] =	vst v19  }
0x9f5: {  	v18 =	vor.u32 $0x13800, v18;
	v19 =	vld.idx.msk [tilespmem:v20+s12+$0x0], $0xffff  }
0x9f6: {  	v18 =	vadd.s32 v18, v63;
	_ =	sdelay $0x3  }
0x9f7: {  	[tilespmem:s20+$0x5760] =	vst v19  }
0x9f8: {  	v18 =	vld.idx.msk [tilespmem:v18+s12+$0x0], $0xffff  }
.Ltmp3:
0x9f9: {  	_ = 	snop;
	(pc) =	sbr.rel @p0 .LBB2_6-.Ltmp3, $2  }
0x9fa: {  	_ =	sdelay $0x2  }
0x9fb: {  	[tilespmem:s20+$0x5770] =	vst v18  }
0x9fc: {  	v18 =	vld [tilespmem:s20+$0x3C0];
	_ =	sdelay $0x4  }
0x9fd: {  	v19 =	vshll.u32 v18, $0x3  }
0x9fe: {  	v18 =	vand.u32 $0x7, v18;
	v19 =	vand.u32 $0xFFFFFFC0, v19  }
0x9ff: {  	v18 =	vor.u32 v18, v19  }
0xa00: {  	v19 =	vperm.xlane v18, v2;
	_ =	sdelay $0x1  }
0xa01: {  	v20 =	vperm.xlane v18, v5;
	v19 =	vadd.s32 v4, v19;
	_ =	sdelay $0x1  }
0xa02: {  	v21 =	vperm.xlane v18, v6;
	v20 =	vadd.s32 v4, v20;
	_ =	sdelay $0x1  }
0xa03: {  	s23 =	simm.s32 $0x11F80;
	v22 =	vperm.xlane v18, v1;
	v21 =	vadd.s32 v4, v21  }
0xa04: {  	[tilespmem:s23], [sflag:$0x2] =	stream.indirect_vreg.gather [hbm4b:s5+s2], $0x80, v19, vm0, $0xb8;
	[tilespmem:$0x1BF80] =	vst v63  }
0xa05: {  	v27 =	vperm.xlane v18, v7;
	v19 =	vadd.s32 v4, v22;
	s23 =	simm.s32 $0x12000  }
0xa06: {  	[tilespmem:s23], [sflag:$0x2] =	stream.indirect_vreg.gather [hbm4b:s5+s2], $0x80, v20, vm0, $0xb8;
	[tilespmem:$0x1BF80] =	vst v63  }
0xa07: {  	v29 =	vperm.xlane v18, v8;
	v28 =	vadd.s32 v4, v27;
	s23 =	simm.s32 $0x12080  }
0xa08: {  	[tilespmem:s23], [sflag:$0x2] =	stream.indirect_vreg.gather [hbm4b:s5+s2], $0x80, v21, vm0, $0xb8;
	[tilespmem:$0x1BF80] =	vst v63  }
0xa09: {  	v31 =	vperm.xlane v18, v9;
	v30 =	vadd.s32 v4, v29;
	s23 =	simm.s32 $0x12100  }
0xa0a: {  	[tilespmem:s23], [sflag:$0x2] =	stream.indirect_vreg.gather [hbm4b:s5+s2], $0x80, v19, vm0, $0xb8;
	[tilespmem:$0x1BF80] =	vst v63  }
0xa0b: {  	v32 =	vperm.xlane v18, v0;
	v19 =	vadd.s32 v4, v31;
	s23 =	simm.s32 $0x12180  }
0xa0c: {  	[tilespmem:s23], [sflag:$0x2] =	stream.indirect_vreg.gather [hbm4b:s5+s2], $0x80, v28, vm0, $0xb8;
	[tilespmem:$0x1BF80] =	vst v63  }
0xa0d: {  	v34 =	vperm.xlane v18, v10;
	v33 =	vadd.s32 v4, v32;
	s23 =	simm.s32 $0x12200  }
0xa0e: {  	[tilespmem:s23], [sflag:$0x2] =	stream.indirect_vreg.gather [hbm4b:s5+s2], $0x80, v30, vm0, $0xb8;
	[tilespmem:$0x1BF80] =	vst v63  }
0xa0f: {  	v36 =	vperm.xlane v18, v11;
	v35 =	vadd.s32 v4, v34;
	s23 =	simm.s32 $0x12280  }
0xa10: {  	[tilespmem:s23], [sflag:$0x2] =	stream.indirect_vreg.gather [hbm4b:s5+s2], $0x80, v19, vm0, $0xb8;
	[tilespmem:$0x1BF80] =	vst v63  }
0xa11: {  	v37 =	vperm.xlane v18, v12;
	v19 =	vadd.s32 v4, v36;
	s23 =	simm.s32 $0x12300  }
0xa12: {  	[tilespmem:s23], [sflag:$0x2] =	stream.indirect_vreg.gather [hbm4b:s5+s2], $0x80, v33, vm0, $0xb8;
	[tilespmem:$0x1BF80] =	vst v63  }
0xa13: {  	v39 =	vperm.xlane v18, v13;
	v38 =	vadd.s32 v4, v37;
	s23 =	simm.s32 $0x12380  }
0xa14: {  	[tilespmem:s23], [sflag:$0x2] =	stream.indirect_vreg.gather [hbm4b:s5+s2], $0x80, v35, vm0, $0xb8;
	[tilespmem:$0x1BF80] =	vst v63  }
0xa15: {  	v41 =	vperm.xlane v18, v14;
	v40 =	vadd.s32 v4, v39;
	s23 =	simm.s32 $0x12400  }
0xa16: {  	[tilespmem:s23], [sflag:$0x2] =	stream.indirect_vreg.gather [hbm4b:s5+s2], $0x80, v19, vm0, $0xb8;
	[tilespmem:$0x1BF80] =	vst v63  }
0xa17: {  	v42 =	vperm.xlane v18, v15;
	v19 =	vadd.s32 v4, v41;
	s23 =	simm.s32 $0x12480  }
0xa18: {  	[tilespmem:s23], [sflag:$0x2] =	stream.indirect_vreg.gather [hbm4b:s5+s2], $0x80, v38, vm0, $0xb8;
	[tilespmem:$0x1BF80] =	vst v63  }
0xa19: {  	v44 =	vperm.xlane v18, v16;
	v43 =	vadd.s32 v4, v42;
	s23 =	simm.s32 $0x12500  }
0xa1a: {  	[tilespmem:s23], [sflag:$0x2] =	stream.indirect_vreg.gather [hbm4b:s5+s2], $0x80, v40, vm0, $0xb8;
	[tilespmem:$0x1BF80] =	vst v63  }
0xa1b: {  	v18 =	vperm.xlane v18, v17;
	v45 =	vadd.s32 v4, v44;
	s23 =	simm.s32 $0x12580  }
0xa1c: {  	[tilespmem:s23], [sflag:$0x2] =	stream.indirect_vreg.gather [hbm4b:s5+s2], $0x80, v19, vm0, $0xb8;
	[tilespmem:$0x1BF80] =	vst v63  }
0xa1d: {  	v18 =	vadd.s32 v4, v18;
	s23 =	simm.s32 $0x12600  }
0xa1e: {  	[tilespmem:s23], [sflag:$0x2] =	stream.indirect_vreg.gather [hbm4b:s5+s2], $0x80, v43, vm0, $0xb8;
	[tilespmem:$0x1BF80] =	vst v63  }
0xa1f: {  	s23 =	simm.s32 $0x12680  }
0xa20: {  	[tilespmem:s23], [sflag:$0x2] =	stream.indirect_vreg.gather [hbm4b:s5+s2], $0x80, v45, vm0, $0xb8;
	[tilespmem:$0x1BF80] =	vst v63  }
0xa21: {  	s23 =	simm.s32 $0x12700  }
0xa22: {  	[tilespmem:s23], [sflag:$0x2] =	stream.indirect_vreg.gather [hbm4b:s5+s2], $0x80, v18, vm0, $0xb8;
	[tilespmem:$0x1BF80] =	vst v63  }
0xa23: {  	v18 =	vld [tilespmem:s20+$0x3D0];
	_ =	sdelay $0x4  }
0xa24: {  	v19 =	vshll.u32 v18, $0x3  }
0xa25: {  	v18 =	vand.u32 $0x7, v18;
	v19 =	vand.u32 $0xFFFFFFC0, v19  }
0xa26: {  	v18 =	vor.u32 v18, v19  }
0xa27: {  	v19 =	vperm.xlane v18, v2;
	_ =	sdelay $0x1  }
0xa28: {  	v46 =	vperm.xlane v18, v5;
	v19 =	vadd.s32 v4, v19;
	_ =	sdelay $0x1  }
0xa29: {  	v47 =	vperm.xlane v18, v6;
	v20 =	vadd.s32 v4, v46;
	_ =	sdelay $0x1  }
0xa2a: {  	s23 =	simm.s32 $0x12780;
	v48 =	vperm.xlane v18, v1;
	v21 =	vadd.s32 v4, v47  }
0xa2b: {  	[tilespmem:s23], [sflag:$0x2] =	stream.indirect_vreg.gather [hbm4b:s5+s2], $0x80, v19, vm0, $0xb8;
	[tilespmem:$0x1BF80] =	vst v63  }
0xa2c: {  	v49 =	vperm.xlane v18, v7;
	v19 =	vadd.s32 v4, v48;
	s23 =	simm.s32 $0x12800  }
0xa2d: {  	[tilespmem:s23], [sflag:$0x2] =	stream.indirect_vreg.gather [hbm4b:s5+s2], $0x80, v20, vm0, $0xb8;
	[tilespmem:$0x1BF80] =	vst v63  }
0xa2e: {  	v51 =	vperm.xlane v18, v8;
	v50 =	vadd.s32 v4, v49;
	s23 =	simm.s32 $0x12880  }
0xa2f: {  	[tilespmem:s23], [sflag:$0x2] =	stream.indirect_vreg.gather [hbm4b:s5+s2], $0x80, v21, vm0, $0xb8;
	[tilespmem:$0x1BF80] =	vst v63  }
0xa30: {  	v53 =	vperm.xlane v18, v9;
	v52 =	vadd.s32 v4, v51;
	s23 =	simm.s32 $0x12900  }
0xa31: {  	[tilespmem:s23], [sflag:$0x2] =	stream.indirect_vreg.gather [hbm4b:s5+s2], $0x80, v19, vm0, $0xb8;
	[tilespmem:$0x1BF80] =	vst v63  }
0xa32: {  	v54 =	vperm.xlane v18, v0;
	v19 =	vadd.s32 v4, v53;
	s23 =	simm.s32 $0x12980  }
0xa33: {  	[tilespmem:s23], [sflag:$0x2] =	stream.indirect_vreg.gather [hbm4b:s5+s2], $0x80, v50, vm0, $0xb8;
	[tilespmem:$0x1BF80] =	vst v63  }
0xa34: {  	v56 =	vperm.xlane v18, v10;
	v55 =	vadd.s32 v4, v54;
	s23 =	simm.s32 $0x12A00  }
0xa35: {  	[tilespmem:s23], [sflag:$0x2] =	stream.indirect_vreg.gather [hbm4b:s5+s2], $0x80, v52, vm0, $0xb8;
	[tilespmem:$0x1BF80] =	vst v63  }
0xa36: {  	v58 =	vperm.xlane v18, v11;
	v57 =	vadd.s32 v4, v56;
	s23 =	simm.s32 $0x12A80  }
0xa37: {  	[tilespmem:s23], [sflag:$0x2] =	stream.indirect_vreg.gather [hbm4b:s5+s2], $0x80, v19, vm0, $0xb8;
	[tilespmem:$0x1BF80] =	vst v63  }
0xa38: {  	v59 =	vperm.xlane v18, v12;
	v19 =	vadd.s32 v4, v58;
	s23 =	simm.s32 $0x12B00  }
0xa39: {  	[tilespmem:s23], [sflag:$0x2] =	stream.indirect_vreg.gather [hbm4b:s5+s2], $0x80, v55, vm0, $0xb8;
	[tilespmem:$0x1BF80] =	vst v63  }
0xa3a: {  	v61 =	vperm.xlane v18, v13;
	v60 =	vadd.s32 v4, v59;
	s23 =	simm.s32 $0x12B80  }
0xa3b: {  	[tilespmem:s23], [sflag:$0x2] =	stream.indirect_vreg.gather [hbm4b:s5+s2], $0x80, v57, vm0, $0xb8;
	[tilespmem:$0x1BF80] =	vst v63  }
0xa3c: {  	v63 =	vperm.xlane v18, v14;
	v62 =	vadd.s32 v4, v61;
	s23 =	simm.s32 $0x12C00  }
0xa3d: {  	[tilespmem:s23], [sflag:$0x2] =	stream.indirect_vreg.gather [hbm4b:s5+s2], $0x80, v19, vm0, $0xb8;
	[tilespmem:$0x1BF80] =	vst v63  }
0xa3e: {  	v24 =	vperm.xlane v18, v15;
	v19 =	vadd.s32 v4, v63;
	s23 =	simm.s32 $0x12C80  }
0xa3f: {  	[tilespmem:s23], [sflag:$0x2] =	stream.indirect_vreg.gather [hbm4b:s5+s2], $0x80, v60, vm0, $0xb8;
	[tilespmem:$0x1BF80] =	vst v63  }
0xa40: {  	v26 =	vperm.xlane v18, v16;
	v25 =	vadd.s32 v4, v24;
	s23 =	simm.s32 $0x12D00  }
0xa41: {  	[tilespmem:s23], [sflag:$0x2] =	stream.indirect_vreg.gather [hbm4b:s5+s2], $0x80, v62, vm0, $0xb8;
	[tilespmem:$0x1BF80] =	vst v63  }
0xa42: {  	v18 =	vperm.xlane v18, v17;
	v27 =	vadd.s32 v4, v26;
	s23 =	simm.s32 $0x12D80  }
0xa43: {  	[tilespmem:s23], [sflag:$0x2] =	stream.indirect_vreg.gather [hbm4b:s5+s2], $0x80, v19, vm0, $0xb8;
	[tilespmem:$0x1BF80] =	vst v63  }
0xa44: {  	v18 =	vadd.s32 v4, v18;
	s23 =	simm.s32 $0x12E00  }
0xa45: {  	[tilespmem:s23], [sflag:$0x2] =	stream.indirect_vreg.gather [hbm4b:s5+s2], $0x80, v25, vm0, $0xb8;
	[tilespmem:$0x1BF80] =	vst v63  }
0xa46: {  	s23 =	simm.s32 $0x12E80  }
0xa47: {  	[tilespmem:s23], [sflag:$0x2] =	stream.indirect_vreg.gather [hbm4b:s5+s2], $0x80, v27, vm0, $0xb8;
	[tilespmem:$0x1BF80] =	vst v63  }
0xa48: {  	s23 =	simm.s32 $0x12F00  }
0xa49: {  	[tilespmem:s23], [sflag:$0x2] =	stream.indirect_vreg.gather [hbm4b:s5+s2], $0x80, v18, vm0, $0xb8;
	[tilespmem:$0x1BF80] =	vst v63  }
0xa4a: {  	v18 =	vld [tilespmem:s20+$0x3E0];
	_ =	sdelay $0x4  }
0xa4b: {  	v19 =	vshll.u32 v18, $0x3  }
0xa4c: {  	v18 =	vand.u32 $0x7, v18;
	v19 =	vand.u32 $0xFFFFFFC0, v19  }
0xa4d: {  	v18 =	vor.u32 v18, v19  }
0xa4e: {  	v19 =	vperm.xlane v18, v2;
	_ =	sdelay $0x1  }
0xa4f: {  	v28 =	vperm.xlane v18, v5;
	v19 =	vadd.s32 v4, v19;
	_ =	sdelay $0x1  }
0xa50: {  	v29 =	vperm.xlane v18, v6;
	v20 =	vadd.s32 v4, v28;
	_ =	sdelay $0x1  }
0xa51: {  	s23 =	simm.s32 $0x12F80;
	v30 =	vperm.xlane v18, v1;
	v21 =	vadd.s32 v4, v29  }
0xa52: {  	[tilespmem:s23], [sflag:$0x2] =	stream.indirect_vreg.gather [hbm4b:s5+s2], $0x80, v19, vm0, $0xb8;
	[tilespmem:$0x1BF80] =	vst v63  }
0xa53: {  	v31 =	vperm.xlane v18, v7;
	v19 =	vadd.s32 v4, v30;
	s23 =	simm.s32 $0x13000  }
0xa54: {  	[tilespmem:s23], [sflag:$0x2] =	stream.indirect_vreg.gather [hbm4b:s5+s2], $0x80, v20, vm0, $0xb8;
	[tilespmem:$0x1BF80] =	vst v63  }
0xa55: {  	v33 =	vperm.xlane v18, v8;
	v32 =	vadd.s32 v4, v31;
	s23 =	simm.s32 $0x13080  }
0xa56: {  	[tilespmem:s23], [sflag:$0x2] =	stream.indirect_vreg.gather [hbm4b:s5+s2], $0x80, v21, vm0, $0xb8;
	[tilespmem:$0x1BF80] =	vst v63  }
0xa57: {  	v35 =	vperm.xlane v18, v9;
	v34 =	vadd.s32 v4, v33;
	s23 =	simm.s32 $0x13100  }
0xa58: {  	[tilespmem:s23], [sflag:$0x2] =	stream.indirect_vreg.gather [hbm4b:s5+s2], $0x80, v19, vm0, $0xb8;
	[tilespmem:$0x1BF80] =	vst v63  }
0xa59: {  	v36 =	vperm.xlane v18, v0;
	v19 =	vadd.s32 v4, v35;
	s23 =	simm.s32 $0x13180  }
0xa5a: {  	[tilespmem:s23], [sflag:$0x2] =	stream.indirect_vreg.gather [hbm4b:s5+s2], $0x80, v32, vm0, $0xb8;
	[tilespmem:$0x1BF80] =	vst v63  }
0xa5b: {  	v38 =	vperm.xlane v18, v10;
	v37 =	vadd.s32 v4, v36;
	s23 =	simm.s32 $0x13200  }
0xa5c: {  	[tilespmem:s23], [sflag:$0x2] =	stream.indirect_vreg.gather [hbm4b:s5+s2], $0x80, v34, vm0, $0xb8;
	[tilespmem:$0x1BF80] =	vst v63  }
0xa5d: {  	v40 =	vperm.xlane v18, v11;
	v39 =	vadd.s32 v4, v38;
	s23 =	simm.s32 $0x13280  }
0xa5e: {  	[tilespmem:s23], [sflag:$0x2] =	stream.indirect_vreg.gather [hbm4b:s5+s2], $0x80, v19, vm0, $0xb8;
	[tilespmem:$0x1BF80] =	vst v63  }
0xa5f: {  	v41 =	vperm.xlane v18, v12;
	v19 =	vadd.s32 v4, v40;
	s23 =	simm.s32 $0x13300  }
0xa60: {  	[tilespmem:s23], [sflag:$0x2] =	stream.indirect_vreg.gather [hbm4b:s5+s2], $0x80, v37, vm0, $0xb8;
	[tilespmem:$0x1BF80] =	vst v63  }
0xa61: {  	v43 =	vperm.xlane v18, v13;
	v42 =	vadd.s32 v4, v41;
	s23 =	simm.s32 $0x13380  }
0xa62: {  	[tilespmem:s23], [sflag:$0x2] =	stream.indirect_vreg.gather [hbm4b:s5+s2], $0x80, v39, vm0, $0xb8;
	[tilespmem:$0x1BF80] =	vst v63  }
0xa63: {  	v45 =	vperm.xlane v18, v14;
	v44 =	vadd.s32 v4, v43;
	s23 =	simm.s32 $0x13400  }
0xa64: {  	[tilespmem:s23], [sflag:$0x2] =	stream.indirect_vreg.gather [hbm4b:s5+s2], $0x80, v19, vm0, $0xb8;
	[tilespmem:$0x1BF80] =	vst v63  }
0xa65: {  	v46 =	vperm.xlane v18, v15;
	v19 =	vadd.s32 v4, v45;
	s23 =	simm.s32 $0x13480  }
0xa66: {  	[tilespmem:s23], [sflag:$0x2] =	stream.indirect_vreg.gather [hbm4b:s5+s2], $0x80, v42, vm0, $0xb8;
	[tilespmem:$0x1BF80] =	vst v63  }
0xa67: {  	v48 =	vperm.xlane v18, v16;
	v47 =	vadd.s32 v4, v46;
	s23 =	simm.s32 $0x13500  }
0xa68: {  	[tilespmem:s23], [sflag:$0x2] =	stream.indirect_vreg.gather [hbm4b:s5+s2], $0x80, v44, vm0, $0xb8;
	[tilespmem:$0x1BF80] =	vst v63  }
0xa69: {  	v18 =	vperm.xlane v18, v17;
	v49 =	vadd.s32 v4, v48;
	s23 =	simm.s32 $0x13580  }
0xa6a: {  	[tilespmem:s23], [sflag:$0x2] =	stream.indirect_vreg.gather [hbm4b:s5+s2], $0x80, v19, vm0, $0xb8;
	[tilespmem:$0x1BF80] =	vst v63  }
0xa6b: {  	v18 =	vadd.s32 v4, v18;
	s23 =	simm.s32 $0x13600  }
0xa6c: {  	[tilespmem:s23], [sflag:$0x2] =	stream.indirect_vreg.gather [hbm4b:s5+s2], $0x80, v47, vm0, $0xb8;
	[tilespmem:$0x1BF80] =	vst v63  }
0xa6d: {  	s23 =	simm.s32 $0x13680  }
0xa6e: {  	[tilespmem:s23], [sflag:$0x2] =	stream.indirect_vreg.gather [hbm4b:s5+s2], $0x80, v49, vm0, $0xb8;
	[tilespmem:$0x1BF80] =	vst v63  }
0xa6f: {  	s23 =	simm.s32 $0x13700  }
0xa70: {  	[tilespmem:s23], [sflag:$0x2] =	stream.indirect_vreg.gather [hbm4b:s5+s2], $0x80, v18, vm0, $0xb8;
	[tilespmem:$0x1BF80] =	vst v63  }
0xa71: {  	v18 =	vld [tilespmem:s20+$0x3F0];
	_ =	sdelay $0x4  }
0xa72: {  	v19 =	vshll.u32 v18, $0x3  }
0xa73: {  	v18 =	vand.u32 $0x7, v18;
	v19 =	vand.u32 $0xFFFFFFC0, v19  }
0xa74: {  	v18 =	vor.u32 v18, v19  }
0xa75: {  	v19 =	vperm.xlane v18, v2;
	_ =	sdelay $0x1  }
0xa76: {  	v50 =	vperm.xlane v18, v5;
	v19 =	vadd.s32 v4, v19;
	_ =	sdelay $0x1  }
0xa77: {  	v51 =	vperm.xlane v18, v6;
	v20 =	vadd.s32 v4, v50;
	_ =	sdelay $0x1  }
0xa78: {  	s23 =	simm.s32 $0x13780;
	v52 =	vperm.xlane v18, v1;
	v21 =	vadd.s32 v4, v51  }
0xa79: {  	[tilespmem:s23], [sflag:$0x2] =	stream.indirect_vreg.gather [hbm4b:s5+s2], $0x80, v19, vm0, $0xb8;
	[tilespmem:$0x1BF80] =	vst v63  }
0xa7a: {  	v53 =	vperm.xlane v18, v7;
	v19 =	vadd.s32 v4, v52;
	s23 =	simm.s32 $0x13800  }
0xa7b: {  	[tilespmem:s23], [sflag:$0x2] =	stream.indirect_vreg.gather [hbm4b:s5+s2], $0x80, v20, vm0, $0xb8;
	[tilespmem:$0x1BF80] =	vst v63  }
0xa7c: {  	v55 =	vperm.xlane v18, v8;
	v54 =	vadd.s32 v4, v53;
	s23 =	simm.s32 $0x13880  }
0xa7d: {  	[tilespmem:s23], [sflag:$0x2] =	stream.indirect_vreg.gather [hbm4b:s5+s2], $0x80, v21, vm0, $0xb8;
	[tilespmem:$0x1BF80] =	vst v63  }
0xa7e: {  	v57 =	vperm.xlane v18, v9;
	v56 =	vadd.s32 v4, v55;
	s23 =	simm.s32 $0x13900  }
0xa7f: {  	[tilespmem:s23], [sflag:$0x2] =	stream.indirect_vreg.gather [hbm4b:s5+s2], $0x80, v19, vm0, $0xb8;
	[tilespmem:$0x1BF80] =	vst v63  }
0xa80: {  	v58 =	vperm.xlane v18, v0;
	v19 =	vadd.s32 v4, v57;
	s23 =	simm.s32 $0x13980  }
0xa81: {  	[tilespmem:s23], [sflag:$0x2] =	stream.indirect_vreg.gather [hbm4b:s5+s2], $0x80, v54, vm0, $0xb8;
	[tilespmem:$0x1BF80] =	vst v63  }
0xa82: {  	v60 =	vperm.xlane v18, v10;
	v59 =	vadd.s32 v4, v58;
	s23 =	simm.s32 $0x13A00  }
0xa83: {  	[tilespmem:s23], [sflag:$0x2] =	stream.indirect_vreg.gather [hbm4b:s5+s2], $0x80, v56, vm0, $0xb8;
	[tilespmem:$0x1BF80] =	vst v63  }
0xa84: {  	v62 =	vperm.xlane v18, v11;
	v61 =	vadd.s32 v4, v60;
	s23 =	simm.s32 $0x13A80  }
0xa85: {  	[tilespmem:s23], [sflag:$0x2] =	stream.indirect_vreg.gather [hbm4b:s5+s2], $0x80, v19, vm0, $0xb8;
	[tilespmem:$0x1BF80] =	vst v63  }
0xa86: {  	v63 =	vperm.xlane v18, v12;
	v19 =	vadd.s32 v4, v62;
	s23 =	simm.s32 $0x13B00  }
0xa87: {  	[tilespmem:s23], [sflag:$0x2] =	stream.indirect_vreg.gather [hbm4b:s5+s2], $0x80, v59, vm0, $0xb8;
	[tilespmem:$0x1BF80] =	vst v63  }
0xa88: {  	v25 =	vperm.xlane v18, v13;
	v24 =	vadd.s32 v4, v63;
	s23 =	simm.s32 $0x13B80  }
0xa89: {  	[tilespmem:s23], [sflag:$0x2] =	stream.indirect_vreg.gather [hbm4b:s5+s2], $0x80, v61, vm0, $0xb8;
	[tilespmem:$0x1BF80] =	vst v63  }
0xa8a: {  	v27 =	vperm.xlane v18, v14;
	v26 =	vadd.s32 v4, v25;
	s23 =	simm.s32 $0x13C00  }
0xa8b: {  	[tilespmem:s23], [sflag:$0x2] =	stream.indirect_vreg.gather [hbm4b:s5+s2], $0x80, v19, vm0, $0xb8;
	[tilespmem:$0x1BF80] =	vst v63  }
0xa8c: {  	v28 =	vperm.xlane v18, v15;
	v19 =	vadd.s32 v4, v27;
	s23 =	simm.s32 $0x13C80  }
0xa8d: {  	[tilespmem:s23], [sflag:$0x2] =	stream.indirect_vreg.gather [hbm4b:s5+s2], $0x80, v24, vm0, $0xb8;
	[tilespmem:$0x1BF80] =	vst v63  }
0xa8e: {  	v30 =	vperm.xlane v18, v16;
	v29 =	vadd.s32 v4, v28;
	s23 =	simm.s32 $0x13D00  }
0xa8f: {  	[tilespmem:s23], [sflag:$0x2] =	stream.indirect_vreg.gather [hbm4b:s5+s2], $0x80, v26, vm0, $0xb8;
	[tilespmem:$0x1BF80] =	vst v63  }
0xa90: {  	v18 =	vperm.xlane v18, v17;
	v31 =	vadd.s32 v4, v30;
	s23 =	simm.s32 $0x13D80  }
0xa91: {  	[tilespmem:s23], [sflag:$0x2] =	stream.indirect_vreg.gather [hbm4b:s5+s2], $0x80, v19, vm0, $0xb8;
	[tilespmem:$0x1BF80] =	vst v63  }
0xa92: {  	v18 =	vadd.s32 v4, v18;
	s23 =	simm.s32 $0x13E00  }
0xa93: {  	[tilespmem:s23], [sflag:$0x2] =	stream.indirect_vreg.gather [hbm4b:s5+s2], $0x80, v29, vm0, $0xb8;
	[tilespmem:$0x1BF80] =	vst v63  }
0xa94: {  	s23 =	simm.s32 $0x13E80  }
0xa95: {  	[tilespmem:s23], [sflag:$0x2] =	stream.indirect_vreg.gather [hbm4b:s5+s2], $0x80, v31, vm0, $0xb8;
	[tilespmem:$0x1BF80] =	vst v63  }
0xa96: {  	s23 =	simm.s32 $0x13F00  }
0xa97: {  	[tilespmem:s23], [sflag:$0x2] =	stream.indirect_vreg.gather [hbm4b:s5+s2], $0x80, v18, vm0, $0xb8;
	[tilespmem:$0x1BF80] =	vst v63  }
0xa98: {  	v18 =	vld [tilespmem:s20+$0x400];
	_ =	sdelay $0x4  }
0xa99: {  	v19 =	vshll.u32 v18, $0x3  }
0xa9a: {  	v18 =	vand.u32 $0x7, v18;
	v19 =	vand.u32 $0xFFFFFFC0, v19  }
0xa9b: {  	v18 =	vor.u32 v18, v19  }
0xa9c: {  	v19 =	vperm.xlane v18, v2;
	_ =	sdelay $0x1  }
0xa9d: {  	v32 =	vperm.xlane v18, v5;
	v19 =	vadd.s32 v4, v19;
	_ =	sdelay $0x1  }
0xa9e: {  	v33 =	vperm.xlane v18, v6;
	v20 =	vadd.s32 v4, v32;
	_ =	sdelay $0x1  }
0xa9f: {  	s23 =	simm.s32 $0x13F80;
	v34 =	vperm.xlane v18, v1;
	v21 =	vadd.s32 v4, v33  }
0xaa0: {  	[tilespmem:s23], [sflag:$0x2] =	stream.indirect_vreg.gather [hbm4b:s5+s2], $0x80, v19, vm0, $0xb8;
	[tilespmem:$0x1BF80] =	vst v63  }
0xaa1: {  	v35 =	vperm.xlane v18, v7;
	v19 =	vadd.s32 v4, v34;
	s23 =	simm.s32 $0x14000  }
0xaa2: {  	[tilespmem:s23], [sflag:$0x2] =	stream.indirect_vreg.gather [hbm4b:s5+s2], $0x80, v20, vm0, $0xb8;
	[tilespmem:$0x1BF80] =	vst v63  }
0xaa3: {  	v37 =	vperm.xlane v18, v8;
	v36 =	vadd.s32 v4, v35;
	s23 =	simm.s32 $0x14080  }
0xaa4: {  	[tilespmem:s23], [sflag:$0x2] =	stream.indirect_vreg.gather [hbm4b:s5+s2], $0x80, v21, vm0, $0xb8;
	[tilespmem:$0x1BF80] =	vst v63  }
0xaa5: {  	v39 =	vperm.xlane v18, v9;
	v38 =	vadd.s32 v4, v37;
	s23 =	simm.s32 $0x14100  }
0xaa6: {  	[tilespmem:s23], [sflag:$0x2] =	stream.indirect_vreg.gather [hbm4b:s5+s2], $0x80, v19, vm0, $0xb8;
	[tilespmem:$0x1BF80] =	vst v63  }
0xaa7: {  	v40 =	vperm.xlane v18, v0;
	v19 =	vadd.s32 v4, v39;
	s23 =	simm.s32 $0x14180  }
0xaa8: {  	[tilespmem:s23], [sflag:$0x2] =	stream.indirect_vreg.gather [hbm4b:s5+s2], $0x80, v36, vm0, $0xb8;
	[tilespmem:$0x1BF80] =	vst v63  }
0xaa9: {  	v42 =	vperm.xlane v18, v10;
	v41 =	vadd.s32 v4, v40;
	s23 =	simm.s32 $0x14200  }
0xaaa: {  	[tilespmem:s23], [sflag:$0x2] =	stream.indirect_vreg.gather [hbm4b:s5+s2], $0x80, v38, vm0, $0xb8;
	[tilespmem:$0x1BF80] =	vst v63  }
0xaab: {  	v44 =	vperm.xlane v18, v11;
	v43 =	vadd.s32 v4, v42;
	s23 =	simm.s32 $0x14280  }
0xaac: {  	[tilespmem:s23], [sflag:$0x2] =	stream.indirect_vreg.gather [hbm4b:s5+s2], $0x80, v19, vm0, $0xb8;
	[tilespmem:$0x1BF80] =	vst v63  }
0xaad: {  	v45 =	vperm.xlane v18, v12;
	v19 =	vadd.s32 v4, v44;
	s23 =	simm.s32 $0x14300  }
0xaae: {  	[tilespmem:s23], [sflag:$0x2] =	stream.indirect_vreg.gather [hbm4b:s5+s2], $0x80, v41, vm0, $0xb8;
	[tilespmem:$0x1BF80] =	vst v63  }
0xaaf: {  	v47 =	vperm.xlane v18, v13;
	v46 =	vadd.s32 v4, v45;
	s23 =	simm.s32 $0x14380  }
0xab0: {  	[tilespmem:s23], [sflag:$0x2] =	stream.indirect_vreg.gather [hbm4b:s5+s2], $0x80, v43, vm0, $0xb8;
	[tilespmem:$0x1BF80] =	vst v63  }
0xab1: {  	v49 =	vperm.xlane v18, v14;
	v48 =	vadd.s32 v4, v47;
	s23 =	simm.s32 $0x14400  }
0xab2: {  	[tilespmem:s23], [sflag:$0x2] =	stream.indirect_vreg.gather [hbm4b:s5+s2], $0x80, v19, vm0, $0xb8;
	[tilespmem:$0x1BF80] =	vst v63  }
0xab3: {  	v50 =	vperm.xlane v18, v15;
	v19 =	vadd.s32 v4, v49;
	s23 =	simm.s32 $0x14480  }
0xab4: {  	[tilespmem:s23], [sflag:$0x2] =	stream.indirect_vreg.gather [hbm4b:s5+s2], $0x80, v46, vm0, $0xb8;
	[tilespmem:$0x1BF80] =	vst v63  }
0xab5: {  	v52 =	vperm.xlane v18, v16;
	v51 =	vadd.s32 v4, v50;
	s23 =	simm.s32 $0x14500  }
0xab6: {  	[tilespmem:s23], [sflag:$0x2] =	stream.indirect_vreg.gather [hbm4b:s5+s2], $0x80, v48, vm0, $0xb8;
	[tilespmem:$0x1BF80] =	vst v63  }
0xab7: {  	v18 =	vperm.xlane v18, v17;
	v53 =	vadd.s32 v4, v52;
	s23 =	simm.s32 $0x14580  }
0xab8: {  	[tilespmem:s23], [sflag:$0x2] =	stream.indirect_vreg.gather [hbm4b:s5+s2], $0x80, v19, vm0, $0xb8;
	[tilespmem:$0x1BF80] =	vst v63  }
0xab9: {  	v18 =	vadd.s32 v4, v18;
	s23 =	simm.s32 $0x14600  }
0xaba: {  	[tilespmem:s23], [sflag:$0x2] =	stream.indirect_vreg.gather [hbm4b:s5+s2], $0x80, v51, vm0, $0xb8;
	[tilespmem:$0x1BF80] =	vst v63  }
0xabb: {  	s23 =	simm.s32 $0x14680  }
0xabc: {  	[tilespmem:s23], [sflag:$0x2] =	stream.indirect_vreg.gather [hbm4b:s5+s2], $0x80, v53, vm0, $0xb8;
	[tilespmem:$0x1BF80] =	vst v63  }
0xabd: {  	s23 =	simm.s32 $0x14700  }
0xabe: {  	[tilespmem:s23], [sflag:$0x2] =	stream.indirect_vreg.gather [hbm4b:s5+s2], $0x80, v18, vm0, $0xb8;
	[tilespmem:$0x1BF80] =	vst v63  }
0xabf: {  	v18 =	vld [tilespmem:s20+$0x410];
	_ =	sdelay $0x4  }
0xac0: {  	v19 =	vshll.u32 v18, $0x3  }
0xac1: {  	v18 =	vand.u32 $0x7, v18;
	v19 =	vand.u32 $0xFFFFFFC0, v19  }
0xac2: {  	v18 =	vor.u32 v18, v19  }
0xac3: {  	v19 =	vperm.xlane v18, v2;
	_ =	sdelay $0x1  }
0xac4: {  	v54 =	vperm.xlane v18, v5;
	v19 =	vadd.s32 v4, v19;
	_ =	sdelay $0x1  }
0xac5: {  	v55 =	vperm.xlane v18, v6;
	v20 =	vadd.s32 v4, v54;
	_ =	sdelay $0x1  }
0xac6: {  	s23 =	simm.s32 $0x14780;
	v56 =	vperm.xlane v18, v1;
	v21 =	vadd.s32 v4, v55  }
0xac7: {  	[tilespmem:s23], [sflag:$0x2] =	stream.indirect_vreg.gather [hbm4b:s5+s2], $0x80, v19, vm0, $0xb8;
	[tilespmem:$0x1BF80] =	vst v63  }
0xac8: {  	v57 =	vperm.xlane v18, v7;
	v19 =	vadd.s32 v4, v56;
	s23 =	simm.s32 $0x14800  }
0xac9: {  	[tilespmem:s23], [sflag:$0x2] =	stream.indirect_vreg.gather [hbm4b:s5+s2], $0x80, v20, vm0, $0xb8;
	[tilespmem:$0x1BF80] =	vst v63  }
0xaca: {  	v59 =	vperm.xlane v18, v8;
	v58 =	vadd.s32 v4, v57;
	s23 =	simm.s32 $0x14880  }
0xacb: {  	[tilespmem:s23], [sflag:$0x2] =	stream.indirect_vreg.gather [hbm4b:s5+s2], $0x80, v21, vm0, $0xb8;
	[tilespmem:$0x1BF80] =	vst v63  }
0xacc: {  	v61 =	vperm.xlane v18, v9;
	v60 =	vadd.s32 v4, v59;
	s23 =	simm.s32 $0x14900  }
0xacd: {  	[tilespmem:s23], [sflag:$0x2] =	stream.indirect_vreg.gather [hbm4b:s5+s2], $0x80, v19, vm0, $0xb8;
	[tilespmem:$0x1BF80] =	vst v63  }
0xace: {  	v62 =	vperm.xlane v18, v0;
	v19 =	vadd.s32 v4, v61;
	s23 =	simm.s32 $0x14980  }
0xacf: {  	[tilespmem:s23], [sflag:$0x2] =	stream.indirect_vreg.gather [hbm4b:s5+s2], $0x80, v58, vm0, $0xb8;
	[tilespmem:$0x1BF80] =	vst v63  }
0xad0: {  	v24 =	vperm.xlane v18, v10;
	v63 =	vadd.s32 v4, v62;
	s23 =	simm.s32 $0x14A00  }
0xad1: {  	[tilespmem:s23], [sflag:$0x2] =	stream.indirect_vreg.gather [hbm4b:s5+s2], $0x80, v60, vm0, $0xb8;
	[tilespmem:$0x1BF80] =	vst v63  }
0xad2: {  	v26 =	vperm.xlane v18, v11;
	v25 =	vadd.s32 v4, v24;
	s23 =	simm.s32 $0x14A80  }
0xad3: {  	[tilespmem:s23], [sflag:$0x2] =	stream.indirect_vreg.gather [hbm4b:s5+s2], $0x80, v19, vm0, $0xb8;
	[tilespmem:$0x1BF80] =	vst v63  }
0xad4: {  	v27 =	vperm.xlane v18, v12;
	v19 =	vadd.s32 v4, v26;
	s23 =	simm.s32 $0x14B00  }
0xad5: {  	[tilespmem:s23], [sflag:$0x2] =	stream.indirect_vreg.gather [hbm4b:s5+s2], $0x80, v63, vm0, $0xb8;
	[tilespmem:$0x1BF80] =	vst v63  }
0xad6: {  	v29 =	vperm.xlane v18, v13;
	v28 =	vadd.s32 v4, v27;
	s23 =	simm.s32 $0x14B80  }
0xad7: {  	[tilespmem:s23], [sflag:$0x2] =	stream.indirect_vreg.gather [hbm4b:s5+s2], $0x80, v25, vm0, $0xb8;
	[tilespmem:$0x1BF80] =	vst v63  }
0xad8: {  	v31 =	vperm.xlane v18, v14;
	v30 =	vadd.s32 v4, v29;
	s23 =	simm.s32 $0x14C00  }
0xad9: {  	[tilespmem:s23], [sflag:$0x2] =	stream.indirect_vreg.gather [hbm4b:s5+s2], $0x80, v19, vm0, $0xb8;
	[tilespmem:$0x1BF80] =	vst v63  }
0xada: {  	v32 =	vperm.xlane v18, v15;
	v19 =	vadd.s32 v4, v31;
	s23 =	simm.s32 $0x14C80  }
0xadb: {  	[tilespmem:s23], [sflag:$0x2] =	stream.indirect_vreg.gather [hbm4b:s5+s2], $0x80, v28, vm0, $0xb8;
	[tilespmem:$0x1BF80] =	vst v63  }
0xadc: {  	v34 =	vperm.xlane v18, v16;
	v33 =	vadd.s32 v4, v32;
	s23 =	simm.s32 $0x14D00  }
0xadd: {  	[tilespmem:s23], [sflag:$0x2] =	stream.indirect_vreg.gather [hbm4b:s5+s2], $0x80, v30, vm0, $0xb8;
	[tilespmem:$0x1BF80] =	vst v63  }
0xade: {  	v18 =	vperm.xlane v18, v17;
	v35 =	vadd.s32 v4, v34;
	s23 =	simm.s32 $0x14D80  }
0xadf: {  	[tilespmem:s23], [sflag:$0x2] =	stream.indirect_vreg.gather [hbm4b:s5+s2], $0x80, v19, vm0, $0xb8;
	[tilespmem:$0x1BF80] =	vst v63  }
0xae0: {  	v18 =	vadd.s32 v4, v18;
	s23 =	simm.s32 $0x14E00  }
0xae1: {  	[tilespmem:s23], [sflag:$0x2] =	stream.indirect_vreg.gather [hbm4b:s5+s2], $0x80, v33, vm0, $0xb8;
	[tilespmem:$0x1BF80] =	vst v63  }
0xae2: {  	s23 =	simm.s32 $0x14E80  }
0xae3: {  	[tilespmem:s23], [sflag:$0x2] =	stream.indirect_vreg.gather [hbm4b:s5+s2], $0x80, v35, vm0, $0xb8;
	[tilespmem:$0x1BF80] =	vst v63  }
0xae4: {  	s23 =	simm.s32 $0x14F00  }
0xae5: {  	[tilespmem:s23], [sflag:$0x2] =	stream.indirect_vreg.gather [hbm4b:s5+s2], $0x80, v18, vm0, $0xb8;
	[tilespmem:$0x1BF80] =	vst v63  }
0xae6: {  	v18 =	vld [tilespmem:s20+$0x420];
	_ =	sdelay $0x4  }
0xae7: {  	v19 =	vshll.u32 v18, $0x3  }
0xae8: {  	v18 =	vand.u32 $0x7, v18;
	v19 =	vand.u32 $0xFFFFFFC0, v19  }
0xae9: {  	v18 =	vor.u32 v18, v19  }
0xaea: {  	v19 =	vperm.xlane v18, v2;
	_ =	sdelay $0x1  }
0xaeb: {  	v36 =	vperm.xlane v18, v5;
	v19 =	vadd.s32 v4, v19;
	_ =	sdelay $0x1  }
0xaec: {  	v37 =	vperm.xlane v18, v6;
	v20 =	vadd.s32 v4, v36;
	_ =	sdelay $0x1  }
0xaed: {  	s23 =	simm.s32 $0x14F80;
	v38 =	vperm.xlane v18, v1;
	v21 =	vadd.s32 v4, v37  }
0xaee: {  	[tilespmem:s23], [sflag:$0x2] =	stream.indirect_vreg.gather [hbm4b:s5+s2], $0x80, v19, vm0, $0xb8;
	[tilespmem:$0x1BF80] =	vst v63  }
0xaef: {  	v39 =	vperm.xlane v18, v7;
	v19 =	vadd.s32 v4, v38;
	s23 =	simm.s32 $0x15000  }
0xaf0: {  	[tilespmem:s23], [sflag:$0x2] =	stream.indirect_vreg.gather [hbm4b:s5+s2], $0x80, v20, vm0, $0xb8;
	[tilespmem:$0x1BF80] =	vst v63  }
0xaf1: {  	v41 =	vperm.xlane v18, v8;
	v40 =	vadd.s32 v4, v39;
	s23 =	simm.s32 $0x15080  }
0xaf2: {  	[tilespmem:s23], [sflag:$0x2] =	stream.indirect_vreg.gather [hbm4b:s5+s2], $0x80, v21, vm0, $0xb8;
	[tilespmem:$0x1BF80] =	vst v63  }
0xaf3: {  	v43 =	vperm.xlane v18, v9;
	v42 =	vadd.s32 v4, v41;
	s23 =	simm.s32 $0x15100  }
0xaf4: {  	[tilespmem:s23], [sflag:$0x2] =	stream.indirect_vreg.gather [hbm4b:s5+s2], $0x80, v19, vm0, $0xb8;
	[tilespmem:$0x1BF80] =	vst v63  }
0xaf5: {  	v44 =	vperm.xlane v18, v0;
	v19 =	vadd.s32 v4, v43;
	s23 =	simm.s32 $0x15180  }
0xaf6: {  	[tilespmem:s23], [sflag:$0x2] =	stream.indirect_vreg.gather [hbm4b:s5+s2], $0x80, v40, vm0, $0xb8;
	[tilespmem:$0x1BF80] =	vst v63  }
0xaf7: {  	v46 =	vperm.xlane v18, v10;
	v45 =	vadd.s32 v4, v44;
	s23 =	simm.s32 $0x15200  }
0xaf8: {  	[tilespmem:s23], [sflag:$0x2] =	stream.indirect_vreg.gather [hbm4b:s5+s2], $0x80, v42, vm0, $0xb8;
	[tilespmem:$0x1BF80] =	vst v63  }
0xaf9: {  	v48 =	vperm.xlane v18, v11;
	v47 =	vadd.s32 v4, v46;
	s23 =	simm.s32 $0x15280  }
0xafa: {  	[tilespmem:s23], [sflag:$0x2] =	stream.indirect_vreg.gather [hbm4b:s5+s2], $0x80, v19, vm0, $0xb8;
	[tilespmem:$0x1BF80] =	vst v63  }
0xafb: {  	v49 =	vperm.xlane v18, v12;
	v19 =	vadd.s32 v4, v48;
	s23 =	simm.s32 $0x15300  }
0xafc: {  	[tilespmem:s23], [sflag:$0x2] =	stream.indirect_vreg.gather [hbm4b:s5+s2], $0x80, v45, vm0, $0xb8;
	[tilespmem:$0x1BF80] =	vst v63  }
0xafd: {  	v51 =	vperm.xlane v18, v13;
	v50 =	vadd.s32 v4, v49;
	s23 =	simm.s32 $0x15380  }
0xafe: {  	[tilespmem:s23], [sflag:$0x2] =	stream.indirect_vreg.gather [hbm4b:s5+s2], $0x80, v47, vm0, $0xb8;
	[tilespmem:$0x1BF80] =	vst v63  }
0xaff: {  	v53 =	vperm.xlane v18, v14;
	v52 =	vadd.s32 v4, v51;
	s23 =	simm.s32 $0x15400  }
0xb00: {  	[tilespmem:s23], [sflag:$0x2] =	stream.indirect_vreg.gather [hbm4b:s5+s2], $0x80, v19, vm0, $0xb8;
	[tilespmem:$0x1BF80] =	vst v63  }
0xb01: {  	v54 =	vperm.xlane v18, v15;
	v19 =	vadd.s32 v4, v53;
	s23 =	simm.s32 $0x15480  }
0xb02: {  	[tilespmem:s23], [sflag:$0x2] =	stream.indirect_vreg.gather [hbm4b:s5+s2], $0x80, v50, vm0, $0xb8;
	[tilespmem:$0x1BF80] =	vst v63  }
0xb03: {  	v56 =	vperm.xlane v18, v16;
	v55 =	vadd.s32 v4, v54;
	s23 =	simm.s32 $0x15500  }
0xb04: {  	[tilespmem:s23], [sflag:$0x2] =	stream.indirect_vreg.gather [hbm4b:s5+s2], $0x80, v52, vm0, $0xb8;
	[tilespmem:$0x1BF80] =	vst v63  }
0xb05: {  	v18 =	vperm.xlane v18, v17;
	v57 =	vadd.s32 v4, v56;
	s23 =	simm.s32 $0x15580  }
0xb06: {  	[tilespmem:s23], [sflag:$0x2] =	stream.indirect_vreg.gather [hbm4b:s5+s2], $0x80, v19, vm0, $0xb8;
	[tilespmem:$0x1BF80] =	vst v63  }
0xb07: {  	v18 =	vadd.s32 v4, v18;
	s23 =	simm.s32 $0x15600  }
0xb08: {  	[tilespmem:s23], [sflag:$0x2] =	stream.indirect_vreg.gather [hbm4b:s5+s2], $0x80, v55, vm0, $0xb8;
	[tilespmem:$0x1BF80] =	vst v63  }
0xb09: {  	s23 =	simm.s32 $0x15680  }
0xb0a: {  	[tilespmem:s23], [sflag:$0x2] =	stream.indirect_vreg.gather [hbm4b:s5+s2], $0x80, v57, vm0, $0xb8;
	[tilespmem:$0x1BF80] =	vst v63  }
0xb0b: {  	s23 =	simm.s32 $0x15700  }
0xb0c: {  	[tilespmem:s23], [sflag:$0x2] =	stream.indirect_vreg.gather [hbm4b:s5+s2], $0x80, v18, vm0, $0xb8;
	[tilespmem:$0x1BF80] =	vst v63  }
0xb0d: {  	v18 =	vld [tilespmem:s20+$0x430];
	_ =	sdelay $0x4  }
0xb0e: {  	v19 =	vshll.u32 v18, $0x3  }
0xb0f: {  	v18 =	vand.u32 $0x7, v18;
	v19 =	vand.u32 $0xFFFFFFC0, v19  }
0xb10: {  	v18 =	vor.u32 v18, v19  }
0xb11: {  	v19 =	vperm.xlane v18, v2;
	_ =	sdelay $0x1  }
0xb12: {  	v58 =	vperm.xlane v18, v5;
	v19 =	vadd.s32 v4, v19;
	_ =	sdelay $0x1  }
0xb13: {  	v59 =	vperm.xlane v18, v6;
	v20 =	vadd.s32 v4, v58;
	_ =	sdelay $0x1  }
0xb14: {  	s23 =	simm.s32 $0x15780;
	v60 =	vperm.xlane v18, v1;
	v21 =	vadd.s32 v4, v59  }
0xb15: {  	[tilespmem:s23], [sflag:$0x2] =	stream.indirect_vreg.gather [hbm4b:s5+s2], $0x80, v19, vm0, $0xb8;
	[tilespmem:$0x1BF80] =	vst v63  }
0xb16: {  	v61 =	vperm.xlane v18, v7;
	v19 =	vadd.s32 v4, v60;
	s23 =	simm.s32 $0x15800  }
0xb17: {  	[tilespmem:s23], [sflag:$0x2] =	stream.indirect_vreg.gather [hbm4b:s5+s2], $0x80, v20, vm0, $0xb8;
	[tilespmem:$0x1BF80] =	vst v63  }
0xb18: {  	v63 =	vperm.xlane v18, v8;
	v62 =	vadd.s32 v4, v61;
	s23 =	simm.s32 $0x15880  }
0xb19: {  	[tilespmem:s23], [sflag:$0x2] =	stream.indirect_vreg.gather [hbm4b:s5+s2], $0x80, v21, vm0, $0xb8;
	[tilespmem:$0x1BF80] =	vst v63  }
0xb1a: {  	v25 =	vperm.xlane v18, v9;
	v24 =	vadd.s32 v4, v63;
	s23 =	simm.s32 $0x15900  }
0xb1b: {  	[tilespmem:s23], [sflag:$0x2] =	stream.indirect_vreg.gather [hbm4b:s5+s2], $0x80, v19, vm0, $0xb8;
	[tilespmem:$0x1BF80] =	vst v63  }
0xb1c: {  	v26 =	vperm.xlane v18, v0;
	v19 =	vadd.s32 v4, v25;
	s23 =	simm.s32 $0x15980  }
0xb1d: {  	[tilespmem:s23], [sflag:$0x2] =	stream.indirect_vreg.gather [hbm4b:s5+s2], $0x80, v62, vm0, $0xb8;
	[tilespmem:$0x1BF80] =	vst v63  }
0xb1e: {  	v28 =	vperm.xlane v18, v10;
	v27 =	vadd.s32 v4, v26;
	s23 =	simm.s32 $0x15A00  }
0xb1f: {  	[tilespmem:s23], [sflag:$0x2] =	stream.indirect_vreg.gather [hbm4b:s5+s2], $0x80, v24, vm0, $0xb8;
	[tilespmem:$0x1BF80] =	vst v63  }
0xb20: {  	v30 =	vperm.xlane v18, v11;
	v29 =	vadd.s32 v4, v28;
	s23 =	simm.s32 $0x15A80  }
0xb21: {  	[tilespmem:s23], [sflag:$0x2] =	stream.indirect_vreg.gather [hbm4b:s5+s2], $0x80, v19, vm0, $0xb8;
	[tilespmem:$0x1BF80] =	vst v63  }
0xb22: {  	v31 =	vperm.xlane v18, v12;
	v19 =	vadd.s32 v4, v30;
	s23 =	simm.s32 $0x15B00  }
0xb23: {  	[tilespmem:s23], [sflag:$0x2] =	stream.indirect_vreg.gather [hbm4b:s5+s2], $0x80, v27, vm0, $0xb8;
	[tilespmem:$0x1BF80] =	vst v63  }
0xb24: {  	v33 =	vperm.xlane v18, v13;
	v32 =	vadd.s32 v4, v31;
	s23 =	simm.s32 $0x15B80  }
0xb25: {  	[tilespmem:s23], [sflag:$0x2] =	stream.indirect_vreg.gather [hbm4b:s5+s2], $0x80, v29, vm0, $0xb8;
	[tilespmem:$0x1BF80] =	vst v63  }
0xb26: {  	v35 =	vperm.xlane v18, v14;
	v34 =	vadd.s32 v4, v33;
	s23 =	simm.s32 $0x15C00  }
0xb27: {  	[tilespmem:s23], [sflag:$0x2] =	stream.indirect_vreg.gather [hbm4b:s5+s2], $0x80, v19, vm0, $0xb8;
	[tilespmem:$0x1BF80] =	vst v63  }
0xb28: {  	v36 =	vperm.xlane v18, v15;
	v19 =	vadd.s32 v4, v35;
	s23 =	simm.s32 $0x15C80  }
0xb29: {  	[tilespmem:s23], [sflag:$0x2] =	stream.indirect_vreg.gather [hbm4b:s5+s2], $0x80, v32, vm0, $0xb8;
	[tilespmem:$0x1BF80] =	vst v63  }
0xb2a: {  	v38 =	vperm.xlane v18, v16;
	v37 =	vadd.s32 v4, v36;
	s23 =	simm.s32 $0x15D00  }
0xb2b: {  	[tilespmem:s23], [sflag:$0x2] =	stream.indirect_vreg.gather [hbm4b:s5+s2], $0x80, v34, vm0, $0xb8;
	[tilespmem:$0x1BF80] =	vst v63  }
0xb2c: {  	v18 =	vperm.xlane v18, v17;
	v39 =	vadd.s32 v4, v38;
	s23 =	simm.s32 $0x15D80  }
0xb2d: {  	[tilespmem:s23], [sflag:$0x2] =	stream.indirect_vreg.gather [hbm4b:s5+s2], $0x80, v19, vm0, $0xb8;
	[tilespmem:$0x1BF80] =	vst v63  }
0xb2e: {  	v18 =	vadd.s32 v4, v18;
	s23 =	simm.s32 $0x15E00  }
0xb2f: {  	[tilespmem:s23], [sflag:$0x2] =	stream.indirect_vreg.gather [hbm4b:s5+s2], $0x80, v37, vm0, $0xb8;
	[tilespmem:$0x1BF80] =	vst v63  }
0xb30: {  	s23 =	simm.s32 $0x15E80  }
0xb31: {  	[tilespmem:s23], [sflag:$0x2] =	stream.indirect_vreg.gather [hbm4b:s5+s2], $0x80, v39, vm0, $0xb8;
	[tilespmem:$0x1BF80] =	vst v63  }
0xb32: {  	s23 =	simm.s32 $0x15F00  }
0xb33: {  	[tilespmem:s23], [sflag:$0x2] =	stream.indirect_vreg.gather [hbm4b:s5+s2], $0x80, v18, vm0, $0xb8;
	[tilespmem:$0x1BF80] =	vst v63  }
0xb34: {  	v18 =	vld [tilespmem:s20+$0x440];
	_ =	sdelay $0x4  }
0xb35: {  	v19 =	vshll.u32 v18, $0x3  }
0xb36: {  	v18 =	vand.u32 $0x7, v18;
	v19 =	vand.u32 $0xFFFFFFC0, v19  }
0xb37: {  	v18 =	vor.u32 v18, v19  }
0xb38: {  	v19 =	vperm.xlane v18, v2;
	_ =	sdelay $0x1  }
0xb39: {  	v40 =	vperm.xlane v18, v5;
	v19 =	vadd.s32 v4, v19;
	_ =	sdelay $0x1  }
0xb3a: {  	v41 =	vperm.xlane v18, v6;
	v20 =	vadd.s32 v4, v40;
	_ =	sdelay $0x1  }
0xb3b: {  	s23 =	simm.s32 $0x15F80;
	v42 =	vperm.xlane v18, v1;
	v21 =	vadd.s32 v4, v41  }
0xb3c: {  	[tilespmem:s23], [sflag:$0x2] =	stream.indirect_vreg.gather [hbm4b:s5+s2], $0x80, v19, vm0, $0xb8;
	[tilespmem:$0x1BF80] =	vst v63  }
0xb3d: {  	v43 =	vperm.xlane v18, v7;
	v19 =	vadd.s32 v4, v42;
	s23 =	simm.s32 $0x16000  }
0xb3e: {  	[tilespmem:s23], [sflag:$0x2] =	stream.indirect_vreg.gather [hbm4b:s5+s2], $0x80, v20, vm0, $0xb8;
	[tilespmem:$0x1BF80] =	vst v63  }
0xb3f: {  	v45 =	vperm.xlane v18, v8;
	v44 =	vadd.s32 v4, v43;
	s23 =	simm.s32 $0x16080  }
0xb40: {  	[tilespmem:s23], [sflag:$0x2] =	stream.indirect_vreg.gather [hbm4b:s5+s2], $0x80, v21, vm0, $0xb8;
	[tilespmem:$0x1BF80] =	vst v63  }
0xb41: {  	v47 =	vperm.xlane v18, v9;
	v46 =	vadd.s32 v4, v45;
	s23 =	simm.s32 $0x16100  }
0xb42: {  	[tilespmem:s23], [sflag:$0x2] =	stream.indirect_vreg.gather [hbm4b:s5+s2], $0x80, v19, vm0, $0xb8;
	[tilespmem:$0x1BF80] =	vst v63  }
0xb43: {  	v48 =	vperm.xlane v18, v0;
	v19 =	vadd.s32 v4, v47;
	s23 =	simm.s32 $0x16180  }
0xb44: {  	[tilespmem:s23], [sflag:$0x2] =	stream.indirect_vreg.gather [hbm4b:s5+s2], $0x80, v44, vm0, $0xb8;
	[tilespmem:$0x1BF80] =	vst v63  }
0xb45: {  	v50 =	vperm.xlane v18, v10;
	v49 =	vadd.s32 v4, v48;
	s23 =	simm.s32 $0x16200  }
0xb46: {  	[tilespmem:s23], [sflag:$0x2] =	stream.indirect_vreg.gather [hbm4b:s5+s2], $0x80, v46, vm0, $0xb8;
	[tilespmem:$0x1BF80] =	vst v63  }
0xb47: {  	v52 =	vperm.xlane v18, v11;
	v51 =	vadd.s32 v4, v50;
	s23 =	simm.s32 $0x16280  }
0xb48: {  	[tilespmem:s23], [sflag:$0x2] =	stream.indirect_vreg.gather [hbm4b:s5+s2], $0x80, v19, vm0, $0xb8;
	[tilespmem:$0x1BF80] =	vst v63  }
0xb49: {  	v53 =	vperm.xlane v18, v12;
	v19 =	vadd.s32 v4, v52;
	s23 =	simm.s32 $0x16300  }
0xb4a: {  	[tilespmem:s23], [sflag:$0x2] =	stream.indirect_vreg.gather [hbm4b:s5+s2], $0x80, v49, vm0, $0xb8;
	[tilespmem:$0x1BF80] =	vst v63  }
0xb4b: {  	v55 =	vperm.xlane v18, v13;
	v54 =	vadd.s32 v4, v53;
	s23 =	simm.s32 $0x16380  }
0xb4c: {  	[tilespmem:s23], [sflag:$0x2] =	stream.indirect_vreg.gather [hbm4b:s5+s2], $0x80, v51, vm0, $0xb8;
	[tilespmem:$0x1BF80] =	vst v63  }
0xb4d: {  	v57 =	vperm.xlane v18, v14;
	v56 =	vadd.s32 v4, v55;
	s23 =	simm.s32 $0x16400  }
0xb4e: {  	[tilespmem:s23], [sflag:$0x2] =	stream.indirect_vreg.gather [hbm4b:s5+s2], $0x80, v19, vm0, $0xb8;
	[tilespmem:$0x1BF80] =	vst v63  }
0xb4f: {  	v58 =	vperm.xlane v18, v15;
	v19 =	vadd.s32 v4, v57;
	s23 =	simm.s32 $0x16480  }
0xb50: {  	[tilespmem:s23], [sflag:$0x2] =	stream.indirect_vreg.gather [hbm4b:s5+s2], $0x80, v54, vm0, $0xb8;
	[tilespmem:$0x1BF80] =	vst v63  }
0xb51: {  	v60 =	vperm.xlane v18, v16;
	v59 =	vadd.s32 v4, v58;
	s23 =	simm.s32 $0x16500  }
0xb52: {  	[tilespmem:s23], [sflag:$0x2] =	stream.indirect_vreg.gather [hbm4b:s5+s2], $0x80, v56, vm0, $0xb8;
	[tilespmem:$0x1BF80] =	vst v63  }
0xb53: {  	v18 =	vperm.xlane v18, v17;
	v61 =	vadd.s32 v4, v60;
	s23 =	simm.s32 $0x16580  }
0xb54: {  	[tilespmem:s23], [sflag:$0x2] =	stream.indirect_vreg.gather [hbm4b:s5+s2], $0x80, v19, vm0, $0xb8;
	[tilespmem:$0x1BF80] =	vst v63  }
0xb55: {  	v18 =	vadd.s32 v4, v18;
	s23 =	simm.s32 $0x16600  }
0xb56: {  	[tilespmem:s23], [sflag:$0x2] =	stream.indirect_vreg.gather [hbm4b:s5+s2], $0x80, v59, vm0, $0xb8;
	[tilespmem:$0x1BF80] =	vst v63  }
0xb57: {  	s23 =	simm.s32 $0x16680  }
0xb58: {  	[tilespmem:s23], [sflag:$0x2] =	stream.indirect_vreg.gather [hbm4b:s5+s2], $0x80, v61, vm0, $0xb8;
	[tilespmem:$0x1BF80] =	vst v63  }
0xb59: {  	s23 =	simm.s32 $0x16700  }
0xb5a: {  	[tilespmem:s23], [sflag:$0x2] =	stream.indirect_vreg.gather [hbm4b:s5+s2], $0x80, v18, vm0, $0xb8;
	[tilespmem:$0x1BF80] =	vst v63  }
0xb5b: {  	v18 =	vld [tilespmem:s20+$0x450];
	_ =	sdelay $0x4  }
0xb5c: {  	v19 =	vshll.u32 v18, $0x3  }
0xb5d: {  	v18 =	vand.u32 $0x7, v18;
	v19 =	vand.u32 $0xFFFFFFC0, v19  }
0xb5e: {  	v18 =	vor.u32 v18, v19  }
0xb5f: {  	v19 =	vperm.xlane v18, v2;
	_ =	sdelay $0x1  }
0xb60: {  	v62 =	vperm.xlane v18, v5;
	v19 =	vadd.s32 v4, v19;
	_ =	sdelay $0x1  }
0xb61: {  	v63 =	vperm.xlane v18, v6;
	v20 =	vadd.s32 v4, v62;
	_ =	sdelay $0x1  }
0xb62: {  	s23 =	simm.s32 $0x16780;
	v24 =	vperm.xlane v18, v1;
	v21 =	vadd.s32 v4, v63  }
0xb63: {  	[tilespmem:s23], [sflag:$0x2] =	stream.indirect_vreg.gather [hbm4b:s5+s2], $0x80, v19, vm0, $0xb8;
	[tilespmem:$0x1BF80] =	vst v63  }
0xb64: {  	v25 =	vperm.xlane v18, v7;
	v19 =	vadd.s32 v4, v24;
	s23 =	simm.s32 $0x16800  }
0xb65: {  	[tilespmem:s23], [sflag:$0x2] =	stream.indirect_vreg.gather [hbm4b:s5+s2], $0x80, v20, vm0, $0xb8;
	[tilespmem:$0x1BF80] =	vst v63  }
0xb66: {  	v27 =	vperm.xlane v18, v8;
	v26 =	vadd.s32 v4, v25;
	s23 =	simm.s32 $0x16880  }
0xb67: {  	[tilespmem:s23], [sflag:$0x2] =	stream.indirect_vreg.gather [hbm4b:s5+s2], $0x80, v21, vm0, $0xb8;
	[tilespmem:$0x1BF80] =	vst v63  }
0xb68: {  	v29 =	vperm.xlane v18, v9;
	v28 =	vadd.s32 v4, v27;
	s23 =	simm.s32 $0x16900  }
0xb69: {  	[tilespmem:s23], [sflag:$0x2] =	stream.indirect_vreg.gather [hbm4b:s5+s2], $0x80, v19, vm0, $0xb8;
	[tilespmem:$0x1BF80] =	vst v63  }
0xb6a: {  	v30 =	vperm.xlane v18, v0;
	v19 =	vadd.s32 v4, v29;
	s23 =	simm.s32 $0x16980  }
0xb6b: {  	[tilespmem:s23], [sflag:$0x2] =	stream.indirect_vreg.gather [hbm4b:s5+s2], $0x80, v26, vm0, $0xb8;
	[tilespmem:$0x1BF80] =	vst v63  }
0xb6c: {  	v32 =	vperm.xlane v18, v10;
	v31 =	vadd.s32 v4, v30;
	s23 =	simm.s32 $0x16A00  }
0xb6d: {  	[tilespmem:s23], [sflag:$0x2] =	stream.indirect_vreg.gather [hbm4b:s5+s2], $0x80, v28, vm0, $0xb8;
	[tilespmem:$0x1BF80] =	vst v63  }
0xb6e: {  	v34 =	vperm.xlane v18, v11;
	v33 =	vadd.s32 v4, v32;
	s23 =	simm.s32 $0x16A80  }
0xb6f: {  	[tilespmem:s23], [sflag:$0x2] =	stream.indirect_vreg.gather [hbm4b:s5+s2], $0x80, v19, vm0, $0xb8;
	[tilespmem:$0x1BF80] =	vst v63  }
0xb70: {  	v35 =	vperm.xlane v18, v12;
	v19 =	vadd.s32 v4, v34;
	s23 =	simm.s32 $0x16B00  }
0xb71: {  	[tilespmem:s23], [sflag:$0x2] =	stream.indirect_vreg.gather [hbm4b:s5+s2], $0x80, v31, vm0, $0xb8;
	[tilespmem:$0x1BF80] =	vst v63  }
0xb72: {  	v37 =	vperm.xlane v18, v13;
	v36 =	vadd.s32 v4, v35;
	s23 =	simm.s32 $0x16B80  }
0xb73: {  	[tilespmem:s23], [sflag:$0x2] =	stream.indirect_vreg.gather [hbm4b:s5+s2], $0x80, v33, vm0, $0xb8;
	[tilespmem:$0x1BF80] =	vst v63  }
0xb74: {  	v39 =	vperm.xlane v18, v14;
	v38 =	vadd.s32 v4, v37;
	s23 =	simm.s32 $0x16C00  }
0xb75: {  	[tilespmem:s23], [sflag:$0x2] =	stream.indirect_vreg.gather [hbm4b:s5+s2], $0x80, v19, vm0, $0xb8;
	[tilespmem:$0x1BF80] =	vst v63  }
0xb76: {  	v40 =	vperm.xlane v18, v15;
	v19 =	vadd.s32 v4, v39;
	s23 =	simm.s32 $0x16C80  }
0xb77: {  	[tilespmem:s23], [sflag:$0x2] =	stream.indirect_vreg.gather [hbm4b:s5+s2], $0x80, v36, vm0, $0xb8;
	[tilespmem:$0x1BF80] =	vst v63  }
0xb78: {  	v42 =	vperm.xlane v18, v16;
	v41 =	vadd.s32 v4, v40;
	s23 =	simm.s32 $0x16D00  }
0xb79: {  	[tilespmem:s23], [sflag:$0x2] =	stream.indirect_vreg.gather [hbm4b:s5+s2], $0x80, v38, vm0, $0xb8;
	[tilespmem:$0x1BF80] =	vst v63  }
0xb7a: {  	v18 =	vperm.xlane v18, v17;
	v43 =	vadd.s32 v4, v42;
	s23 =	simm.s32 $0x16D80  }
0xb7b: {  	[tilespmem:s23], [sflag:$0x2] =	stream.indirect_vreg.gather [hbm4b:s5+s2], $0x80, v19, vm0, $0xb8;
	[tilespmem:$0x1BF80] =	vst v63  }
0xb7c: {  	v18 =	vadd.s32 v4, v18;
	s23 =	simm.s32 $0x16E00  }
0xb7d: {  	[tilespmem:s23], [sflag:$0x2] =	stream.indirect_vreg.gather [hbm4b:s5+s2], $0x80, v41, vm0, $0xb8;
	[tilespmem:$0x1BF80] =	vst v63  }
0xb7e: {  	s23 =	simm.s32 $0x16E80  }
0xb7f: {  	[tilespmem:s23], [sflag:$0x2] =	stream.indirect_vreg.gather [hbm4b:s5+s2], $0x80, v43, vm0, $0xb8;
	[tilespmem:$0x1BF80] =	vst v63  }
0xb80: {  	s23 =	simm.s32 $0x16F00  }
0xb81: {  	[tilespmem:s23], [sflag:$0x2] =	stream.indirect_vreg.gather [hbm4b:s5+s2], $0x80, v18, vm0, $0xb8;
	[tilespmem:$0x1BF80] =	vst v63  }
0xb82: {  	v18 =	vld [tilespmem:s20+$0x460];
	_ =	sdelay $0x4  }
0xb83: {  	v19 =	vshll.u32 v18, $0x3  }
0xb84: {  	v18 =	vand.u32 $0x7, v18;
	v19 =	vand.u32 $0xFFFFFFC0, v19  }
0xb85: {  	v18 =	vor.u32 v18, v19  }
0xb86: {  	v19 =	vperm.xlane v18, v2;
	_ =	sdelay $0x1  }
0xb87: {  	v44 =	vperm.xlane v18, v5;
	v19 =	vadd.s32 v4, v19;
	_ =	sdelay $0x1  }
0xb88: {  	v45 =	vperm.xlane v18, v6;
	v20 =	vadd.s32 v4, v44;
	_ =	sdelay $0x1  }
0xb89: {  	s23 =	simm.s32 $0x16F80;
	v46 =	vperm.xlane v18, v1;
	v21 =	vadd.s32 v4, v45  }
0xb8a: {  	[tilespmem:s23], [sflag:$0x2] =	stream.indirect_vreg.gather [hbm4b:s5+s2], $0x80, v19, vm0, $0xb8;
	[tilespmem:$0x1BF80] =	vst v63  }
0xb8b: {  	v47 =	vperm.xlane v18, v7;
	v19 =	vadd.s32 v4, v46;
	s23 =	simm.s32 $0x17000  }
0xb8c: {  	[tilespmem:s23], [sflag:$0x2] =	stream.indirect_vreg.gather [hbm4b:s5+s2], $0x80, v20, vm0, $0xb8;
	[tilespmem:$0x1BF80] =	vst v63  }
0xb8d: {  	v49 =	vperm.xlane v18, v8;
	v48 =	vadd.s32 v4, v47;
	s23 =	simm.s32 $0x17080  }
0xb8e: {  	[tilespmem:s23], [sflag:$0x2] =	stream.indirect_vreg.gather [hbm4b:s5+s2], $0x80, v21, vm0, $0xb8;
	[tilespmem:$0x1BF80] =	vst v63  }
0xb8f: {  	v51 =	vperm.xlane v18, v9;
	v50 =	vadd.s32 v4, v49;
	s23 =	simm.s32 $0x17100  }
0xb90: {  	[tilespmem:s23], [sflag:$0x2] =	stream.indirect_vreg.gather [hbm4b:s5+s2], $0x80, v19, vm0, $0xb8;
	[tilespmem:$0x1BF80] =	vst v63  }
0xb91: {  	v52 =	vperm.xlane v18, v0;
	v19 =	vadd.s32 v4, v51;
	s23 =	simm.s32 $0x17180  }
0xb92: {  	[tilespmem:s23], [sflag:$0x2] =	stream.indirect_vreg.gather [hbm4b:s5+s2], $0x80, v48, vm0, $0xb8;
	[tilespmem:$0x1BF80] =	vst v63  }
0xb93: {  	v54 =	vperm.xlane v18, v10;
	v53 =	vadd.s32 v4, v52;
	s23 =	simm.s32 $0x17200  }
0xb94: {  	[tilespmem:s23], [sflag:$0x2] =	stream.indirect_vreg.gather [hbm4b:s5+s2], $0x80, v50, vm0, $0xb8;
	[tilespmem:$0x1BF80] =	vst v63  }
0xb95: {  	v56 =	vperm.xlane v18, v11;
	v55 =	vadd.s32 v4, v54;
	s23 =	simm.s32 $0x17280  }
0xb96: {  	[tilespmem:s23], [sflag:$0x2] =	stream.indirect_vreg.gather [hbm4b:s5+s2], $0x80, v19, vm0, $0xb8;
	[tilespmem:$0x1BF80] =	vst v63  }
0xb97: {  	v57 =	vperm.xlane v18, v12;
	v19 =	vadd.s32 v4, v56;
	s23 =	simm.s32 $0x17300  }
0xb98: {  	[tilespmem:s23], [sflag:$0x2] =	stream.indirect_vreg.gather [hbm4b:s5+s2], $0x80, v53, vm0, $0xb8;
	[tilespmem:$0x1BF80] =	vst v63  }
0xb99: {  	v59 =	vperm.xlane v18, v13;
	v58 =	vadd.s32 v4, v57;
	s23 =	simm.s32 $0x17380  }
0xb9a: {  	[tilespmem:s23], [sflag:$0x2] =	stream.indirect_vreg.gather [hbm4b:s5+s2], $0x80, v55, vm0, $0xb8;
	[tilespmem:$0x1BF80] =	vst v63  }
0xb9b: {  	v61 =	vperm.xlane v18, v14;
	v60 =	vadd.s32 v4, v59;
	s23 =	simm.s32 $0x17400  }
0xb9c: {  	[tilespmem:s23], [sflag:$0x2] =	stream.indirect_vreg.gather [hbm4b:s5+s2], $0x80, v19, vm0, $0xb8;
	[tilespmem:$0x1BF80] =	vst v63  }
0xb9d: {  	v62 =	vperm.xlane v18, v15;
	v19 =	vadd.s32 v4, v61;
	s23 =	simm.s32 $0x17480  }
0xb9e: {  	[tilespmem:s23], [sflag:$0x2] =	stream.indirect_vreg.gather [hbm4b:s5+s2], $0x80, v58, vm0, $0xb8;
	[tilespmem:$0x1BF80] =	vst v63  }
0xb9f: {  	v24 =	vperm.xlane v18, v16;
	v63 =	vadd.s32 v4, v62;
	s23 =	simm.s32 $0x17500  }
0xba0: {  	[tilespmem:s23], [sflag:$0x2] =	stream.indirect_vreg.gather [hbm4b:s5+s2], $0x80, v60, vm0, $0xb8;
	[tilespmem:$0x1BF80] =	vst v63  }
0xba1: {  	v18 =	vperm.xlane v18, v17;
	v25 =	vadd.s32 v4, v24;
	s23 =	simm.s32 $0x17580  }
0xba2: {  	[tilespmem:s23], [sflag:$0x2] =	stream.indirect_vreg.gather [hbm4b:s5+s2], $0x80, v19, vm0, $0xb8;
	[tilespmem:$0x1BF80] =	vst v63  }
0xba3: {  	v18 =	vadd.s32 v4, v18;
	s23 =	simm.s32 $0x17600  }
0xba4: {  	[tilespmem:s23], [sflag:$0x2] =	stream.indirect_vreg.gather [hbm4b:s5+s2], $0x80, v63, vm0, $0xb8;
	[tilespmem:$0x1BF80] =	vst v63  }
0xba5: {  	s23 =	simm.s32 $0x17680  }
0xba6: {  	[tilespmem:s23], [sflag:$0x2] =	stream.indirect_vreg.gather [hbm4b:s5+s2], $0x80, v25, vm0, $0xb8;
	[tilespmem:$0x1BF80] =	vst v63  }
0xba7: {  	s23 =	simm.s32 $0x17700  }
0xba8: {  	[tilespmem:s23], [sflag:$0x2] =	stream.indirect_vreg.gather [hbm4b:s5+s2], $0x80, v18, vm0, $0xb8;
	[tilespmem:$0x1BF80] =	vst v63  }
0xba9: {  	v18 =	vld [tilespmem:s20+$0x470];
	_ =	sdelay $0x4  }
0xbaa: {  	v19 =	vshll.u32 v18, $0x3  }
0xbab: {  	v18 =	vand.u32 $0x7, v18;
	v19 =	vand.u32 $0xFFFFFFC0, v19  }
0xbac: {  	v18 =	vor.u32 v18, v19  }
0xbad: {  	v19 =	vperm.xlane v18, v2;
	_ =	sdelay $0x1  }
0xbae: {  	v26 =	vperm.xlane v18, v5;
	v19 =	vadd.s32 v4, v19;
	_ =	sdelay $0x1  }
0xbaf: {  	v27 =	vperm.xlane v18, v6;
	v20 =	vadd.s32 v4, v26;
	_ =	sdelay $0x1  }
0xbb0: {  	s23 =	simm.s32 $0x17780;
	v28 =	vperm.xlane v18, v1;
	v21 =	vadd.s32 v4, v27  }
0xbb1: {  	[tilespmem:s23], [sflag:$0x2] =	stream.indirect_vreg.gather [hbm4b:s5+s2], $0x80, v19, vm0, $0xb8;
	[tilespmem:$0x1BF80] =	vst v63  }
0xbb2: {  	v29 =	vperm.xlane v18, v7;
	v19 =	vadd.s32 v4, v28;
	s23 =	simm.s32 $0x17800  }
0xbb3: {  	[tilespmem:s23], [sflag:$0x2] =	stream.indirect_vreg.gather [hbm4b:s5+s2], $0x80, v20, vm0, $0xb8;
	[tilespmem:$0x1BF80] =	vst v63  }
0xbb4: {  	v31 =	vperm.xlane v18, v8;
	v30 =	vadd.s32 v4, v29;
	s23 =	simm.s32 $0x17880  }
0xbb5: {  	[tilespmem:s23], [sflag:$0x2] =	stream.indirect_vreg.gather [hbm4b:s5+s2], $0x80, v21, vm0, $0xb8;
	[tilespmem:$0x1BF80] =	vst v63  }
0xbb6: {  	v33 =	vperm.xlane v18, v9;
	v32 =	vadd.s32 v4, v31;
	s23 =	simm.s32 $0x17900  }
0xbb7: {  	[tilespmem:s23], [sflag:$0x2] =	stream.indirect_vreg.gather [hbm4b:s5+s2], $0x80, v19, vm0, $0xb8;
	[tilespmem:$0x1BF80] =	vst v63  }
0xbb8: {  	v34 =	vperm.xlane v18, v0;
	v19 =	vadd.s32 v4, v33;
	s23 =	simm.s32 $0x17980  }
0xbb9: {  	[tilespmem:s23], [sflag:$0x2] =	stream.indirect_vreg.gather [hbm4b:s5+s2], $0x80, v30, vm0, $0xb8;
	[tilespmem:$0x1BF80] =	vst v63  }
0xbba: {  	v36 =	vperm.xlane v18, v10;
	v35 =	vadd.s32 v4, v34;
	s23 =	simm.s32 $0x17A00  }
0xbbb: {  	[tilespmem:s23], [sflag:$0x2] =	stream.indirect_vreg.gather [hbm4b:s5+s2], $0x80, v32, vm0, $0xb8;
	[tilespmem:$0x1BF80] =	vst v63  }
0xbbc: {  	v38 =	vperm.xlane v18, v11;
	v37 =	vadd.s32 v4, v36;
	s23 =	simm.s32 $0x17A80  }
0xbbd: {  	[tilespmem:s23], [sflag:$0x2] =	stream.indirect_vreg.gather [hbm4b:s5+s2], $0x80, v19, vm0, $0xb8;
	[tilespmem:$0x1BF80] =	vst v63  }
0xbbe: {  	v39 =	vperm.xlane v18, v12;
	v19 =	vadd.s32 v4, v38;
	s23 =	simm.s32 $0x17B00  }
0xbbf: {  	[tilespmem:s23], [sflag:$0x2] =	stream.indirect_vreg.gather [hbm4b:s5+s2], $0x80, v35, vm0, $0xb8;
	[tilespmem:$0x1BF80] =	vst v63  }
0xbc0: {  	v41 =	vperm.xlane v18, v13;
	v40 =	vadd.s32 v4, v39;
	s23 =	simm.s32 $0x17B80  }
0xbc1: {  	[tilespmem:s23], [sflag:$0x2] =	stream.indirect_vreg.gather [hbm4b:s5+s2], $0x80, v37, vm0, $0xb8;
	[tilespmem:$0x1BF80] =	vst v63  }
0xbc2: {  	v43 =	vperm.xlane v18, v14;
	v42 =	vadd.s32 v4, v41;
	s23 =	simm.s32 $0x17C00  }
0xbc3: {  	[tilespmem:s23], [sflag:$0x2] =	stream.indirect_vreg.gather [hbm4b:s5+s2], $0x80, v19, vm0, $0xb8;
	[tilespmem:$0x1BF80] =	vst v63  }
0xbc4: {  	v44 =	vperm.xlane v18, v15;
	v19 =	vadd.s32 v4, v43;
	s23 =	simm.s32 $0x17C80  }
0xbc5: {  	[tilespmem:s23], [sflag:$0x2] =	stream.indirect_vreg.gather [hbm4b:s5+s2], $0x80, v40, vm0, $0xb8;
	[tilespmem:$0x1BF80] =	vst v63  }
0xbc6: {  	v46 =	vperm.xlane v18, v16;
	v45 =	vadd.s32 v4, v44;
	s23 =	simm.s32 $0x17D00  }
0xbc7: {  	[tilespmem:s23], [sflag:$0x2] =	stream.indirect_vreg.gather [hbm4b:s5+s2], $0x80, v42, vm0, $0xb8;
	[tilespmem:$0x1BF80] =	vst v63  }
0xbc8: {  	v18 =	vperm.xlane v18, v17;
	v47 =	vadd.s32 v4, v46;
	s23 =	simm.s32 $0x17D80  }
0xbc9: {  	[tilespmem:s23], [sflag:$0x2] =	stream.indirect_vreg.gather [hbm4b:s5+s2], $0x80, v19, vm0, $0xb8;
	[tilespmem:$0x1BF80] =	vst v63  }
0xbca: {  	v18 =	vadd.s32 v4, v18;
	s23 =	simm.s32 $0x17E00  }
0xbcb: {  	[tilespmem:s23], [sflag:$0x2] =	stream.indirect_vreg.gather [hbm4b:s5+s2], $0x80, v45, vm0, $0xb8;
	[tilespmem:$0x1BF80] =	vst v63  }
0xbcc: {  	s23 =	simm.s32 $0x17E80  }
0xbcd: {  	[tilespmem:s23], [sflag:$0x2] =	stream.indirect_vreg.gather [hbm4b:s5+s2], $0x80, v47, vm0, $0xb8;
	[tilespmem:$0x1BF80] =	vst v63  }
0xbce: {  	s23 =	simm.s32 $0x17F00  }
0xbcf: {  	[tilespmem:s23], [sflag:$0x2] =	stream.indirect_vreg.gather [hbm4b:s5+s2], $0x80, v18, vm0, $0xb8;
	[tilespmem:$0x1BF80] =	vst v63  }
0xbd0: {  	v18 =	vld [tilespmem:s20+$0x480];
	_ =	sdelay $0x4  }
0xbd1: {  	v19 =	vshll.u32 v18, $0x3  }
0xbd2: {  	v18 =	vand.u32 $0x7, v18;
	v19 =	vand.u32 $0xFFFFFFC0, v19  }
0xbd3: {  	v18 =	vor.u32 v18, v19  }
0xbd4: {  	v19 =	vperm.xlane v18, v2;
	_ =	sdelay $0x1  }
0xbd5: {  	v48 =	vperm.xlane v18, v5;
	v19 =	vadd.s32 v4, v19;
	_ =	sdelay $0x1  }
0xbd6: {  	v49 =	vperm.xlane v18, v6;
	v20 =	vadd.s32 v4, v48;
	_ =	sdelay $0x1  }
0xbd7: {  	s23 =	simm.s32 $0x17F80;
	v50 =	vperm.xlane v18, v1;
	v21 =	vadd.s32 v4, v49  }
0xbd8: {  	[tilespmem:s23], [sflag:$0x2] =	stream.indirect_vreg.gather [hbm4b:s5+s2], $0x80, v19, vm0, $0xb8;
	[tilespmem:$0x1BF80] =	vst v63  }
0xbd9: {  	v51 =	vperm.xlane v18, v7;
	v19 =	vadd.s32 v4, v50;
	s23 =	simm.s32 $0x18000  }
0xbda: {  	[tilespmem:s23], [sflag:$0x2] =	stream.indirect_vreg.gather [hbm4b:s5+s2], $0x80, v20, vm0, $0xb8;
	[tilespmem:$0x1BF80] =	vst v63  }
0xbdb: {  	v53 =	vperm.xlane v18, v8;
	v52 =	vadd.s32 v4, v51;
	s23 =	simm.s32 $0x18080  }
0xbdc: {  	[tilespmem:s23], [sflag:$0x2] =	stream.indirect_vreg.gather [hbm4b:s5+s2], $0x80, v21, vm0, $0xb8;
	[tilespmem:$0x1BF80] =	vst v63  }
0xbdd: {  	v55 =	vperm.xlane v18, v9;
	v54 =	vadd.s32 v4, v53;
	s23 =	simm.s32 $0x18100  }
0xbde: {  	[tilespmem:s23], [sflag:$0x2] =	stream.indirect_vreg.gather [hbm4b:s5+s2], $0x80, v19, vm0, $0xb8;
	[tilespmem:$0x1BF80] =	vst v63  }
0xbdf: {  	v56 =	vperm.xlane v18, v0;
	v19 =	vadd.s32 v4, v55;
	s23 =	simm.s32 $0x18180  }
0xbe0: {  	[tilespmem:s23], [sflag:$0x2] =	stream.indirect_vreg.gather [hbm4b:s5+s2], $0x80, v52, vm0, $0xb8;
	[tilespmem:$0x1BF80] =	vst v63  }
0xbe1: {  	v58 =	vperm.xlane v18, v10;
	v57 =	vadd.s32 v4, v56;
	s23 =	simm.s32 $0x18200  }
0xbe2: {  	[tilespmem:s23], [sflag:$0x2] =	stream.indirect_vreg.gather [hbm4b:s5+s2], $0x80, v54, vm0, $0xb8;
	[tilespmem:$0x1BF80] =	vst v63  }
0xbe3: {  	v60 =	vperm.xlane v18, v11;
	v59 =	vadd.s32 v4, v58;
	s23 =	simm.s32 $0x18280  }
0xbe4: {  	[tilespmem:s23], [sflag:$0x2] =	stream.indirect_vreg.gather [hbm4b:s5+s2], $0x80, v19, vm0, $0xb8;
	[tilespmem:$0x1BF80] =	vst v63  }
0xbe5: {  	v61 =	vperm.xlane v18, v12;
	v19 =	vadd.s32 v4, v60;
	s23 =	simm.s32 $0x18300  }
0xbe6: {  	[tilespmem:s23], [sflag:$0x2] =	stream.indirect_vreg.gather [hbm4b:s5+s2], $0x80, v57, vm0, $0xb8;
	[tilespmem:$0x1BF80] =	vst v63  }
0xbe7: {  	v63 =	vperm.xlane v18, v13;
	v62 =	vadd.s32 v4, v61;
	s23 =	simm.s32 $0x18380  }
0xbe8: {  	[tilespmem:s23], [sflag:$0x2] =	stream.indirect_vreg.gather [hbm4b:s5+s2], $0x80, v59, vm0, $0xb8;
	[tilespmem:$0x1BF80] =	vst v63  }
0xbe9: {  	v25 =	vperm.xlane v18, v14;
	v24 =	vadd.s32 v4, v63;
	s23 =	simm.s32 $0x18400  }
0xbea: {  	[tilespmem:s23], [sflag:$0x2] =	stream.indirect_vreg.gather [hbm4b:s5+s2], $0x80, v19, vm0, $0xb8;
	[tilespmem:$0x1BF80] =	vst v63  }
0xbeb: {  	v26 =	vperm.xlane v18, v15;
	v19 =	vadd.s32 v4, v25;
	s23 =	simm.s32 $0x18480  }
0xbec: {  	[tilespmem:s23], [sflag:$0x2] =	stream.indirect_vreg.gather [hbm4b:s5+s2], $0x80, v62, vm0, $0xb8;
	[tilespmem:$0x1BF80] =	vst v63  }
0xbed: {  	v28 =	vperm.xlane v18, v16;
	v27 =	vadd.s32 v4, v26;
	s23 =	simm.s32 $0x18500  }
0xbee: {  	[tilespmem:s23], [sflag:$0x2] =	stream.indirect_vreg.gather [hbm4b:s5+s2], $0x80, v24, vm0, $0xb8;
	[tilespmem:$0x1BF80] =	vst v63  }
0xbef: {  	v18 =	vperm.xlane v18, v17;
	v29 =	vadd.s32 v4, v28;
	s23 =	simm.s32 $0x18580  }
0xbf0: {  	[tilespmem:s23], [sflag:$0x2] =	stream.indirect_vreg.gather [hbm4b:s5+s2], $0x80, v19, vm0, $0xb8;
	[tilespmem:$0x1BF80] =	vst v63  }
0xbf1: {  	v18 =	vadd.s32 v4, v18;
	s23 =	simm.s32 $0x18600  }
0xbf2: {  	[tilespmem:s23], [sflag:$0x2] =	stream.indirect_vreg.gather [hbm4b:s5+s2], $0x80, v27, vm0, $0xb8;
	[tilespmem:$0x1BF80] =	vst v63  }
0xbf3: {  	s23 =	simm.s32 $0x18680  }
0xbf4: {  	[tilespmem:s23], [sflag:$0x2] =	stream.indirect_vreg.gather [hbm4b:s5+s2], $0x80, v29, vm0, $0xb8;
	[tilespmem:$0x1BF80] =	vst v63  }
0xbf5: {  	s23 =	simm.s32 $0x18700  }
0xbf6: {  	[tilespmem:s23], [sflag:$0x2] =	stream.indirect_vreg.gather [hbm4b:s5+s2], $0x80, v18, vm0, $0xb8;
	[tilespmem:$0x1BF80] =	vst v63  }
0xbf7: {  	v18 =	vld [tilespmem:s20+$0x490];
	_ =	sdelay $0x4  }
0xbf8: {  	v19 =	vshll.u32 v18, $0x3  }
0xbf9: {  	v18 =	vand.u32 $0x7, v18;
	v19 =	vand.u32 $0xFFFFFFC0, v19  }
0xbfa: {  	v18 =	vor.u32 v18, v19  }
0xbfb: {  	v19 =	vperm.xlane v18, v2;
	_ =	sdelay $0x1  }
0xbfc: {  	v30 =	vperm.xlane v18, v5;
	v19 =	vadd.s32 v4, v19;
	_ =	sdelay $0x1  }
0xbfd: {  	v31 =	vperm.xlane v18, v6;
	v20 =	vadd.s32 v4, v30;
	_ =	sdelay $0x1  }
0xbfe: {  	s23 =	simm.s32 $0x18780;
	v32 =	vperm.xlane v18, v1;
	v21 =	vadd.s32 v4, v31  }
0xbff: {  	[tilespmem:s23], [sflag:$0x2] =	stream.indirect_vreg.gather [hbm4b:s5+s2], $0x80, v19, vm0, $0xb8;
	[tilespmem:$0x1BF80] =	vst v63  }
0xc00: {  	v33 =	vperm.xlane v18, v7;
	v19 =	vadd.s32 v4, v32;
	s23 =	simm.s32 $0x18800  }
0xc01: {  	[tilespmem:s23], [sflag:$0x2] =	stream.indirect_vreg.gather [hbm4b:s5+s2], $0x80, v20, vm0, $0xb8;
	[tilespmem:$0x1BF80] =	vst v63  }
0xc02: {  	v35 =	vperm.xlane v18, v8;
	v34 =	vadd.s32 v4, v33;
	s23 =	simm.s32 $0x18880  }
0xc03: {  	[tilespmem:s23], [sflag:$0x2] =	stream.indirect_vreg.gather [hbm4b:s5+s2], $0x80, v21, vm0, $0xb8;
	[tilespmem:$0x1BF80] =	vst v63  }
0xc04: {  	v37 =	vperm.xlane v18, v9;
	v36 =	vadd.s32 v4, v35;
	s23 =	simm.s32 $0x18900  }
0xc05: {  	[tilespmem:s23], [sflag:$0x2] =	stream.indirect_vreg.gather [hbm4b:s5+s2], $0x80, v19, vm0, $0xb8;
	[tilespmem:$0x1BF80] =	vst v63  }
0xc06: {  	v38 =	vperm.xlane v18, v0;
	v19 =	vadd.s32 v4, v37;
	s23 =	simm.s32 $0x18980  }
0xc07: {  	[tilespmem:s23], [sflag:$0x2] =	stream.indirect_vreg.gather [hbm4b:s5+s2], $0x80, v34, vm0, $0xb8;
	[tilespmem:$0x1BF80] =	vst v63  }
0xc08: {  	v40 =	vperm.xlane v18, v10;
	v39 =	vadd.s32 v4, v38;
	s23 =	simm.s32 $0x18A00  }
0xc09: {  	[tilespmem:s23], [sflag:$0x2] =	stream.indirect_vreg.gather [hbm4b:s5+s2], $0x80, v36, vm0, $0xb8;
	[tilespmem:$0x1BF80] =	vst v63  }
0xc0a: {  	v42 =	vperm.xlane v18, v11;
	v41 =	vadd.s32 v4, v40;
	s23 =	simm.s32 $0x18A80  }
0xc0b: {  	[tilespmem:s23], [sflag:$0x2] =	stream.indirect_vreg.gather [hbm4b:s5+s2], $0x80, v19, vm0, $0xb8;
	[tilespmem:$0x1BF80] =	vst v63  }
0xc0c: {  	v43 =	vperm.xlane v18, v12;
	v19 =	vadd.s32 v4, v42;
	s23 =	simm.s32 $0x18B00  }
0xc0d: {  	[tilespmem:s23], [sflag:$0x2] =	stream.indirect_vreg.gather [hbm4b:s5+s2], $0x80, v39, vm0, $0xb8;
	[tilespmem:$0x1BF80] =	vst v63  }
0xc0e: {  	v45 =	vperm.xlane v18, v13;
	v44 =	vadd.s32 v4, v43;
	s23 =	simm.s32 $0x18B80  }
0xc0f: {  	[tilespmem:s23], [sflag:$0x2] =	stream.indirect_vreg.gather [hbm4b:s5+s2], $0x80, v41, vm0, $0xb8;
	[tilespmem:$0x1BF80] =	vst v63  }
0xc10: {  	v47 =	vperm.xlane v18, v14;
	v46 =	vadd.s32 v4, v45;
	s23 =	simm.s32 $0x18C00  }
0xc11: {  	[tilespmem:s23], [sflag:$0x2] =	stream.indirect_vreg.gather [hbm4b:s5+s2], $0x80, v19, vm0, $0xb8;
	[tilespmem:$0x1BF80] =	vst v63  }
0xc12: {  	v48 =	vperm.xlane v18, v15;
	v19 =	vadd.s32 v4, v47;
	s23 =	simm.s32 $0x18C80  }
0xc13: {  	[tilespmem:s23], [sflag:$0x2] =	stream.indirect_vreg.gather [hbm4b:s5+s2], $0x80, v44, vm0, $0xb8;
	[tilespmem:$0x1BF80] =	vst v63  }
0xc14: {  	v50 =	vperm.xlane v18, v16;
	v49 =	vadd.s32 v4, v48;
	s23 =	simm.s32 $0x18D00  }
0xc15: {  	[tilespmem:s23], [sflag:$0x2] =	stream.indirect_vreg.gather [hbm4b:s5+s2], $0x80, v46, vm0, $0xb8;
	[tilespmem:$0x1BF80] =	vst v63  }
0xc16: {  	v18 =	vperm.xlane v18, v17;
	v51 =	vadd.s32 v4, v50;
	s23 =	simm.s32 $0x18D80  }
0xc17: {  	[tilespmem:s23], [sflag:$0x2] =	stream.indirect_vreg.gather [hbm4b:s5+s2], $0x80, v19, vm0, $0xb8;
	[tilespmem:$0x1BF80] =	vst v63  }
0xc18: {  	v18 =	vadd.s32 v4, v18;
	s23 =	simm.s32 $0x18E00  }
0xc19: {  	[tilespmem:s23], [sflag:$0x2] =	stream.indirect_vreg.gather [hbm4b:s5+s2], $0x80, v49, vm0, $0xb8;
	[tilespmem:$0x1BF80] =	vst v63  }
0xc1a: {  	s23 =	simm.s32 $0x18E80  }
0xc1b: {  	[tilespmem:s23], [sflag:$0x2] =	stream.indirect_vreg.gather [hbm4b:s5+s2], $0x80, v51, vm0, $0xb8;
	[tilespmem:$0x1BF80] =	vst v63  }
0xc1c: {  	s23 =	simm.s32 $0x18F00  }
0xc1d: {  	[tilespmem:s23], [sflag:$0x2] =	stream.indirect_vreg.gather [hbm4b:s5+s2], $0x80, v18, vm0, $0xb8;
	[tilespmem:$0x1BF80] =	vst v63  }
0xc1e: {  	v18 =	vld [tilespmem:s20+$0x4A0];
	_ =	sdelay $0x4  }
0xc1f: {  	v19 =	vshll.u32 v18, $0x3  }
0xc20: {  	v18 =	vand.u32 $0x7, v18;
	v19 =	vand.u32 $0xFFFFFFC0, v19  }
0xc21: {  	v18 =	vor.u32 v18, v19  }
0xc22: {  	v19 =	vperm.xlane v18, v2;
	_ =	sdelay $0x1  }
0xc23: {  	v52 =	vperm.xlane v18, v5;
	v19 =	vadd.s32 v4, v19;
	_ =	sdelay $0x1  }
0xc24: {  	v53 =	vperm.xlane v18, v6;
	v20 =	vadd.s32 v4, v52;
	_ =	sdelay $0x1  }
0xc25: {  	s23 =	simm.s32 $0x18F80;
	v54 =	vperm.xlane v18, v1;
	v21 =	vadd.s32 v4, v53  }
0xc26: {  	[tilespmem:s23], [sflag:$0x2] =	stream.indirect_vreg.gather [hbm4b:s5+s2], $0x80, v19, vm0, $0xb8;
	[tilespmem:$0x1BF80] =	vst v63  }
0xc27: {  	v55 =	vperm.xlane v18, v7;
	v19 =	vadd.s32 v4, v54;
	s23 =	simm.s32 $0x19000  }
0xc28: {  	[tilespmem:s23], [sflag:$0x2] =	stream.indirect_vreg.gather [hbm4b:s5+s2], $0x80, v20, vm0, $0xb8;
	[tilespmem:$0x1BF80] =	vst v63  }
0xc29: {  	v57 =	vperm.xlane v18, v8;
	v56 =	vadd.s32 v4, v55;
	s23 =	simm.s32 $0x19080  }
0xc2a: {  	[tilespmem:s23], [sflag:$0x2] =	stream.indirect_vreg.gather [hbm4b:s5+s2], $0x80, v21, vm0, $0xb8;
	[tilespmem:$0x1BF80] =	vst v63  }
0xc2b: {  	v59 =	vperm.xlane v18, v9;
	v58 =	vadd.s32 v4, v57;
	s23 =	simm.s32 $0x19100  }
0xc2c: {  	[tilespmem:s23], [sflag:$0x2] =	stream.indirect_vreg.gather [hbm4b:s5+s2], $0x80, v19, vm0, $0xb8;
	[tilespmem:$0x1BF80] =	vst v63  }
0xc2d: {  	v60 =	vperm.xlane v18, v0;
	v19 =	vadd.s32 v4, v59;
	s23 =	simm.s32 $0x19180  }
0xc2e: {  	[tilespmem:s23], [sflag:$0x2] =	stream.indirect_vreg.gather [hbm4b:s5+s2], $0x80, v56, vm0, $0xb8;
	[tilespmem:$0x1BF80] =	vst v63  }
0xc2f: {  	v62 =	vperm.xlane v18, v10;
	v61 =	vadd.s32 v4, v60;
	s23 =	simm.s32 $0x19200  }
0xc30: {  	[tilespmem:s23], [sflag:$0x2] =	stream.indirect_vreg.gather [hbm4b:s5+s2], $0x80, v58, vm0, $0xb8;
	[tilespmem:$0x1BF80] =	vst v63  }
0xc31: {  	v24 =	vperm.xlane v18, v11;
	v63 =	vadd.s32 v4, v62;
	s23 =	simm.s32 $0x19280  }
0xc32: {  	[tilespmem:s23], [sflag:$0x2] =	stream.indirect_vreg.gather [hbm4b:s5+s2], $0x80, v19, vm0, $0xb8;
	[tilespmem:$0x1BF80] =	vst v63  }
0xc33: {  	v25 =	vperm.xlane v18, v12;
	v19 =	vadd.s32 v4, v24;
	s23 =	simm.s32 $0x19300  }
0xc34: {  	[tilespmem:s23], [sflag:$0x2] =	stream.indirect_vreg.gather [hbm4b:s5+s2], $0x80, v61, vm0, $0xb8;
	[tilespmem:$0x1BF80] =	vst v63  }
0xc35: {  	v27 =	vperm.xlane v18, v13;
	v26 =	vadd.s32 v4, v25;
	s23 =	simm.s32 $0x19380  }
0xc36: {  	[tilespmem:s23], [sflag:$0x2] =	stream.indirect_vreg.gather [hbm4b:s5+s2], $0x80, v63, vm0, $0xb8;
	[tilespmem:$0x1BF80] =	vst v63  }
0xc37: {  	v29 =	vperm.xlane v18, v14;
	v28 =	vadd.s32 v4, v27;
	s23 =	simm.s32 $0x19400  }
0xc38: {  	[tilespmem:s23], [sflag:$0x2] =	stream.indirect_vreg.gather [hbm4b:s5+s2], $0x80, v19, vm0, $0xb8;
	[tilespmem:$0x1BF80] =	vst v63  }
0xc39: {  	v30 =	vperm.xlane v18, v15;
	v19 =	vadd.s32 v4, v29;
	s23 =	simm.s32 $0x19480  }
0xc3a: {  	[tilespmem:s23], [sflag:$0x2] =	stream.indirect_vreg.gather [hbm4b:s5+s2], $0x80, v26, vm0, $0xb8;
	[tilespmem:$0x1BF80] =	vst v63  }
0xc3b: {  	v32 =	vperm.xlane v18, v16;
	v31 =	vadd.s32 v4, v30;
	s23 =	simm.s32 $0x19500  }
0xc3c: {  	[tilespmem:s23], [sflag:$0x2] =	stream.indirect_vreg.gather [hbm4b:s5+s2], $0x80, v28, vm0, $0xb8;
	[tilespmem:$0x1BF80] =	vst v63  }
0xc3d: {  	v18 =	vperm.xlane v18, v17;
	v33 =	vadd.s32 v4, v32;
	s23 =	simm.s32 $0x19580  }
0xc3e: {  	[tilespmem:s23], [sflag:$0x2] =	stream.indirect_vreg.gather [hbm4b:s5+s2], $0x80, v19, vm0, $0xb8;
	[tilespmem:$0x1BF80] =	vst v63  }
0xc3f: {  	v18 =	vadd.s32 v4, v18;
	s23 =	simm.s32 $0x19600  }
0xc40: {  	[tilespmem:s23], [sflag:$0x2] =	stream.indirect_vreg.gather [hbm4b:s5+s2], $0x80, v31, vm0, $0xb8;
	[tilespmem:$0x1BF80] =	vst v63  }
0xc41: {  	s23 =	simm.s32 $0x19680  }
0xc42: {  	[tilespmem:s23], [sflag:$0x2] =	stream.indirect_vreg.gather [hbm4b:s5+s2], $0x80, v33, vm0, $0xb8;
	[tilespmem:$0x1BF80] =	vst v63  }
0xc43: {  	s23 =	simm.s32 $0x19700  }
0xc44: {  	[tilespmem:s23], [sflag:$0x2] =	stream.indirect_vreg.gather [hbm4b:s5+s2], $0x80, v18, vm0, $0xb8;
	[tilespmem:$0x1BF80] =	vst v63  }
0xc45: {  	v18 =	vld [tilespmem:s20+$0x4B0];
	_ =	sdelay $0x4  }
0xc46: {  	v19 =	vshll.u32 v18, $0x3  }
0xc47: {  	v18 =	vand.u32 $0x7, v18;
	v19 =	vand.u32 $0xFFFFFFC0, v19  }
0xc48: {  	v18 =	vor.u32 v18, v19  }
0xc49: {  	v19 =	vperm.xlane v18, v2;
	_ =	sdelay $0x1  }
0xc4a: {  	v34 =	vperm.xlane v18, v5;
	v19 =	vadd.s32 v4, v19;
	_ =	sdelay $0x1  }
0xc4b: {  	v35 =	vperm.xlane v18, v6;
	v20 =	vadd.s32 v4, v34;
	_ =	sdelay $0x1  }
0xc4c: {  	s23 =	simm.s32 $0x19780;
	v36 =	vperm.xlane v18, v1;
	v21 =	vadd.s32 v4, v35  }
0xc4d: {  	[tilespmem:s23], [sflag:$0x2] =	stream.indirect_vreg.gather [hbm4b:s5+s2], $0x80, v19, vm0, $0xb8;
	[tilespmem:$0x1BF80] =	vst v63  }
0xc4e: {  	v37 =	vperm.xlane v18, v7;
	v19 =	vadd.s32 v4, v36;
	s23 =	simm.s32 $0x19800  }
0xc4f: {  	[tilespmem:s23], [sflag:$0x2] =	stream.indirect_vreg.gather [hbm4b:s5+s2], $0x80, v20, vm0, $0xb8;
	[tilespmem:$0x1BF80] =	vst v63  }
0xc50: {  	v39 =	vperm.xlane v18, v8;
	v38 =	vadd.s32 v4, v37;
	s23 =	simm.s32 $0x19880  }
0xc51: {  	[tilespmem:s23], [sflag:$0x2] =	stream.indirect_vreg.gather [hbm4b:s5+s2], $0x80, v21, vm0, $0xb8;
	[tilespmem:$0x1BF80] =	vst v63  }
0xc52: {  	v41 =	vperm.xlane v18, v9;
	v40 =	vadd.s32 v4, v39;
	s23 =	simm.s32 $0x19900  }
0xc53: {  	[tilespmem:s23], [sflag:$0x2] =	stream.indirect_vreg.gather [hbm4b:s5+s2], $0x80, v19, vm0, $0xb8;
	[tilespmem:$0x1BF80] =	vst v63  }
0xc54: {  	v42 =	vperm.xlane v18, v0;
	v19 =	vadd.s32 v4, v41;
	s23 =	simm.s32 $0x19980  }
0xc55: {  	[tilespmem:s23], [sflag:$0x2] =	stream.indirect_vreg.gather [hbm4b:s5+s2], $0x80, v38, vm0, $0xb8;
	[tilespmem:$0x1BF80] =	vst v63  }
0xc56: {  	v44 =	vperm.xlane v18, v10;
	v43 =	vadd.s32 v4, v42;
	s23 =	simm.s32 $0x19A00  }
0xc57: {  	[tilespmem:s23], [sflag:$0x2] =	stream.indirect_vreg.gather [hbm4b:s5+s2], $0x80, v40, vm0, $0xb8;
	[tilespmem:$0x1BF80] =	vst v63  }
0xc58: {  	v46 =	vperm.xlane v18, v11;
	v45 =	vadd.s32 v4, v44;
	s23 =	simm.s32 $0x19A80  }
0xc59: {  	[tilespmem:s23], [sflag:$0x2] =	stream.indirect_vreg.gather [hbm4b:s5+s2], $0x80, v19, vm0, $0xb8;
	[tilespmem:$0x1BF80] =	vst v63  }
0xc5a: {  	v47 =	vperm.xlane v18, v12;
	v19 =	vadd.s32 v4, v46;
	s23 =	simm.s32 $0x19B00  }
0xc5b: {  	[tilespmem:s23], [sflag:$0x2] =	stream.indirect_vreg.gather [hbm4b:s5+s2], $0x80, v43, vm0, $0xb8;
	[tilespmem:$0x1BF80] =	vst v63  }
0xc5c: {  	v49 =	vperm.xlane v18, v13;
	v48 =	vadd.s32 v4, v47;
	s23 =	simm.s32 $0x19B80  }
0xc5d: {  	[tilespmem:s23], [sflag:$0x2] =	stream.indirect_vreg.gather [hbm4b:s5+s2], $0x80, v45, vm0, $0xb8;
	[tilespmem:$0x1BF80] =	vst v63  }
0xc5e: {  	v51 =	vperm.xlane v18, v14;
	v50 =	vadd.s32 v4, v49;
	s23 =	simm.s32 $0x19C00  }
0xc5f: {  	[tilespmem:s23], [sflag:$0x2] =	stream.indirect_vreg.gather [hbm4b:s5+s2], $0x80, v19, vm0, $0xb8;
	[tilespmem:$0x1BF80] =	vst v63  }
0xc60: {  	v52 =	vperm.xlane v18, v15;
	v19 =	vadd.s32 v4, v51;
	s23 =	simm.s32 $0x19C80  }
0xc61: {  	[tilespmem:s23], [sflag:$0x2] =	stream.indirect_vreg.gather [hbm4b:s5+s2], $0x80, v48, vm0, $0xb8;
	[tilespmem:$0x1BF80] =	vst v63  }
0xc62: {  	v54 =	vperm.xlane v18, v16;
	v53 =	vadd.s32 v4, v52;
	s23 =	simm.s32 $0x19D00  }
0xc63: {  	[tilespmem:s23], [sflag:$0x2] =	stream.indirect_vreg.gather [hbm4b:s5+s2], $0x80, v50, vm0, $0xb8;
	[tilespmem:$0x1BF80] =	vst v63  }
0xc64: {  	v18 =	vperm.xlane v18, v17;
	v55 =	vadd.s32 v4, v54;
	s23 =	simm.s32 $0x19D80  }
0xc65: {  	[tilespmem:s23], [sflag:$0x2] =	stream.indirect_vreg.gather [hbm4b:s5+s2], $0x80, v19, vm0, $0xb8;
	[tilespmem:$0x1BF80] =	vst v63  }
0xc66: {  	v18 =	vadd.s32 v4, v18;
	s23 =	simm.s32 $0x19E00  }
0xc67: {  	[tilespmem:s23], [sflag:$0x2] =	stream.indirect_vreg.gather [hbm4b:s5+s2], $0x80, v53, vm0, $0xb8;
	[tilespmem:$0x1BF80] =	vst v63  }
0xc68: {  	s23 =	simm.s32 $0x19E80  }
0xc69: {  	[tilespmem:s23], [sflag:$0x2] =	stream.indirect_vreg.gather [hbm4b:s5+s2], $0x80, v55, vm0, $0xb8;
	[tilespmem:$0x1BF80] =	vst v63  }
0xc6a: {  	s23 =	simm.s32 $0x19F00  }
0xc6b: {  	[tilespmem:s23], [sflag:$0x2] =	stream.indirect_vreg.gather [hbm4b:s5+s2], $0x80, v18, vm0, $0xb8;
	[tilespmem:$0x1BF80] =	vst v63  }
0xc6c: {  	v18 =	vld [tilespmem:s20+$0x4C0];
	_ =	sdelay $0x4  }
0xc6d: {  	v19 =	vshll.u32 v18, $0x3  }
0xc6e: {  	v18 =	vand.u32 $0x7, v18;
	v19 =	vand.u32 $0xFFFFFFC0, v19  }
0xc6f: {  	v18 =	vor.u32 v18, v19  }
0xc70: {  	v19 =	vperm.xlane v18, v2;
	_ =	sdelay $0x1  }
0xc71: {  	v56 =	vperm.xlane v18, v5;
	v19 =	vadd.s32 v4, v19;
	_ =	sdelay $0x1  }
0xc72: {  	v57 =	vperm.xlane v18, v6;
	v20 =	vadd.s32 v4, v56;
	_ =	sdelay $0x1  }
0xc73: {  	s23 =	simm.s32 $0x19F80;
	v58 =	vperm.xlane v18, v1;
	v21 =	vadd.s32 v4, v57  }
0xc74: {  	[tilespmem:s23], [sflag:$0x2] =	stream.indirect_vreg.gather [hbm4b:s5+s2], $0x80, v19, vm0, $0xb8;
	[tilespmem:$0x1BF80] =	vst v63  }
0xc75: {  	v59 =	vperm.xlane v18, v7;
	v19 =	vadd.s32 v4, v58;
	s23 =	simm.s32 $0x1A000  }
0xc76: {  	[tilespmem:s23], [sflag:$0x2] =	stream.indirect_vreg.gather [hbm4b:s5+s2], $0x80, v20, vm0, $0xb8;
	[tilespmem:$0x1BF80] =	vst v63  }
0xc77: {  	v61 =	vperm.xlane v18, v8;
	v60 =	vadd.s32 v4, v59;
	s23 =	simm.s32 $0x1A080  }
0xc78: {  	[tilespmem:s23], [sflag:$0x2] =	stream.indirect_vreg.gather [hbm4b:s5+s2], $0x80, v21, vm0, $0xb8;
	[tilespmem:$0x1BF80] =	vst v63  }
0xc79: {  	v63 =	vperm.xlane v18, v9;
	v62 =	vadd.s32 v4, v61;
	s23 =	simm.s32 $0x1A100  }
0xc7a: {  	[tilespmem:s23], [sflag:$0x2] =	stream.indirect_vreg.gather [hbm4b:s5+s2], $0x80, v19, vm0, $0xb8;
	[tilespmem:$0x1BF80] =	vst v63  }
0xc7b: {  	v24 =	vperm.xlane v18, v0;
	v19 =	vadd.s32 v4, v63;
	s23 =	simm.s32 $0x1A180  }
0xc7c: {  	[tilespmem:s23], [sflag:$0x2] =	stream.indirect_vreg.gather [hbm4b:s5+s2], $0x80, v60, vm0, $0xb8;
	[tilespmem:$0x1BF80] =	vst v63  }
0xc7d: {  	v26 =	vperm.xlane v18, v10;
	v25 =	vadd.s32 v4, v24;
	s23 =	simm.s32 $0x1A200  }
0xc7e: {  	[tilespmem:s23], [sflag:$0x2] =	stream.indirect_vreg.gather [hbm4b:s5+s2], $0x80, v62, vm0, $0xb8;
	[tilespmem:$0x1BF80] =	vst v63  }
0xc7f: {  	v28 =	vperm.xlane v18, v11;
	v27 =	vadd.s32 v4, v26;
	s23 =	simm.s32 $0x1A280  }
0xc80: {  	[tilespmem:s23], [sflag:$0x2] =	stream.indirect_vreg.gather [hbm4b:s5+s2], $0x80, v19, vm0, $0xb8;
	[tilespmem:$0x1BF80] =	vst v63  }
0xc81: {  	v29 =	vperm.xlane v18, v12;
	v19 =	vadd.s32 v4, v28;
	s23 =	simm.s32 $0x1A300  }
0xc82: {  	[tilespmem:s23], [sflag:$0x2] =	stream.indirect_vreg.gather [hbm4b:s5+s2], $0x80, v25, vm0, $0xb8;
	[tilespmem:$0x1BF80] =	vst v63  }
0xc83: {  	v31 =	vperm.xlane v18, v13;
	v30 =	vadd.s32 v4, v29;
	s23 =	simm.s32 $0x1A380  }
0xc84: {  	[tilespmem:s23], [sflag:$0x2] =	stream.indirect_vreg.gather [hbm4b:s5+s2], $0x80, v27, vm0, $0xb8;
	[tilespmem:$0x1BF80] =	vst v63  }
0xc85: {  	v33 =	vperm.xlane v18, v14;
	v32 =	vadd.s32 v4, v31;
	s23 =	simm.s32 $0x1A400  }
0xc86: {  	[tilespmem:s23], [sflag:$0x2] =	stream.indirect_vreg.gather [hbm4b:s5+s2], $0x80, v19, vm0, $0xb8;
	[tilespmem:$0x1BF80] =	vst v63  }
0xc87: {  	v34 =	vperm.xlane v18, v15;
	v19 =	vadd.s32 v4, v33;
	s23 =	simm.s32 $0x1A480  }
0xc88: {  	[tilespmem:s23], [sflag:$0x2] =	stream.indirect_vreg.gather [hbm4b:s5+s2], $0x80, v30, vm0, $0xb8;
	[tilespmem:$0x1BF80] =	vst v63  }
0xc89: {  	v36 =	vperm.xlane v18, v16;
	v35 =	vadd.s32 v4, v34;
	s23 =	simm.s32 $0x1A500  }
0xc8a: {  	[tilespmem:s23], [sflag:$0x2] =	stream.indirect_vreg.gather [hbm4b:s5+s2], $0x80, v32, vm0, $0xb8;
	[tilespmem:$0x1BF80] =	vst v63  }
0xc8b: {  	v18 =	vperm.xlane v18, v17;
	v37 =	vadd.s32 v4, v36;
	s23 =	simm.s32 $0x1A580  }
0xc8c: {  	[tilespmem:s23], [sflag:$0x2] =	stream.indirect_vreg.gather [hbm4b:s5+s2], $0x80, v19, vm0, $0xb8;
	[tilespmem:$0x1BF80] =	vst v63  }
0xc8d: {  	v18 =	vadd.s32 v4, v18;
	s23 =	simm.s32 $0x1A600  }
0xc8e: {  	[tilespmem:s23], [sflag:$0x2] =	stream.indirect_vreg.gather [hbm4b:s5+s2], $0x80, v35, vm0, $0xb8;
	[tilespmem:$0x1BF80] =	vst v63  }
0xc8f: {  	s23 =	simm.s32 $0x1A680  }
0xc90: {  	[tilespmem:s23], [sflag:$0x2] =	stream.indirect_vreg.gather [hbm4b:s5+s2], $0x80, v37, vm0, $0xb8;
	[tilespmem:$0x1BF80] =	vst v63  }
0xc91: {  	s23 =	simm.s32 $0x1A700  }
0xc92: {  	[tilespmem:s23], [sflag:$0x2] =	stream.indirect_vreg.gather [hbm4b:s5+s2], $0x80, v18, vm0, $0xb8;
	[tilespmem:$0x1BF80] =	vst v63  }
0xc93: {  	v18 =	vld [tilespmem:s20+$0x4D0];
	_ =	sdelay $0x4  }
0xc94: {  	v19 =	vshll.u32 v18, $0x3  }
0xc95: {  	v18 =	vand.u32 $0x7, v18;
	v19 =	vand.u32 $0xFFFFFFC0, v19  }
0xc96: {  	v18 =	vor.u32 v18, v19  }
0xc97: {  	v19 =	vperm.xlane v18, v2;
	_ =	sdelay $0x1  }
0xc98: {  	v38 =	vperm.xlane v18, v5;
	v19 =	vadd.s32 v4, v19;
	_ =	sdelay $0x1  }
0xc99: {  	v39 =	vperm.xlane v18, v6;
	v20 =	vadd.s32 v4, v38;
	_ =	sdelay $0x1  }
0xc9a: {  	s23 =	simm.s32 $0x1A780;
	v40 =	vperm.xlane v18, v1;
	v21 =	vadd.s32 v4, v39  }
0xc9b: {  	[tilespmem:s23], [sflag:$0x2] =	stream.indirect_vreg.gather [hbm4b:s5+s2], $0x80, v19, vm0, $0xb8;
	[tilespmem:$0x1BF80] =	vst v63  }
0xc9c: {  	v41 =	vperm.xlane v18, v7;
	v19 =	vadd.s32 v4, v40;
	s23 =	simm.s32 $0x1A800  }
0xc9d: {  	[tilespmem:s23], [sflag:$0x2] =	stream.indirect_vreg.gather [hbm4b:s5+s2], $0x80, v20, vm0, $0xb8;
	[tilespmem:$0x1BF80] =	vst v63  }
0xc9e: {  	v43 =	vperm.xlane v18, v8;
	v42 =	vadd.s32 v4, v41;
	s23 =	simm.s32 $0x1A880  }
0xc9f: {  	[tilespmem:s23], [sflag:$0x2] =	stream.indirect_vreg.gather [hbm4b:s5+s2], $0x80, v21, vm0, $0xb8;
	[tilespmem:$0x1BF80] =	vst v63  }
0xca0: {  	v45 =	vperm.xlane v18, v9;
	v44 =	vadd.s32 v4, v43;
	s23 =	simm.s32 $0x1A900  }
0xca1: {  	[tilespmem:s23], [sflag:$0x2] =	stream.indirect_vreg.gather [hbm4b:s5+s2], $0x80, v19, vm0, $0xb8;
	[tilespmem:$0x1BF80] =	vst v63  }
0xca2: {  	v46 =	vperm.xlane v18, v0;
	v19 =	vadd.s32 v4, v45;
	s23 =	simm.s32 $0x1A980  }
0xca3: {  	[tilespmem:s23], [sflag:$0x2] =	stream.indirect_vreg.gather [hbm4b:s5+s2], $0x80, v42, vm0, $0xb8;
	[tilespmem:$0x1BF80] =	vst v63  }
0xca4: {  	v48 =	vperm.xlane v18, v10;
	v47 =	vadd.s32 v4, v46;
	s23 =	simm.s32 $0x1AA00  }
0xca5: {  	[tilespmem:s23], [sflag:$0x2] =	stream.indirect_vreg.gather [hbm4b:s5+s2], $0x80, v44, vm0, $0xb8;
	[tilespmem:$0x1BF80] =	vst v63  }
0xca6: {  	v50 =	vperm.xlane v18, v11;
	v49 =	vadd.s32 v4, v48;
	s23 =	simm.s32 $0x1AA80  }
0xca7: {  	[tilespmem:s23], [sflag:$0x2] =	stream.indirect_vreg.gather [hbm4b:s5+s2], $0x80, v19, vm0, $0xb8;
	[tilespmem:$0x1BF80] =	vst v63  }
0xca8: {  	v51 =	vperm.xlane v18, v12;
	v19 =	vadd.s32 v4, v50;
	s23 =	simm.s32 $0x1AB00  }
0xca9: {  	[tilespmem:s23], [sflag:$0x2] =	stream.indirect_vreg.gather [hbm4b:s5+s2], $0x80, v47, vm0, $0xb8;
	[tilespmem:$0x1BF80] =	vst v63  }
0xcaa: {  	v53 =	vperm.xlane v18, v13;
	v52 =	vadd.s32 v4, v51;
	s23 =	simm.s32 $0x1AB80  }
0xcab: {  	[tilespmem:s23], [sflag:$0x2] =	stream.indirect_vreg.gather [hbm4b:s5+s2], $0x80, v49, vm0, $0xb8;
	[tilespmem:$0x1BF80] =	vst v63  }
0xcac: {  	v55 =	vperm.xlane v18, v14;
	v54 =	vadd.s32 v4, v53;
	s23 =	simm.s32 $0x1AC00  }
0xcad: {  	[tilespmem:s23], [sflag:$0x2] =	stream.indirect_vreg.gather [hbm4b:s5+s2], $0x80, v19, vm0, $0xb8;
	[tilespmem:$0x1BF80] =	vst v63  }
0xcae: {  	v56 =	vperm.xlane v18, v15;
	v19 =	vadd.s32 v4, v55;
	s23 =	simm.s32 $0x1AC80  }
0xcaf: {  	[tilespmem:s23], [sflag:$0x2] =	stream.indirect_vreg.gather [hbm4b:s5+s2], $0x80, v52, vm0, $0xb8;
	[tilespmem:$0x1BF80] =	vst v63  }
0xcb0: {  	v58 =	vperm.xlane v18, v16;
	v57 =	vadd.s32 v4, v56;
	s23 =	simm.s32 $0x1AD00  }
0xcb1: {  	[tilespmem:s23], [sflag:$0x2] =	stream.indirect_vreg.gather [hbm4b:s5+s2], $0x80, v54, vm0, $0xb8;
	[tilespmem:$0x1BF80] =	vst v63  }
0xcb2: {  	v18 =	vperm.xlane v18, v17;
	v59 =	vadd.s32 v4, v58;
	s23 =	simm.s32 $0x1AD80  }
0xcb3: {  	[tilespmem:s23], [sflag:$0x2] =	stream.indirect_vreg.gather [hbm4b:s5+s2], $0x80, v19, vm0, $0xb8;
	[tilespmem:$0x1BF80] =	vst v63  }
0xcb4: {  	v18 =	vadd.s32 v4, v18;
	s23 =	simm.s32 $0x1AE00  }
0xcb5: {  	[tilespmem:s23], [sflag:$0x2] =	stream.indirect_vreg.gather [hbm4b:s5+s2], $0x80, v57, vm0, $0xb8;
	[tilespmem:$0x1BF80] =	vst v63  }
0xcb6: {  	s23 =	simm.s32 $0x1AE80  }
0xcb7: {  	[tilespmem:s23], [sflag:$0x2] =	stream.indirect_vreg.gather [hbm4b:s5+s2], $0x80, v59, vm0, $0xb8;
	[tilespmem:$0x1BF80] =	vst v63  }
0xcb8: {  	s23 =	simm.s32 $0x1AF00  }
0xcb9: {  	[tilespmem:s23], [sflag:$0x2] =	stream.indirect_vreg.gather [hbm4b:s5+s2], $0x80, v18, vm0, $0xb8;
	[tilespmem:$0x1BF80] =	vst v63  }
0xcba: {  	v18 =	vld [tilespmem:s20+$0x4E0];
	_ =	sdelay $0x4  }
0xcbb: {  	v19 =	vshll.u32 v18, $0x3  }
0xcbc: {  	v18 =	vand.u32 $0x7, v18;
	v19 =	vand.u32 $0xFFFFFFC0, v19  }
0xcbd: {  	v18 =	vor.u32 v18, v19  }
0xcbe: {  	v19 =	vperm.xlane v18, v2;
	_ =	sdelay $0x1  }
0xcbf: {  	v60 =	vperm.xlane v18, v5;
	v19 =	vadd.s32 v4, v19;
	_ =	sdelay $0x1  }
0xcc0: {  	v61 =	vperm.xlane v18, v6;
	v20 =	vadd.s32 v4, v60;
	_ =	sdelay $0x1  }
0xcc1: {  	s23 =	simm.s32 $0x1AF80;
	v62 =	vperm.xlane v18, v1;
	v21 =	vadd.s32 v4, v61  }
0xcc2: {  	[tilespmem:s23], [sflag:$0x2] =	stream.indirect_vreg.gather [hbm4b:s5+s2], $0x80, v19, vm0, $0xb8;
	[tilespmem:$0x1BF80] =	vst v63  }
0xcc3: {  	v63 =	vperm.xlane v18, v7;
	v19 =	vadd.s32 v4, v62;
	s23 =	simm.s32 $0x1B000  }
0xcc4: {  	[tilespmem:s23], [sflag:$0x2] =	stream.indirect_vreg.gather [hbm4b:s5+s2], $0x80, v20, vm0, $0xb8;
	[tilespmem:$0x1BF80] =	vst v63  }
0xcc5: {  	v25 =	vperm.xlane v18, v8;
	v24 =	vadd.s32 v4, v63;
	s23 =	simm.s32 $0x1B080  }
0xcc6: {  	[tilespmem:s23], [sflag:$0x2] =	stream.indirect_vreg.gather [hbm4b:s5+s2], $0x80, v21, vm0, $0xb8;
	[tilespmem:$0x1BF80] =	vst v63  }
0xcc7: {  	v27 =	vperm.xlane v18, v9;
	v26 =	vadd.s32 v4, v25;
	s23 =	simm.s32 $0x1B100  }
0xcc8: {  	[tilespmem:s23], [sflag:$0x2] =	stream.indirect_vreg.gather [hbm4b:s5+s2], $0x80, v19, vm0, $0xb8;
	[tilespmem:$0x1BF80] =	vst v63  }
0xcc9: {  	v28 =	vperm.xlane v18, v0;
	v19 =	vadd.s32 v4, v27;
	s23 =	simm.s32 $0x1B180  }
0xcca: {  	[tilespmem:s23], [sflag:$0x2] =	stream.indirect_vreg.gather [hbm4b:s5+s2], $0x80, v24, vm0, $0xb8;
	[tilespmem:$0x1BF80] =	vst v63  }
0xccb: {  	v30 =	vperm.xlane v18, v10;
	v29 =	vadd.s32 v4, v28;
	s23 =	simm.s32 $0x1B200  }
0xccc: {  	[tilespmem:s23], [sflag:$0x2] =	stream.indirect_vreg.gather [hbm4b:s5+s2], $0x80, v26, vm0, $0xb8;
	[tilespmem:$0x1BF80] =	vst v63  }
0xccd: {  	v32 =	vperm.xlane v18, v11;
	v31 =	vadd.s32 v4, v30;
	s23 =	simm.s32 $0x1B280  }
0xcce: {  	[tilespmem:s23], [sflag:$0x2] =	stream.indirect_vreg.gather [hbm4b:s5+s2], $0x80, v19, vm0, $0xb8;
	[tilespmem:$0x1BF80] =	vst v63  }
0xccf: {  	v33 =	vperm.xlane v18, v12;
	v19 =	vadd.s32 v4, v32;
	s23 =	simm.s32 $0x1B300  }
0xcd0: {  	[tilespmem:s23], [sflag:$0x2] =	stream.indirect_vreg.gather [hbm4b:s5+s2], $0x80, v29, vm0, $0xb8;
	[tilespmem:$0x1BF80] =	vst v63  }
0xcd1: {  	v35 =	vperm.xlane v18, v13;
	v34 =	vadd.s32 v4, v33;
	s23 =	simm.s32 $0x1B380  }
0xcd2: {  	[tilespmem:s23], [sflag:$0x2] =	stream.indirect_vreg.gather [hbm4b:s5+s2], $0x80, v31, vm0, $0xb8;
	[tilespmem:$0x1BF80] =	vst v63  }
0xcd3: {  	v37 =	vperm.xlane v18, v14;
	v36 =	vadd.s32 v4, v35;
	s23 =	simm.s32 $0x1B400  }
0xcd4: {  	[tilespmem:s23], [sflag:$0x2] =	stream.indirect_vreg.gather [hbm4b:s5+s2], $0x80, v19, vm0, $0xb8;
	[tilespmem:$0x1BF80] =	vst v63  }
0xcd5: {  	v38 =	vperm.xlane v18, v15;
	v19 =	vadd.s32 v4, v37;
	s23 =	simm.s32 $0x1B480  }
0xcd6: {  	[tilespmem:s23], [sflag:$0x2] =	stream.indirect_vreg.gather [hbm4b:s5+s2], $0x80, v34, vm0, $0xb8;
	[tilespmem:$0x1BF80] =	vst v63  }
0xcd7: {  	v40 =	vperm.xlane v18, v16;
	v39 =	vadd.s32 v4, v38  }
0xcd8: {  	[tilespmem:s24], [sflag:$0x2] =	stream.indirect_vreg.gather [hbm4b:s5+s2], $0x80, v36, vm0, $0xb8;
	[tilespmem:$0x1BF80] =	vst v63  }
0xcd9: {  	v18 =	vperm.xlane v18, v17;
	v41 =	vadd.s32 v4, v40  }
0xcda: {  	[tilespmem:s25], [sflag:$0x2] =	stream.indirect_vreg.gather [hbm4b:s5+s2], $0x80, v19, vm0, $0xb8;
	[tilespmem:$0x1BF80] =	vst v63  }
0xcdb: {  	v18 =	vadd.s32 v4, v18  }
0xcdc: {  	[tilespmem:s1], [sflag:$0x2] =	stream.indirect_vreg.gather [hbm4b:s5+s2], $0x80, v39, vm0, $0xb8;
	[tilespmem:$0x1BF80] =	vst v63  }
0xcdd: {  	_ = 	snop  }
0xcde: {  	[tilespmem:s15], [sflag:$0x2] =	stream.indirect_vreg.gather [hbm4b:s5+s2], $0x80, v41, vm0, $0xb8;
	[tilespmem:$0x1BF80] =	vst v63  }
0xcdf: {  	_ = 	snop  }
0xce0: {  	[tilespmem:s16], [sflag:$0x2] =	stream.indirect_vreg.gather [hbm4b:s5+s2], $0x80, v18, vm0, $0xb8;
	[tilespmem:$0x1BF80] =	vst v63  }
0xce1: {  	v18 =	vld [tilespmem:s20+$0x4F0];
	_ =	sdelay $0x4  }
0xce2: {  	v19 =	vshll.u32 v18, $0x3  }
0xce3: {  	v18 =	vand.u32 $0x7, v18;
	v19 =	vand.u32 $0xFFFFFFC0, v19  }
0xce4: {  	v18 =	vor.u32 v18, v19  }
0xce5: {  	v19 =	vperm.xlane v18, v2;
	_ =	sdelay $0x1  }
0xce6: {  	v42 =	vperm.xlane v18, v5;
	v19 =	vadd.s32 v4, v19;
	_ =	sdelay $0x1  }
0xce7: {  	v43 =	vperm.xlane v18, v6;
	v20 =	vadd.s32 v4, v42;
	_ =	sdelay $0x1  }
0xce8: {  	v44 =	vperm.xlane v18, v1;
	v21 =	vadd.s32 v4, v43  }
0xce9: {  	[tilespmem:s17], [sflag:$0x2] =	stream.indirect_vreg.gather [hbm4b:s5+s2], $0x80, v19, vm0, $0xb8;
	[tilespmem:$0x1BF80] =	vst v63  }
0xcea: {  	v45 =	vperm.xlane v18, v7;
	v19 =	vadd.s32 v4, v44  }
0xceb: {  	[tilespmem:s14], [sflag:$0x2] =	stream.indirect_vreg.gather [hbm4b:s5+s2], $0x80, v20, vm0, $0xb8;
	[tilespmem:$0x1BF80] =	vst v63  }
0xcec: {  	v47 =	vperm.xlane v18, v8;
	v46 =	vadd.s32 v4, v45  }
0xced: {  	[tilespmem:s13], [sflag:$0x2] =	stream.indirect_vreg.gather [hbm4b:s5+s2], $0x80, v21, vm0, $0xb8;
	[tilespmem:$0x1BF80] =	vst v63  }
0xcee: {  	v49 =	vperm.xlane v18, v9;
	v48 =	vadd.s32 v4, v47  }
0xcef: {  	[tilespmem:s10], [sflag:$0x2] =	stream.indirect_vreg.gather [hbm4b:s5+s2], $0x80, v19, vm0, $0xb8;
	[tilespmem:$0x1BF80] =	vst v63  }
0xcf0: {  	v50 =	vperm.xlane v18, v0;
	v19 =	vadd.s32 v4, v49  }
0xcf1: {  	[tilespmem:s3], [sflag:$0x2] =	stream.indirect_vreg.gather [hbm4b:s5+s2], $0x80, v46, vm0, $0xb8;
	[tilespmem:$0x1BF80] =	vst v63  }
0xcf2: {  	v52 =	vperm.xlane v18, v10;
	v51 =	vadd.s32 v4, v50  }
0xcf3: {  	[tilespmem:s8], [sflag:$0x2] =	stream.indirect_vreg.gather [hbm4b:s5+s2], $0x80, v48, vm0, $0xb8;
	[tilespmem:$0x1BF80] =	vst v63  }
0xcf4: {  	v54 =	vperm.xlane v18, v11;
	v53 =	vadd.s32 v4, v52  }
0xcf5: {  	[tilespmem:s9], [sflag:$0x2] =	stream.indirect_vreg.gather [hbm4b:s5+s2], $0x80, v19, vm0, $0xb8;
	[tilespmem:$0x1BF80] =	vst v63  }
0xcf6: {  	v55 =	vperm.xlane v18, v12;
	v19 =	vadd.s32 v4, v54  }
0xcf7: {  	[tilespmem:s7], [sflag:$0x2] =	stream.indirect_vreg.gather [hbm4b:s5+s2], $0x80, v51, vm0, $0xb8;
	[tilespmem:$0x1BF80] =	vst v63  }
0xcf8: {  	v57 =	vperm.xlane v18, v13;
	v56 =	vadd.s32 v4, v55  }
0xcf9: {  	[tilespmem:s6], [sflag:$0x2] =	stream.indirect_vreg.gather [hbm4b:s5+s2], $0x80, v53, vm0, $0xb8;
	[tilespmem:$0x1BF80] =	vst v63  }
0xcfa: {  	v59 =	vperm.xlane v18, v14;
	v58 =	vadd.s32 v4, v57  }
0xcfb: {  	[tilespmem:s4], [sflag:$0x2] =	stream.indirect_vreg.gather [hbm4b:s5+s2], $0x80, v19, vm0, $0xb8;
	[tilespmem:$0x1BF80] =	vst v63  }
0xcfc: {  	v60 =	vperm.xlane v18, v15;
	v19 =	vadd.s32 v4, v59  }
0xcfd: {  	[tilespmem:s11], [sflag:$0x2] =	stream.indirect_vreg.gather [hbm4b:s5+s2], $0x80, v56, vm0, $0xb8;
	[tilespmem:$0x1BF80] =	vst v63  }
0xcfe: {  	v61 =	vadd.s32 v4, v60  }
0xcff: {  	v62 =	vperm.xlane v18, v16;
	[tilespmem:s0], [sflag:$0x2] =	stream.indirect_vreg.gather [hbm4b:s5+s2], $0x80, v58, vm0, $0xb8;
	[tilespmem:$0x1BF80] =	vst v63  }
0xd00: {  	_ = 	snop  }
0xd01: {  	v18 =	vperm.xlane v18, v17;
	v63 =	vadd.s32 v4, v62;
	[tilespmem:s29], [sflag:$0x2] =	stream.indirect_vreg.gather [hbm4b:s5+s2], $0x80, v19, vm0, $0xb8;
	[tilespmem:$0x1BF80] =	vst v63  }
0xd02: {  	_ = 	snop  }
0xd03: {  	v18 =	vadd.s32 v4, v18;
	[tilespmem:s31], [sflag:$0x2] =	stream.indirect_vreg.gather [hbm4b:s5+s2], $0x80, v61, vm0, $0xb8;
	[tilespmem:$0x1BF80] =	vst v63  }
.Ltmp4:
0xd04: {  	_ = 	snop;
	(pc) =	sbr.rel .LBB2_2-.Ltmp4, $4  }
0xd05: {  	_ = 	snop  }
0xd06: {  	[tilespmem:s30], [sflag:$0x2] =	stream.indirect_vreg.gather [hbm4b:s5+s2], $0x80, v63, vm0, $0xb8;
	[tilespmem:$0x1BF80] =	vst v63  }
0xd07: {  	s19 =	sadd.s32 $0xA00, s19  }
0xd08: {  	[tilespmem:s28], [sflag:$0x2] =	stream.indirect_vreg.gather [hbm4b:s5+s2], $0x80, v18, vm0, $0xb8;
	[tilespmem:$0x1BF80] =	vst v63  }
.LBB2_7:
0xd09: {  	_ =	sfence.sel $0x180000  }
0xd0a: {  	[bflag:$0x0] =	sbarrier.arrive $0xFFFF  }
0xd0b: {  	_ =	strace $0x90000047  }
0xd0c: {  	s0 =	stileid.u32;
	[bflag:$0x2] =	sbarrier.arrive $0xFFFF  }
0xd0d: {  	p0 =	sne.s32 s0, $0x0;
	s0 =	rddreg [dreg:$0x2]  }
0xd0e: {  	s0 =	sadd.s32 @!p0 $0x100000, s0  }
0xd0f: {  	[sflag:s0] =	ssyncadd.tile.s32 @!p0 $0x1;
	_ =	shalt  }
.Lfunc_end2:
_tile_overlayer_lowered:
.L_overlay_start_2:
0xd10: {  	(tag) =	ssettag $0x2  }
0xd11: {  	s0 =	rddreg [dreg:$0x0];
	s2 =	stileid.u32  }
0xd12: {  	s1 =	rddreg [dreg:$0x1];
	p0 =	sne.s32 s2, $0x0  }
0xd13: {  	s3 =	rddreg [dreg:$0x2];
	[bflag:$0x3] =	sbarrier.arrive $0xFFFF;
	s2 =	simm.s32 @!p0 $0x1C03  }
0xd14: {  	[timem:s3], [sflag:s2] =	dma.local @!p0 [hbm:s0], s1  }
0xd15: {  	s0 =	simm.s32 @!p0 $0x3  }
0xd16: {  	_ =	swait.ge @!p0 [sflag:s0], s1  }
0xd17: {  	s1 =	ssub.s32 @!p0 $0x0, s1;
	[sflag:s0] =	ssyncset.done @!p0 $0x0  }
0xd18: {  	[sflag:s0] =	ssyncadd.s32 @!p0 s1  }
0xd19: {  	[bflag:$0x3] =	sbarrier.arrive $0xFFFF  }
0xd1a: {  	_ =	shalt  }

</sc_bundles>
